<compile_context>
chip_gen: v7x
topology: tpu7x:2x2x1
jax: 0.10.2.dev20260603
libtpu: 0.0.44.dev20260713+nightly
codegen_flags: <defaults>
</compile_context>

<pallas_src>
import functools

import jax
import jax.numpy as jnp
from jax import lax
from jax.experimental import pallas as pl
from jax.experimental.pallas import tpu as pltpu
from jax.experimental.pallas import tpu_sc as plsc

N = 10000
E = 320000
D_IN = 128
D_EDGE = 16
H = 64
DEC = 64
OUT = 1
G = 256
NUM_LAYERS = 3

NC = 2
NS = 16
NW = NC * NS
EPW = E // NW
CH = 250
NCH = EPW // CH
CHS = 500
NCHS = EPW // CHS
EB = 1600
NPS = 624
TAIL = N - NS * NPS

f32 = jnp.float32


@functools.lru_cache(maxsize=1)
def _sc_kernels():
    mesh = plsc.VectorSubcoreMesh(core_axis_name="c", subcore_axis_name="s")

    @functools.partial(
        pl.kernel,
        out_type=jax.ShapeDtypeStruct((E, H), f32),
        mesh=mesh,
        scratch_types=[
            pltpu.VMEM((NCH, CH), jnp.int32),
            pltpu.VMEM((NCH, CH), jnp.int32),
            pltpu.VMEM((CH, H), f32),
            pltpu.VMEM((CH, H), f32),
            pltpu.VMEM((CH, H), f32),
            pltpu.VMEM((CH, H), f32),
            pltpu.SemaphoreType.DMA,
        ],
        compiler_params=pltpu.CompilerParams(use_tc_tiling_on_sc=False),
    )
    def sc_gather(p_hbm, q_hbm, dst_hbm, src_hbm, out_hbm,
                  dst_v, src_v, bd0, bs0, bd1, bs1, sem):
        wid = lax.axis_index("s") * NC + lax.axis_index("c")
        pltpu.sync_copy(dst_hbm.at[wid], dst_v)
        pltpu.sync_copy(src_hbm.at[wid], src_v)

        def fire(c, bd, bs):
            pltpu.async_copy(p_hbm.at[dst_v.at[c]], bd, sem)
            pltpu.async_copy(q_hbm.at[src_v.at[c]], bs, sem)

        def drain(bd, bs):
            pltpu.make_async_copy(p_hbm.at[pl.ds(0, CH)], bd, sem).wait()
            pltpu.make_async_copy(q_hbm.at[pl.ds(0, CH)], bs, sem).wait()

        def add_write(c, bd, bs):
            def addrow(r, carry):
                for cc in range(H // 16):
                    sl = pl.ds(cc * 16, 16)
                    plsc.addupdate(bd.at[r, sl], bs[r, sl])
                return carry
            lax.fori_loop(0, CH, addrow, 0)
            pltpu.sync_copy(bd, out_hbm.at[pl.ds(wid * EPW + c * CH, CH)])

        fire(0, bd0, bs0)

        def body(i2, carry):
            c0 = 2 * i2
            drain(bd0, bs0)
            fire(c0 + 1, bd1, bs1)
            add_write(c0, bd0, bs0)
            drain(bd1, bs1)

            @pl.when(i2 < NCH // 2 - 1)
            def _():
                fire(c0 + 2, bd0, bs0)

            add_write(c0 + 1, bd1, bs1)
            return carry

        lax.fori_loop(0, NCH // 2, body, 0)

    @functools.partial(
        pl.kernel,
        out_type=jax.ShapeDtypeStruct((NC, N, H), f32),
        mesh=mesh,
        scratch_types=[
            pltpu.VMEM((NCHS, CHS), jnp.int32),
            pltpu.VMEM((CHS, H), f32),
            pltpu.VMEM((CHS, H), f32),
            pltpu.VMEM_SHARED((N, H), f32),
            pltpu.SemaphoreType.DMA,
        ],
        compiler_params=pltpu.CompilerParams(use_tc_tiling_on_sc=False),
    )
    def sc_scatter(m_hbm, dst_hbm, zeros_hbm, out_hbm, dst_v, buf, buf1,
                   acc, sem):
        cid = lax.axis_index("c")
        sid = lax.axis_index("s")
        wid = sid * NC + cid
        r0 = sid * NPS
        pltpu.sync_copy(zeros_hbm.at[pl.ds(r0, NPS)], acc.at[pl.ds(r0, NPS)])

        @pl.when(sid == NS - 1)
        def _():
            pltpu.sync_copy(zeros_hbm.at[pl.ds(NS * NPS, TAIL)],
                            acc.at[pl.ds(NS * NPS, TAIL)])

        plsc.subcore_barrier()

        pltpu.sync_copy(dst_hbm.at[wid], dst_v)

        def fire(c, b):
            pltpu.async_copy(m_hbm.at[pl.ds(wid * EPW + c * CHS, CHS)], b, sem)

        def drain(b):
            pltpu.make_async_copy(m_hbm.at[pl.ds(0, CHS)], b, sem).wait()

        fire(0, buf)

        def body(i2, carry):
            c0 = 2 * i2
            drain(buf)
            fire(c0 + 1, buf1)
            pltpu.sync_copy(buf, acc.at[dst_v.at[c0]], add=True)
            drain(buf1)

            @pl.when(i2 < NCHS // 2 - 1)
            def _():
                fire(c0 + 2, buf)

            pltpu.sync_copy(buf1, acc.at[dst_v.at[c0 + 1]], add=True)
            return carry

        lax.fori_loop(0, NCHS // 2, body, 0)
        plsc.subcore_barrier()
        pltpu.sync_copy(acc.at[pl.ds(r0, NPS)], out_hbm.at[cid, pl.ds(r0, NPS)])

        @pl.when(sid == NS - 1)
        def _():
            pltpu.sync_copy(acc.at[pl.ds(NS * NPS, TAIL)],
                            out_hbm.at[cid, pl.ds(NS * NPS, TAIL)])

    @functools.partial(
        pl.kernel,
        out_type=jax.ShapeDtypeStruct((NC, N, 16), f32),
        mesh=mesh,
        scratch_types=[
            pltpu.VMEM((NCHS, CHS), jnp.int32),
            pltpu.VMEM((CHS, 16), f32),
            pltpu.VMEM_SHARED((N, 16), f32),
            pltpu.SemaphoreType.DMA,
        ],
        compiler_params=pltpu.CompilerParams(use_tc_tiling_on_sc=False),
    )
    def sc_counts(dst_hbm, ones_hbm, zeros_hbm, out_hbm, dst_v, buf, acc, sem):
        cid = lax.axis_index("c")
        sid = lax.axis_index("s")
        wid = sid * NC + cid
        r0 = sid * NPS
        pltpu.sync_copy(zeros_hbm.at[pl.ds(r0, NPS)], acc.at[pl.ds(r0, NPS)])

        @pl.when(sid == NS - 1)
        def _():
            pltpu.sync_copy(zeros_hbm.at[pl.ds(NS * NPS, TAIL)],
                            acc.at[pl.ds(NS * NPS, TAIL)])

        plsc.subcore_barrier()

        pltpu.sync_copy(dst_hbm.at[wid], dst_v)
        pltpu.sync_copy(ones_hbm, buf)

        def body(j, carry):
            pltpu.sync_copy(buf, acc.at[dst_v.at[j]], add=True)
            return carry

        lax.fori_loop(0, NCHS, body, 0)
        plsc.subcore_barrier()
        pltpu.sync_copy(acc.at[pl.ds(r0, NPS)], out_hbm.at[cid, pl.ds(r0, NPS)])

        @pl.when(sid == NS - 1)
        def _():
            pltpu.sync_copy(acc.at[pl.ds(NS * NPS, TAIL)],
                            out_hbm.at[cid, pl.ds(NS * NPS, TAIL)])

    return sc_gather, sc_scatter, sc_counts


def _sc_gather(p, q, dst2d, src2d):
    return _sc_kernels()[0](p, q, dst2d, src2d)


def _sc_scatter(m, dst2d, zeros_h):
    return _sc_kernels()[1](m, dst2d, zeros_h)


def _sc_counts(dst2d, ones_ch, zeros_16):
    return _sc_kernels()[2](dst2d, ones_ch, zeros_16)


def _prep_body(x_ref, wa_ref, wb_ref, p_ref, q_ref):
    x = x_ref[...]
    p_ref[...] = jnp.dot(x, wa_ref[...], preferred_element_type=f32)
    q_ref[...] = jnp.dot(x, wb_ref[...], preferred_element_type=f32)


def _tc_prep(x, wa, wb):
    bn = 2000
    cin = x.shape[1]
    return pl.pallas_call(
        _prep_body,
        grid=(N // bn,),
        in_specs=[
            pl.BlockSpec((bn, cin), lambda i: (i, 0)),
            pl.BlockSpec((cin, H), lambda i: (0, 0)),
            pl.BlockSpec((cin, H), lambda i: (0, 0)),
        ],
        out_specs=[
            pl.BlockSpec((bn, H), lambda i: (i, 0)),
            pl.BlockSpec((bn, H), lambda i: (i, 0)),
        ],
        out_shape=[
            jax.ShapeDtypeStruct((N, H), f32),
            jax.ShapeDtypeStruct((N, H), f32),
        ],
    )(x, wa, wb)


def _edge_body(g_ref, ea_ref, wc_ref, b0_ref, w1_ref, b1_ref,
               wg_ref, bg_ref, m_ref):
    t = ea_ref[...]
    q = t.shape[0]
    ea = jnp.concatenate([t[:, 32 * k:32 * (k + 1)] for k in range(4)],
                         axis=0)
    pre = (g_ref[...]
           + jnp.dot(ea, wc_ref[...], preferred_element_type=f32)
           + b0_ref[...])
    h = jnp.maximum(pre, 0.0)
    msg = jnp.dot(h, w1_ref[...], preferred_element_type=f32) + b1_ref[...]
    gate = jax.nn.sigmoid(
        jnp.dot(ea, wg_ref[...], preferred_element_type=f32) + bg_ref[...])
    m_ref[...] = msg * gate


def _tc_edge(g, ea8, wc2, b02, w12, b12, wg2, bg2):
    be = EB
    e2 = E // 2
    return pl.pallas_call(
        _edge_body,
        grid=(e2 // be,),
        in_specs=[
            pl.BlockSpec((be, 128), lambda i: (i, 0)),
            pl.BlockSpec((be // 4, 128), lambda i: (i, 0)),
            pl.BlockSpec((2 * D_EDGE, 128), lambda i: (0, 0)),
            pl.BlockSpec((1, 128), lambda i: (0, 0)),
            pl.BlockSpec((128, 128), lambda i: (0, 0)),
            pl.BlockSpec((1, 128), lambda i: (0, 0)),
            pl.BlockSpec((2 * D_EDGE, 128), lambda i: (0, 0)),
            pl.BlockSpec((1, 128), lambda i: (0, 0)),
        ],
        out_specs=pl.BlockSpec((be, 128), lambda i: (i, 0)),
        out_shape=jax.ShapeDtypeStruct((e2, 128), f32),
    )(g, ea8, wc2, b02, w12, b12, wg2, bg2)


def _make_node_body(has_res, has_next):
    def body(*refs):
        it = iter(refs)
        x_ref = next(it)
        s_ref = next(it)
        cnt_ref = next(it)
        wnx_ref = next(it)
        wna_ref = next(it)
        bn0_ref = next(it)
        wn1_ref = next(it)
        bn1_ref = next(it)
        if has_res:
            rw_ref = next(it)
            rb_ref = next(it)
        g_ref = next(it)
        b_ref = next(it)
        if has_next:
            wa_ref = next(it)
            wb_ref = next(it)
        h_ref = next(it)
        if has_next:
            p_ref = next(it)
            q_ref = next(it)

        x = x_ref[...]
        sums = s_ref[0] + s_ref[1]
        cnt = cnt_ref[0, :, 0:1] + cnt_ref[1, :, 0:1]
        aggr = sums / jnp.maximum(cnt, 1.0)
        u = jnp.maximum(
            jnp.dot(x, wnx_ref[...], preferred_element_type=f32)
            + jnp.dot(aggr, wna_ref[...], preferred_element_type=f32)
            + bn0_ref[...], 0.0)
        out = jnp.dot(u, wn1_ref[...], preferred_element_type=f32) + bn1_ref[...]
        if has_res:
            res = jnp.dot(x, rw_ref[...], preferred_element_type=f32) + rb_ref[...]
        else:
            res = x
        z = out + res
        mu = jnp.mean(z, axis=-1, keepdims=True)
        var = jnp.mean((z - mu) * (z - mu), axis=-1, keepdims=True)
        zn = (z - mu) * lax.rsqrt(var + 1e-5) * g_ref[...] + b_ref[...]
        h = jnp.maximum(zn, 0.0)
        h_ref[...] = h
        if has_next:
            p_ref[...] = jnp.dot(h, wa_ref[...], preferred_element_type=f32)
            q_ref[...] = jnp.dot(h, wb_ref[...], preferred_element_type=f32)
    return body


def _tc_node(x, s01, cnts, p, has_res, nxt):
    bn = 2000
    cin = x.shape[1]
    s = s01
    in_specs = [
        pl.BlockSpec((bn, cin), lambda i: (i, 0)),
        pl.BlockSpec((NC, bn, H), lambda i: (0, i, 0)),
        pl.BlockSpec((NC, bn, 16), lambda i: (0, i, 0)),
        pl.BlockSpec((cin, H), lambda i: (0, 0)),
        pl.BlockSpec((H, H), lambda i: (0, 0)),
        pl.BlockSpec((1, H), lambda i: (0, 0)),
        pl.BlockSpec((H, H), lambda i: (0, 0)),
        pl.BlockSpec((1, H), lambda i: (0, 0)),
    ]
    wnx = p['node_w0'][:cin]
    wna = p['node_w0'][cin:]
    args = [x, s, cnts, wnx, wna, p['node_b0'].reshape(1, H),
            p['node_w1'], p['node_b1'].reshape(1, H)]
    if has_res:
        in_specs += [
            pl.BlockSpec((cin, H), lambda i: (0, 0)),
            pl.BlockSpec((1, H), lambda i: (0, 0)),
        ]
        args += [p['res_w'], p['res_b'].reshape(1, H)]
    in_specs += [
        pl.BlockSpec((1, H), lambda i: (0, 0)),
        pl.BlockSpec((1, H), lambda i: (0, 0)),
    ]
    args += [p['ln_g'].reshape(1, H), p['ln_b'].reshape(1, H)]
    out_specs = [pl.BlockSpec((bn, H), lambda i: (i, 0))]
    out_shape = [jax.ShapeDtypeStruct((N, H), f32)]
    if nxt is not None:
        wa_n, wb_n = nxt
        in_specs += [
            pl.BlockSpec((H, H), lambda i: (0, 0)),
            pl.BlockSpec((H, H), lambda i: (0, 0)),
        ]
        args += [wa_n, wb_n]
        out_specs += [
            pl.BlockSpec((bn, H), lambda i: (i, 0)),
            pl.BlockSpec((bn, H), lambda i: (i, 0)),
        ]
        out_shape += [
            jax.ShapeDtypeStruct((N, H), f32),
            jax.ShapeDtypeStruct((N, H), f32),
        ]
    return pl.pallas_call(
        _make_node_body(has_res, nxt is not None),
        grid=(N // bn,),
        in_specs=in_specs,
        out_specs=out_specs,
        out_shape=out_shape,
    )(*args)


def _readout_body(h_ref, b_ref, w0_ref, b0_ref, w1_ref, b1_ref, o_ref):
    h = h_ref[...]
    ids = b_ref[...]
    onehot = (ids == lax.broadcasted_iota(jnp.int32, (1, G), 1)).astype(f32)
    sums = lax.dot_general(onehot, h, (((0,), (0,)), ((), ())),
                           preferred_element_type=f32,
                           precision=lax.Precision.HIGHEST)
    cnt = jnp.sum(onehot, axis=0, keepdims=True)
    hg = sums / jnp.maximum(cnt.T, 1.0)
    o = jnp.maximum(
        jnp.dot(hg, w0_ref[...], preferred_element_type=f32) + b0_ref[...],
        0.0)
    o_ref[...] = jnp.dot(o, w1_ref[...], preferred_element_type=f32) + b1_ref[...]


def _tc_readout(h, batch2d, r):
    return pl.pallas_call(
        _readout_body,
        grid=(1,),
        in_specs=[
            pl.BlockSpec((N, H), lambda i: (0, 0)),
            pl.BlockSpec((N, 1), lambda i: (0, 0)),
            pl.BlockSpec((H, DEC), lambda i: (0, 0)),
            pl.BlockSpec((1, DEC), lambda i: (0, 0)),
            pl.BlockSpec((DEC, OUT), lambda i: (0, 0)),
            pl.BlockSpec((1, OUT), lambda i: (0, 0)),
        ],
        out_specs=pl.BlockSpec((G, OUT), lambda i: (0, 0)),
        out_shape=jax.ShapeDtypeStruct((G, OUT), f32),
    )(h, batch2d, r['w0'], r['b0'].reshape(1, DEC), r['w1'],
      r['b1'].reshape(1, OUT))


def _blockdiag(w):
    z = jnp.zeros_like(w)
    top = jnp.concatenate([w, z], axis=1)
    bot = jnp.concatenate([z, w], axis=1)
    return jnp.concatenate([top, bot], axis=0)


def _dup(b):
    return jnp.concatenate([b, b]).reshape(1, -1)


def kernel(x, edge_index, edge_attr, batch, params):
    src = edge_index[0]
    dst = edge_index[1]
    dst2d = dst.reshape(NW, NCH, CH)
    src2d = src.reshape(NW, NCH, CH)
    dst2s = dst.reshape(NW, NCHS, CHS)

    nb = (E // 2) // EB
    ea8 = (edge_attr.reshape(nb, 4, EB // 4, 32)
           .transpose(0, 2, 1, 3).reshape(E // 8, 128))
    zeros_h = jnp.zeros((N, H), f32)
    zeros_16 = jnp.zeros((N, 16), f32)
    ones_ch = jnp.ones((CHS, 16), f32)

    cnts = _sc_counts(dst2s, ones_ch, zeros_16)

    h = x
    p0 = params['layer0']
    cin0 = D_IN
    wa = p0['msg_w0'][:cin0]
    wb = p0['msg_w0'][cin0:2 * cin0]
    P, Q = _tc_prep(x, wa, wb)

    for l in range(NUM_LAYERS):
        p = params['layer%d' % l]
        cin = D_IN if l == 0 else H
        wc = p['msg_w0'][2 * cin:]
        g = _sc_gather(P, Q, dst2d, src2d)
        m = _tc_edge(g.reshape(E // 2, 128), ea8,
                     _blockdiag(wc), _dup(p['msg_b0']),
                     _blockdiag(p['msg_w1']), _dup(p['msg_b1']),
                     _blockdiag(p['gate_w']), _dup(p['gate_b']))
        sums = _sc_scatter(m.reshape(E, H), dst2s, zeros_h)
        if l + 1 < NUM_LAYERS:
            pn = params['layer%d' % (l + 1)]
            nxt = (pn['msg_w0'][:H], pn['msg_w0'][H:2 * H])
            h, P, Q = _tc_node(h, sums, cnts, p, l == 0, nxt)
        else:
            (h,) = _tc_node(h, sums, cnts, p, l == 0, None)

    return _tc_readout(h, batch.reshape(N, 1), params['readout'])

# --- scband reference (transcript-rebuilt; emitter-appended) ---
"""Pipeline reference for scband-mol-egnn-21208548508108 (READ-ONLY COPY).

The authoritative reference and input builder live on the scoring server;
editing this copy changes nothing except your own understanding.
"""

import jax, jax.numpy as jnp
import numpy as np

N = 10000
E = 320000
D_IN = 128
D_EDGE = 16
H = 64
DEC = 64
OUT = 1
G = 256
NUM_LAYERS = 3


def _lin(k, fin, fout):
    k1, k2 = jax.random.split(k)
    w = jax.random.normal(k1, (fin, fout), jnp.float32) * (1.0 / np.sqrt(fin))
    b = jax.random.normal(k2, (fout,), jnp.float32) * 0.01
    return w, b


def setup_inputs(seed: int = 0) -> dict:
    key = jax.random.key(seed)
    ks = jax.random.split(key, 16)
    x = jax.random.normal(ks[0], (N, D_IN), jnp.float32)
    edge_index = jax.random.randint(ks[1], (2, E), 0, N, dtype=jnp.int32)
    edge_attr = jax.random.normal(ks[2], (E, D_EDGE), jnp.float32)
    batch = jnp.sort(jax.random.randint(ks[3], (N,), 0, G, dtype=jnp.int32))
    params = {}
    dims = [(D_IN, D_EDGE, H), (H, D_EDGE, H), (H, D_EDGE, H)]
    kidx = 4
    for l, (cin, ce, cout) in enumerate(dims):
        kk = jax.random.split(ks[kidx], 8)
        kidx += 1
        p = {}
        p['msg_w0'], p['msg_b0'] = _lin(kk[0], 2 * cin + ce, cout)
        p['msg_w1'], p['msg_b1'] = _lin(kk[1], cout, cout)
        p['node_w0'], p['node_b0'] = _lin(kk[2], cin + cout, cout)
        p['node_w1'], p['node_b1'] = _lin(kk[3], cout, cout)
        p['gate_w'], p['gate_b'] = _lin(kk[4], ce, cout)
        p['ln_g'] = jnp.ones((cout,), jnp.float32)
        p['ln_b'] = jnp.zeros((cout,), jnp.float32)
        if cin != cout:
            p['res_w'], p['res_b'] = _lin(kk[5], cin, cout)
        params['layer%d' % l] = p
    kr = jax.random.split(ks[kidx], 2)
    r = {}
    r['w0'], r['b0'] = _lin(kr[0], H, DEC)
    r['w1'], r['b1'] = _lin(kr[1], DEC, OUT)
    params['readout'] = r
    return {"x": x, "edge_index": edge_index, "edge_attr": edge_attr, "batch": batch, "params": params}


def _egnn_layer(x, edge_index, edge_attr, p):
    src = edge_index[0]
    dst = edge_index[1]
    x_i = x[dst]
    x_j = x[src]
    msg_in = jnp.concatenate([x_i, x_j, edge_attr], axis=-1)
    h = jax.nn.relu(msg_in @ p['msg_w0'] + p['msg_b0'])
    msg = h @ p['msg_w1'] + p['msg_b1']
    gate = jax.nn.sigmoid(edge_attr @ p['gate_w'] + p['gate_b'])
    m = msg * gate
    sums = jax.ops.segment_sum(m, dst, num_segments=x.shape[0])
    cnt = jax.ops.segment_sum(jnp.ones((m.shape[0], 1), x.dtype), dst, num_segments=x.shape[0])
    aggr = sums / jnp.maximum(cnt, 1.0)
    u_in = jnp.concatenate([x, aggr], axis=-1)
    u = jax.nn.relu(u_in @ p['node_w0'] + p['node_b0'])
    out = u @ p['node_w1'] + p['node_b1']
    if 'res_w' in p:
        res = x @ p['res_w'] + p['res_b']
    else:
        res = x
    z = out + res
    mu = jnp.mean(z, axis=-1, keepdims=True)
    var = jnp.var(z, axis=-1, keepdims=True)
    z = (z - mu) / jnp.sqrt(var + 1e-5) * p['ln_g'] + p['ln_b']
    return z


def reference(x, edge_index, edge_attr, batch, params):
    h = x
    for l in range(NUM_LAYERS):
        h = _egnn_layer(h, edge_index, edge_attr, params['layer%d' % l])
        h = jax.nn.relu(h)
        # dropout p=0.0 (eval) -> identity
    sums = jax.ops.segment_sum(h, batch, num_segments=G)
    cnt = jax.ops.segment_sum(jnp.ones((h.shape[0], 1), h.dtype), batch, num_segments=G)
    hg = sums / jnp.maximum(cnt, 1.0)
    r = params['readout']
    o = jax.nn.relu(hg @ r['w0'] + r['b0'])
    return o @ r['w1'] + r['b1']

if __name__ == "__main__":
    import jax
    _d = setup_inputs()
    print(jax.jit(kernel)(*tuple(_d.values())))

</pallas_src>

<mosaic_0001>
#map = affine_map<(d0, d1) -> (0, 0)>
#map1 = affine_map<(d0, d1) -> (0, 0, 0)>
module attributes {stable_mosaic.version = 14 : i64} {
  func.func @sc_scatter(%arg0: i32, %arg1: i32, %arg2: memref<320000x64xf32, #tpu.memory_space<hbm>>, %arg3: memref<32x20x500xi32, #tpu.memory_space<hbm>>, %arg4: memref<10000x64xf32, #tpu.memory_space<hbm>>, %arg5: memref<2x10000x64xf32, #tpu.memory_space<hbm>>, %arg6: memref<20x500xi32, #tpu.memory_space<vmem>>, %arg7: memref<500x64xf32, #tpu.memory_space<vmem>>, %arg8: memref<500x64xf32, #tpu.memory_space<vmem>>, %arg9: memref<10000x64xf32, #tpu.memory_space<vmem_shared>>, %arg10: memref<!tpu.dma_semaphore, #tpu.memory_space<semaphore_mem>>) attributes {dimension_semantics = [#tpu.dimension_semantics<core_parallel>, #tpu.dimension_semantics<subcore_parallel>], iteration_bounds = array<i64: 2, 16>, scalar_prefetch = 0 : i64, scratch_operands = 5 : i64, tpu.core_type = #tpu.core_type<sc_vector_subcore>, window_params = [{transform_indices = #map}, {transform_indices = #map1}, {transform_indices = #map}, {transform_indices = #map1}]} {
    %mul3A = arith.constant 2 : i32
    %mul3A_0 = arith.muli %arg1, %mul3A : i32
    %add3A = arith.addi %mul3A_0, %arg0 : i32
    %mul3A_1 = arith.constant 624 : i32
    %mul3A_2 = arith.muli %arg1, %mul3A_1 : i32
    "tpu.region"() ({
      %run_scoped3A = tpu.sem_alloc : memref<!tpu.dma_semaphore, #tpu.memory_space<semaphore_mem>>
      %dma_start3A_23 = arith.constant 0 : i32
      %dma_start3A_24 = tpu.memref_slice %arg9[%mul3A_2, %dma_start3A_23] : memref<10000x64xf32, #tpu.memory_space<vmem_shared>> -> memref<624x64xf32, #tpu.memory_space<vmem_shared>>
      %dma_start3A_25 = arith.constant 0 : i32
      %dma_start3A_26 = tpu.memref_slice %arg4[%mul3A_2, %dma_start3A_25] : memref<10000x64xf32, #tpu.memory_space<hbm>> -> memref<624x64xf32, #tpu.memory_space<hbm>>
      tpu.enqueue_dma source(%dma_start3A_26 : memref<624x64xf32, #tpu.memory_space<hbm>>) target(%dma_start3A_24 : memref<624x64xf32, #tpu.memory_space<vmem_shared>>) target_semaphore(%run_scoped3A : memref<!tpu.dma_semaphore, #tpu.memory_space<semaphore_mem>>)
      %dma_wait3A = arith.constant 0 : i32
      %dma_wait3A_27 = tpu.memref_slice %arg9[%mul3A_2, %dma_wait3A] : memref<10000x64xf32, #tpu.memory_space<vmem_shared>> -> memref<624x64xf32, #tpu.memory_space<vmem_shared>>
      %dma_wait3A_28 = arith.constant 0 : i32
      %dma_wait3A_29 = tpu.memref_slice %arg4[%mul3A_2, %dma_wait3A_28] : memref<10000x64xf32, #tpu.memory_space<hbm>> -> memref<624x64xf32, #tpu.memory_space<hbm>>
      tpu.wait_dma2 semaphore(%run_scoped3A : memref<!tpu.dma_semaphore, #tpu.memory_space<semaphore_mem>>) src(%dma_wait3A_29 : memref<624x64xf32, #tpu.memory_space<hbm>>) dst(%dma_wait3A_27 : memref<624x64xf32, #tpu.memory_space<vmem_shared>>)
      tpu.yield
    }) : () -> ()
    %eq3A = arith.constant 15 : i32
    %eq3A_3 = arith.cmpi eq, %arg1, %eq3A : i32
    %convert_element_type3A = arith.extui %eq3A_3 : i1 to i32
    %cond3A = arith.constant 0 : i32
    %cond3A_4 = arith.cmpi ne, %convert_element_type3A, %cond3A : i32
    scf.if %cond3A_4 {
      "tpu.region"() ({
        %run_scoped3A = tpu.sem_alloc : memref<!tpu.dma_semaphore, #tpu.memory_space<semaphore_mem>>
        %dma_start3A_23 = arith.constant 9984 : i32
        %dma_start3A_24 = arith.constant 0 : i32
        %dma_start3A_25 = tpu.memref_slice %arg9[%dma_start3A_23, %dma_start3A_24] : memref<10000x64xf32, #tpu.memory_space<vmem_shared>> -> memref<16x64xf32, #tpu.memory_space<vmem_shared>>
        %dma_start3A_26 = arith.constant 9984 : i32
        %dma_start3A_27 = arith.constant 0 : i32
        %dma_start3A_28 = tpu.memref_slice %arg4[%dma_start3A_26, %dma_start3A_27] : memref<10000x64xf32, #tpu.memory_space<hbm>> -> memref<16x64xf32, #tpu.memory_space<hbm>>
        tpu.enqueue_dma source(%dma_start3A_28 : memref<16x64xf32, #tpu.memory_space<hbm>>) target(%dma_start3A_25 : memref<16x64xf32, #tpu.memory_space<vmem_shared>>) target_semaphore(%run_scoped3A : memref<!tpu.dma_semaphore, #tpu.memory_space<semaphore_mem>>)
        %dma_wait3A = arith.constant 9984 : i32
        %dma_wait3A_29 = arith.constant 0 : i32
        %dma_wait3A_30 = tpu.memref_slice %arg9[%dma_wait3A, %dma_wait3A_29] : memref<10000x64xf32, #tpu.memory_space<vmem_shared>> -> memref<16x64xf32, #tpu.memory_space<vmem_shared>>
        %dma_wait3A_31 = arith.constant 9984 : i32
        %dma_wait3A_32 = arith.constant 0 : i32
        %dma_wait3A_33 = tpu.memref_slice %arg4[%dma_wait3A_31, %dma_wait3A_32] : memref<10000x64xf32, #tpu.memory_space<hbm>> -> memref<16x64xf32, #tpu.memory_space<hbm>>
        tpu.wait_dma2 semaphore(%run_scoped3A : memref<!tpu.dma_semaphore, #tpu.memory_space<semaphore_mem>>) src(%dma_wait3A_33 : memref<16x64xf32, #tpu.memory_space<hbm>>) dst(%dma_wait3A_30 : memref<16x64xf32, #tpu.memory_space<vmem_shared>>)
        tpu.yield
      }) : () -> ()
    } else {
    }
    %barrier3A = arith.constant 0 : index
    tpu.barrier barrier_id(%barrier3A)
    "tpu.region"() ({
      %run_scoped3A = tpu.sem_alloc : memref<!tpu.dma_semaphore, #tpu.memory_space<semaphore_mem>>
      %dma_start3A_23 = arith.constant 0 : i32
      %dma_start3A_24 = arith.constant 0 : i32
      %dma_start3A_25 = tpu.memref_slice %arg3[%add3A, %dma_start3A_23, %dma_start3A_24] : memref<32x20x500xi32, #tpu.memory_space<hbm>> -> memref<1x20x500xi32, #tpu.memory_space<hbm>>
      %dma_start3A_26 = tpu.memref_squeeze %dma_start3A_25 : memref<1x20x500xi32, #tpu.memory_space<hbm>> -> memref<20x500xi32, #tpu.memory_space<hbm>>
      %dma_start3A_27 = arith.constant 0 : i32
      %dma_start3A_28 = arith.constant 0 : i32
      %dma_start3A_29 = tpu.memref_slice %arg3[%add3A, %dma_start3A_27, %dma_start3A_28] : memref<32x20x500xi32, #tpu.memory_space<hbm>> -> memref<1x20x500xi32, #tpu.memory_space<hbm>>
      %dma_start3A_30 = tpu.memref_squeeze %dma_start3A_29 : memref<1x20x500xi32, #tpu.memory_space<hbm>> -> memref<20x500xi32, #tpu.memory_space<hbm>>
      tpu.enqueue_dma source(%dma_start3A_30 : memref<20x500xi32, #tpu.memory_space<hbm>>) target(%arg6 : memref<20x500xi32, #tpu.memory_space<vmem>>) target_semaphore(%run_scoped3A : memref<!tpu.dma_semaphore, #tpu.memory_space<semaphore_mem>>)
      %dma_wait3A = arith.constant 0 : i32
      %dma_wait3A_31 = arith.constant 0 : i32
      %dma_wait3A_32 = tpu.memref_slice %arg3[%add3A, %dma_wait3A, %dma_wait3A_31] : memref<32x20x500xi32, #tpu.memory_space<hbm>> -> memref<1x20x500xi32, #tpu.memory_space<hbm>>
      %dma_wait3A_33 = tpu.memref_squeeze %dma_wait3A_32 : memref<1x20x500xi32, #tpu.memory_space<hbm>> -> memref<20x500xi32, #tpu.memory_space<hbm>>
      %dma_wait3A_34 = arith.constant 0 : i32
      %dma_wait3A_35 = arith.constant 0 : i32
      %dma_wait3A_36 = tpu.memref_slice %arg3[%add3A, %dma_wait3A_34, %dma_wait3A_35] : memref<32x20x500xi32, #tpu.memory_space<hbm>> -> memref<1x20x500xi32, #tpu.memory_space<hbm>>
      %dma_wait3A_37 = tpu.memref_squeeze %dma_wait3A_36 : memref<1x20x500xi32, #tpu.memory_space<hbm>> -> memref<20x500xi32, #tpu.memory_space<hbm>>
      tpu.wait_dma2 semaphore(%run_scoped3A : memref<!tpu.dma_semaphore, #tpu.memory_space<semaphore_mem>>) src(%dma_wait3A_37 : memref<20x500xi32, #tpu.memory_space<hbm>>) dst(%arg6 : memref<20x500xi32, #tpu.memory_space<vmem>>)
      tpu.yield
    }) : () -> ()
    %mul3A_5 = arith.constant 10000 : i32
    %mul3A_6 = arith.muli %add3A, %mul3A_5 : i32
    %add3A_7 = arith.constant 0 : i32
    %add3A_8 = arith.addi %mul3A_6, %add3A_7 : i32
    %dma_start3A = arith.constant 0 : i32
    %dma_start3A_9 = tpu.memref_slice %arg2[%add3A_8, %dma_start3A] : memref<320000x64xf32, #tpu.memory_space<hbm>> -> memref<500x64xf32, #tpu.memory_space<hbm>>
    %dma_start3A_10 = arith.constant 0 : i32
    %dma_start3A_11 = tpu.memref_slice %arg2[%add3A_8, %dma_start3A_10] : memref<320000x64xf32, #tpu.memory_space<hbm>> -> memref<500x64xf32, #tpu.memory_space<hbm>>
    tpu.enqueue_dma source(%dma_start3A_11 : memref<500x64xf32, #tpu.memory_space<hbm>>) target(%arg7 : memref<500x64xf32, #tpu.memory_space<vmem>>) target_semaphore(%arg10 : memref<!tpu.dma_semaphore, #tpu.memory_space<semaphore_mem>>)
    %scan3A = arith.constant 0 : i32
    %scan3A_12 = arith.constant 0 : i32
    %scan3A_13 = arith.constant 10 : i32
    %scan3A_14 = arith.addi %scan3A_12, %scan3A_13 : i32
    %scan3A_15 = arith.constant 1 : i32
    scf.for %scan3A_23 = %scan3A_12 to %scan3A_14 step %scan3A_15  : i32 {
      %mul3A_24 = arith.constant 2 : i32
      %mul3A_25 = arith.muli %mul3A_24, %scan3A_23 : i32
      %dma_wait3A = arith.constant 0 : i32
      %dma_wait3A_26 = arith.constant 0 : i32
      %dma_wait3A_27 = tpu.memref_slice %arg2[%dma_wait3A, %dma_wait3A_26] : memref<320000x64xf32, #tpu.memory_space<hbm>> -> memref<500x64xf32, #tpu.memory_space<hbm>>
      %dma_wait3A_28 = arith.constant 0 : i32
      %dma_wait3A_29 = arith.constant 0 : i32
      %dma_wait3A_30 = tpu.memref_slice %arg2[%dma_wait3A_28, %dma_wait3A_29] : memref<320000x64xf32, #tpu.memory_space<hbm>> -> memref<500x64xf32, #tpu.memory_space<hbm>>
      tpu.wait_dma2 semaphore(%arg10 : memref<!tpu.dma_semaphore, #tpu.memory_space<semaphore_mem>>) src(%dma_wait3A_30 : memref<500x64xf32, #tpu.memory_space<hbm>>) dst(%arg7 : memref<500x64xf32, #tpu.memory_space<vmem>>)
      %add3A_31 = arith.constant 1 : i32
      %add3A_32 = arith.addi %mul3A_25, %add3A_31 : i32
      %mul3A_33 = arith.constant 10000 : i32
      %mul3A_34 = arith.muli %add3A, %mul3A_33 : i32
      %mul3A_35 = arith.constant 500 : i32
      %mul3A_36 = arith.muli %add3A_32, %mul3A_35 : i32
      %add3A_37 = arith.addi %mul3A_34, %mul3A_36 : i32
      %dma_start3A_38 = arith.constant 0 : i32
      %dma_start3A_39 = tpu.memref_slice %arg2[%add3A_37, %dma_start3A_38] : memref<320000x64xf32, #tpu.memory_space<hbm>> -> memref<500x64xf32, #tpu.memory_space<hbm>>
      %dma_start3A_40 = arith.constant 0 : i32
      %dma_start3A_41 = tpu.memref_slice %arg2[%add3A_37, %dma_start3A_40] : memref<320000x64xf32, #tpu.memory_space<hbm>> -> memref<500x64xf32, #tpu.memory_space<hbm>>
      tpu.enqueue_dma source(%dma_start3A_41 : memref<500x64xf32, #tpu.memory_space<hbm>>) target(%arg8 : memref<500x64xf32, #tpu.memory_space<vmem>>) target_semaphore(%arg10 : memref<!tpu.dma_semaphore, #tpu.memory_space<semaphore_mem>>)
      "tpu.region"() ({
        %run_scoped3A = tpu.sem_alloc : memref<!tpu.dma_semaphore, #tpu.memory_space<semaphore_mem>>
        %dma_start3A_54 = arith.constant 0 : i32
        %dma_start3A_55 = tpu.memref_slice %arg6[%mul3A_25, %dma_start3A_54] : memref<20x500xi32, #tpu.memory_space<vmem>> -> memref<1x500xi32, #tpu.memory_space<vmem>>
        %dma_start3A_56 = tpu.memref_squeeze %dma_start3A_55 : memref<1x500xi32, #tpu.memory_space<vmem>> -> memref<500xi32, #tpu.memory_space<vmem>>
        %dma_start3A_57 = arith.constant 0 : i32
        %dma_start3A_58 = arith.constant 0 : i32
        %dma_start3A_59 = tpu.memref_slice %arg9[%dma_start3A_57, %dma_start3A_58] : memref<10000x64xf32, #tpu.memory_space<vmem_shared>> -> memref<10000x64xf32, #tpu.memory_space<vmem_shared>>
        tpu.enqueue_indirect_dma source(%arg7 : memref<500x64xf32, #tpu.memory_space<vmem>>) target(%dma_start3A_59 : memref<10000x64xf32, #tpu.memory_space<vmem_shared>>) offsets(%dma_start3A_56 : memref<500xi32, #tpu.memory_space<vmem>>) semaphore(%run_scoped3A : memref<!tpu.dma_semaphore, #tpu.memory_space<semaphore_mem>>) {add = true}
        %dma_wait3A_60 = arith.constant 0 : i32
        %dma_wait3A_61 = tpu.memref_slice %arg6[%mul3A_25, %dma_wait3A_60] : memref<20x500xi32, #tpu.memory_space<vmem>> -> memref<1x500xi32, #tpu.memory_space<vmem>>
        %dma_wait3A_62 = tpu.memref_squeeze %dma_wait3A_61 : memref<1x500xi32, #tpu.memory_space<vmem>> -> memref<500xi32, #tpu.memory_space<vmem>>
        %dma_wait3A_63 = arith.constant 0 : i32
        %dma_wait3A_64 = arith.constant 0 : i32
        %dma_wait3A_65 = tpu.memref_slice %arg9[%dma_wait3A_63, %dma_wait3A_64] : memref<10000x64xf32, #tpu.memory_space<vmem_shared>> -> memref<10000x64xf32, #tpu.memory_space<vmem_shared>>
        tpu.wait_indirect_dma semaphore(%run_scoped3A : memref<!tpu.dma_semaphore, #tpu.memory_space<semaphore_mem>>) src(%arg7 : memref<500x64xf32, #tpu.memory_space<vmem>>) dst(%dma_wait3A_65 : memref<10000x64xf32, #tpu.memory_space<vmem_shared>>)
        tpu.yield
      }) : () -> ()
      %dma_wait3A_42 = arith.constant 0 : i32
      %dma_wait3A_43 = arith.constant 0 : i32
      %dma_wait3A_44 = tpu.memref_slice %arg2[%dma_wait3A_42, %dma_wait3A_43] : memref<320000x64xf32, #tpu.memory_space<hbm>> -> memref<500x64xf32, #tpu.memory_space<hbm>>
      %dma_wait3A_45 = arith.constant 0 : i32
      %dma_wait3A_46 = arith.constant 0 : i32
      %dma_wait3A_47 = tpu.memref_slice %arg2[%dma_wait3A_45, %dma_wait3A_46] : memref<320000x64xf32, #tpu.memory_space<hbm>> -> memref<500x64xf32, #tpu.memory_space<hbm>>
      tpu.wait_dma2 semaphore(%arg10 : memref<!tpu.dma_semaphore, #tpu.memory_space<semaphore_mem>>) src(%dma_wait3A_47 : memref<500x64xf32, #tpu.memory_space<hbm>>) dst(%arg8 : memref<500x64xf32, #tpu.memory_space<vmem>>)
      %lt3A = arith.constant 9 : i32
      %lt3A_48 = arith.cmpi slt, %scan3A_23, %lt3A : i32
      %convert_element_type3A_49 = arith.extui %lt3A_48 : i1 to i32
      %cond3A_50 = arith.constant 0 : i32
      %cond3A_51 = arith.cmpi ne, %convert_element_type3A_49, %cond3A_50 : i32
      scf.if %cond3A_51 {
        %add3A_54 = arith.constant 2 : i32
        %add3A_55 = arith.addi %mul3A_25, %add3A_54 : i32
        %mul3A_56 = arith.constant 10000 : i32
        %mul3A_57 = arith.muli %add3A, %mul3A_56 : i32
        %mul3A_58 = arith.constant 500 : i32
        %mul3A_59 = arith.muli %add3A_55, %mul3A_58 : i32
        %add3A_60 = arith.addi %mul3A_57, %mul3A_59 : i32
        %dma_start3A_61 = arith.constant 0 : i32
        %dma_start3A_62 = tpu.memref_slice %arg2[%add3A_60, %dma_start3A_61] : memref<320000x64xf32, #tpu.memory_space<hbm>> -> memref<500x64xf32, #tpu.memory_space<hbm>>
        %dma_start3A_63 = arith.constant 0 : i32
        %dma_start3A_64 = tpu.memref_slice %arg2[%add3A_60, %dma_start3A_63] : memref<320000x64xf32, #tpu.memory_space<hbm>> -> memref<500x64xf32, #tpu.memory_space<hbm>>
        tpu.enqueue_dma source(%dma_start3A_64 : memref<500x64xf32, #tpu.memory_space<hbm>>) target(%arg7 : memref<500x64xf32, #tpu.memory_space<vmem>>) target_semaphore(%arg10 : memref<!tpu.dma_semaphore, #tpu.memory_space<semaphore_mem>>)
      } else {
      }
      %add3A_52 = arith.constant 1 : i32
      %add3A_53 = arith.addi %mul3A_25, %add3A_52 : i32
      "tpu.region"() ({
        %run_scoped3A = tpu.sem_alloc : memref<!tpu.dma_semaphore, #tpu.memory_space<semaphore_mem>>
        %dma_start3A_54 = arith.constant 0 : i32
        %dma_start3A_55 = tpu.memref_slice %arg6[%add3A_53, %dma_start3A_54] : memref<20x500xi32, #tpu.memory_space<vmem>> -> memref<1x500xi32, #tpu.memory_space<vmem>>
        %dma_start3A_56 = tpu.memref_squeeze %dma_start3A_55 : memref<1x500xi32, #tpu.memory_space<vmem>> -> memref<500xi32, #tpu.memory_space<vmem>>
        %dma_start3A_57 = arith.constant 0 : i32
        %dma_start3A_58 = arith.constant 0 : i32
        %dma_start3A_59 = tpu.memref_slice %arg9[%dma_start3A_57, %dma_start3A_58] : memref<10000x64xf32, #tpu.memory_space<vmem_shared>> -> memref<10000x64xf32, #tpu.memory_space<vmem_shared>>
        tpu.enqueue_indirect_dma source(%arg8 : memref<500x64xf32, #tpu.memory_space<vmem>>) target(%dma_start3A_59 : memref<10000x64xf32, #tpu.memory_space<vmem_shared>>) offsets(%dma_start3A_56 : memref<500xi32, #tpu.memory_space<vmem>>) semaphore(%run_scoped3A : memref<!tpu.dma_semaphore, #tpu.memory_space<semaphore_mem>>) {add = true}
        %dma_wait3A_60 = arith.constant 0 : i32
        %dma_wait3A_61 = tpu.memref_slice %arg6[%add3A_53, %dma_wait3A_60] : memref<20x500xi32, #tpu.memory_space<vmem>> -> memref<1x500xi32, #tpu.memory_space<vmem>>
        %dma_wait3A_62 = tpu.memref_squeeze %dma_wait3A_61 : memref<1x500xi32, #tpu.memory_space<vmem>> -> memref<500xi32, #tpu.memory_space<vmem>>
        %dma_wait3A_63 = arith.constant 0 : i32
        %dma_wait3A_64 = arith.constant 0 : i32
        %dma_wait3A_65 = tpu.memref_slice %arg9[%dma_wait3A_63, %dma_wait3A_64] : memref<10000x64xf32, #tpu.memory_space<vmem_shared>> -> memref<10000x64xf32, #tpu.memory_space<vmem_shared>>
        tpu.wait_indirect_dma semaphore(%run_scoped3A : memref<!tpu.dma_semaphore, #tpu.memory_space<semaphore_mem>>) src(%arg8 : memref<500x64xf32, #tpu.memory_space<vmem>>) dst(%dma_wait3A_65 : memref<10000x64xf32, #tpu.memory_space<vmem_shared>>)
        tpu.yield
      }) : () -> ()
    }
    %scan3A_16 = arith.constant 10 : i32
    %barrier3A_17 = arith.constant 0 : index
    tpu.barrier barrier_id(%barrier3A_17)
    "tpu.region"() ({
      %run_scoped3A = tpu.sem_alloc : memref<!tpu.dma_semaphore, #tpu.memory_space<semaphore_mem>>
      %dma_start3A_23 = arith.constant 0 : i32
      %dma_start3A_24 = tpu.memref_slice %arg5[%arg0, %mul3A_2, %dma_start3A_23] : memref<2x10000x64xf32, #tpu.memory_space<hbm>> -> memref<1x624x64xf32, #tpu.memory_space<hbm>>
      %dma_start3A_25 = tpu.memref_squeeze %dma_start3A_24 : memref<1x624x64xf32, #tpu.memory_space<hbm>> -> memref<624x64xf32, #tpu.memory_space<hbm>>
      %dma_start3A_26 = arith.constant 0 : i32
      %dma_start3A_27 = tpu.memref_slice %arg9[%mul3A_2, %dma_start3A_26] : memref<10000x64xf32, #tpu.memory_space<vmem_shared>> -> memref<624x64xf32, #tpu.memory_space<vmem_shared>>
      tpu.enqueue_dma source(%dma_start3A_27 : memref<624x64xf32, #tpu.memory_space<vmem_shared>>) target(%dma_start3A_25 : memref<624x64xf32, #tpu.memory_space<hbm>>) target_semaphore(%run_scoped3A : memref<!tpu.dma_semaphore, #tpu.memory_space<semaphore_mem>>)
      %dma_wait3A = arith.constant 0 : i32
      %dma_wait3A_28 = tpu.memref_slice %arg5[%arg0, %mul3A_2, %dma_wait3A] : memref<2x10000x64xf32, #tpu.memory_space<hbm>> -> memref<1x624x64xf32, #tpu.memory_space<hbm>>
      %dma_wait3A_29 = tpu.memref_squeeze %dma_wait3A_28 : memref<1x624x64xf32, #tpu.memory_space<hbm>> -> memref<624x64xf32, #tpu.memory_space<hbm>>
      %dma_wait3A_30 = arith.constant 0 : i32
      %dma_wait3A_31 = tpu.memref_slice %arg9[%mul3A_2, %dma_wait3A_30] : memref<10000x64xf32, #tpu.memory_space<vmem_shared>> -> memref<624x64xf32, #tpu.memory_space<vmem_shared>>
      tpu.wait_dma2 semaphore(%run_scoped3A : memref<!tpu.dma_semaphore, #tpu.memory_space<semaphore_mem>>) src(%dma_wait3A_31 : memref<624x64xf32, #tpu.memory_space<vmem_shared>>) dst(%dma_wait3A_29 : memref<624x64xf32, #tpu.memory_space<hbm>>)
      tpu.yield
    }) : () -> ()
    %eq3A_18 = arith.constant 15 : i32
    %eq3A_19 = arith.cmpi eq, %arg1, %eq3A_18 : i32
    %convert_element_type3A_20 = arith.extui %eq3A_19 : i1 to i32
    %cond3A_21 = arith.constant 0 : i32
    %cond3A_22 = arith.cmpi ne, %convert_element_type3A_20, %cond3A_21 : i32
    scf.if %cond3A_22 {
      "tpu.region"() ({
        %run_scoped3A = tpu.sem_alloc : memref<!tpu.dma_semaphore, #tpu.memory_space<semaphore_mem>>
        %dma_start3A_23 = arith.constant 9984 : i32
        %dma_start3A_24 = arith.constant 0 : i32
        %dma_start3A_25 = tpu.memref_slice %arg5[%arg0, %dma_start3A_23, %dma_start3A_24] : memref<2x10000x64xf32, #tpu.memory_space<hbm>> -> memref<1x16x64xf32, #tpu.memory_space<hbm>>
        %dma_start3A_26 = tpu.memref_squeeze %dma_start3A_25 : memref<1x16x64xf32, #tpu.memory_space<hbm>> -> memref<16x64xf32, #tpu.memory_space<hbm>>
        %dma_start3A_27 = arith.constant 9984 : i32
        %dma_start3A_28 = arith.constant 0 : i32
        %dma_start3A_29 = tpu.memref_slice %arg9[%dma_start3A_27, %dma_start3A_28] : memref<10000x64xf32, #tpu.memory_space<vmem_shared>> -> memref<16x64xf32, #tpu.memory_space<vmem_shared>>
        tpu.enqueue_dma source(%dma_start3A_29 : memref<16x64xf32, #tpu.memory_space<vmem_shared>>) target(%dma_start3A_26 : memref<16x64xf32, #tpu.memory_space<hbm>>) target_semaphore(%run_scoped3A : memref<!tpu.dma_semaphore, #tpu.memory_space<semaphore_mem>>)
        %dma_wait3A = arith.constant 9984 : i32
        %dma_wait3A_30 = arith.constant 0 : i32
        %dma_wait3A_31 = tpu.memref_slice %arg5[%arg0, %dma_wait3A, %dma_wait3A_30] : memref<2x10000x64xf32, #tpu.memory_space<hbm>> -> memref<1x16x64xf32, #tpu.memory_space<hbm>>
        %dma_wait3A_32 = tpu.memref_squeeze %dma_wait3A_31 : memref<1x16x64xf32, #tpu.memory_space<hbm>> -> memref<16x64xf32, #tpu.memory_space<hbm>>
        %dma_wait3A_33 = arith.constant 9984 : i32
        %dma_wait3A_34 = arith.constant 0 : i32
        %dma_wait3A_35 = tpu.memref_slice %arg9[%dma_wait3A_33, %dma_wait3A_34] : memref<10000x64xf32, #tpu.memory_space<vmem_shared>> -> memref<16x64xf32, #tpu.memory_space<vmem_shared>>
        tpu.wait_dma2 semaphore(%run_scoped3A : memref<!tpu.dma_semaphore, #tpu.memory_space<semaphore_mem>>) src(%dma_wait3A_35 : memref<16x64xf32, #tpu.memory_space<vmem_shared>>) dst(%dma_wait3A_32 : memref<16x64xf32, #tpu.memory_space<hbm>>)
        tpu.yield
      }) : () -> ()
    } else {
    }
    return
  }
}

#map = affine_map<(d0, d1) -> (0, 0)>
#map1 = affine_map<(d0, d1) -> (0, 0, 0)>
module attributes {stable_mosaic.version = 14 : i64} {
  func.func @sc_gather(%arg0: i32, %arg1: i32, %arg2: memref<10000x64xf32, #tpu.memory_space<hbm>>, %arg3: memref<10000x64xf32, #tpu.memory_space<hbm>>, %arg4: memref<32x40x250xi32, #tpu.memory_space<hbm>>, %arg5: memref<32x40x250xi32, #tpu.memory_space<hbm>>, %arg6: memref<320000x64xf32, #tpu.memory_space<hbm>>, %arg7: memref<40x250xi32, #tpu.memory_space<vmem>>, %arg8: memref<40x250xi32, #tpu.memory_space<vmem>>, %arg9: memref<250x64xf32, #tpu.memory_space<vmem>>, %arg10: memref<250x64xf32, #tpu.memory_space<vmem>>, %arg11: memref<250x64xf32, #tpu.memory_space<vmem>>, %arg12: memref<250x64xf32, #tpu.memory_space<vmem>>, %arg13: memref<!tpu.dma_semaphore, #tpu.memory_space<semaphore_mem>>) attributes {dimension_semantics = [#tpu.dimension_semantics<core_parallel>, #tpu.dimension_semantics<subcore_parallel>], iteration_bounds = array<i64: 2, 16>, scalar_prefetch = 0 : i64, scratch_operands = 7 : i64, tpu.core_type = #tpu.core_type<sc_vector_subcore>, window_params = [{transform_indices = #map}, {transform_indices = #map}, {transform_indices = #map1}, {transform_indices = #map1}, {transform_indices = #map}]} {
    %mul3A = arith.constant 2 : i32
    %mul3A_0 = arith.muli %arg1, %mul3A : i32
    %add3A = arith.addi %mul3A_0, %arg0 : i32
    "tpu.region"() ({
      %run_scoped3A = tpu.sem_alloc : memref<!tpu.dma_semaphore, #tpu.memory_space<semaphore_mem>>
      %dma_start3A_19 = arith.constant 0 : i32
      %dma_start3A_20 = arith.constant 0 : i32
      %dma_start3A_21 = tpu.memref_slice %arg4[%add3A, %dma_start3A_19, %dma_start3A_20] : memref<32x40x250xi32, #tpu.memory_space<hbm>> -> memref<1x40x250xi32, #tpu.memory_space<hbm>>
      %dma_start3A_22 = tpu.memref_squeeze %dma_start3A_21 : memref<1x40x250xi32, #tpu.memory_space<hbm>> -> memref<40x250xi32, #tpu.memory_space<hbm>>
      %dma_start3A_23 = arith.constant 0 : i32
      %dma_start3A_24 = arith.constant 0 : i32
      %dma_start3A_25 = tpu.memref_slice %arg4[%add3A, %dma_start3A_23, %dma_start3A_24] : memref<32x40x250xi32, #tpu.memory_space<hbm>> -> memref<1x40x250xi32, #tpu.memory_space<hbm>>
      %dma_start3A_26 = tpu.memref_squeeze %dma_start3A_25 : memref<1x40x250xi32, #tpu.memory_space<hbm>> -> memref<40x250xi32, #tpu.memory_space<hbm>>
      tpu.enqueue_dma source(%dma_start3A_26 : memref<40x250xi32, #tpu.memory_space<hbm>>) target(%arg7 : memref<40x250xi32, #tpu.memory_space<vmem>>) target_semaphore(%run_scoped3A : memref<!tpu.dma_semaphore, #tpu.memory_space<semaphore_mem>>)
      %dma_wait3A = arith.constant 0 : i32
      %dma_wait3A_27 = arith.constant 0 : i32
      %dma_wait3A_28 = tpu.memref_slice %arg4[%add3A, %dma_wait3A, %dma_wait3A_27] : memref<32x40x250xi32, #tpu.memory_space<hbm>> -> memref<1x40x250xi32, #tpu.memory_space<hbm>>
      %dma_wait3A_29 = tpu.memref_squeeze %dma_wait3A_28 : memref<1x40x250xi32, #tpu.memory_space<hbm>> -> memref<40x250xi32, #tpu.memory_space<hbm>>
      %dma_wait3A_30 = arith.constant 0 : i32
      %dma_wait3A_31 = arith.constant 0 : i32
      %dma_wait3A_32 = tpu.memref_slice %arg4[%add3A, %dma_wait3A_30, %dma_wait3A_31] : memref<32x40x250xi32, #tpu.memory_space<hbm>> -> memref<1x40x250xi32, #tpu.memory_space<hbm>>
      %dma_wait3A_33 = tpu.memref_squeeze %dma_wait3A_32 : memref<1x40x250xi32, #tpu.memory_space<hbm>> -> memref<40x250xi32, #tpu.memory_space<hbm>>
      tpu.wait_dma2 semaphore(%run_scoped3A : memref<!tpu.dma_semaphore, #tpu.memory_space<semaphore_mem>>) src(%dma_wait3A_33 : memref<40x250xi32, #tpu.memory_space<hbm>>) dst(%arg7 : memref<40x250xi32, #tpu.memory_space<vmem>>)
      tpu.yield
    }) : () -> ()
    "tpu.region"() ({
      %run_scoped3A = tpu.sem_alloc : memref<!tpu.dma_semaphore, #tpu.memory_space<semaphore_mem>>
      %dma_start3A_19 = arith.constant 0 : i32
      %dma_start3A_20 = arith.constant 0 : i32
      %dma_start3A_21 = tpu.memref_slice %arg5[%add3A, %dma_start3A_19, %dma_start3A_20] : memref<32x40x250xi32, #tpu.memory_space<hbm>> -> memref<1x40x250xi32, #tpu.memory_space<hbm>>
      %dma_start3A_22 = tpu.memref_squeeze %dma_start3A_21 : memref<1x40x250xi32, #tpu.memory_space<hbm>> -> memref<40x250xi32, #tpu.memory_space<hbm>>
      %dma_start3A_23 = arith.constant 0 : i32
      %dma_start3A_24 = arith.constant 0 : i32
      %dma_start3A_25 = tpu.memref_slice %arg5[%add3A, %dma_start3A_23, %dma_start3A_24] : memref<32x40x250xi32, #tpu.memory_space<hbm>> -> memref<1x40x250xi32, #tpu.memory_space<hbm>>
      %dma_start3A_26 = tpu.memref_squeeze %dma_start3A_25 : memref<1x40x250xi32, #tpu.memory_space<hbm>> -> memref<40x250xi32, #tpu.memory_space<hbm>>
      tpu.enqueue_dma source(%dma_start3A_26 : memref<40x250xi32, #tpu.memory_space<hbm>>) target(%arg8 : memref<40x250xi32, #tpu.memory_space<vmem>>) target_semaphore(%run_scoped3A : memref<!tpu.dma_semaphore, #tpu.memory_space<semaphore_mem>>)
      %dma_wait3A = arith.constant 0 : i32
      %dma_wait3A_27 = arith.constant 0 : i32
      %dma_wait3A_28 = tpu.memref_slice %arg5[%add3A, %dma_wait3A, %dma_wait3A_27] : memref<32x40x250xi32, #tpu.memory_space<hbm>> -> memref<1x40x250xi32, #tpu.memory_space<hbm>>
      %dma_wait3A_29 = tpu.memref_squeeze %dma_wait3A_28 : memref<1x40x250xi32, #tpu.memory_space<hbm>> -> memref<40x250xi32, #tpu.memory_space<hbm>>
      %dma_wait3A_30 = arith.constant 0 : i32
      %dma_wait3A_31 = arith.constant 0 : i32
      %dma_wait3A_32 = tpu.memref_slice %arg5[%add3A, %dma_wait3A_30, %dma_wait3A_31] : memref<32x40x250xi32, #tpu.memory_space<hbm>> -> memref<1x40x250xi32, #tpu.memory_space<hbm>>
      %dma_wait3A_33 = tpu.memref_squeeze %dma_wait3A_32 : memref<1x40x250xi32, #tpu.memory_space<hbm>> -> memref<40x250xi32, #tpu.memory_space<hbm>>
      tpu.wait_dma2 semaphore(%run_scoped3A : memref<!tpu.dma_semaphore, #tpu.memory_space<semaphore_mem>>) src(%dma_wait3A_33 : memref<40x250xi32, #tpu.memory_space<hbm>>) dst(%arg8 : memref<40x250xi32, #tpu.memory_space<vmem>>)
      tpu.yield
    }) : () -> ()
    %dma_start3A = arith.constant 0 : i32
    %dma_start3A_1 = arith.constant 0 : i32
    %dma_start3A_2 = tpu.memref_slice %arg7[%dma_start3A, %dma_start3A_1] : memref<40x250xi32, #tpu.memory_space<vmem>> -> memref<1x250xi32, #tpu.memory_space<vmem>>
    %dma_start3A_3 = tpu.memref_squeeze %dma_start3A_2 : memref<1x250xi32, #tpu.memory_space<vmem>> -> memref<250xi32, #tpu.memory_space<vmem>>
    %dma_start3A_4 = arith.constant 0 : i32
    %dma_start3A_5 = arith.constant 0 : i32
    %dma_start3A_6 = tpu.memref_slice %arg2[%dma_start3A_4, %dma_start3A_5] : memref<10000x64xf32, #tpu.memory_space<hbm>> -> memref<10000x64xf32, #tpu.memory_space<hbm>>
    tpu.enqueue_indirect_dma source(%dma_start3A_6 : memref<10000x64xf32, #tpu.memory_space<hbm>>) target(%arg9 : memref<250x64xf32, #tpu.memory_space<vmem>>) offsets(%dma_start3A_3 : memref<250xi32, #tpu.memory_space<vmem>>) semaphore(%arg13 : memref<!tpu.dma_semaphore, #tpu.memory_space<semaphore_mem>>)
    %dma_start3A_7 = arith.constant 0 : i32
    %dma_start3A_8 = arith.constant 0 : i32
    %dma_start3A_9 = tpu.memref_slice %arg8[%dma_start3A_7, %dma_start3A_8] : memref<40x250xi32, #tpu.memory_space<vmem>> -> memref<1x250xi32, #tpu.memory_space<vmem>>
    %dma_start3A_10 = tpu.memref_squeeze %dma_start3A_9 : memref<1x250xi32, #tpu.memory_space<vmem>> -> memref<250xi32, #tpu.memory_space<vmem>>
    %dma_start3A_11 = arith.constant 0 : i32
    %dma_start3A_12 = arith.constant 0 : i32
    %dma_start3A_13 = tpu.memref_slice %arg3[%dma_start3A_11, %dma_start3A_12] : memref<10000x64xf32, #tpu.memory_space<hbm>> -> memref<10000x64xf32, #tpu.memory_space<hbm>>
    tpu.enqueue_indirect_dma source(%dma_start3A_13 : memref<10000x64xf32, #tpu.memory_space<hbm>>) target(%arg10 : memref<250x64xf32, #tpu.memory_space<vmem>>) offsets(%dma_start3A_10 : memref<250xi32, #tpu.memory_space<vmem>>) semaphore(%arg13 : memref<!tpu.dma_semaphore, #tpu.memory_space<semaphore_mem>>)
    %scan3A = arith.constant 0 : i32
    %scan3A_14 = arith.constant 0 : i32
    %scan3A_15 = arith.constant 20 : i32
    %scan3A_16 = arith.addi %scan3A_14, %scan3A_15 : i32
    %scan3A_17 = arith.constant 1 : i32
    scf.for %scan3A_19 = %scan3A_14 to %scan3A_16 step %scan3A_17  : i32 {
      %mul3A_20 = arith.constant 2 : i32
      %mul3A_21 = arith.muli %mul3A_20, %scan3A_19 : i32
      %dma_wait3A = arith.constant 0 : i32
      %dma_wait3A_22 = arith.constant 0 : i32
      %dma_wait3A_23 = tpu.memref_slice %arg2[%dma_wait3A, %dma_wait3A_22] : memref<10000x64xf32, #tpu.memory_space<hbm>> -> memref<250x64xf32, #tpu.memory_space<hbm>>
      %dma_wait3A_24 = arith.constant 0 : i32
      %dma_wait3A_25 = arith.constant 0 : i32
      %dma_wait3A_26 = tpu.memref_slice %arg2[%dma_wait3A_24, %dma_wait3A_25] : memref<10000x64xf32, #tpu.memory_space<hbm>> -> memref<250x64xf32, #tpu.memory_space<hbm>>
      tpu.wait_dma2 semaphore(%arg13 : memref<!tpu.dma_semaphore, #tpu.memory_space<semaphore_mem>>) src(%dma_wait3A_26 : memref<250x64xf32, #tpu.memory_space<hbm>>) dst(%arg9 : memref<250x64xf32, #tpu.memory_space<vmem>>)
      %dma_wait3A_27 = arith.constant 0 : i32
      %dma_wait3A_28 = arith.constant 0 : i32
      %dma_wait3A_29 = tpu.memref_slice %arg3[%dma_wait3A_27, %dma_wait3A_28] : memref<10000x64xf32, #tpu.memory_space<hbm>> -> memref<250x64xf32, #tpu.memory_space<hbm>>
      %dma_wait3A_30 = arith.constant 0 : i32
      %dma_wait3A_31 = arith.constant 0 : i32
      %dma_wait3A_32 = tpu.memref_slice %arg3[%dma_wait3A_30, %dma_wait3A_31] : memref<10000x64xf32, #tpu.memory_space<hbm>> -> memref<250x64xf32, #tpu.memory_space<hbm>>
      tpu.wait_dma2 semaphore(%arg13 : memref<!tpu.dma_semaphore, #tpu.memory_space<semaphore_mem>>) src(%dma_wait3A_32 : memref<250x64xf32, #tpu.memory_space<hbm>>) dst(%arg10 : memref<250x64xf32, #tpu.memory_space<vmem>>)
      %add3A_33 = arith.constant 1 : i32
      %add3A_34 = arith.addi %mul3A_21, %add3A_33 : i32
      %dma_start3A_35 = arith.constant 0 : i32
      %dma_start3A_36 = tpu.memref_slice %arg7[%add3A_34, %dma_start3A_35] : memref<40x250xi32, #tpu.memory_space<vmem>> -> memref<1x250xi32, #tpu.memory_space<vmem>>
      %dma_start3A_37 = tpu.memref_squeeze %dma_start3A_36 : memref<1x250xi32, #tpu.memory_space<vmem>> -> memref<250xi32, #tpu.memory_space<vmem>>
      %dma_start3A_38 = arith.constant 0 : i32
      %dma_start3A_39 = arith.constant 0 : i32
      %dma_start3A_40 = tpu.memref_slice %arg2[%dma_start3A_38, %dma_start3A_39] : memref<10000x64xf32, #tpu.memory_space<hbm>> -> memref<10000x64xf32, #tpu.memory_space<hbm>>
      tpu.enqueue_indirect_dma source(%dma_start3A_40 : memref<10000x64xf32, #tpu.memory_space<hbm>>) target(%arg11 : memref<250x64xf32, #tpu.memory_space<vmem>>) offsets(%dma_start3A_37 : memref<250xi32, #tpu.memory_space<vmem>>) semaphore(%arg13 : memref<!tpu.dma_semaphore, #tpu.memory_space<semaphore_mem>>)
      %dma_start3A_41 = arith.constant 0 : i32
      %dma_start3A_42 = tpu.memref_slice %arg8[%add3A_34, %dma_start3A_41] : memref<40x250xi32, #tpu.memory_space<vmem>> -> memref<1x250xi32, #tpu.memory_space<vmem>>
      %dma_start3A_43 = tpu.memref_squeeze %dma_start3A_42 : memref<1x250xi32, #tpu.memory_space<vmem>> -> memref<250xi32, #tpu.memory_space<vmem>>
      %dma_start3A_44 = arith.constant 0 : i32
      %dma_start3A_45 = arith.constant 0 : i32
      %dma_start3A_46 = tpu.memref_slice %arg3[%dma_start3A_44, %dma_start3A_45] : memref<10000x64xf32, #tpu.memory_space<hbm>> -> memref<10000x64xf32, #tpu.memory_space<hbm>>
      tpu.enqueue_indirect_dma source(%dma_start3A_46 : memref<10000x64xf32, #tpu.memory_space<hbm>>) target(%arg12 : memref<250x64xf32, #tpu.memory_space<vmem>>) offsets(%dma_start3A_43 : memref<250xi32, #tpu.memory_space<vmem>>) semaphore(%arg13 : memref<!tpu.dma_semaphore, #tpu.memory_space<semaphore_mem>>)
      %scan3A_47 = arith.constant 0 : i32
      %scan3A_48 = arith.constant 0 : i32
      %scan3A_49 = arith.constant 250 : i32
      %scan3A_50 = arith.addi %scan3A_48, %scan3A_49 : i32
      %scan3A_51 = arith.constant 1 : i32
      scf.for %scan3A_85 = %scan3A_48 to %scan3A_50 step %scan3A_51  : i32 {
        %get3A = arith.index_cast %scan3A_85 : i32 to index
        %get3A_86 = arith.constant 0 : index
        %get3A_87 = tpu.vector_load %arg10[%get3A, %get3A_86] {strides = array<i32>} : memref<250x64xf32, #tpu.memory_space<vmem>>, vector<1x16xf32>,
        %get3A_88 = vector.shape_cast %get3A_87 : vector<1x16xf32> to vector<16xf32>
        %swap3A = arith.index_cast %scan3A_85 : i32 to index
        %swap3A_89 = arith.constant 0 : index
        %swap3A_90 = tpu.vector_load %arg9[%swap3A, %swap3A_89] {strides = array<i32>} : memref<250x64xf32, #tpu.memory_space<vmem>>, vector<1x16xf32>,
        %swap3A_91 = vector.shape_cast %swap3A_90 : vector<1x16xf32> to vector<16xf32>
        %swap3A_92 = vector.shape_cast %get3A_88 : vector<16xf32> to vector<1x16xf32>
        tpu.vector_store %arg9[%swap3A, %swap3A_89], %swap3A_92 {add = true, strides = array<i32>} : memref<250x64xf32, #tpu.memory_space<vmem>>, vector<1x16xf32>,
        %get3A_93 = arith.index_cast %scan3A_85 : i32 to index
        %get3A_94 = arith.constant 16 : index
        %get3A_95 = tpu.vector_load %arg10[%get3A_93, %get3A_94] {strides = array<i32>} : memref<250x64xf32, #tpu.memory_space<vmem>>, vector<1x16xf32>,
        %get3A_96 = vector.shape_cast %get3A_95 : vector<1x16xf32> to vector<16xf32>
        %swap3A_97 = arith.index_cast %scan3A_85 : i32 to index
        %swap3A_98 = arith.constant 16 : index
        %swap3A_99 = tpu.vector_load %arg9[%swap3A_97, %swap3A_98] {strides = array<i32>} : memref<250x64xf32, #tpu.memory_space<vmem>>, vector<1x16xf32>,
        %swap3A_100 = vector.shape_cast %swap3A_99 : vector<1x16xf32> to vector<16xf32>
        %swap3A_101 = vector.shape_cast %get3A_96 : vector<16xf32> to vector<1x16xf32>
        tpu.vector_store %arg9[%swap3A_97, %swap3A_98], %swap3A_101 {add = true, strides = array<i32>} : memref<250x64xf32, #tpu.memory_space<vmem>>, vector<1x16xf32>,
        %get3A_102 = arith.index_cast %scan3A_85 : i32 to index
        %get3A_103 = arith.constant 32 : index
        %get3A_104 = tpu.vector_load %arg10[%get3A_102, %get3A_103] {strides = array<i32>} : memref<250x64xf32, #tpu.memory_space<vmem>>, vector<1x16xf32>,
        %get3A_105 = vector.shape_cast %get3A_104 : vector<1x16xf32> to vector<16xf32>
        %swap3A_106 = arith.index_cast %scan3A_85 : i32 to index
        %swap3A_107 = arith.constant 32 : index
        %swap3A_108 = tpu.vector_load %arg9[%swap3A_106, %swap3A_107] {strides = array<i32>} : memref<250x64xf32, #tpu.memory_space<vmem>>, vector<1x16xf32>,
        %swap3A_109 = vector.shape_cast %swap3A_108 : vector<1x16xf32> to vector<16xf32>
        %swap3A_110 = vector.shape_cast %get3A_105 : vector<16xf32> to vector<1x16xf32>
        tpu.vector_store %arg9[%swap3A_106, %swap3A_107], %swap3A_110 {add = true, strides = array<i32>} : memref<250x64xf32, #tpu.memory_space<vmem>>, vector<1x16xf32>,
        %get3A_111 = arith.index_cast %scan3A_85 : i32 to index
        %get3A_112 = arith.constant 48 : index
        %get3A_113 = tpu.vector_load %arg10[%get3A_111, %get3A_112] {strides = array<i32>} : memref<250x64xf32, #tpu.memory_space<vmem>>, vector<1x16xf32>,
        %get3A_114 = vector.shape_cast %get3A_113 : vector<1x16xf32> to vector<16xf32>
        %swap3A_115 = arith.index_cast %scan3A_85 : i32 to index
        %swap3A_116 = arith.constant 48 : index
        %swap3A_117 = tpu.vector_load %arg9[%swap3A_115, %swap3A_116] {strides = array<i32>} : memref<250x64xf32, #tpu.memory_space<vmem>>, vector<1x16xf32>,
        %swap3A_118 = vector.shape_cast %swap3A_117 : vector<1x16xf32> to vector<16xf32>
        %swap3A_119 = vector.shape_cast %get3A_114 : vector<16xf32> to vector<1x16xf32>
        tpu.vector_store %arg9[%swap3A_115, %swap3A_116], %swap3A_119 {add = true, strides = array<i32>} : memref<250x64xf32, #tpu.memory_space<vmem>>, vector<1x16xf32>,
      }
      %scan3A_52 = arith.constant 250 : i32
      %mul3A_53 = arith.constant 10000 : i32
      %mul3A_54 = arith.muli %add3A, %mul3A_53 : i32
      %mul3A_55 = arith.constant 250 : i32
      %mul3A_56 = arith.muli %mul3A_21, %mul3A_55 : i32
      %add3A_57 = arith.addi %mul3A_54, %mul3A_56 : i32
      "tpu.region"() ({
        %run_scoped3A = tpu.sem_alloc : memref<!tpu.dma_semaphore, #tpu.memory_space<semaphore_mem>>
        %dma_start3A_85 = arith.constant 0 : i32
        %dma_start3A_86 = tpu.memref_slice %arg6[%add3A_57, %dma_start3A_85] : memref<320000x64xf32, #tpu.memory_space<hbm>> -> memref<250x64xf32, #tpu.memory_space<hbm>>
        %dma_start3A_87 = arith.constant 0 : i32
        %dma_start3A_88 = tpu.memref_slice %arg6[%add3A_57, %dma_start3A_87] : memref<320000x64xf32, #tpu.memory_space<hbm>> -> memref<250x64xf32, #tpu.memory_space<hbm>>
        tpu.enqueue_dma source(%arg9 : memref<250x64xf32, #tpu.memory_space<vmem>>) target(%dma_start3A_88 : memref<250x64xf32, #tpu.memory_space<hbm>>) target_semaphore(%run_scoped3A : memref<!tpu.dma_semaphore, #tpu.memory_space<semaphore_mem>>)
        %dma_wait3A_89 = arith.constant 0 : i32
        %dma_wait3A_90 = tpu.memref_slice %arg6[%add3A_57, %dma_wait3A_89] : memref<320000x64xf32, #tpu.memory_space<hbm>> -> memref<250x64xf32, #tpu.memory_space<hbm>>
        %dma_wait3A_91 = arith.constant 0 : i32
        %dma_wait3A_92 = tpu.memref_slice %arg6[%add3A_57, %dma_wait3A_91] : memref<320000x64xf32, #tpu.memory_space<hbm>> -> memref<250x64xf32, #tpu.memory_space<hbm>>
        tpu.wait_dma2 semaphore(%run_scoped3A : memref<!tpu.dma_semaphore, #tpu.memory_space<semaphore_mem>>) src(%arg9 : memref<250x64xf32, #tpu.memory_space<vmem>>) dst(%dma_wait3A_92 : memref<250x64xf32, #tpu.memory_space<hbm>>)
        tpu.yield
      }) : () -> ()
      %dma_wait3A_58 = arith.constant 0 : i32
      %dma_wait3A_59 = arith.constant 0 : i32
      %dma_wait3A_60 = tpu.memref_slice %arg2[%dma_wait3A_58, %dma_wait3A_59] : memref<10000x64xf32, #tpu.memory_space<hbm>> -> memref<250x64xf32, #tpu.memory_space<hbm>>
      %dma_wait3A_61 = arith.constant 0 : i32
      %dma_wait3A_62 = arith.constant 0 : i32
      %dma_wait3A_63 = tpu.memref_slice %arg2[%dma_wait3A_61, %dma_wait3A_62] : memref<10000x64xf32, #tpu.memory_space<hbm>> -> memref<250x64xf32, #tpu.memory_space<hbm>>
      tpu.wait_dma2 semaphore(%arg13 : memref<!tpu.dma_semaphore, #tpu.memory_space<semaphore_mem>>) src(%dma_wait3A_63 : memref<250x64xf32, #tpu.memory_space<hbm>>) dst(%arg11 : memref<250x64xf32, #tpu.memory_space<vmem>>)
      %dma_wait3A_64 = arith.constant 0 : i32
      %dma_wait3A_65 = arith.constant 0 : i32
      %dma_wait3A_66 = tpu.memref_slice %arg3[%dma_wait3A_64, %dma_wait3A_65] : memref<10000x64xf32, #tpu.memory_space<hbm>> -> memref<250x64xf32, #tpu.memory_space<hbm>>
      %dma_wait3A_67 = arith.constant 0 : i32
      %dma_wait3A_68 = arith.constant 0 : i32
      %dma_wait3A_69 = tpu.memref_slice %arg3[%dma_wait3A_67, %dma_wait3A_68] : memref<10000x64xf32, #tpu.memory_space<hbm>> -> memref<250x64xf32, #tpu.memory_space<hbm>>
      tpu.wait_dma2 semaphore(%arg13 : memref<!tpu.dma_semaphore, #tpu.memory_space<semaphore_mem>>) src(%dma_wait3A_69 : memref<250x64xf32, #tpu.memory_space<hbm>>) dst(%arg12 : memref<250x64xf32, #tpu.memory_space<vmem>>)
      %lt3A = arith.constant 19 : i32
      %lt3A_70 = arith.cmpi slt, %scan3A_19, %lt3A : i32
      %convert_element_type3A = arith.extui %lt3A_70 : i1 to i32
      %cond3A = arith.constant 0 : i32
      %cond3A_71 = arith.cmpi ne, %convert_element_type3A, %cond3A : i32
      scf.if %cond3A_71 {
        %add3A_85 = arith.constant 2 : i32
        %add3A_86 = arith.addi %mul3A_21, %add3A_85 : i32
        %dma_start3A_87 = arith.constant 0 : i32
        %dma_start3A_88 = tpu.memref_slice %arg7[%add3A_86, %dma_start3A_87] : memref<40x250xi32, #tpu.memory_space<vmem>> -> memref<1x250xi32, #tpu.memory_space<vmem>>
        %dma_start3A_89 = tpu.memref_squeeze %dma_start3A_88 : memref<1x250xi32, #tpu.memory_space<vmem>> -> memref<250xi32, #tpu.memory_space<vmem>>
        %dma_start3A_90 = arith.constant 0 : i32
        %dma_start3A_91 = arith.constant 0 : i32
        %dma_start3A_92 = tpu.memref_slice %arg2[%dma_start3A_90, %dma_start3A_91] : memref<10000x64xf32, #tpu.memory_space<hbm>> -> memref<10000x64xf32, #tpu.memory_space<hbm>>
        tpu.enqueue_indirect_dma source(%dma_start3A_92 : memref<10000x64xf32, #tpu.memory_space<hbm>>) target(%arg9 : memref<250x64xf32, #tpu.memory_space<vmem>>) offsets(%dma_start3A_89 : memref<250xi32, #tpu.memory_space<vmem>>) semaphore(%arg13 : memref<!tpu.dma_semaphore, #tpu.memory_space<semaphore_mem>>)
        %dma_start3A_93 = arith.constant 0 : i32
        %dma_start3A_94 = tpu.memref_slice %arg8[%add3A_86, %dma_start3A_93] : memref<40x250xi32, #tpu.memory_space<vmem>> -> memref<1x250xi32, #tpu.memory_space<vmem>>
        %dma_start3A_95 = tpu.memref_squeeze %dma_start3A_94 : memref<1x250xi32, #tpu.memory_space<vmem>> -> memref<250xi32, #tpu.memory_space<vmem>>
        %dma_start3A_96 = arith.constant 0 : i32
        %dma_start3A_97 = arith.constant 0 : i32
        %dma_start3A_98 = tpu.memref_slice %arg3[%dma_start3A_96, %dma_start3A_97] : memref<10000x64xf32, #tpu.memory_space<hbm>> -> memref<10000x64xf32, #tpu.memory_space<hbm>>
        tpu.enqueue_indirect_dma source(%dma_start3A_98 : memref<10000x64xf32, #tpu.memory_space<hbm>>) target(%arg10 : memref<250x64xf32, #tpu.memory_space<vmem>>) offsets(%dma_start3A_95 : memref<250xi32, #tpu.memory_space<vmem>>) semaphore(%arg13 : memref<!tpu.dma_semaphore, #tpu.memory_space<semaphore_mem>>)
      } else {
      }
      %add3A_72 = arith.constant 1 : i32
      %add3A_73 = arith.addi %mul3A_21, %add3A_72 : i32
      %scan3A_74 = arith.constant 0 : i32
      %scan3A_75 = arith.constant 0 : i32
      %scan3A_76 = arith.constant 250 : i32
      %scan3A_77 = arith.addi %scan3A_75, %scan3A_76 : i32
      %scan3A_78 = arith.constant 1 : i32
      scf.for %scan3A_85 = %scan3A_75 to %scan3A_77 step %scan3A_78  : i32 {
        %get3A = arith.index_cast %scan3A_85 : i32 to index
        %get3A_86 = arith.constant 0 : index
        %get3A_87 = tpu.vector_load %arg12[%get3A, %get3A_86] {strides = array<i32>} : memref<250x64xf32, #tpu.memory_space<vmem>>, vector<1x16xf32>,
        %get3A_88 = vector.shape_cast %get3A_87 : vector<1x16xf32> to vector<16xf32>
        %swap3A = arith.index_cast %scan3A_85 : i32 to index
        %swap3A_89 = arith.constant 0 : index
        %swap3A_90 = tpu.vector_load %arg11[%swap3A, %swap3A_89] {strides = array<i32>} : memref<250x64xf32, #tpu.memory_space<vmem>>, vector<1x16xf32>,
        %swap3A_91 = vector.shape_cast %swap3A_90 : vector<1x16xf32> to vector<16xf32>
        %swap3A_92 = vector.shape_cast %get3A_88 : vector<16xf32> to vector<1x16xf32>
        tpu.vector_store %arg11[%swap3A, %swap3A_89], %swap3A_92 {add = true, strides = array<i32>} : memref<250x64xf32, #tpu.memory_space<vmem>>, vector<1x16xf32>,
        %get3A_93 = arith.index_cast %scan3A_85 : i32 to index
        %get3A_94 = arith.constant 16 : index
        %get3A_95 = tpu.vector_load %arg12[%get3A_93, %get3A_94] {strides = array<i32>} : memref<250x64xf32, #tpu.memory_space<vmem>>, vector<1x16xf32>,
        %get3A_96 = vector.shape_cast %get3A_95 : vector<1x16xf32> to vector<16xf32>
        %swap3A_97 = arith.index_cast %scan3A_85 : i32 to index
        %swap3A_98 = arith.constant 16 : index
        %swap3A_99 = tpu.vector_load %arg11[%swap3A_97, %swap3A_98] {strides = array<i32>} : memref<250x64xf32, #tpu.memory_space<vmem>>, vector<1x16xf32>,
        %swap3A_100 = vector.shape_cast %swap3A_99 : vector<1x16xf32> to vector<16xf32>
        %swap3A_101 = vector.shape_cast %get3A_96 : vector<16xf32> to vector<1x16xf32>
        tpu.vector_store %arg11[%swap3A_97, %swap3A_98], %swap3A_101 {add = true, strides = array<i32>} : memref<250x64xf32, #tpu.memory_space<vmem>>, vector<1x16xf32>,
        %get3A_102 = arith.index_cast %scan3A_85 : i32 to index
        %get3A_103 = arith.constant 32 : index
        %get3A_104 = tpu.vector_load %arg12[%get3A_102, %get3A_103] {strides = array<i32>} : memref<250x64xf32, #tpu.memory_space<vmem>>, vector<1x16xf32>,
        %get3A_105 = vector.shape_cast %get3A_104 : vector<1x16xf32> to vector<16xf32>
        %swap3A_106 = arith.index_cast %scan3A_85 : i32 to index
        %swap3A_107 = arith.constant 32 : index
        %swap3A_108 = tpu.vector_load %arg11[%swap3A_106, %swap3A_107] {strides = array<i32>} : memref<250x64xf32, #tpu.memory_space<vmem>>, vector<1x16xf32>,
        %swap3A_109 = vector.shape_cast %swap3A_108 : vector<1x16xf32> to vector<16xf32>
        %swap3A_110 = vector.shape_cast %get3A_105 : vector<16xf32> to vector<1x16xf32>
        tpu.vector_store %arg11[%swap3A_106, %swap3A_107], %swap3A_110 {add = true, strides = array<i32>} : memref<250x64xf32, #tpu.memory_space<vmem>>, vector<1x16xf32>,
        %get3A_111 = arith.index_cast %scan3A_85 : i32 to index
        %get3A_112 = arith.constant 48 : index
        %get3A_113 = tpu.vector_load %arg12[%get3A_111, %get3A_112] {strides = array<i32>} : memref<250x64xf32, #tpu.memory_space<vmem>>, vector<1x16xf32>,
        %get3A_114 = vector.shape_cast %get3A_113 : vector<1x16xf32> to vector<16xf32>
        %swap3A_115 = arith.index_cast %scan3A_85 : i32 to index
        %swap3A_116 = arith.constant 48 : index
        %swap3A_117 = tpu.vector_load %arg11[%swap3A_115, %swap3A_116] {strides = array<i32>} : memref<250x64xf32, #tpu.memory_space<vmem>>, vector<1x16xf32>,
        %swap3A_118 = vector.shape_cast %swap3A_117 : vector<1x16xf32> to vector<16xf32>
        %swap3A_119 = vector.shape_cast %get3A_114 : vector<16xf32> to vector<1x16xf32>
        tpu.vector_store %arg11[%swap3A_115, %swap3A_116], %swap3A_119 {add = true, strides = array<i32>} : memref<250x64xf32, #tpu.memory_space<vmem>>, vector<1x16xf32>,
      }
      %scan3A_79 = arith.constant 250 : i32
      %mul3A_80 = arith.constant 10000 : i32
      %mul3A_81 = arith.muli %add3A, %mul3A_80 : i32
      %mul3A_82 = arith.constant 250 : i32
      %mul3A_83 = arith.muli %add3A_73, %mul3A_82 : i32
      %add3A_84 = arith.addi %mul3A_81, %mul3A_83 : i32
      "tpu.region"() ({
        %run_scoped3A = tpu.sem_alloc : memref<!tpu.dma_semaphore, #tpu.memory_space<semaphore_mem>>
        %dma_start3A_85 = arith.constant 0 : i32
        %dma_start3A_86 = tpu.memref_slice %arg6[%add3A_84, %dma_start3A_85] : memref<320000x64xf32, #tpu.memory_space<hbm>> -> memref<250x64xf32, #tpu.memory_space<hbm>>
        %dma_start3A_87 = arith.constant 0 : i32
        %dma_start3A_88 = tpu.memref_slice %arg6[%add3A_84, %dma_start3A_87] : memref<320000x64xf32, #tpu.memory_space<hbm>> -> memref<250x64xf32, #tpu.memory_space<hbm>>
        tpu.enqueue_dma source(%arg11 : memref<250x64xf32, #tpu.memory_space<vmem>>) target(%dma_start3A_88 : memref<250x64xf32, #tpu.memory_space<hbm>>) target_semaphore(%run_scoped3A : memref<!tpu.dma_semaphore, #tpu.memory_space<semaphore_mem>>)
        %dma_wait3A_89 = arith.constant 0 : i32
        %dma_wait3A_90 = tpu.memref_slice %arg6[%add3A_84, %dma_wait3A_89] : memref<320000x64xf32, #tpu.memory_space<hbm>> -> memref<250x64xf32, #tpu.memory_space<hbm>>
        %dma_wait3A_91 = arith.constant 0 : i32
        %dma_wait3A_92 = tpu.memref_slice %arg6[%add3A_84, %dma_wait3A_91] : memref<320000x64xf32, #tpu.memory_space<hbm>> -> memref<250x64xf32, #tpu.memory_space<hbm>>
        tpu.wait_dma2 semaphore(%run_scoped3A : memref<!tpu.dma_semaphore, #tpu.memory_space<semaphore_mem>>) src(%arg11 : memref<250x64xf32, #tpu.memory_space<vmem>>) dst(%dma_wait3A_92 : memref<250x64xf32, #tpu.memory_space<hbm>>)
        tpu.yield
      }) : () -> ()
    }
    %scan3A_18 = arith.constant 20 : i32
    return
  }
}

#map = affine_map<(d0, d1) -> (0, 0, 0)>
#map1 = affine_map<(d0, d1) -> (0, 0)>
module attributes {stable_mosaic.version = 14 : i64} {
  func.func @sc_counts(%arg0: i32, %arg1: i32, %arg2: memref<32x20x500xi32, #tpu.memory_space<hbm>>, %arg3: memref<500x16xf32, #tpu.memory_space<hbm>>, %arg4: memref<10000x16xf32, #tpu.memory_space<hbm>>, %arg5: memref<2x10000x16xf32, #tpu.memory_space<hbm>>, %arg6: memref<20x500xi32, #tpu.memory_space<vmem>>, %arg7: memref<500x16xf32, #tpu.memory_space<vmem>>, %arg8: memref<10000x16xf32, #tpu.memory_space<vmem_shared>>, %arg9: memref<!tpu.dma_semaphore, #tpu.memory_space<semaphore_mem>>) attributes {dimension_semantics = [#tpu.dimension_semantics<core_parallel>, #tpu.dimension_semantics<subcore_parallel>], iteration_bounds = array<i64: 2, 16>, scalar_prefetch = 0 : i64, scratch_operands = 4 : i64, tpu.core_type = #tpu.core_type<sc_vector_subcore>, window_params = [{transform_indices = #map}, {transform_indices = #map1}, {transform_indices = #map1}, {transform_indices = #map}]} {
    %mul3A = arith.constant 2 : i32
    %mul3A_0 = arith.muli %arg1, %mul3A : i32
    %add3A = arith.addi %mul3A_0, %arg0 : i32
    %mul3A_1 = arith.constant 624 : i32
    %mul3A_2 = arith.muli %arg1, %mul3A_1 : i32
    "tpu.region"() ({
      %run_scoped3A = tpu.sem_alloc : memref<!tpu.dma_semaphore, #tpu.memory_space<semaphore_mem>>
      %dma_start3A = arith.constant 0 : i32
      %dma_start3A_16 = tpu.memref_slice %arg8[%mul3A_2, %dma_start3A] : memref<10000x16xf32, #tpu.memory_space<vmem_shared>> -> memref<624x16xf32, #tpu.memory_space<vmem_shared>>
      %dma_start3A_17 = arith.constant 0 : i32
      %dma_start3A_18 = tpu.memref_slice %arg4[%mul3A_2, %dma_start3A_17] : memref<10000x16xf32, #tpu.memory_space<hbm>> -> memref<624x16xf32, #tpu.memory_space<hbm>>
      tpu.enqueue_dma source(%dma_start3A_18 : memref<624x16xf32, #tpu.memory_space<hbm>>) target(%dma_start3A_16 : memref<624x16xf32, #tpu.memory_space<vmem_shared>>) target_semaphore(%run_scoped3A : memref<!tpu.dma_semaphore, #tpu.memory_space<semaphore_mem>>)
      %dma_wait3A = arith.constant 0 : i32
      %dma_wait3A_19 = tpu.memref_slice %arg8[%mul3A_2, %dma_wait3A] : memref<10000x16xf32, #tpu.memory_space<vmem_shared>> -> memref<624x16xf32, #tpu.memory_space<vmem_shared>>
      %dma_wait3A_20 = arith.constant 0 : i32
      %dma_wait3A_21 = tpu.memref_slice %arg4[%mul3A_2, %dma_wait3A_20] : memref<10000x16xf32, #tpu.memory_space<hbm>> -> memref<624x16xf32, #tpu.memory_space<hbm>>
      tpu.wait_dma2 semaphore(%run_scoped3A : memref<!tpu.dma_semaphore, #tpu.memory_space<semaphore_mem>>) src(%dma_wait3A_21 : memref<624x16xf32, #tpu.memory_space<hbm>>) dst(%dma_wait3A_19 : memref<624x16xf32, #tpu.memory_space<vmem_shared>>)
      tpu.yield
    }) : () -> ()
    %eq3A = arith.constant 15 : i32
    %eq3A_3 = arith.cmpi eq, %arg1, %eq3A : i32
    %convert_element_type3A = arith.extui %eq3A_3 : i1 to i32
    %cond3A = arith.constant 0 : i32
    %cond3A_4 = arith.cmpi ne, %convert_element_type3A, %cond3A : i32
    scf.if %cond3A_4 {
      "tpu.region"() ({
        %run_scoped3A = tpu.sem_alloc : memref<!tpu.dma_semaphore, #tpu.memory_space<semaphore_mem>>
        %dma_start3A = arith.constant 9984 : i32
        %dma_start3A_16 = arith.constant 0 : i32
        %dma_start3A_17 = tpu.memref_slice %arg8[%dma_start3A, %dma_start3A_16] : memref<10000x16xf32, #tpu.memory_space<vmem_shared>> -> memref<16x16xf32, #tpu.memory_space<vmem_shared>>
        %dma_start3A_18 = arith.constant 9984 : i32
        %dma_start3A_19 = arith.constant 0 : i32
        %dma_start3A_20 = tpu.memref_slice %arg4[%dma_start3A_18, %dma_start3A_19] : memref<10000x16xf32, #tpu.memory_space<hbm>> -> memref<16x16xf32, #tpu.memory_space<hbm>>
        tpu.enqueue_dma source(%dma_start3A_20 : memref<16x16xf32, #tpu.memory_space<hbm>>) target(%dma_start3A_17 : memref<16x16xf32, #tpu.memory_space<vmem_shared>>) target_semaphore(%run_scoped3A : memref<!tpu.dma_semaphore, #tpu.memory_space<semaphore_mem>>)
        %dma_wait3A = arith.constant 9984 : i32
        %dma_wait3A_21 = arith.constant 0 : i32
        %dma_wait3A_22 = tpu.memref_slice %arg8[%dma_wait3A, %dma_wait3A_21] : memref<10000x16xf32, #tpu.memory_space<vmem_shared>> -> memref<16x16xf32, #tpu.memory_space<vmem_shared>>
        %dma_wait3A_23 = arith.constant 9984 : i32
        %dma_wait3A_24 = arith.constant 0 : i32
        %dma_wait3A_25 = tpu.memref_slice %arg4[%dma_wait3A_23, %dma_wait3A_24] : memref<10000x16xf32, #tpu.memory_space<hbm>> -> memref<16x16xf32, #tpu.memory_space<hbm>>
        tpu.wait_dma2 semaphore(%run_scoped3A : memref<!tpu.dma_semaphore, #tpu.memory_space<semaphore_mem>>) src(%dma_wait3A_25 : memref<16x16xf32, #tpu.memory_space<hbm>>) dst(%dma_wait3A_22 : memref<16x16xf32, #tpu.memory_space<vmem_shared>>)
        tpu.yield
      }) : () -> ()
    } else {
    }
    %barrier3A = arith.constant 0 : index
    tpu.barrier barrier_id(%barrier3A)
    "tpu.region"() ({
      %run_scoped3A = tpu.sem_alloc : memref<!tpu.dma_semaphore, #tpu.memory_space<semaphore_mem>>
      %dma_start3A = arith.constant 0 : i32
      %dma_start3A_16 = arith.constant 0 : i32
      %dma_start3A_17 = tpu.memref_slice %arg2[%add3A, %dma_start3A, %dma_start3A_16] : memref<32x20x500xi32, #tpu.memory_space<hbm>> -> memref<1x20x500xi32, #tpu.memory_space<hbm>>
      %dma_start3A_18 = tpu.memref_squeeze %dma_start3A_17 : memref<1x20x500xi32, #tpu.memory_space<hbm>> -> memref<20x500xi32, #tpu.memory_space<hbm>>
      %dma_start3A_19 = arith.constant 0 : i32
      %dma_start3A_20 = arith.constant 0 : i32
      %dma_start3A_21 = tpu.memref_slice %arg2[%add3A, %dma_start3A_19, %dma_start3A_20] : memref<32x20x500xi32, #tpu.memory_space<hbm>> -> memref<1x20x500xi32, #tpu.memory_space<hbm>>
      %dma_start3A_22 = tpu.memref_squeeze %dma_start3A_21 : memref<1x20x500xi32, #tpu.memory_space<hbm>> -> memref<20x500xi32, #tpu.memory_space<hbm>>
      tpu.enqueue_dma source(%dma_start3A_22 : memref<20x500xi32, #tpu.memory_space<hbm>>) target(%arg6 : memref<20x500xi32, #tpu.memory_space<vmem>>) target_semaphore(%run_scoped3A : memref<!tpu.dma_semaphore, #tpu.memory_space<semaphore_mem>>)
      %dma_wait3A = arith.constant 0 : i32
      %dma_wait3A_23 = arith.constant 0 : i32
      %dma_wait3A_24 = tpu.memref_slice %arg2[%add3A, %dma_wait3A, %dma_wait3A_23] : memref<32x20x500xi32, #tpu.memory_space<hbm>> -> memref<1x20x500xi32, #tpu.memory_space<hbm>>
      %dma_wait3A_25 = tpu.memref_squeeze %dma_wait3A_24 : memref<1x20x500xi32, #tpu.memory_space<hbm>> -> memref<20x500xi32, #tpu.memory_space<hbm>>
      %dma_wait3A_26 = arith.constant 0 : i32
      %dma_wait3A_27 = arith.constant 0 : i32
      %dma_wait3A_28 = tpu.memref_slice %arg2[%add3A, %dma_wait3A_26, %dma_wait3A_27] : memref<32x20x500xi32, #tpu.memory_space<hbm>> -> memref<1x20x500xi32, #tpu.memory_space<hbm>>
      %dma_wait3A_29 = tpu.memref_squeeze %dma_wait3A_28 : memref<1x20x500xi32, #tpu.memory_space<hbm>> -> memref<20x500xi32, #tpu.memory_space<hbm>>
      tpu.wait_dma2 semaphore(%run_scoped3A : memref<!tpu.dma_semaphore, #tpu.memory_space<semaphore_mem>>) src(%dma_wait3A_29 : memref<20x500xi32, #tpu.memory_space<hbm>>) dst(%arg6 : memref<20x500xi32, #tpu.memory_space<vmem>>)
      tpu.yield
    }) : () -> ()
    "tpu.region"() ({
      %run_scoped3A = tpu.sem_alloc : memref<!tpu.dma_semaphore, #tpu.memory_space<semaphore_mem>>
      tpu.enqueue_dma source(%arg3 : memref<500x16xf32, #tpu.memory_space<hbm>>) target(%arg7 : memref<500x16xf32, #tpu.memory_space<vmem>>) target_semaphore(%run_scoped3A : memref<!tpu.dma_semaphore, #tpu.memory_space<semaphore_mem>>)
      tpu.wait_dma2 semaphore(%run_scoped3A : memref<!tpu.dma_semaphore, #tpu.memory_space<semaphore_mem>>) src(%arg3 : memref<500x16xf32, #tpu.memory_space<hbm>>) dst(%arg7 : memref<500x16xf32, #tpu.memory_space<vmem>>)
      tpu.yield
    }) : () -> ()
    %scan3A = arith.constant 0 : i32
    %scan3A_5 = arith.constant 0 : i32
    %scan3A_6 = arith.constant 20 : i32
    %scan3A_7 = arith.addi %scan3A_5, %scan3A_6 : i32
    %scan3A_8 = arith.constant 1 : i32
    scf.for %scan3A_16 = %scan3A_5 to %scan3A_7 step %scan3A_8  : i32 {
      "tpu.region"() ({
        %run_scoped3A = tpu.sem_alloc : memref<!tpu.dma_semaphore, #tpu.memory_space<semaphore_mem>>
        %dma_start3A = arith.constant 0 : i32
        %dma_start3A_17 = tpu.memref_slice %arg6[%scan3A_16, %dma_start3A] : memref<20x500xi32, #tpu.memory_space<vmem>> -> memref<1x500xi32, #tpu.memory_space<vmem>>
        %dma_start3A_18 = tpu.memref_squeeze %dma_start3A_17 : memref<1x500xi32, #tpu.memory_space<vmem>> -> memref<500xi32, #tpu.memory_space<vmem>>
        %dma_start3A_19 = arith.constant 0 : i32
        %dma_start3A_20 = arith.constant 0 : i32
        %dma_start3A_21 = tpu.memref_slice %arg8[%dma_start3A_19, %dma_start3A_20] : memref<10000x16xf32, #tpu.memory_space<vmem_shared>> -> memref<10000x16xf32, #tpu.memory_space<vmem_shared>>
        tpu.enqueue_indirect_dma source(%arg7 : memref<500x16xf32, #tpu.memory_space<vmem>>) target(%dma_start3A_21 : memref<10000x16xf32, #tpu.memory_space<vmem_shared>>) offsets(%dma_start3A_18 : memref<500xi32, #tpu.memory_space<vmem>>) semaphore(%run_scoped3A : memref<!tpu.dma_semaphore, #tpu.memory_space<semaphore_mem>>) {add = true}
        %dma_wait3A = arith.constant 0 : i32
        %dma_wait3A_22 = tpu.memref_slice %arg6[%scan3A_16, %dma_wait3A] : memref<20x500xi32, #tpu.memory_space<vmem>> -> memref<1x500xi32, #tpu.memory_space<vmem>>
        %dma_wait3A_23 = tpu.memref_squeeze %dma_wait3A_22 : memref<1x500xi32, #tpu.memory_space<vmem>> -> memref<500xi32, #tpu.memory_space<vmem>>
        %dma_wait3A_24 = arith.constant 0 : i32
        %dma_wait3A_25 = arith.constant 0 : i32
        %dma_wait3A_26 = tpu.memref_slice %arg8[%dma_wait3A_24, %dma_wait3A_25] : memref<10000x16xf32, #tpu.memory_space<vmem_shared>> -> memref<10000x16xf32, #tpu.memory_space<vmem_shared>>
        tpu.wait_indirect_dma semaphore(%run_scoped3A : memref<!tpu.dma_semaphore, #tpu.memory_space<semaphore_mem>>) src(%arg7 : memref<500x16xf32, #tpu.memory_space<vmem>>) dst(%dma_wait3A_26 : memref<10000x16xf32, #tpu.memory_space<vmem_shared>>)
        tpu.yield
      }) : () -> ()
    }
    %scan3A_9 = arith.constant 20 : i32
    %barrier3A_10 = arith.constant 0 : index
    tpu.barrier barrier_id(%barrier3A_10)
    "tpu.region"() ({
      %run_scoped3A = tpu.sem_alloc : memref<!tpu.dma_semaphore, #tpu.memory_space<semaphore_mem>>
      %dma_start3A = arith.constant 0 : i32
      %dma_start3A_16 = tpu.memref_slice %arg5[%arg0, %mul3A_2, %dma_start3A] : memref<2x10000x16xf32, #tpu.memory_space<hbm>> -> memref<1x624x16xf32, #tpu.memory_space<hbm>>
      %dma_start3A_17 = tpu.memref_squeeze %dma_start3A_16 : memref<1x624x16xf32, #tpu.memory_space<hbm>> -> memref<624x16xf32, #tpu.memory_space<hbm>>
      %dma_start3A_18 = arith.constant 0 : i32
      %dma_start3A_19 = tpu.memref_slice %arg8[%mul3A_2, %dma_start3A_18] : memref<10000x16xf32, #tpu.memory_space<vmem_shared>> -> memref<624x16xf32, #tpu.memory_space<vmem_shared>>
      tpu.enqueue_dma source(%dma_start3A_19 : memref<624x16xf32, #tpu.memory_space<vmem_shared>>) target(%dma_start3A_17 : memref<624x16xf32, #tpu.memory_space<hbm>>) target_semaphore(%run_scoped3A : memref<!tpu.dma_semaphore, #tpu.memory_space<semaphore_mem>>)
      %dma_wait3A = arith.constant 0 : i32
      %dma_wait3A_20 = tpu.memref_slice %arg5[%arg0, %mul3A_2, %dma_wait3A] : memref<2x10000x16xf32, #tpu.memory_space<hbm>> -> memref<1x624x16xf32, #tpu.memory_space<hbm>>
      %dma_wait3A_21 = tpu.memref_squeeze %dma_wait3A_20 : memref<1x624x16xf32, #tpu.memory_space<hbm>> -> memref<624x16xf32, #tpu.memory_space<hbm>>
      %dma_wait3A_22 = arith.constant 0 : i32
      %dma_wait3A_23 = tpu.memref_slice %arg8[%mul3A_2, %dma_wait3A_22] : memref<10000x16xf32, #tpu.memory_space<vmem_shared>> -> memref<624x16xf32, #tpu.memory_space<vmem_shared>>
      tpu.wait_dma2 semaphore(%run_scoped3A : memref<!tpu.dma_semaphore, #tpu.memory_space<semaphore_mem>>) src(%dma_wait3A_23 : memref<624x16xf32, #tpu.memory_space<vmem_shared>>) dst(%dma_wait3A_21 : memref<624x16xf32, #tpu.memory_space<hbm>>)
      tpu.yield
    }) : () -> ()
    %eq3A_11 = arith.constant 15 : i32
    %eq3A_12 = arith.cmpi eq, %arg1, %eq3A_11 : i32
    %convert_element_type3A_13 = arith.extui %eq3A_12 : i1 to i32
    %cond3A_14 = arith.constant 0 : i32
    %cond3A_15 = arith.cmpi ne, %convert_element_type3A_13, %cond3A_14 : i32
    scf.if %cond3A_15 {
      "tpu.region"() ({
        %run_scoped3A = tpu.sem_alloc : memref<!tpu.dma_semaphore, #tpu.memory_space<semaphore_mem>>
        %dma_start3A = arith.constant 9984 : i32
        %dma_start3A_16 = arith.constant 0 : i32
        %dma_start3A_17 = tpu.memref_slice %arg5[%arg0, %dma_start3A, %dma_start3A_16] : memref<2x10000x16xf32, #tpu.memory_space<hbm>> -> memref<1x16x16xf32, #tpu.memory_space<hbm>>
        %dma_start3A_18 = tpu.memref_squeeze %dma_start3A_17 : memref<1x16x16xf32, #tpu.memory_space<hbm>> -> memref<16x16xf32, #tpu.memory_space<hbm>>
        %dma_start3A_19 = arith.constant 9984 : i32
        %dma_start3A_20 = arith.constant 0 : i32
        %dma_start3A_21 = tpu.memref_slice %arg8[%dma_start3A_19, %dma_start3A_20] : memref<10000x16xf32, #tpu.memory_space<vmem_shared>> -> memref<16x16xf32, #tpu.memory_space<vmem_shared>>
        tpu.enqueue_dma source(%dma_start3A_21 : memref<16x16xf32, #tpu.memory_space<vmem_shared>>) target(%dma_start3A_18 : memref<16x16xf32, #tpu.memory_space<hbm>>) target_semaphore(%run_scoped3A : memref<!tpu.dma_semaphore, #tpu.memory_space<semaphore_mem>>)
        %dma_wait3A = arith.constant 9984 : i32
        %dma_wait3A_22 = arith.constant 0 : i32
        %dma_wait3A_23 = tpu.memref_slice %arg5[%arg0, %dma_wait3A, %dma_wait3A_22] : memref<2x10000x16xf32, #tpu.memory_space<hbm>> -> memref<1x16x16xf32, #tpu.memory_space<hbm>>
        %dma_wait3A_24 = tpu.memref_squeeze %dma_wait3A_23 : memref<1x16x16xf32, #tpu.memory_space<hbm>> -> memref<16x16xf32, #tpu.memory_space<hbm>>
        %dma_wait3A_25 = arith.constant 9984 : i32
        %dma_wait3A_26 = arith.constant 0 : i32
        %dma_wait3A_27 = tpu.memref_slice %arg8[%dma_wait3A_25, %dma_wait3A_26] : memref<10000x16xf32, #tpu.memory_space<vmem_shared>> -> memref<16x16xf32, #tpu.memory_space<vmem_shared>>
        tpu.wait_dma2 semaphore(%run_scoped3A : memref<!tpu.dma_semaphore, #tpu.memory_space<semaphore_mem>>) src(%dma_wait3A_27 : memref<16x16xf32, #tpu.memory_space<vmem_shared>>) dst(%dma_wait3A_24 : memref<16x16xf32, #tpu.memory_space<hbm>>)
        tpu.yield
      }) : () -> ()
    } else {
    }
    return
  }
}

#map = affine_map<(d0, d1) -> (0, 0)>
#map1 = affine_map<(d0, d1) -> (0, 0, 0)>
module attributes {stable_mosaic.version = 14 : i64} {
  func.func @sc_gather(%arg0: i32, %arg1: i32, %arg2: memref<10000x64xf32, #tpu.memory_space<hbm>>, %arg3: memref<10000x64xf32, #tpu.memory_space<hbm>>, %arg4: memref<32x40x250xi32, #tpu.memory_space<hbm>>, %arg5: memref<32x40x250xi32, #tpu.memory_space<hbm>>, %arg6: memref<320000x64xf32, #tpu.memory_space<hbm>>, %arg7: memref<40x250xi32, #tpu.memory_space<vmem>>, %arg8: memref<40x250xi32, #tpu.memory_space<vmem>>, %arg9: memref<250x64xf32, #tpu.memory_space<vmem>>, %arg10: memref<250x64xf32, #tpu.memory_space<vmem>>, %arg11: memref<250x64xf32, #tpu.memory_space<vmem>>, %arg12: memref<250x64xf32, #tpu.memory_space<vmem>>, %arg13: memref<!tpu.dma_semaphore, #tpu.memory_space<semaphore_mem>>) attributes {dimension_semantics = [#tpu.dimension_semantics<core_parallel>, #tpu.dimension_semantics<subcore_parallel>], iteration_bounds = array<i64: 2, 16>, scalar_prefetch = 0 : i64, scratch_operands = 7 : i64, tpu.core_type = #tpu.core_type<sc_vector_subcore>, window_params = [{transform_indices = #map}, {transform_indices = #map}, {transform_indices = #map1}, {transform_indices = #map1}, {transform_indices = #map}]} {
    %mul3A = arith.constant 2 : i32
    %mul3A_0 = arith.muli %arg1, %mul3A : i32
    %add3A = arith.addi %mul3A_0, %arg0 : i32
    "tpu.region"() ({
      %run_scoped3A = tpu.sem_alloc : memref<!tpu.dma_semaphore, #tpu.memory_space<semaphore_mem>>
      %dma_start3A_19 = arith.constant 0 : i32
      %dma_start3A_20 = arith.constant 0 : i32
      %dma_start3A_21 = tpu.memref_slice %arg4[%add3A, %dma_start3A_19, %dma_start3A_20] : memref<32x40x250xi32, #tpu.memory_space<hbm>> -> memref<1x40x250xi32, #tpu.memory_space<hbm>>
      %dma_start3A_22 = tpu.memref_squeeze %dma_start3A_21 : memref<1x40x250xi32, #tpu.memory_space<hbm>> -> memref<40x250xi32, #tpu.memory_space<hbm>>
      %dma_start3A_23 = arith.constant 0 : i32
      %dma_start3A_24 = arith.constant 0 : i32
      %dma_start3A_25 = tpu.memref_slice %arg4[%add3A, %dma_start3A_23, %dma_start3A_24] : memref<32x40x250xi32, #tpu.memory_space<hbm>> -> memref<1x40x250xi32, #tpu.memory_space<hbm>>
      %dma_start3A_26 = tpu.memref_squeeze %dma_start3A_25 : memref<1x40x250xi32, #tpu.memory_space<hbm>> -> memref<40x250xi32, #tpu.memory_space<hbm>>
      tpu.enqueue_dma source(%dma_start3A_26 : memref<40x250xi32, #tpu.memory_space<hbm>>) target(%arg7 : memref<40x250xi32, #tpu.memory_space<vmem>>) target_semaphore(%run_scoped3A : memref<!tpu.dma_semaphore, #tpu.memory_space<semaphore_mem>>)
      %dma_wait3A = arith.constant 0 : i32
      %dma_wait3A_27 = arith.constant 0 : i32
      %dma_wait3A_28 = tpu.memref_slice %arg4[%add3A, %dma_wait3A, %dma_wait3A_27] : memref<32x40x250xi32, #tpu.memory_space<hbm>> -> memref<1x40x250xi32, #tpu.memory_space<hbm>>
      %dma_wait3A_29 = tpu.memref_squeeze %dma_wait3A_28 : memref<1x40x250xi32, #tpu.memory_space<hbm>> -> memref<40x250xi32, #tpu.memory_space<hbm>>
      %dma_wait3A_30 = arith.constant 0 : i32
      %dma_wait3A_31 = arith.constant 0 : i32
      %dma_wait3A_32 = tpu.memref_slice %arg4[%add3A, %dma_wait3A_30, %dma_wait3A_31] : memref<32x40x250xi32, #tpu.memory_space<hbm>> -> memref<1x40x250xi32, #tpu.memory_space<hbm>>
      %dma_wait3A_33 = tpu.memref_squeeze %dma_wait3A_32 : memref<1x40x250xi32, #tpu.memory_space<hbm>> -> memref<40x250xi32, #tpu.memory_space<hbm>>
      tpu.wait_dma2 semaphore(%run_scoped3A : memref<!tpu.dma_semaphore, #tpu.memory_space<semaphore_mem>>) src(%dma_wait3A_33 : memref<40x250xi32, #tpu.memory_space<hbm>>) dst(%arg7 : memref<40x250xi32, #tpu.memory_space<vmem>>)
      tpu.yield
    }) : () -> ()
    "tpu.region"() ({
      %run_scoped3A = tpu.sem_alloc : memref<!tpu.dma_semaphore, #tpu.memory_space<semaphore_mem>>
      %dma_start3A_19 = arith.constant 0 : i32
      %dma_start3A_20 = arith.constant 0 : i32
      %dma_start3A_21 = tpu.memref_slice %arg5[%add3A, %dma_start3A_19, %dma_start3A_20] : memref<32x40x250xi32, #tpu.memory_space<hbm>> -> memref<1x40x250xi32, #tpu.memory_space<hbm>>
      %dma_start3A_22 = tpu.memref_squeeze %dma_start3A_21 : memref<1x40x250xi32, #tpu.memory_space<hbm>> -> memref<40x250xi32, #tpu.memory_space<hbm>>
      %dma_start3A_23 = arith.constant 0 : i32
      %dma_start3A_24 = arith.constant 0 : i32
      %dma_start3A_25 = tpu.memref_slice %arg5[%add3A, %dma_start3A_23, %dma_start3A_24] : memref<32x40x250xi32, #tpu.memory_space<hbm>> -> memref<1x40x250xi32, #tpu.memory_space<hbm>>
      %dma_start3A_26 = tpu.memref_squeeze %dma_start3A_25 : memref<1x40x250xi32, #tpu.memory_space<hbm>> -> memref<40x250xi32, #tpu.memory_space<hbm>>
      tpu.enqueue_dma source(%dma_start3A_26 : memref<40x250xi32, #tpu.memory_space<hbm>>) target(%arg8 : memref<40x250xi32, #tpu.memory_space<vmem>>) target_semaphore(%run_scoped3A : memref<!tpu.dma_semaphore, #tpu.memory_space<semaphore_mem>>)
      %dma_wait3A = arith.constant 0 : i32
      %dma_wait3A_27 = arith.constant 0 : i32
      %dma_wait3A_28 = tpu.memref_slice %arg5[%add3A, %dma_wait3A, %dma_wait3A_27] : memref<32x40x250xi32, #tpu.memory_space<hbm>> -> memref<1x40x250xi32, #tpu.memory_space<hbm>>
      %dma_wait3A_29 = tpu.memref_squeeze %dma_wait3A_28 : memref<1x40x250xi32, #tpu.memory_space<hbm>> -> memref<40x250xi32, #tpu.memory_space<hbm>>
      %dma_wait3A_30 = arith.constant 0 : i32
      %dma_wait3A_31 = arith.constant 0 : i32
      %dma_wait3A_32 = tpu.memref_slice %arg5[%add3A, %dma_wait3A_30, %dma_wait3A_31] : memref<32x40x250xi32, #tpu.memory_space<hbm>> -> memref<1x40x250xi32, #tpu.memory_space<hbm>>
      %dma_wait3A_33 = tpu.memref_squeeze %dma_wait3A_32 : memref<1x40x250xi32, #tpu.memory_space<hbm>> -> memref<40x250xi32, #tpu.memory_space<hbm>>
      tpu.wait_dma2 semaphore(%run_scoped3A : memref<!tpu.dma_semaphore, #tpu.memory_space<semaphore_mem>>) src(%dma_wait3A_33 : memref<40x250xi32, #tpu.memory_space<hbm>>) dst(%arg8 : memref<40x250xi32, #tpu.memory_space<vmem>>)
      tpu.yield
    }) : () -> ()
    %dma_start3A = arith.constant 0 : i32
    %dma_start3A_1 = arith.constant 0 : i32
    %dma_start3A_2 = tpu.memref_slice %arg7[%dma_start3A, %dma_start3A_1] : memref<40x250xi32, #tpu.memory_space<vmem>> -> memref<1x250xi32, #tpu.memory_space<vmem>>
    %dma_start3A_3 = tpu.memref_squeeze %dma_start3A_2 : memref<1x250xi32, #tpu.memory_space<vmem>> -> memref<250xi32, #tpu.memory_space<vmem>>
    %dma_start3A_4 = arith.constant 0 : i32
    %dma_start3A_5 = arith.constant 0 : i32
    %dma_start3A_6 = tpu.memref_slice %arg2[%dma_start3A_4, %dma_start3A_5] : memref<10000x64xf32, #tpu.memory_space<hbm>> -> memref<10000x64xf32, #tpu.memory_space<hbm>>
    tpu.enqueue_indirect_dma source(%dma_start3A_6 : memref<10000x64xf32, #tpu.memory_space<hbm>>) target(%arg9 : memref<250x64xf32, #tpu.memory_space<vmem>>) offsets(%dma_start3A_3 : memref<250xi32, #tpu.memory_space<vmem>>) semaphore(%arg13 : memref<!tpu.dma_semaphore, #tpu.memory_space<semaphore_mem>>)
    %dma_start3A_7 = arith.constant 0 : i32
    %dma_start3A_8 = arith.constant 0 : i32
    %dma_start3A_9 = tpu.memref_slice %arg8[%dma_start3A_7, %dma_start3A_8] : memref<40x250xi32, #tpu.memory_space<vmem>> -> memref<1x250xi32, #tpu.memory_space<vmem>>
    %dma_start3A_10 = tpu.memref_squeeze %dma_start3A_9 : memref<1x250xi32, #tpu.memory_space<vmem>> -> memref<250xi32, #tpu.memory_space<vmem>>
    %dma_start3A_11 = arith.constant 0 : i32
    %dma_start3A_12 = arith.constant 0 : i32
    %dma_start3A_13 = tpu.memref_slice %arg3[%dma_start3A_11, %dma_start3A_12] : memref<10000x64xf32, #tpu.memory_space<hbm>> -> memref<10000x64xf32, #tpu.memory_space<hbm>>
    tpu.enqueue_indirect_dma source(%dma_start3A_13 : memref<10000x64xf32, #tpu.memory_space<hbm>>) target(%arg10 : memref<250x64xf32, #tpu.memory_space<vmem>>) offsets(%dma_start3A_10 : memref<250xi32, #tpu.memory_space<vmem>>) semaphore(%arg13 : memref<!tpu.dma_semaphore, #tpu.memory_space<semaphore_mem>>)
    %scan3A = arith.constant 0 : i32
    %scan3A_14 = arith.constant 0 : i32
    %scan3A_15 = arith.constant 20 : i32
    %scan3A_16 = arith.addi %scan3A_14, %scan3A_15 : i32
    %scan3A_17 = arith.constant 1 : i32
    scf.for %scan3A_19 = %scan3A_14 to %scan3A_16 step %scan3A_17  : i32 {
      %mul3A_20 = arith.constant 2 : i32
      %mul3A_21 = arith.muli %mul3A_20, %scan3A_19 : i32
      %dma_wait3A = arith.constant 0 : i32
      %dma_wait3A_22 = arith.constant 0 : i32
      %dma_wait3A_23 = tpu.memref_slice %arg2[%dma_wait3A, %dma_wait3A_22] : memref<10000x64xf32, #tpu.memory_space<hbm>> -> memref<250x64xf32, #tpu.memory_space<hbm>>
      %dma_wait3A_24 = arith.constant 0 : i32
      %dma_wait3A_25 = arith.constant 0 : i32
      %dma_wait3A_26 = tpu.memref_slice %arg2[%dma_wait3A_24, %dma_wait3A_25] : memref<10000x64xf32, #tpu.memory_space<hbm>> -> memref<250x64xf32, #tpu.memory_space<hbm>>
      tpu.wait_dma2 semaphore(%arg13 : memref<!tpu.dma_semaphore, #tpu.memory_space<semaphore_mem>>) src(%dma_wait3A_26 : memref<250x64xf32, #tpu.memory_space<hbm>>) dst(%arg9 : memref<250x64xf32, #tpu.memory_space<vmem>>)
      %dma_wait3A_27 = arith.constant 0 : i32
      %dma_wait3A_28 = arith.constant 0 : i32
      %dma_wait3A_29 = tpu.memref_slice %arg3[%dma_wait3A_27, %dma_wait3A_28] : memref<10000x64xf32, #tpu.memory_space<hbm>> -> memref<250x64xf32, #tpu.memory_space<hbm>>
      %dma_wait3A_30 = arith.constant 0 : i32
      %dma_wait3A_31 = arith.constant 0 : i32
      %dma_wait3A_32 = tpu.memref_slice %arg3[%dma_wait3A_30, %dma_wait3A_31] : memref<10000x64xf32, #tpu.memory_space<hbm>> -> memref<250x64xf32, #tpu.memory_space<hbm>>
      tpu.wait_dma2 semaphore(%arg13 : memref<!tpu.dma_semaphore, #tpu.memory_space<semaphore_mem>>) src(%dma_wait3A_32 : memref<250x64xf32, #tpu.memory_space<hbm>>) dst(%arg10 : memref<250x64xf32, #tpu.memory_space<vmem>>)
      %add3A_33 = arith.constant 1 : i32
      %add3A_34 = arith.addi %mul3A_21, %add3A_33 : i32
      %dma_start3A_35 = arith.constant 0 : i32
      %dma_start3A_36 = tpu.memref_slice %arg7[%add3A_34, %dma_start3A_35] : memref<40x250xi32, #tpu.memory_space<vmem>> -> memref<1x250xi32, #tpu.memory_space<vmem>>
      %dma_start3A_37 = tpu.memref_squeeze %dma_start3A_36 : memref<1x250xi32, #tpu.memory_space<vmem>> -> memref<250xi32, #tpu.memory_space<vmem>>
      %dma_start3A_38 = arith.constant 0 : i32
      %dma_start3A_39 = arith.constant 0 : i32
      %dma_start3A_40 = tpu.memref_slice %arg2[%dma_start3A_38, %dma_start3A_39] : memref<10000x64xf32, #tpu.memory_space<hbm>> -> memref<10000x64xf32, #tpu.memory_space<hbm>>
      tpu.enqueue_indirect_dma source(%dma_start3A_40 : memref<10000x64xf32, #tpu.memory_space<hbm>>) target(%arg11 : memref<250x64xf32, #tpu.memory_space<vmem>>) offsets(%dma_start3A_37 : memref<250xi32, #tpu.memory_space<vmem>>) semaphore(%arg13 : memref<!tpu.dma_semaphore, #tpu.memory_space<semaphore_mem>>)
      %dma_start3A_41 = arith.constant 0 : i32
      %dma_start3A_42 = tpu.memref_slice %arg8[%add3A_34, %dma_start3A_41] : memref<40x250xi32, #tpu.memory_space<vmem>> -> memref<1x250xi32, #tpu.memory_space<vmem>>
      %dma_start3A_43 = tpu.memref_squeeze %dma_start3A_42 : memref<1x250xi32, #tpu.memory_space<vmem>> -> memref<250xi32, #tpu.memory_space<vmem>>
      %dma_start3A_44 = arith.constant 0 : i32
      %dma_start3A_45 = arith.constant 0 : i32
      %dma_start3A_46 = tpu.memref_slice %arg3[%dma_start3A_44, %dma_start3A_45] : memref<10000x64xf32, #tpu.memory_space<hbm>> -> memref<10000x64xf32, #tpu.memory_space<hbm>>
      tpu.enqueue_indirect_dma source(%dma_start3A_46 : memref<10000x64xf32, #tpu.memory_space<hbm>>) target(%arg12 : memref<250x64xf32, #tpu.memory_space<vmem>>) offsets(%dma_start3A_43 : memref<250xi32, #tpu.memory_space<vmem>>) semaphore(%arg13 : memref<!tpu.dma_semaphore, #tpu.memory_space<semaphore_mem>>)
      %scan3A_47 = arith.constant 0 : i32
      %scan3A_48 = arith.constant 0 : i32
      %scan3A_49 = arith.constant 250 : i32
      %scan3A_50 = arith.addi %scan3A_48, %scan3A_49 : i32
      %scan3A_51 = arith.constant 1 : i32
      scf.for %scan3A_85 = %scan3A_48 to %scan3A_50 step %scan3A_51  : i32 {
        %get3A = arith.index_cast %scan3A_85 : i32 to index
        %get3A_86 = arith.constant 0 : index
        %get3A_87 = tpu.vector_load %arg10[%get3A, %get3A_86] {strides = array<i32>} : memref<250x64xf32, #tpu.memory_space<vmem>>, vector<1x16xf32>,
        %get3A_88 = vector.shape_cast %get3A_87 : vector<1x16xf32> to vector<16xf32>
        %swap3A = arith.index_cast %scan3A_85 : i32 to index
        %swap3A_89 = arith.constant 0 : index
        %swap3A_90 = tpu.vector_load %arg9[%swap3A, %swap3A_89] {strides = array<i32>} : memref<250x64xf32, #tpu.memory_space<vmem>>, vector<1x16xf32>,
        %swap3A_91 = vector.shape_cast %swap3A_90 : vector<1x16xf32> to vector<16xf32>
        %swap3A_92 = vector.shape_cast %get3A_88 : vector<16xf32> to vector<1x16xf32>
        tpu.vector_store %arg9[%swap3A, %swap3A_89], %swap3A_92 {add = true, strides = array<i32>} : memref<250x64xf32, #tpu.memory_space<vmem>>, vector<1x16xf32>,
        %get3A_93 = arith.index_cast %scan3A_85 : i32 to index
        %get3A_94 = arith.constant 16 : index
        %get3A_95 = tpu.vector_load %arg10[%get3A_93, %get3A_94] {strides = array<i32>} : memref<250x64xf32, #tpu.memory_space<vmem>>, vector<1x16xf32>,
        %get3A_96 = vector.shape_cast %get3A_95 : vector<1x16xf32> to vector<16xf32>
        %swap3A_97 = arith.index_cast %scan3A_85 : i32 to index
        %swap3A_98 = arith.constant 16 : index
        %swap3A_99 = tpu.vector_load %arg9[%swap3A_97, %swap3A_98] {strides = array<i32>} : memref<250x64xf32, #tpu.memory_space<vmem>>, vector<1x16xf32>,
        %swap3A_100 = vector.shape_cast %swap3A_99 : vector<1x16xf32> to vector<16xf32>
        %swap3A_101 = vector.shape_cast %get3A_96 : vector<16xf32> to vector<1x16xf32>
        tpu.vector_store %arg9[%swap3A_97, %swap3A_98], %swap3A_101 {add = true, strides = array<i32>} : memref<250x64xf32, #tpu.memory_space<vmem>>, vector<1x16xf32>,
        %get3A_102 = arith.index_cast %scan3A_85 : i32 to index
        %get3A_103 = arith.constant 32 : index
        %get3A_104 = tpu.vector_load %arg10[%get3A_102, %get3A_103] {strides = array<i32>} : memref<250x64xf32, #tpu.memory_space<vmem>>, vector<1x16xf32>,
        %get3A_105 = vector.shape_cast %get3A_104 : vector<1x16xf32> to vector<16xf32>
        %swap3A_106 = arith.index_cast %scan3A_85 : i32 to index
        %swap3A_107 = arith.constant 32 : index
        %swap3A_108 = tpu.vector_load %arg9[%swap3A_106, %swap3A_107] {strides = array<i32>} : memref<250x64xf32, #tpu.memory_space<vmem>>, vector<1x16xf32>,
        %swap3A_109 = vector.shape_cast %swap3A_108 : vector<1x16xf32> to vector<16xf32>
        %swap3A_110 = vector.shape_cast %get3A_105 : vector<16xf32> to vector<1x16xf32>
        tpu.vector_store %arg9[%swap3A_106, %swap3A_107], %swap3A_110 {add = true, strides = array<i32>} : memref<250x64xf32, #tpu.memory_space<vmem>>, vector<1x16xf32>,
        %get3A_111 = arith.index_cast %scan3A_85 : i32 to index
        %get3A_112 = arith.constant 48 : index
        %get3A_113 = tpu.vector_load %arg10[%get3A_111, %get3A_112] {strides = array<i32>} : memref<250x64xf32, #tpu.memory_space<vmem>>, vector<1x16xf32>,
        %get3A_114 = vector.shape_cast %get3A_113 : vector<1x16xf32> to vector<16xf32>
        %swap3A_115 = arith.index_cast %scan3A_85 : i32 to index
        %swap3A_116 = arith.constant 48 : index
        %swap3A_117 = tpu.vector_load %arg9[%swap3A_115, %swap3A_116] {strides = array<i32>} : memref<250x64xf32, #tpu.memory_space<vmem>>, vector<1x16xf32>,
        %swap3A_118 = vector.shape_cast %swap3A_117 : vector<1x16xf32> to vector<16xf32>
        %swap3A_119 = vector.shape_cast %get3A_114 : vector<16xf32> to vector<1x16xf32>
        tpu.vector_store %arg9[%swap3A_115, %swap3A_116], %swap3A_119 {add = true, strides = array<i32>} : memref<250x64xf32, #tpu.memory_space<vmem>>, vector<1x16xf32>,
      }
      %scan3A_52 = arith.constant 250 : i32
      %mul3A_53 = arith.constant 10000 : i32
      %mul3A_54 = arith.muli %add3A, %mul3A_53 : i32
      %mul3A_55 = arith.constant 250 : i32
      %mul3A_56 = arith.muli %mul3A_21, %mul3A_55 : i32
      %add3A_57 = arith.addi %mul3A_54, %mul3A_56 : i32
      "tpu.region"() ({
        %run_scoped3A = tpu.sem_alloc : memref<!tpu.dma_semaphore, #tpu.memory_space<semaphore_mem>>
        %dma_start3A_85 = arith.constant 0 : i32
        %dma_start3A_86 = tpu.memref_slice %arg6[%add3A_57, %dma_start3A_85] : memref<320000x64xf32, #tpu.memory_space<hbm>> -> memref<250x64xf32, #tpu.memory_space<hbm>>
        %dma_start3A_87 = arith.constant 0 : i32
        %dma_start3A_88 = tpu.memref_slice %arg6[%add3A_57, %dma_start3A_87] : memref<320000x64xf32, #tpu.memory_space<hbm>> -> memref<250x64xf32, #tpu.memory_space<hbm>>
        tpu.enqueue_dma source(%arg9 : memref<250x64xf32, #tpu.memory_space<vmem>>) target(%dma_start3A_88 : memref<250x64xf32, #tpu.memory_space<hbm>>) target_semaphore(%run_scoped3A : memref<!tpu.dma_semaphore, #tpu.memory_space<semaphore_mem>>)
        %dma_wait3A_89 = arith.constant 0 : i32
        %dma_wait3A_90 = tpu.memref_slice %arg6[%add3A_57, %dma_wait3A_89] : memref<320000x64xf32, #tpu.memory_space<hbm>> -> memref<250x64xf32, #tpu.memory_space<hbm>>
        %dma_wait3A_91 = arith.constant 0 : i32
        %dma_wait3A_92 = tpu.memref_slice %arg6[%add3A_57, %dma_wait3A_91] : memref<320000x64xf32, #tpu.memory_space<hbm>> -> memref<250x64xf32, #tpu.memory_space<hbm>>
        tpu.wait_dma2 semaphore(%run_scoped3A : memref<!tpu.dma_semaphore, #tpu.memory_space<semaphore_mem>>) src(%arg9 : memref<250x64xf32, #tpu.memory_space<vmem>>) dst(%dma_wait3A_92 : memref<250x64xf32, #tpu.memory_space<hbm>>)
        tpu.yield
      }) : () -> ()
      %dma_wait3A_58 = arith.constant 0 : i32
      %dma_wait3A_59 = arith.constant 0 : i32
      %dma_wait3A_60 = tpu.memref_slice %arg2[%dma_wait3A_58, %dma_wait3A_59] : memref<10000x64xf32, #tpu.memory_space<hbm>> -> memref<250x64xf32, #tpu.memory_space<hbm>>
      %dma_wait3A_61 = arith.constant 0 : i32
      %dma_wait3A_62 = arith.constant 0 : i32
      %dma_wait3A_63 = tpu.memref_slice %arg2[%dma_wait3A_61, %dma_wait3A_62] : memref<10000x64xf32, #tpu.memory_space<hbm>> -> memref<250x64xf32, #tpu.memory_space<hbm>>
      tpu.wait_dma2 semaphore(%arg13 : memref<!tpu.dma_semaphore, #tpu.memory_space<semaphore_mem>>) src(%dma_wait3A_63 : memref<250x64xf32, #tpu.memory_space<hbm>>) dst(%arg11 : memref<250x64xf32, #tpu.memory_space<vmem>>)
      %dma_wait3A_64 = arith.constant 0 : i32
      %dma_wait3A_65 = arith.constant 0 : i32
      %dma_wait3A_66 = tpu.memref_slice %arg3[%dma_wait3A_64, %dma_wait3A_65] : memref<10000x64xf32, #tpu.memory_space<hbm>> -> memref<250x64xf32, #tpu.memory_space<hbm>>
      %dma_wait3A_67 = arith.constant 0 : i32
      %dma_wait3A_68 = arith.constant 0 : i32
      %dma_wait3A_69 = tpu.memref_slice %arg3[%dma_wait3A_67, %dma_wait3A_68] : memref<10000x64xf32, #tpu.memory_space<hbm>> -> memref<250x64xf32, #tpu.memory_space<hbm>>
      tpu.wait_dma2 semaphore(%arg13 : memref<!tpu.dma_semaphore, #tpu.memory_space<semaphore_mem>>) src(%dma_wait3A_69 : memref<250x64xf32, #tpu.memory_space<hbm>>) dst(%arg12 : memref<250x64xf32, #tpu.memory_space<vmem>>)
      %lt3A = arith.constant 19 : i32
      %lt3A_70 = arith.cmpi slt, %scan3A_19, %lt3A : i32
      %convert_element_type3A = arith.extui %lt3A_70 : i1 to i32
      %cond3A = arith.constant 0 : i32
      %cond3A_71 = arith.cmpi ne, %convert_element_type3A, %cond3A : i32
      scf.if %cond3A_71 {
        %add3A_85 = arith.constant 2 : i32
        %add3A_86 = arith.addi %mul3A_21, %add3A_85 : i32
        %dma_start3A_87 = arith.constant 0 : i32
        %dma_start3A_88 = tpu.memref_slice %arg7[%add3A_86, %dma_start3A_87] : memref<40x250xi32, #tpu.memory_space<vmem>> -> memref<1x250xi32, #tpu.memory_space<vmem>>
        %dma_start3A_89 = tpu.memref_squeeze %dma_start3A_88 : memref<1x250xi32, #tpu.memory_space<vmem>> -> memref<250xi32, #tpu.memory_space<vmem>>
        %dma_start3A_90 = arith.constant 0 : i32
        %dma_start3A_91 = arith.constant 0 : i32
        %dma_start3A_92 = tpu.memref_slice %arg2[%dma_start3A_90, %dma_start3A_91] : memref<10000x64xf32, #tpu.memory_space<hbm>> -> memref<10000x64xf32, #tpu.memory_space<hbm>>
        tpu.enqueue_indirect_dma source(%dma_start3A_92 : memref<10000x64xf32, #tpu.memory_space<hbm>>) target(%arg9 : memref<250x64xf32, #tpu.memory_space<vmem>>) offsets(%dma_start3A_89 : memref<250xi32, #tpu.memory_space<vmem>>) semaphore(%arg13 : memref<!tpu.dma_semaphore, #tpu.memory_space<semaphore_mem>>)
        %dma_start3A_93 = arith.constant 0 : i32
        %dma_start3A_94 = tpu.memref_slice %arg8[%add3A_86, %dma_start3A_93] : memref<40x250xi32, #tpu.memory_space<vmem>> -> memref<1x250xi32, #tpu.memory_space<vmem>>
        %dma_start3A_95 = tpu.memref_squeeze %dma_start3A_94 : memref<1x250xi32, #tpu.memory_space<vmem>> -> memref<250xi32, #tpu.memory_space<vmem>>
        %dma_start3A_96 = arith.constant 0 : i32
        %dma_start3A_97 = arith.constant 0 : i32
        %dma_start3A_98 = tpu.memref_slice %arg3[%dma_start3A_96, %dma_start3A_97] : memref<10000x64xf32, #tpu.memory_space<hbm>> -> memref<10000x64xf32, #tpu.memory_space<hbm>>
        tpu.enqueue_indirect_dma source(%dma_start3A_98 : memref<10000x64xf32, #tpu.memory_space<hbm>>) target(%arg10 : memref<250x64xf32, #tpu.memory_space<vmem>>) offsets(%dma_start3A_95 : memref<250xi32, #tpu.memory_space<vmem>>) semaphore(%arg13 : memref<!tpu.dma_semaphore, #tpu.memory_space<semaphore_mem>>)
      } else {
      }
      %add3A_72 = arith.constant 1 : i32
      %add3A_73 = arith.addi %mul3A_21, %add3A_72 : i32
      %scan3A_74 = arith.constant 0 : i32
      %scan3A_75 = arith.constant 0 : i32
      %scan3A_76 = arith.constant 250 : i32
      %scan3A_77 = arith.addi %scan3A_75, %scan3A_76 : i32
      %scan3A_78 = arith.constant 1 : i32
      scf.for %scan3A_85 = %scan3A_75 to %scan3A_77 step %scan3A_78  : i32 {
        %get3A = arith.index_cast %scan3A_85 : i32 to index
        %get3A_86 = arith.constant 0 : index
        %get3A_87 = tpu.vector_load %arg12[%get3A, %get3A_86] {strides = array<i32>} : memref<250x64xf32, #tpu.memory_space<vmem>>, vector<1x16xf32>,
        %get3A_88 = vector.shape_cast %get3A_87 : vector<1x16xf32> to vector<16xf32>
        %swap3A = arith.index_cast %scan3A_85 : i32 to index
        %swap3A_89 = arith.constant 0 : index
        %swap3A_90 = tpu.vector_load %arg11[%swap3A, %swap3A_89] {strides = array<i32>} : memref<250x64xf32, #tpu.memory_space<vmem>>, vector<1x16xf32>,
        %swap3A_91 = vector.shape_cast %swap3A_90 : vector<1x16xf32> to vector<16xf32>
        %swap3A_92 = vector.shape_cast %get3A_88 : vector<16xf32> to vector<1x16xf32>
        tpu.vector_store %arg11[%swap3A, %swap3A_89], %swap3A_92 {add = true, strides = array<i32>} : memref<250x64xf32, #tpu.memory_space<vmem>>, vector<1x16xf32>,
        %get3A_93 = arith.index_cast %scan3A_85 : i32 to index
        %get3A_94 = arith.constant 16 : index
        %get3A_95 = tpu.vector_load %arg12[%get3A_93, %get3A_94] {strides = array<i32>} : memref<250x64xf32, #tpu.memory_space<vmem>>, vector<1x16xf32>,
        %get3A_96 = vector.shape_cast %get3A_95 : vector<1x16xf32> to vector<16xf32>
        %swap3A_97 = arith.index_cast %scan3A_85 : i32 to index
        %swap3A_98 = arith.constant 16 : index
        %swap3A_99 = tpu.vector_load %arg11[%swap3A_97, %swap3A_98] {strides = array<i32>} : memref<250x64xf32, #tpu.memory_space<vmem>>, vector<1x16xf32>,
        %swap3A_100 = vector.shape_cast %swap3A_99 : vector<1x16xf32> to vector<16xf32>
        %swap3A_101 = vector.shape_cast %get3A_96 : vector<16xf32> to vector<1x16xf32>
        tpu.vector_store %arg11[%swap3A_97, %swap3A_98], %swap3A_101 {add = true, strides = array<i32>} : memref<250x64xf32, #tpu.memory_space<vmem>>, vector<1x16xf32>,
        %get3A_102 = arith.index_cast %scan3A_85 : i32 to index
        %get3A_103 = arith.constant 32 : index
        %get3A_104 = tpu.vector_load %arg12[%get3A_102, %get3A_103] {strides = array<i32>} : memref<250x64xf32, #tpu.memory_space<vmem>>, vector<1x16xf32>,
        %get3A_105 = vector.shape_cast %get3A_104 : vector<1x16xf32> to vector<16xf32>
        %swap3A_106 = arith.index_cast %scan3A_85 : i32 to index
        %swap3A_107 = arith.constant 32 : index
        %swap3A_108 = tpu.vector_load %arg11[%swap3A_106, %swap3A_107] {strides = array<i32>} : memref<250x64xf32, #tpu.memory_space<vmem>>, vector<1x16xf32>,
        %swap3A_109 = vector.shape_cast %swap3A_108 : vector<1x16xf32> to vector<16xf32>
        %swap3A_110 = vector.shape_cast %get3A_105 : vector<16xf32> to vector<1x16xf32>
        tpu.vector_store %arg11[%swap3A_106, %swap3A_107], %swap3A_110 {add = true, strides = array<i32>} : memref<250x64xf32, #tpu.memory_space<vmem>>, vector<1x16xf32>,
        %get3A_111 = arith.index_cast %scan3A_85 : i32 to index
        %get3A_112 = arith.constant 48 : index
        %get3A_113 = tpu.vector_load %arg12[%get3A_111, %get3A_112] {strides = array<i32>} : memref<250x64xf32, #tpu.memory_space<vmem>>, vector<1x16xf32>,
        %get3A_114 = vector.shape_cast %get3A_113 : vector<1x16xf32> to vector<16xf32>
        %swap3A_115 = arith.index_cast %scan3A_85 : i32 to index
        %swap3A_116 = arith.constant 48 : index
        %swap3A_117 = tpu.vector_load %arg11[%swap3A_115, %swap3A_116] {strides = array<i32>} : memref<250x64xf32, #tpu.memory_space<vmem>>, vector<1x16xf32>,
        %swap3A_118 = vector.shape_cast %swap3A_117 : vector<1x16xf32> to vector<16xf32>
        %swap3A_119 = vector.shape_cast %get3A_114 : vector<16xf32> to vector<1x16xf32>
        tpu.vector_store %arg11[%swap3A_115, %swap3A_116], %swap3A_119 {add = true, strides = array<i32>} : memref<250x64xf32, #tpu.memory_space<vmem>>, vector<1x16xf32>,
      }
      %scan3A_79 = arith.constant 250 : i32
      %mul3A_80 = arith.constant 10000 : i32
      %mul3A_81 = arith.muli %add3A, %mul3A_80 : i32
      %mul3A_82 = arith.constant 250 : i32
      %mul3A_83 = arith.muli %add3A_73, %mul3A_82 : i32
      %add3A_84 = arith.addi %mul3A_81, %mul3A_83 : i32
      "tpu.region"() ({
        %run_scoped3A = tpu.sem_alloc : memref<!tpu.dma_semaphore, #tpu.memory_space<semaphore_mem>>
        %dma_start3A_85 = arith.constant 0 : i32
        %dma_start3A_86 = tpu.memref_slice %arg6[%add3A_84, %dma_start3A_85] : memref<320000x64xf32, #tpu.memory_space<hbm>> -> memref<250x64xf32, #tpu.memory_space<hbm>>
        %dma_start3A_87 = arith.constant 0 : i32
        %dma_start3A_88 = tpu.memref_slice %arg6[%add3A_84, %dma_start3A_87] : memref<320000x64xf32, #tpu.memory_space<hbm>> -> memref<250x64xf32, #tpu.memory_space<hbm>>
        tpu.enqueue_dma source(%arg11 : memref<250x64xf32, #tpu.memory_space<vmem>>) target(%dma_start3A_88 : memref<250x64xf32, #tpu.memory_space<hbm>>) target_semaphore(%run_scoped3A : memref<!tpu.dma_semaphore, #tpu.memory_space<semaphore_mem>>)
        %dma_wait3A_89 = arith.constant 0 : i32
        %dma_wait3A_90 = tpu.memref_slice %arg6[%add3A_84, %dma_wait3A_89] : memref<320000x64xf32, #tpu.memory_space<hbm>> -> memref<250x64xf32, #tpu.memory_space<hbm>>
        %dma_wait3A_91 = arith.constant 0 : i32
        %dma_wait3A_92 = tpu.memref_slice %arg6[%add3A_84, %dma_wait3A_91] : memref<320000x64xf32, #tpu.memory_space<hbm>> -> memref<250x64xf32, #tpu.memory_space<hbm>>
        tpu.wait_dma2 semaphore(%run_scoped3A : memref<!tpu.dma_semaphore, #tpu.memory_space<semaphore_mem>>) src(%arg11 : memref<250x64xf32, #tpu.memory_space<vmem>>) dst(%dma_wait3A_92 : memref<250x64xf32, #tpu.memory_space<hbm>>)
        tpu.yield
      }) : () -> ()
    }
    %scan3A_18 = arith.constant 20 : i32
    return
  }
}

#map = affine_map<(d0, d1) -> (0, 0)>
#map1 = affine_map<(d0, d1) -> (0, 0, 0)>
module attributes {stable_mosaic.version = 14 : i64} {
  func.func @sc_scatter(%arg0: i32, %arg1: i32, %arg2: memref<320000x64xf32, #tpu.memory_space<hbm>>, %arg3: memref<32x20x500xi32, #tpu.memory_space<hbm>>, %arg4: memref<10000x64xf32, #tpu.memory_space<hbm>>, %arg5: memref<2x10000x64xf32, #tpu.memory_space<hbm>>, %arg6: memref<20x500xi32, #tpu.memory_space<vmem>>, %arg7: memref<500x64xf32, #tpu.memory_space<vmem>>, %arg8: memref<500x64xf32, #tpu.memory_space<vmem>>, %arg9: memref<10000x64xf32, #tpu.memory_space<vmem_shared>>, %arg10: memref<!tpu.dma_semaphore, #tpu.memory_space<semaphore_mem>>) attributes {dimension_semantics = [#tpu.dimension_semantics<core_parallel>, #tpu.dimension_semantics<subcore_parallel>], iteration_bounds = array<i64: 2, 16>, scalar_prefetch = 0 : i64, scratch_operands = 5 : i64, tpu.core_type = #tpu.core_type<sc_vector_subcore>, window_params = [{transform_indices = #map}, {transform_indices = #map1}, {transform_indices = #map}, {transform_indices = #map1}]} {
    %mul3A = arith.constant 2 : i32
    %mul3A_0 = arith.muli %arg1, %mul3A : i32
    %add3A = arith.addi %mul3A_0, %arg0 : i32
    %mul3A_1 = arith.constant 624 : i32
    %mul3A_2 = arith.muli %arg1, %mul3A_1 : i32
    "tpu.region"() ({
      %run_scoped3A = tpu.sem_alloc : memref<!tpu.dma_semaphore, #tpu.memory_space<semaphore_mem>>
      %dma_start3A_23 = arith.constant 0 : i32
      %dma_start3A_24 = tpu.memref_slice %arg9[%mul3A_2, %dma_start3A_23] : memref<10000x64xf32, #tpu.memory_space<vmem_shared>> -> memref<624x64xf32, #tpu.memory_space<vmem_shared>>
      %dma_start3A_25 = arith.constant 0 : i32
      %dma_start3A_26 = tpu.memref_slice %arg4[%mul3A_2, %dma_start3A_25] : memref<10000x64xf32, #tpu.memory_space<hbm>> -> memref<624x64xf32, #tpu.memory_space<hbm>>
      tpu.enqueue_dma source(%dma_start3A_26 : memref<624x64xf32, #tpu.memory_space<hbm>>) target(%dma_start3A_24 : memref<624x64xf32, #tpu.memory_space<vmem_shared>>) target_semaphore(%run_scoped3A : memref<!tpu.dma_semaphore, #tpu.memory_space<semaphore_mem>>)
      %dma_wait3A = arith.constant 0 : i32
      %dma_wait3A_27 = tpu.memref_slice %arg9[%mul3A_2, %dma_wait3A] : memref<10000x64xf32, #tpu.memory_space<vmem_shared>> -> memref<624x64xf32, #tpu.memory_space<vmem_shared>>
      %dma_wait3A_28 = arith.constant 0 : i32
      %dma_wait3A_29 = tpu.memref_slice %arg4[%mul3A_2, %dma_wait3A_28] : memref<10000x64xf32, #tpu.memory_space<hbm>> -> memref<624x64xf32, #tpu.memory_space<hbm>>
      tpu.wait_dma2 semaphore(%run_scoped3A : memref<!tpu.dma_semaphore, #tpu.memory_space<semaphore_mem>>) src(%dma_wait3A_29 : memref<624x64xf32, #tpu.memory_space<hbm>>) dst(%dma_wait3A_27 : memref<624x64xf32, #tpu.memory_space<vmem_shared>>)
      tpu.yield
    }) : () -> ()
    %eq3A = arith.constant 15 : i32
    %eq3A_3 = arith.cmpi eq, %arg1, %eq3A : i32
    %convert_element_type3A = arith.extui %eq3A_3 : i1 to i32
    %cond3A = arith.constant 0 : i32
    %cond3A_4 = arith.cmpi ne, %convert_element_type3A, %cond3A : i32
    scf.if %cond3A_4 {
      "tpu.region"() ({
        %run_scoped3A = tpu.sem_alloc : memref<!tpu.dma_semaphore, #tpu.memory_space<semaphore_mem>>
        %dma_start3A_23 = arith.constant 9984 : i32
        %dma_start3A_24 = arith.constant 0 : i32
        %dma_start3A_25 = tpu.memref_slice %arg9[%dma_start3A_23, %dma_start3A_24] : memref<10000x64xf32, #tpu.memory_space<vmem_shared>> -> memref<16x64xf32, #tpu.memory_space<vmem_shared>>
        %dma_start3A_26 = arith.constant 9984 : i32
        %dma_start3A_27 = arith.constant 0 : i32
        %dma_start3A_28 = tpu.memref_slice %arg4[%dma_start3A_26, %dma_start3A_27] : memref<10000x64xf32, #tpu.memory_space<hbm>> -> memref<16x64xf32, #tpu.memory_space<hbm>>
        tpu.enqueue_dma source(%dma_start3A_28 : memref<16x64xf32, #tpu.memory_space<hbm>>) target(%dma_start3A_25 : memref<16x64xf32, #tpu.memory_space<vmem_shared>>) target_semaphore(%run_scoped3A : memref<!tpu.dma_semaphore, #tpu.memory_space<semaphore_mem>>)
        %dma_wait3A = arith.constant 9984 : i32
        %dma_wait3A_29 = arith.constant 0 : i32
        %dma_wait3A_30 = tpu.memref_slice %arg9[%dma_wait3A, %dma_wait3A_29] : memref<10000x64xf32, #tpu.memory_space<vmem_shared>> -> memref<16x64xf32, #tpu.memory_space<vmem_shared>>
        %dma_wait3A_31 = arith.constant 9984 : i32
        %dma_wait3A_32 = arith.constant 0 : i32
        %dma_wait3A_33 = tpu.memref_slice %arg4[%dma_wait3A_31, %dma_wait3A_32] : memref<10000x64xf32, #tpu.memory_space<hbm>> -> memref<16x64xf32, #tpu.memory_space<hbm>>
        tpu.wait_dma2 semaphore(%run_scoped3A : memref<!tpu.dma_semaphore, #tpu.memory_space<semaphore_mem>>) src(%dma_wait3A_33 : memref<16x64xf32, #tpu.memory_space<hbm>>) dst(%dma_wait3A_30 : memref<16x64xf32, #tpu.memory_space<vmem_shared>>)
        tpu.yield
      }) : () -> ()
    } else {
    }
    %barrier3A = arith.constant 0 : index
    tpu.barrier barrier_id(%barrier3A)
    "tpu.region"() ({
      %run_scoped3A = tpu.sem_alloc : memref<!tpu.dma_semaphore, #tpu.memory_space<semaphore_mem>>
      %dma_start3A_23 = arith.constant 0 : i32
      %dma_start3A_24 = arith.constant 0 : i32
      %dma_start3A_25 = tpu.memref_slice %arg3[%add3A, %dma_start3A_23, %dma_start3A_24] : memref<32x20x500xi32, #tpu.memory_space<hbm>> -> memref<1x20x500xi32, #tpu.memory_space<hbm>>
      %dma_start3A_26 = tpu.memref_squeeze %dma_start3A_25 : memref<1x20x500xi32, #tpu.memory_space<hbm>> -> memref<20x500xi32, #tpu.memory_space<hbm>>
      %dma_start3A_27 = arith.constant 0 : i32
      %dma_start3A_28 = arith.constant 0 : i32
      %dma_start3A_29 = tpu.memref_slice %arg3[%add3A, %dma_start3A_27, %dma_start3A_28] : memref<32x20x500xi32, #tpu.memory_space<hbm>> -> memref<1x20x500xi32, #tpu.memory_space<hbm>>
      %dma_start3A_30 = tpu.memref_squeeze %dma_start3A_29 : memref<1x20x500xi32, #tpu.memory_space<hbm>> -> memref<20x500xi32, #tpu.memory_space<hbm>>
      tpu.enqueue_dma source(%dma_start3A_30 : memref<20x500xi32, #tpu.memory_space<hbm>>) target(%arg6 : memref<20x500xi32, #tpu.memory_space<vmem>>) target_semaphore(%run_scoped3A : memref<!tpu.dma_semaphore, #tpu.memory_space<semaphore_mem>>)
      %dma_wait3A = arith.constant 0 : i32
      %dma_wait3A_31 = arith.constant 0 : i32
      %dma_wait3A_32 = tpu.memref_slice %arg3[%add3A, %dma_wait3A, %dma_wait3A_31] : memref<32x20x500xi32, #tpu.memory_space<hbm>> -> memref<1x20x500xi32, #tpu.memory_space<hbm>>
      %dma_wait3A_33 = tpu.memref_squeeze %dma_wait3A_32 : memref<1x20x500xi32, #tpu.memory_space<hbm>> -> memref<20x500xi32, #tpu.memory_space<hbm>>
      %dma_wait3A_34 = arith.constant 0 : i32
      %dma_wait3A_35 = arith.constant 0 : i32
      %dma_wait3A_36 = tpu.memref_slice %arg3[%add3A, %dma_wait3A_34, %dma_wait3A_35] : memref<32x20x500xi32, #tpu.memory_space<hbm>> -> memref<1x20x500xi32, #tpu.memory_space<hbm>>
      %dma_wait3A_37 = tpu.memref_squeeze %dma_wait3A_36 : memref<1x20x500xi32, #tpu.memory_space<hbm>> -> memref<20x500xi32, #tpu.memory_space<hbm>>
      tpu.wait_dma2 semaphore(%run_scoped3A : memref<!tpu.dma_semaphore, #tpu.memory_space<semaphore_mem>>) src(%dma_wait3A_37 : memref<20x500xi32, #tpu.memory_space<hbm>>) dst(%arg6 : memref<20x500xi32, #tpu.memory_space<vmem>>)
      tpu.yield
    }) : () -> ()
    %mul3A_5 = arith.constant 10000 : i32
    %mul3A_6 = arith.muli %add3A, %mul3A_5 : i32
    %add3A_7 = arith.constant 0 : i32
    %add3A_8 = arith.addi %mul3A_6, %add3A_7 : i32
    %dma_start3A = arith.constant 0 : i32
    %dma_start3A_9 = tpu.memref_slice %arg2[%add3A_8, %dma_start3A] : memref<320000x64xf32, #tpu.memory_space<hbm>> -> memref<500x64xf32, #tpu.memory_space<hbm>>
    %dma_start3A_10 = arith.constant 0 : i32
    %dma_start3A_11 = tpu.memref_slice %arg2[%add3A_8, %dma_start3A_10] : memref<320000x64xf32, #tpu.memory_space<hbm>> -> memref<500x64xf32, #tpu.memory_space<hbm>>
    tpu.enqueue_dma source(%dma_start3A_11 : memref<500x64xf32, #tpu.memory_space<hbm>>) target(%arg7 : memref<500x64xf32, #tpu.memory_space<vmem>>) target_semaphore(%arg10 : memref<!tpu.dma_semaphore, #tpu.memory_space<semaphore_mem>>)
    %scan3A = arith.constant 0 : i32
    %scan3A_12 = arith.constant 0 : i32
    %scan3A_13 = arith.constant 10 : i32
    %scan3A_14 = arith.addi %scan3A_12, %scan3A_13 : i32
    %scan3A_15 = arith.constant 1 : i32
    scf.for %scan3A_23 = %scan3A_12 to %scan3A_14 step %scan3A_15  : i32 {
      %mul3A_24 = arith.constant 2 : i32
      %mul3A_25 = arith.muli %mul3A_24, %scan3A_23 : i32
      %dma_wait3A = arith.constant 0 : i32
      %dma_wait3A_26 = arith.constant 0 : i32
      %dma_wait3A_27 = tpu.memref_slice %arg2[%dma_wait3A, %dma_wait3A_26] : memref<320000x64xf32, #tpu.memory_space<hbm>> -> memref<500x64xf32, #tpu.memory_space<hbm>>
      %dma_wait3A_28 = arith.constant 0 : i32
      %dma_wait3A_29 = arith.constant 0 : i32
      %dma_wait3A_30 = tpu.memref_slice %arg2[%dma_wait3A_28, %dma_wait3A_29] : memref<320000x64xf32, #tpu.memory_space<hbm>> -> memref<500x64xf32, #tpu.memory_space<hbm>>
      tpu.wait_dma2 semaphore(%arg10 : memref<!tpu.dma_semaphore, #tpu.memory_space<semaphore_mem>>) src(%dma_wait3A_30 : memref<500x64xf32, #tpu.memory_space<hbm>>) dst(%arg7 : memref<500x64xf32, #tpu.memory_space<vmem>>)
      %add3A_31 = arith.constant 1 : i32
      %add3A_32 = arith.addi %mul3A_25, %add3A_31 : i32
      %mul3A_33 = arith.constant 10000 : i32
      %mul3A_34 = arith.muli %add3A, %mul3A_33 : i32
      %mul3A_35 = arith.constant 500 : i32
      %mul3A_36 = arith.muli %add3A_32, %mul3A_35 : i32
      %add3A_37 = arith.addi %mul3A_34, %mul3A_36 : i32
      %dma_start3A_38 = arith.constant 0 : i32
      %dma_start3A_39 = tpu.memref_slice %arg2[%add3A_37, %dma_start3A_38] : memref<320000x64xf32, #tpu.memory_space<hbm>> -> memref<500x64xf32, #tpu.memory_space<hbm>>
      %dma_start3A_40 = arith.constant 0 : i32
      %dma_start3A_41 = tpu.memref_slice %arg2[%add3A_37, %dma_start3A_40] : memref<320000x64xf32, #tpu.memory_space<hbm>> -> memref<500x64xf32, #tpu.memory_space<hbm>>
      tpu.enqueue_dma source(%dma_start3A_41 : memref<500x64xf32, #tpu.memory_space<hbm>>) target(%arg8 : memref<500x64xf32, #tpu.memory_space<vmem>>) target_semaphore(%arg10 : memref<!tpu.dma_semaphore, #tpu.memory_space<semaphore_mem>>)
      "tpu.region"() ({
        %run_scoped3A = tpu.sem_alloc : memref<!tpu.dma_semaphore, #tpu.memory_space<semaphore_mem>>
        %dma_start3A_54 = arith.constant 0 : i32
        %dma_start3A_55 = tpu.memref_slice %arg6[%mul3A_25, %dma_start3A_54] : memref<20x500xi32, #tpu.memory_space<vmem>> -> memref<1x500xi32, #tpu.memory_space<vmem>>
        %dma_start3A_56 = tpu.memref_squeeze %dma_start3A_55 : memref<1x500xi32, #tpu.memory_space<vmem>> -> memref<500xi32, #tpu.memory_space<vmem>>
        %dma_start3A_57 = arith.constant 0 : i32
        %dma_start3A_58 = arith.constant 0 : i32
        %dma_start3A_59 = tpu.memref_slice %arg9[%dma_start3A_57, %dma_start3A_58] : memref<10000x64xf32, #tpu.memory_space<vmem_shared>> -> memref<10000x64xf32, #tpu.memory_space<vmem_shared>>
        tpu.enqueue_indirect_dma source(%arg7 : memref<500x64xf32, #tpu.memory_space<vmem>>) target(%dma_start3A_59 : memref<10000x64xf32, #tpu.memory_space<vmem_shared>>) offsets(%dma_start3A_56 : memref<500xi32, #tpu.memory_space<vmem>>) semaphore(%run_scoped3A : memref<!tpu.dma_semaphore, #tpu.memory_space<semaphore_mem>>) {add = true}
        %dma_wait3A_60 = arith.constant 0 : i32
        %dma_wait3A_61 = tpu.memref_slice %arg6[%mul3A_25, %dma_wait3A_60] : memref<20x500xi32, #tpu.memory_space<vmem>> -> memref<1x500xi32, #tpu.memory_space<vmem>>
        %dma_wait3A_62 = tpu.memref_squeeze %dma_wait3A_61 : memref<1x500xi32, #tpu.memory_space<vmem>> -> memref<500xi32, #tpu.memory_space<vmem>>
        %dma_wait3A_63 = arith.constant 0 : i32
        %dma_wait3A_64 = arith.constant 0 : i32
        %dma_wait3A_65 = tpu.memref_slice %arg9[%dma_wait3A_63, %dma_wait3A_64] : memref<10000x64xf32, #tpu.memory_space<vmem_shared>> -> memref<10000x64xf32, #tpu.memory_space<vmem_shared>>
        tpu.wait_indirect_dma semaphore(%run_scoped3A : memref<!tpu.dma_semaphore, #tpu.memory_space<semaphore_mem>>) src(%arg7 : memref<500x64xf32, #tpu.memory_space<vmem>>) dst(%dma_wait3A_65 : memref<10000x64xf32, #tpu.memory_space<vmem_shared>>)
        tpu.yield
      }) : () -> ()
      %dma_wait3A_42 = arith.constant 0 : i32
      %dma_wait3A_43 = arith.constant 0 : i32
      %dma_wait3A_44 = tpu.memref_slice %arg2[%dma_wait3A_42, %dma_wait3A_43] : memref<320000x64xf32, #tpu.memory_space<hbm>> -> memref<500x64xf32, #tpu.memory_space<hbm>>
      %dma_wait3A_45 = arith.constant 0 : i32
      %dma_wait3A_46 = arith.constant 0 : i32
      %dma_wait3A_47 = tpu.memref_slice %arg2[%dma_wait3A_45, %dma_wait3A_46] : memref<320000x64xf32, #tpu.memory_space<hbm>> -> memref<500x64xf32, #tpu.memory_space<hbm>>
      tpu.wait_dma2 semaphore(%arg10 : memref<!tpu.dma_semaphore, #tpu.memory_space<semaphore_mem>>) src(%dma_wait3A_47 : memref<500x64xf32, #tpu.memory_space<hbm>>) dst(%arg8 : memref<500x64xf32, #tpu.memory_space<vmem>>)
      %lt3A = arith.constant 9 : i32
      %lt3A_48 = arith.cmpi slt, %scan3A_23, %lt3A : i32
      %convert_element_type3A_49 = arith.extui %lt3A_48 : i1 to i32
      %cond3A_50 = arith.constant 0 : i32
      %cond3A_51 = arith.cmpi ne, %convert_element_type3A_49, %cond3A_50 : i32
      scf.if %cond3A_51 {
        %add3A_54 = arith.constant 2 : i32
        %add3A_55 = arith.addi %mul3A_25, %add3A_54 : i32
        %mul3A_56 = arith.constant 10000 : i32
        %mul3A_57 = arith.muli %add3A, %mul3A_56 : i32
        %mul3A_58 = arith.constant 500 : i32
        %mul3A_59 = arith.muli %add3A_55, %mul3A_58 : i32
        %add3A_60 = arith.addi %mul3A_57, %mul3A_59 : i32
        %dma_start3A_61 = arith.constant 0 : i32
        %dma_start3A_62 = tpu.memref_slice %arg2[%add3A_60, %dma_start3A_61] : memref<320000x64xf32, #tpu.memory_space<hbm>> -> memref<500x64xf32, #tpu.memory_space<hbm>>
        %dma_start3A_63 = arith.constant 0 : i32
        %dma_start3A_64 = tpu.memref_slice %arg2[%add3A_60, %dma_start3A_63] : memref<320000x64xf32, #tpu.memory_space<hbm>> -> memref<500x64xf32, #tpu.memory_space<hbm>>
        tpu.enqueue_dma source(%dma_start3A_64 : memref<500x64xf32, #tpu.memory_space<hbm>>) target(%arg7 : memref<500x64xf32, #tpu.memory_space<vmem>>) target_semaphore(%arg10 : memref<!tpu.dma_semaphore, #tpu.memory_space<semaphore_mem>>)
      } else {
      }
      %add3A_52 = arith.constant 1 : i32
      %add3A_53 = arith.addi %mul3A_25, %add3A_52 : i32
      "tpu.region"() ({
        %run_scoped3A = tpu.sem_alloc : memref<!tpu.dma_semaphore, #tpu.memory_space<semaphore_mem>>
        %dma_start3A_54 = arith.constant 0 : i32
        %dma_start3A_55 = tpu.memref_slice %arg6[%add3A_53, %dma_start3A_54] : memref<20x500xi32, #tpu.memory_space<vmem>> -> memref<1x500xi32, #tpu.memory_space<vmem>>
        %dma_start3A_56 = tpu.memref_squeeze %dma_start3A_55 : memref<1x500xi32, #tpu.memory_space<vmem>> -> memref<500xi32, #tpu.memory_space<vmem>>
        %dma_start3A_57 = arith.constant 0 : i32
        %dma_start3A_58 = arith.constant 0 : i32
        %dma_start3A_59 = tpu.memref_slice %arg9[%dma_start3A_57, %dma_start3A_58] : memref<10000x64xf32, #tpu.memory_space<vmem_shared>> -> memref<10000x64xf32, #tpu.memory_space<vmem_shared>>
        tpu.enqueue_indirect_dma source(%arg8 : memref<500x64xf32, #tpu.memory_space<vmem>>) target(%dma_start3A_59 : memref<10000x64xf32, #tpu.memory_space<vmem_shared>>) offsets(%dma_start3A_56 : memref<500xi32, #tpu.memory_space<vmem>>) semaphore(%run_scoped3A : memref<!tpu.dma_semaphore, #tpu.memory_space<semaphore_mem>>) {add = true}
        %dma_wait3A_60 = arith.constant 0 : i32
        %dma_wait3A_61 = tpu.memref_slice %arg6[%add3A_53, %dma_wait3A_60] : memref<20x500xi32, #tpu.memory_space<vmem>> -> memref<1x500xi32, #tpu.memory_space<vmem>>
        %dma_wait3A_62 = tpu.memref_squeeze %dma_wait3A_61 : memref<1x500xi32, #tpu.memory_space<vmem>> -> memref<500xi32, #tpu.memory_space<vmem>>
        %dma_wait3A_63 = arith.constant 0 : i32
        %dma_wait3A_64 = arith.constant 0 : i32
        %dma_wait3A_65 = tpu.memref_slice %arg9[%dma_wait3A_63, %dma_wait3A_64] : memref<10000x64xf32, #tpu.memory_space<vmem_shared>> -> memref<10000x64xf32, #tpu.memory_space<vmem_shared>>
        tpu.wait_indirect_dma semaphore(%run_scoped3A : memref<!tpu.dma_semaphore, #tpu.memory_space<semaphore_mem>>) src(%arg8 : memref<500x64xf32, #tpu.memory_space<vmem>>) dst(%dma_wait3A_65 : memref<10000x64xf32, #tpu.memory_space<vmem_shared>>)
        tpu.yield
      }) : () -> ()
    }
    %scan3A_16 = arith.constant 10 : i32
    %barrier3A_17 = arith.constant 0 : index
    tpu.barrier barrier_id(%barrier3A_17)
    "tpu.region"() ({
      %run_scoped3A = tpu.sem_alloc : memref<!tpu.dma_semaphore, #tpu.memory_space<semaphore_mem>>
      %dma_start3A_23 = arith.constant 0 : i32
      %dma_start3A_24 = tpu.memref_slice %arg5[%arg0, %mul3A_2, %dma_start3A_23] : memref<2x10000x64xf32, #tpu.memory_space<hbm>> -> memref<1x624x64xf32, #tpu.memory_space<hbm>>
      %dma_start3A_25 = tpu.memref_squeeze %dma_start3A_24 : memref<1x624x64xf32, #tpu.memory_space<hbm>> -> memref<624x64xf32, #tpu.memory_space<hbm>>
      %dma_start3A_26 = arith.constant 0 : i32
      %dma_start3A_27 = tpu.memref_slice %arg9[%mul3A_2, %dma_start3A_26] : memref<10000x64xf32, #tpu.memory_space<vmem_shared>> -> memref<624x64xf32, #tpu.memory_space<vmem_shared>>
      tpu.enqueue_dma source(%dma_start3A_27 : memref<624x64xf32, #tpu.memory_space<vmem_shared>>) target(%dma_start3A_25 : memref<624x64xf32, #tpu.memory_space<hbm>>) target_semaphore(%run_scoped3A : memref<!tpu.dma_semaphore, #tpu.memory_space<semaphore_mem>>)
      %dma_wait3A = arith.constant 0 : i32
      %dma_wait3A_28 = tpu.memref_slice %arg5[%arg0, %mul3A_2, %dma_wait3A] : memref<2x10000x64xf32, #tpu.memory_space<hbm>> -> memref<1x624x64xf32, #tpu.memory_space<hbm>>
      %dma_wait3A_29 = tpu.memref_squeeze %dma_wait3A_28 : memref<1x624x64xf32, #tpu.memory_space<hbm>> -> memref<624x64xf32, #tpu.memory_space<hbm>>
      %dma_wait3A_30 = arith.constant 0 : i32
      %dma_wait3A_31 = tpu.memref_slice %arg9[%mul3A_2, %dma_wait3A_30] : memref<10000x64xf32, #tpu.memory_space<vmem_shared>> -> memref<624x64xf32, #tpu.memory_space<vmem_shared>>
      tpu.wait_dma2 semaphore(%run_scoped3A : memref<!tpu.dma_semaphore, #tpu.memory_space<semaphore_mem>>) src(%dma_wait3A_31 : memref<624x64xf32, #tpu.memory_space<vmem_shared>>) dst(%dma_wait3A_29 : memref<624x64xf32, #tpu.memory_space<hbm>>)
      tpu.yield
    }) : () -> ()
    %eq3A_18 = arith.constant 15 : i32
    %eq3A_19 = arith.cmpi eq, %arg1, %eq3A_18 : i32
    %convert_element_type3A_20 = arith.extui %eq3A_19 : i1 to i32
    %cond3A_21 = arith.constant 0 : i32
    %cond3A_22 = arith.cmpi ne, %convert_element_type3A_20, %cond3A_21 : i32
    scf.if %cond3A_22 {
      "tpu.region"() ({
        %run_scoped3A = tpu.sem_alloc : memref<!tpu.dma_semaphore, #tpu.memory_space<semaphore_mem>>
        %dma_start3A_23 = arith.constant 9984 : i32
        %dma_start3A_24 = arith.constant 0 : i32
        %dma_start3A_25 = tpu.memref_slice %arg5[%arg0, %dma_start3A_23, %dma_start3A_24] : memref<2x10000x64xf32, #tpu.memory_space<hbm>> -> memref<1x16x64xf32, #tpu.memory_space<hbm>>
        %dma_start3A_26 = tpu.memref_squeeze %dma_start3A_25 : memref<1x16x64xf32, #tpu.memory_space<hbm>> -> memref<16x64xf32, #tpu.memory_space<hbm>>
        %dma_start3A_27 = arith.constant 9984 : i32
        %dma_start3A_28 = arith.constant 0 : i32
        %dma_start3A_29 = tpu.memref_slice %arg9[%dma_start3A_27, %dma_start3A_28] : memref<10000x64xf32, #tpu.memory_space<vmem_shared>> -> memref<16x64xf32, #tpu.memory_space<vmem_shared>>
        tpu.enqueue_dma source(%dma_start3A_29 : memref<16x64xf32, #tpu.memory_space<vmem_shared>>) target(%dma_start3A_26 : memref<16x64xf32, #tpu.memory_space<hbm>>) target_semaphore(%run_scoped3A : memref<!tpu.dma_semaphore, #tpu.memory_space<semaphore_mem>>)
        %dma_wait3A = arith.constant 9984 : i32
        %dma_wait3A_30 = arith.constant 0 : i32
        %dma_wait3A_31 = tpu.memref_slice %arg5[%arg0, %dma_wait3A, %dma_wait3A_30] : memref<2x10000x64xf32, #tpu.memory_space<hbm>> -> memref<1x16x64xf32, #tpu.memory_space<hbm>>
        %dma_wait3A_32 = tpu.memref_squeeze %dma_wait3A_31 : memref<1x16x64xf32, #tpu.memory_space<hbm>> -> memref<16x64xf32, #tpu.memory_space<hbm>>
        %dma_wait3A_33 = arith.constant 9984 : i32
        %dma_wait3A_34 = arith.constant 0 : i32
        %dma_wait3A_35 = tpu.memref_slice %arg9[%dma_wait3A_33, %dma_wait3A_34] : memref<10000x64xf32, #tpu.memory_space<vmem_shared>> -> memref<16x64xf32, #tpu.memory_space<vmem_shared>>
        tpu.wait_dma2 semaphore(%run_scoped3A : memref<!tpu.dma_semaphore, #tpu.memory_space<semaphore_mem>>) src(%dma_wait3A_35 : memref<16x64xf32, #tpu.memory_space<vmem_shared>>) dst(%dma_wait3A_32 : memref<16x64xf32, #tpu.memory_space<hbm>>)
        tpu.yield
      }) : () -> ()
    } else {
    }
    return
  }
}

#map = affine_map<(d0, d1) -> (0, 0)>
#map1 = affine_map<(d0, d1) -> (0, 0, 0)>
module attributes {stable_mosaic.version = 14 : i64} {
  func.func @sc_gather(%arg0: i32, %arg1: i32, %arg2: memref<10000x64xf32, #tpu.memory_space<hbm>>, %arg3: memref<10000x64xf32, #tpu.memory_space<hbm>>, %arg4: memref<32x40x250xi32, #tpu.memory_space<hbm>>, %arg5: memref<32x40x250xi32, #tpu.memory_space<hbm>>, %arg6: memref<320000x64xf32, #tpu.memory_space<hbm>>, %arg7: memref<40x250xi32, #tpu.memory_space<vmem>>, %arg8: memref<40x250xi32, #tpu.memory_space<vmem>>, %arg9: memref<250x64xf32, #tpu.memory_space<vmem>>, %arg10: memref<250x64xf32, #tpu.memory_space<vmem>>, %arg11: memref<250x64xf32, #tpu.memory_space<vmem>>, %arg12: memref<250x64xf32, #tpu.memory_space<vmem>>, %arg13: memref<!tpu.dma_semaphore, #tpu.memory_space<semaphore_mem>>) attributes {dimension_semantics = [#tpu.dimension_semantics<core_parallel>, #tpu.dimension_semantics<subcore_parallel>], iteration_bounds = array<i64: 2, 16>, scalar_prefetch = 0 : i64, scratch_operands = 7 : i64, tpu.core_type = #tpu.core_type<sc_vector_subcore>, window_params = [{transform_indices = #map}, {transform_indices = #map}, {transform_indices = #map1}, {transform_indices = #map1}, {transform_indices = #map}]} {
    %mul3A = arith.constant 2 : i32
    %mul3A_0 = arith.muli %arg1, %mul3A : i32
    %add3A = arith.addi %mul3A_0, %arg0 : i32
    "tpu.region"() ({
      %run_scoped3A = tpu.sem_alloc : memref<!tpu.dma_semaphore, #tpu.memory_space<semaphore_mem>>
      %dma_start3A_19 = arith.constant 0 : i32
      %dma_start3A_20 = arith.constant 0 : i32
      %dma_start3A_21 = tpu.memref_slice %arg4[%add3A, %dma_start3A_19, %dma_start3A_20] : memref<32x40x250xi32, #tpu.memory_space<hbm>> -> memref<1x40x250xi32, #tpu.memory_space<hbm>>
      %dma_start3A_22 = tpu.memref_squeeze %dma_start3A_21 : memref<1x40x250xi32, #tpu.memory_space<hbm>> -> memref<40x250xi32, #tpu.memory_space<hbm>>
      %dma_start3A_23 = arith.constant 0 : i32
      %dma_start3A_24 = arith.constant 0 : i32
      %dma_start3A_25 = tpu.memref_slice %arg4[%add3A, %dma_start3A_23, %dma_start3A_24] : memref<32x40x250xi32, #tpu.memory_space<hbm>> -> memref<1x40x250xi32, #tpu.memory_space<hbm>>
      %dma_start3A_26 = tpu.memref_squeeze %dma_start3A_25 : memref<1x40x250xi32, #tpu.memory_space<hbm>> -> memref<40x250xi32, #tpu.memory_space<hbm>>
      tpu.enqueue_dma source(%dma_start3A_26 : memref<40x250xi32, #tpu.memory_space<hbm>>) target(%arg7 : memref<40x250xi32, #tpu.memory_space<vmem>>) target_semaphore(%run_scoped3A : memref<!tpu.dma_semaphore, #tpu.memory_space<semaphore_mem>>)
      %dma_wait3A = arith.constant 0 : i32
      %dma_wait3A_27 = arith.constant 0 : i32
      %dma_wait3A_28 = tpu.memref_slice %arg4[%add3A, %dma_wait3A, %dma_wait3A_27] : memref<32x40x250xi32, #tpu.memory_space<hbm>> -> memref<1x40x250xi32, #tpu.memory_space<hbm>>
      %dma_wait3A_29 = tpu.memref_squeeze %dma_wait3A_28 : memref<1x40x250xi32, #tpu.memory_space<hbm>> -> memref<40x250xi32, #tpu.memory_space<hbm>>
      %dma_wait3A_30 = arith.constant 0 : i32
      %dma_wait3A_31 = arith.constant 0 : i32
      %dma_wait3A_32 = tpu.memref_slice %arg4[%add3A, %dma_wait3A_30, %dma_wait3A_31] : memref<32x40x250xi32, #tpu.memory_space<hbm>> -> memref<1x40x250xi32, #tpu.memory_space<hbm>>
      %dma_wait3A_33 = tpu.memref_squeeze %dma_wait3A_32 : memref<1x40x250xi32, #tpu.memory_space<hbm>> -> memref<40x250xi32, #tpu.memory_space<hbm>>
      tpu.wait_dma2 semaphore(%run_scoped3A : memref<!tpu.dma_semaphore, #tpu.memory_space<semaphore_mem>>) src(%dma_wait3A_33 : memref<40x250xi32, #tpu.memory_space<hbm>>) dst(%arg7 : memref<40x250xi32, #tpu.memory_space<vmem>>)
      tpu.yield
    }) : () -> ()
    "tpu.region"() ({
      %run_scoped3A = tpu.sem_alloc : memref<!tpu.dma_semaphore, #tpu.memory_space<semaphore_mem>>
      %dma_start3A_19 = arith.constant 0 : i32
      %dma_start3A_20 = arith.constant 0 : i32
      %dma_start3A_21 = tpu.memref_slice %arg5[%add3A, %dma_start3A_19, %dma_start3A_20] : memref<32x40x250xi32, #tpu.memory_space<hbm>> -> memref<1x40x250xi32, #tpu.memory_space<hbm>>
      %dma_start3A_22 = tpu.memref_squeeze %dma_start3A_21 : memref<1x40x250xi32, #tpu.memory_space<hbm>> -> memref<40x250xi32, #tpu.memory_space<hbm>>
      %dma_start3A_23 = arith.constant 0 : i32
      %dma_start3A_24 = arith.constant 0 : i32
      %dma_start3A_25 = tpu.memref_slice %arg5[%add3A, %dma_start3A_23, %dma_start3A_24] : memref<32x40x250xi32, #tpu.memory_space<hbm>> -> memref<1x40x250xi32, #tpu.memory_space<hbm>>
      %dma_start3A_26 = tpu.memref_squeeze %dma_start3A_25 : memref<1x40x250xi32, #tpu.memory_space<hbm>> -> memref<40x250xi32, #tpu.memory_space<hbm>>
      tpu.enqueue_dma source(%dma_start3A_26 : memref<40x250xi32, #tpu.memory_space<hbm>>) target(%arg8 : memref<40x250xi32, #tpu.memory_space<vmem>>) target_semaphore(%run_scoped3A : memref<!tpu.dma_semaphore, #tpu.memory_space<semaphore_mem>>)
      %dma_wait3A = arith.constant 0 : i32
      %dma_wait3A_27 = arith.constant 0 : i32
      %dma_wait3A_28 = tpu.memref_slice %arg5[%add3A, %dma_wait3A, %dma_wait3A_27] : memref<32x40x250xi32, #tpu.memory_space<hbm>> -> memref<1x40x250xi32, #tpu.memory_space<hbm>>
      %dma_wait3A_29 = tpu.memref_squeeze %dma_wait3A_28 : memref<1x40x250xi32, #tpu.memory_space<hbm>> -> memref<40x250xi32, #tpu.memory_space<hbm>>
      %dma_wait3A_30 = arith.constant 0 : i32
      %dma_wait3A_31 = arith.constant 0 : i32
      %dma_wait3A_32 = tpu.memref_slice %arg5[%add3A, %dma_wait3A_30, %dma_wait3A_31] : memref<32x40x250xi32, #tpu.memory_space<hbm>> -> memref<1x40x250xi32, #tpu.memory_space<hbm>>
      %dma_wait3A_33 = tpu.memref_squeeze %dma_wait3A_32 : memref<1x40x250xi32, #tpu.memory_space<hbm>> -> memref<40x250xi32, #tpu.memory_space<hbm>>
      tpu.wait_dma2 semaphore(%run_scoped3A : memref<!tpu.dma_semaphore, #tpu.memory_space<semaphore_mem>>) src(%dma_wait3A_33 : memref<40x250xi32, #tpu.memory_space<hbm>>) dst(%arg8 : memref<40x250xi32, #tpu.memory_space<vmem>>)
      tpu.yield
    }) : () -> ()
    %dma_start3A = arith.constant 0 : i32
    %dma_start3A_1 = arith.constant 0 : i32
    %dma_start3A_2 = tpu.memref_slice %arg7[%dma_start3A, %dma_start3A_1] : memref<40x250xi32, #tpu.memory_space<vmem>> -> memref<1x250xi32, #tpu.memory_space<vmem>>
    %dma_start3A_3 = tpu.memref_squeeze %dma_start3A_2 : memref<1x250xi32, #tpu.memory_space<vmem>> -> memref<250xi32, #tpu.memory_space<vmem>>
    %dma_start3A_4 = arith.constant 0 : i32
    %dma_start3A_5 = arith.constant 0 : i32
    %dma_start3A_6 = tpu.memref_slice %arg2[%dma_start3A_4, %dma_start3A_5] : memref<10000x64xf32, #tpu.memory_space<hbm>> -> memref<10000x64xf32, #tpu.memory_space<hbm>>
    tpu.enqueue_indirect_dma source(%dma_start3A_6 : memref<10000x64xf32, #tpu.memory_space<hbm>>) target(%arg9 : memref<250x64xf32, #tpu.memory_space<vmem>>) offsets(%dma_start3A_3 : memref<250xi32, #tpu.memory_space<vmem>>) semaphore(%arg13 : memref<!tpu.dma_semaphore, #tpu.memory_space<semaphore_mem>>)
    %dma_start3A_7 = arith.constant 0 : i32
    %dma_start3A_8 = arith.constant 0 : i32
    %dma_start3A_9 = tpu.memref_slice %arg8[%dma_start3A_7, %dma_start3A_8] : memref<40x250xi32, #tpu.memory_space<vmem>> -> memref<1x250xi32, #tpu.memory_space<vmem>>
    %dma_start3A_10 = tpu.memref_squeeze %dma_start3A_9 : memref<1x250xi32, #tpu.memory_space<vmem>> -> memref<250xi32, #tpu.memory_space<vmem>>
    %dma_start3A_11 = arith.constant 0 : i32
    %dma_start3A_12 = arith.constant 0 : i32
    %dma_start3A_13 = tpu.memref_slice %arg3[%dma_start3A_11, %dma_start3A_12] : memref<10000x64xf32, #tpu.memory_space<hbm>> -> memref<10000x64xf32, #tpu.memory_space<hbm>>
    tpu.enqueue_indirect_dma source(%dma_start3A_13 : memref<10000x64xf32, #tpu.memory_space<hbm>>) target(%arg10 : memref<250x64xf32, #tpu.memory_space<vmem>>) offsets(%dma_start3A_10 : memref<250xi32, #tpu.memory_space<vmem>>) semaphore(%arg13 : memref<!tpu.dma_semaphore, #tpu.memory_space<semaphore_mem>>)
    %scan3A = arith.constant 0 : i32
    %scan3A_14 = arith.constant 0 : i32
    %scan3A_15 = arith.constant 20 : i32
    %scan3A_16 = arith.addi %scan3A_14, %scan3A_15 : i32
    %scan3A_17 = arith.constant 1 : i32
    scf.for %scan3A_19 = %scan3A_14 to %scan3A_16 step %scan3A_17  : i32 {
      %mul3A_20 = arith.constant 2 : i32
      %mul3A_21 = arith.muli %mul3A_20, %scan3A_19 : i32
      %dma_wait3A = arith.constant 0 : i32
      %dma_wait3A_22 = arith.constant 0 : i32
      %dma_wait3A_23 = tpu.memref_slice %arg2[%dma_wait3A, %dma_wait3A_22] : memref<10000x64xf32, #tpu.memory_space<hbm>> -> memref<250x64xf32, #tpu.memory_space<hbm>>
      %dma_wait3A_24 = arith.constant 0 : i32
      %dma_wait3A_25 = arith.constant 0 : i32
      %dma_wait3A_26 = tpu.memref_slice %arg2[%dma_wait3A_24, %dma_wait3A_25] : memref<10000x64xf32, #tpu.memory_space<hbm>> -> memref<250x64xf32, #tpu.memory_space<hbm>>
      tpu.wait_dma2 semaphore(%arg13 : memref<!tpu.dma_semaphore, #tpu.memory_space<semaphore_mem>>) src(%dma_wait3A_26 : memref<250x64xf32, #tpu.memory_space<hbm>>) dst(%arg9 : memref<250x64xf32, #tpu.memory_space<vmem>>)
      %dma_wait3A_27 = arith.constant 0 : i32
      %dma_wait3A_28 = arith.constant 0 : i32
      %dma_wait3A_29 = tpu.memref_slice %arg3[%dma_wait3A_27, %dma_wait3A_28] : memref<10000x64xf32, #tpu.memory_space<hbm>> -> memref<250x64xf32, #tpu.memory_space<hbm>>
      %dma_wait3A_30 = arith.constant 0 : i32
      %dma_wait3A_31 = arith.constant 0 : i32
      %dma_wait3A_32 = tpu.memref_slice %arg3[%dma_wait3A_30, %dma_wait3A_31] : memref<10000x64xf32, #tpu.memory_space<hbm>> -> memref<250x64xf32, #tpu.memory_space<hbm>>
      tpu.wait_dma2 semaphore(%arg13 : memref<!tpu.dma_semaphore, #tpu.memory_space<semaphore_mem>>) src(%dma_wait3A_32 : memref<250x64xf32, #tpu.memory_space<hbm>>) dst(%arg10 : memref<250x64xf32, #tpu.memory_space<vmem>>)
      %add3A_33 = arith.constant 1 : i32
      %add3A_34 = arith.addi %mul3A_21, %add3A_33 : i32
      %dma_start3A_35 = arith.constant 0 : i32
      %dma_start3A_36 = tpu.memref_slice %arg7[%add3A_34, %dma_start3A_35] : memref<40x250xi32, #tpu.memory_space<vmem>> -> memref<1x250xi32, #tpu.memory_space<vmem>>
      %dma_start3A_37 = tpu.memref_squeeze %dma_start3A_36 : memref<1x250xi32, #tpu.memory_space<vmem>> -> memref<250xi32, #tpu.memory_space<vmem>>
      %dma_start3A_38 = arith.constant 0 : i32
      %dma_start3A_39 = arith.constant 0 : i32
      %dma_start3A_40 = tpu.memref_slice %arg2[%dma_start3A_38, %dma_start3A_39] : memref<10000x64xf32, #tpu.memory_space<hbm>> -> memref<10000x64xf32, #tpu.memory_space<hbm>>
      tpu.enqueue_indirect_dma source(%dma_start3A_40 : memref<10000x64xf32, #tpu.memory_space<hbm>>) target(%arg11 : memref<250x64xf32, #tpu.memory_space<vmem>>) offsets(%dma_start3A_37 : memref<250xi32, #tpu.memory_space<vmem>>) semaphore(%arg13 : memref<!tpu.dma_semaphore, #tpu.memory_space<semaphore_mem>>)
      %dma_start3A_41 = arith.constant 0 : i32
      %dma_start3A_42 = tpu.memref_slice %arg8[%add3A_34, %dma_start3A_41] : memref<40x250xi32, #tpu.memory_space<vmem>> -> memref<1x250xi32, #tpu.memory_space<vmem>>
      %dma_start3A_43 = tpu.memref_squeeze %dma_start3A_42 : memref<1x250xi32, #tpu.memory_space<vmem>> -> memref<250xi32, #tpu.memory_space<vmem>>
      %dma_start3A_44 = arith.constant 0 : i32
      %dma_start3A_45 = arith.constant 0 : i32
      %dma_start3A_46 = tpu.memref_slice %arg3[%dma_start3A_44, %dma_start3A_45] : memref<10000x64xf32, #tpu.memory_space<hbm>> -> memref<10000x64xf32, #tpu.memory_space<hbm>>
      tpu.enqueue_indirect_dma source(%dma_start3A_46 : memref<10000x64xf32, #tpu.memory_space<hbm>>) target(%arg12 : memref<250x64xf32, #tpu.memory_space<vmem>>) offsets(%dma_start3A_43 : memref<250xi32, #tpu.memory_space<vmem>>) semaphore(%arg13 : memref<!tpu.dma_semaphore, #tpu.memory_space<semaphore_mem>>)
      %scan3A_47 = arith.constant 0 : i32
      %scan3A_48 = arith.constant 0 : i32
      %scan3A_49 = arith.constant 250 : i32
      %scan3A_50 = arith.addi %scan3A_48, %scan3A_49 : i32
      %scan3A_51 = arith.constant 1 : i32
      scf.for %scan3A_85 = %scan3A_48 to %scan3A_50 step %scan3A_51  : i32 {
        %get3A = arith.index_cast %scan3A_85 : i32 to index
        %get3A_86 = arith.constant 0 : index
        %get3A_87 = tpu.vector_load %arg10[%get3A, %get3A_86] {strides = array<i32>} : memref<250x64xf32, #tpu.memory_space<vmem>>, vector<1x16xf32>,
        %get3A_88 = vector.shape_cast %get3A_87 : vector<1x16xf32> to vector<16xf32>
        %swap3A = arith.index_cast %scan3A_85 : i32 to index
        %swap3A_89 = arith.constant 0 : index
        %swap3A_90 = tpu.vector_load %arg9[%swap3A, %swap3A_89] {strides = array<i32>} : memref<250x64xf32, #tpu.memory_space<vmem>>, vector<1x16xf32>,
        %swap3A_91 = vector.shape_cast %swap3A_90 : vector<1x16xf32> to vector<16xf32>
        %swap3A_92 = vector.shape_cast %get3A_88 : vector<16xf32> to vector<1x16xf32>
        tpu.vector_store %arg9[%swap3A, %swap3A_89], %swap3A_92 {add = true, strides = array<i32>} : memref<250x64xf32, #tpu.memory_space<vmem>>, vector<1x16xf32>,
        %get3A_93 = arith.index_cast %scan3A_85 : i32 to index
        %get3A_94 = arith.constant 16 : index
        %get3A_95 = tpu.vector_load %arg10[%get3A_93, %get3A_94] {strides = array<i32>} : memref<250x64xf32, #tpu.memory_space<vmem>>, vector<1x16xf32>,
        %get3A_96 = vector.shape_cast %get3A_95 : vector<1x16xf32> to vector<16xf32>
        %swap3A_97 = arith.index_cast %scan3A_85 : i32 to index
        %swap3A_98 = arith.constant 16 : index
        %swap3A_99 = tpu.vector_load %arg9[%swap3A_97, %swap3A_98] {strides = array<i32>} : memref<250x64xf32, #tpu.memory_space<vmem>>, vector<1x16xf32>,
        %swap3A_100 = vector.shape_cast %swap3A_99 : vector<1x16xf32> to vector<16xf32>
        %swap3A_101 = vector.shape_cast %get3A_96 : vector<16xf32> to vector<1x16xf32>
        tpu.vector_store %arg9[%swap3A_97, %swap3A_98], %swap3A_101 {add = true, strides = array<i32>} : memref<250x64xf32, #tpu.memory_space<vmem>>, vector<1x16xf32>,
        %get3A_102 = arith.index_cast %scan3A_85 : i32 to index
        %get3A_103 = arith.constant 32 : index
        %get3A_104 = tpu.vector_load %arg10[%get3A_102, %get3A_103] {strides = array<i32>} : memref<250x64xf32, #tpu.memory_space<vmem>>, vector<1x16xf32>,
        %get3A_105 = vector.shape_cast %get3A_104 : vector<1x16xf32> to vector<16xf32>
        %swap3A_106 = arith.index_cast %scan3A_85 : i32 to index
        %swap3A_107 = arith.constant 32 : index
        %swap3A_108 = tpu.vector_load %arg9[%swap3A_106, %swap3A_107] {strides = array<i32>} : memref<250x64xf32, #tpu.memory_space<vmem>>, vector<1x16xf32>,
        %swap3A_109 = vector.shape_cast %swap3A_108 : vector<1x16xf32> to vector<16xf32>
        %swap3A_110 = vector.shape_cast %get3A_105 : vector<16xf32> to vector<1x16xf32>
        tpu.vector_store %arg9[%swap3A_106, %swap3A_107], %swap3A_110 {add = true, strides = array<i32>} : memref<250x64xf32, #tpu.memory_space<vmem>>, vector<1x16xf32>,
        %get3A_111 = arith.index_cast %scan3A_85 : i32 to index
        %get3A_112 = arith.constant 48 : index
        %get3A_113 = tpu.vector_load %arg10[%get3A_111, %get3A_112] {strides = array<i32>} : memref<250x64xf32, #tpu.memory_space<vmem>>, vector<1x16xf32>,
        %get3A_114 = vector.shape_cast %get3A_113 : vector<1x16xf32> to vector<16xf32>
        %swap3A_115 = arith.index_cast %scan3A_85 : i32 to index
        %swap3A_116 = arith.constant 48 : index
        %swap3A_117 = tpu.vector_load %arg9[%swap3A_115, %swap3A_116] {strides = array<i32>} : memref<250x64xf32, #tpu.memory_space<vmem>>, vector<1x16xf32>,
        %swap3A_118 = vector.shape_cast %swap3A_117 : vector<1x16xf32> to vector<16xf32>
        %swap3A_119 = vector.shape_cast %get3A_114 : vector<16xf32> to vector<1x16xf32>
        tpu.vector_store %arg9[%swap3A_115, %swap3A_116], %swap3A_119 {add = true, strides = array<i32>} : memref<250x64xf32, #tpu.memory_space<vmem>>, vector<1x16xf32>,
      }
      %scan3A_52 = arith.constant 250 : i32
      %mul3A_53 = arith.constant 10000 : i32
      %mul3A_54 = arith.muli %add3A, %mul3A_53 : i32
      %mul3A_55 = arith.constant 250 : i32
      %mul3A_56 = arith.muli %mul3A_21, %mul3A_55 : i32
      %add3A_57 = arith.addi %mul3A_54, %mul3A_56 : i32
      "tpu.region"() ({
        %run_scoped3A = tpu.sem_alloc : memref<!tpu.dma_semaphore, #tpu.memory_space<semaphore_mem>>
        %dma_start3A_85 = arith.constant 0 : i32
        %dma_start3A_86 = tpu.memref_slice %arg6[%add3A_57, %dma_start3A_85] : memref<320000x64xf32, #tpu.memory_space<hbm>> -> memref<250x64xf32, #tpu.memory_space<hbm>>
        %dma_start3A_87 = arith.constant 0 : i32
        %dma_start3A_88 = tpu.memref_slice %arg6[%add3A_57, %dma_start3A_87] : memref<320000x64xf32, #tpu.memory_space<hbm>> -> memref<250x64xf32, #tpu.memory_space<hbm>>
        tpu.enqueue_dma source(%arg9 : memref<250x64xf32, #tpu.memory_space<vmem>>) target(%dma_start3A_88 : memref<250x64xf32, #tpu.memory_space<hbm>>) target_semaphore(%run_scoped3A : memref<!tpu.dma_semaphore, #tpu.memory_space<semaphore_mem>>)
        %dma_wait3A_89 = arith.constant 0 : i32
        %dma_wait3A_90 = tpu.memref_slice %arg6[%add3A_57, %dma_wait3A_89] : memref<320000x64xf32, #tpu.memory_space<hbm>> -> memref<250x64xf32, #tpu.memory_space<hbm>>
        %dma_wait3A_91 = arith.constant 0 : i32
        %dma_wait3A_92 = tpu.memref_slice %arg6[%add3A_57, %dma_wait3A_91] : memref<320000x64xf32, #tpu.memory_space<hbm>> -> memref<250x64xf32, #tpu.memory_space<hbm>>
        tpu.wait_dma2 semaphore(%run_scoped3A : memref<!tpu.dma_semaphore, #tpu.memory_space<semaphore_mem>>) src(%arg9 : memref<250x64xf32, #tpu.memory_space<vmem>>) dst(%dma_wait3A_92 : memref<250x64xf32, #tpu.memory_space<hbm>>)
        tpu.yield
      }) : () -> ()
      %dma_wait3A_58 = arith.constant 0 : i32
      %dma_wait3A_59 = arith.constant 0 : i32
      %dma_wait3A_60 = tpu.memref_slice %arg2[%dma_wait3A_58, %dma_wait3A_59] : memref<10000x64xf32, #tpu.memory_space<hbm>> -> memref<250x64xf32, #tpu.memory_space<hbm>>
      %dma_wait3A_61 = arith.constant 0 : i32
      %dma_wait3A_62 = arith.constant 0 : i32
      %dma_wait3A_63 = tpu.memref_slice %arg2[%dma_wait3A_61, %dma_wait3A_62] : memref<10000x64xf32, #tpu.memory_space<hbm>> -> memref<250x64xf32, #tpu.memory_space<hbm>>
      tpu.wait_dma2 semaphore(%arg13 : memref<!tpu.dma_semaphore, #tpu.memory_space<semaphore_mem>>) src(%dma_wait3A_63 : memref<250x64xf32, #tpu.memory_space<hbm>>) dst(%arg11 : memref<250x64xf32, #tpu.memory_space<vmem>>)
      %dma_wait3A_64 = arith.constant 0 : i32
      %dma_wait3A_65 = arith.constant 0 : i32
      %dma_wait3A_66 = tpu.memref_slice %arg3[%dma_wait3A_64, %dma_wait3A_65] : memref<10000x64xf32, #tpu.memory_space<hbm>> -> memref<250x64xf32, #tpu.memory_space<hbm>>
      %dma_wait3A_67 = arith.constant 0 : i32
      %dma_wait3A_68 = arith.constant 0 : i32
      %dma_wait3A_69 = tpu.memref_slice %arg3[%dma_wait3A_67, %dma_wait3A_68] : memref<10000x64xf32, #tpu.memory_space<hbm>> -> memref<250x64xf32, #tpu.memory_space<hbm>>
      tpu.wait_dma2 semaphore(%arg13 : memref<!tpu.dma_semaphore, #tpu.memory_space<semaphore_mem>>) src(%dma_wait3A_69 : memref<250x64xf32, #tpu.memory_space<hbm>>) dst(%arg12 : memref<250x64xf32, #tpu.memory_space<vmem>>)
      %lt3A = arith.constant 19 : i32
      %lt3A_70 = arith.cmpi slt, %scan3A_19, %lt3A : i32
      %convert_element_type3A = arith.extui %lt3A_70 : i1 to i32
      %cond3A = arith.constant 0 : i32
      %cond3A_71 = arith.cmpi ne, %convert_element_type3A, %cond3A : i32
      scf.if %cond3A_71 {
        %add3A_85 = arith.constant 2 : i32
        %add3A_86 = arith.addi %mul3A_21, %add3A_85 : i32
        %dma_start3A_87 = arith.constant 0 : i32
        %dma_start3A_88 = tpu.memref_slice %arg7[%add3A_86, %dma_start3A_87] : memref<40x250xi32, #tpu.memory_space<vmem>> -> memref<1x250xi32, #tpu.memory_space<vmem>>
        %dma_start3A_89 = tpu.memref_squeeze %dma_start3A_88 : memref<1x250xi32, #tpu.memory_space<vmem>> -> memref<250xi32, #tpu.memory_space<vmem>>
        %dma_start3A_90 = arith.constant 0 : i32
        %dma_start3A_91 = arith.constant 0 : i32
        %dma_start3A_92 = tpu.memref_slice %arg2[%dma_start3A_90, %dma_start3A_91] : memref<10000x64xf32, #tpu.memory_space<hbm>> -> memref<10000x64xf32, #tpu.memory_space<hbm>>
        tpu.enqueue_indirect_dma source(%dma_start3A_92 : memref<10000x64xf32, #tpu.memory_space<hbm>>) target(%arg9 : memref<250x64xf32, #tpu.memory_space<vmem>>) offsets(%dma_start3A_89 : memref<250xi32, #tpu.memory_space<vmem>>) semaphore(%arg13 : memref<!tpu.dma_semaphore, #tpu.memory_space<semaphore_mem>>)
        %dma_start3A_93 = arith.constant 0 : i32
        %dma_start3A_94 = tpu.memref_slice %arg8[%add3A_86, %dma_start3A_93] : memref<40x250xi32, #tpu.memory_space<vmem>> -> memref<1x250xi32, #tpu.memory_space<vmem>>
        %dma_start3A_95 = tpu.memref_squeeze %dma_start3A_94 : memref<1x250xi32, #tpu.memory_space<vmem>> -> memref<250xi32, #tpu.memory_space<vmem>>
        %dma_start3A_96 = arith.constant 0 : i32
        %dma_start3A_97 = arith.constant 0 : i32
        %dma_start3A_98 = tpu.memref_slice %arg3[%dma_start3A_96, %dma_start3A_97] : memref<10000x64xf32, #tpu.memory_space<hbm>> -> memref<10000x64xf32, #tpu.memory_space<hbm>>
        tpu.enqueue_indirect_dma source(%dma_start3A_98 : memref<10000x64xf32, #tpu.memory_space<hbm>>) target(%arg10 : memref<250x64xf32, #tpu.memory_space<vmem>>) offsets(%dma_start3A_95 : memref<250xi32, #tpu.memory_space<vmem>>) semaphore(%arg13 : memref<!tpu.dma_semaphore, #tpu.memory_space<semaphore_mem>>)
      } else {
      }
      %add3A_72 = arith.constant 1 : i32
      %add3A_73 = arith.addi %mul3A_21, %add3A_72 : i32
      %scan3A_74 = arith.constant 0 : i32
      %scan3A_75 = arith.constant 0 : i32
      %scan3A_76 = arith.constant 250 : i32
      %scan3A_77 = arith.addi %scan3A_75, %scan3A_76 : i32
      %scan3A_78 = arith.constant 1 : i32
      scf.for %scan3A_85 = %scan3A_75 to %scan3A_77 step %scan3A_78  : i32 {
        %get3A = arith.index_cast %scan3A_85 : i32 to index
        %get3A_86 = arith.constant 0 : index
        %get3A_87 = tpu.vector_load %arg12[%get3A, %get3A_86] {strides = array<i32>} : memref<250x64xf32, #tpu.memory_space<vmem>>, vector<1x16xf32>,
        %get3A_88 = vector.shape_cast %get3A_87 : vector<1x16xf32> to vector<16xf32>
        %swap3A = arith.index_cast %scan3A_85 : i32 to index
        %swap3A_89 = arith.constant 0 : index
        %swap3A_90 = tpu.vector_load %arg11[%swap3A, %swap3A_89] {strides = array<i32>} : memref<250x64xf32, #tpu.memory_space<vmem>>, vector<1x16xf32>,
        %swap3A_91 = vector.shape_cast %swap3A_90 : vector<1x16xf32> to vector<16xf32>
        %swap3A_92 = vector.shape_cast %get3A_88 : vector<16xf32> to vector<1x16xf32>
        tpu.vector_store %arg11[%swap3A, %swap3A_89], %swap3A_92 {add = true, strides = array<i32>} : memref<250x64xf32, #tpu.memory_space<vmem>>, vector<1x16xf32>,
        %get3A_93 = arith.index_cast %scan3A_85 : i32 to index
        %get3A_94 = arith.constant 16 : index
        %get3A_95 = tpu.vector_load %arg12[%get3A_93, %get3A_94] {strides = array<i32>} : memref<250x64xf32, #tpu.memory_space<vmem>>, vector<1x16xf32>,
        %get3A_96 = vector.shape_cast %get3A_95 : vector<1x16xf32> to vector<16xf32>
        %swap3A_97 = arith.index_cast %scan3A_85 : i32 to index
        %swap3A_98 = arith.constant 16 : index
        %swap3A_99 = tpu.vector_load %arg11[%swap3A_97, %swap3A_98] {strides = array<i32>} : memref<250x64xf32, #tpu.memory_space<vmem>>, vector<1x16xf32>,
        %swap3A_100 = vector.shape_cast %swap3A_99 : vector<1x16xf32> to vector<16xf32>
        %swap3A_101 = vector.shape_cast %get3A_96 : vector<16xf32> to vector<1x16xf32>
        tpu.vector_store %arg11[%swap3A_97, %swap3A_98], %swap3A_101 {add = true, strides = array<i32>} : memref<250x64xf32, #tpu.memory_space<vmem>>, vector<1x16xf32>,
        %get3A_102 = arith.index_cast %scan3A_85 : i32 to index
        %get3A_103 = arith.constant 32 : index
        %get3A_104 = tpu.vector_load %arg12[%get3A_102, %get3A_103] {strides = array<i32>} : memref<250x64xf32, #tpu.memory_space<vmem>>, vector<1x16xf32>,
        %get3A_105 = vector.shape_cast %get3A_104 : vector<1x16xf32> to vector<16xf32>
        %swap3A_106 = arith.index_cast %scan3A_85 : i32 to index
        %swap3A_107 = arith.constant 32 : index
        %swap3A_108 = tpu.vector_load %arg11[%swap3A_106, %swap3A_107] {strides = array<i32>} : memref<250x64xf32, #tpu.memory_space<vmem>>, vector<1x16xf32>,
        %swap3A_109 = vector.shape_cast %swap3A_108 : vector<1x16xf32> to vector<16xf32>
        %swap3A_110 = vector.shape_cast %get3A_105 : vector<16xf32> to vector<1x16xf32>
        tpu.vector_store %arg11[%swap3A_106, %swap3A_107], %swap3A_110 {add = true, strides = array<i32>} : memref<250x64xf32, #tpu.memory_space<vmem>>, vector<1x16xf32>,
        %get3A_111 = arith.index_cast %scan3A_85 : i32 to index
        %get3A_112 = arith.constant 48 : index
        %get3A_113 = tpu.vector_load %arg12[%get3A_111, %get3A_112] {strides = array<i32>} : memref<250x64xf32, #tpu.memory_space<vmem>>, vector<1x16xf32>,
        %get3A_114 = vector.shape_cast %get3A_113 : vector<1x16xf32> to vector<16xf32>
        %swap3A_115 = arith.index_cast %scan3A_85 : i32 to index
        %swap3A_116 = arith.constant 48 : index
        %swap3A_117 = tpu.vector_load %arg11[%swap3A_115, %swap3A_116] {strides = array<i32>} : memref<250x64xf32, #tpu.memory_space<vmem>>, vector<1x16xf32>,
        %swap3A_118 = vector.shape_cast %swap3A_117 : vector<1x16xf32> to vector<16xf32>
        %swap3A_119 = vector.shape_cast %get3A_114 : vector<16xf32> to vector<1x16xf32>
        tpu.vector_store %arg11[%swap3A_115, %swap3A_116], %swap3A_119 {add = true, strides = array<i32>} : memref<250x64xf32, #tpu.memory_space<vmem>>, vector<1x16xf32>,
      }
      %scan3A_79 = arith.constant 250 : i32
      %mul3A_80 = arith.constant 10000 : i32
      %mul3A_81 = arith.muli %add3A, %mul3A_80 : i32
      %mul3A_82 = arith.constant 250 : i32
      %mul3A_83 = arith.muli %add3A_73, %mul3A_82 : i32
      %add3A_84 = arith.addi %mul3A_81, %mul3A_83 : i32
      "tpu.region"() ({
        %run_scoped3A = tpu.sem_alloc : memref<!tpu.dma_semaphore, #tpu.memory_space<semaphore_mem>>
        %dma_start3A_85 = arith.constant 0 : i32
        %dma_start3A_86 = tpu.memref_slice %arg6[%add3A_84, %dma_start3A_85] : memref<320000x64xf32, #tpu.memory_space<hbm>> -> memref<250x64xf32, #tpu.memory_space<hbm>>
        %dma_start3A_87 = arith.constant 0 : i32
        %dma_start3A_88 = tpu.memref_slice %arg6[%add3A_84, %dma_start3A_87] : memref<320000x64xf32, #tpu.memory_space<hbm>> -> memref<250x64xf32, #tpu.memory_space<hbm>>
        tpu.enqueue_dma source(%arg11 : memref<250x64xf32, #tpu.memory_space<vmem>>) target(%dma_start3A_88 : memref<250x64xf32, #tpu.memory_space<hbm>>) target_semaphore(%run_scoped3A : memref<!tpu.dma_semaphore, #tpu.memory_space<semaphore_mem>>)
        %dma_wait3A_89 = arith.constant 0 : i32
        %dma_wait3A_90 = tpu.memref_slice %arg6[%add3A_84, %dma_wait3A_89] : memref<320000x64xf32, #tpu.memory_space<hbm>> -> memref<250x64xf32, #tpu.memory_space<hbm>>
        %dma_wait3A_91 = arith.constant 0 : i32
        %dma_wait3A_92 = tpu.memref_slice %arg6[%add3A_84, %dma_wait3A_91] : memref<320000x64xf32, #tpu.memory_space<hbm>> -> memref<250x64xf32, #tpu.memory_space<hbm>>
        tpu.wait_dma2 semaphore(%run_scoped3A : memref<!tpu.dma_semaphore, #tpu.memory_space<semaphore_mem>>) src(%arg11 : memref<250x64xf32, #tpu.memory_space<vmem>>) dst(%dma_wait3A_92 : memref<250x64xf32, #tpu.memory_space<hbm>>)
        tpu.yield
      }) : () -> ()
    }
    %scan3A_18 = arith.constant 20 : i32
    return
  }
}

#map = affine_map<(d0, d1) -> (0, 0)>
#map1 = affine_map<(d0, d1) -> (0, 0, 0)>
module attributes {stable_mosaic.version = 14 : i64} {
  func.func @sc_scatter(%arg0: i32, %arg1: i32, %arg2: memref<320000x64xf32, #tpu.memory_space<hbm>>, %arg3: memref<32x20x500xi32, #tpu.memory_space<hbm>>, %arg4: memref<10000x64xf32, #tpu.memory_space<hbm>>, %arg5: memref<2x10000x64xf32, #tpu.memory_space<hbm>>, %arg6: memref<20x500xi32, #tpu.memory_space<vmem>>, %arg7: memref<500x64xf32, #tpu.memory_space<vmem>>, %arg8: memref<500x64xf32, #tpu.memory_space<vmem>>, %arg9: memref<10000x64xf32, #tpu.memory_space<vmem_shared>>, %arg10: memref<!tpu.dma_semaphore, #tpu.memory_space<semaphore_mem>>) attributes {dimension_semantics = [#tpu.dimension_semantics<core_parallel>, #tpu.dimension_semantics<subcore_parallel>], iteration_bounds = array<i64: 2, 16>, scalar_prefetch = 0 : i64, scratch_operands = 5 : i64, tpu.core_type = #tpu.core_type<sc_vector_subcore>, window_params = [{transform_indices = #map}, {transform_indices = #map1}, {transform_indices = #map}, {transform_indices = #map1}]} {
    %mul3A = arith.constant 2 : i32
    %mul3A_0 = arith.muli %arg1, %mul3A : i32
    %add3A = arith.addi %mul3A_0, %arg0 : i32
    %mul3A_1 = arith.constant 624 : i32
    %mul3A_2 = arith.muli %arg1, %mul3A_1 : i32
    "tpu.region"() ({
      %run_scoped3A = tpu.sem_alloc : memref<!tpu.dma_semaphore, #tpu.memory_space<semaphore_mem>>
      %dma_start3A_23 = arith.constant 0 : i32
      %dma_start3A_24 = tpu.memref_slice %arg9[%mul3A_2, %dma_start3A_23] : memref<10000x64xf32, #tpu.memory_space<vmem_shared>> -> memref<624x64xf32, #tpu.memory_space<vmem_shared>>
      %dma_start3A_25 = arith.constant 0 : i32
      %dma_start3A_26 = tpu.memref_slice %arg4[%mul3A_2, %dma_start3A_25] : memref<10000x64xf32, #tpu.memory_space<hbm>> -> memref<624x64xf32, #tpu.memory_space<hbm>>
      tpu.enqueue_dma source(%dma_start3A_26 : memref<624x64xf32, #tpu.memory_space<hbm>>) target(%dma_start3A_24 : memref<624x64xf32, #tpu.memory_space<vmem_shared>>) target_semaphore(%run_scoped3A : memref<!tpu.dma_semaphore, #tpu.memory_space<semaphore_mem>>)
      %dma_wait3A = arith.constant 0 : i32
      %dma_wait3A_27 = tpu.memref_slice %arg9[%mul3A_2, %dma_wait3A] : memref<10000x64xf32, #tpu.memory_space<vmem_shared>> -> memref<624x64xf32, #tpu.memory_space<vmem_shared>>
      %dma_wait3A_28 = arith.constant 0 : i32
      %dma_wait3A_29 = tpu.memref_slice %arg4[%mul3A_2, %dma_wait3A_28] : memref<10000x64xf32, #tpu.memory_space<hbm>> -> memref<624x64xf32, #tpu.memory_space<hbm>>
      tpu.wait_dma2 semaphore(%run_scoped3A : memref<!tpu.dma_semaphore, #tpu.memory_space<semaphore_mem>>) src(%dma_wait3A_29 : memref<624x64xf32, #tpu.memory_space<hbm>>) dst(%dma_wait3A_27 : memref<624x64xf32, #tpu.memory_space<vmem_shared>>)
      tpu.yield
    }) : () -> ()
    %eq3A = arith.constant 15 : i32
    %eq3A_3 = arith.cmpi eq, %arg1, %eq3A : i32
    %convert_element_type3A = arith.extui %eq3A_3 : i1 to i32
    %cond3A = arith.constant 0 : i32
    %cond3A_4 = arith.cmpi ne, %convert_element_type3A, %cond3A : i32
    scf.if %cond3A_4 {
      "tpu.region"() ({
        %run_scoped3A = tpu.sem_alloc : memref<!tpu.dma_semaphore, #tpu.memory_space<semaphore_mem>>
        %dma_start3A_23 = arith.constant 9984 : i32
        %dma_start3A_24 = arith.constant 0 : i32
        %dma_start3A_25 = tpu.memref_slice %arg9[%dma_start3A_23, %dma_start3A_24] : memref<10000x64xf32, #tpu.memory_space<vmem_shared>> -> memref<16x64xf32, #tpu.memory_space<vmem_shared>>
        %dma_start3A_26 = arith.constant 9984 : i32
        %dma_start3A_27 = arith.constant 0 : i32
        %dma_start3A_28 = tpu.memref_slice %arg4[%dma_start3A_26, %dma_start3A_27] : memref<10000x64xf32, #tpu.memory_space<hbm>> -> memref<16x64xf32, #tpu.memory_space<hbm>>
        tpu.enqueue_dma source(%dma_start3A_28 : memref<16x64xf32, #tpu.memory_space<hbm>>) target(%dma_start3A_25 : memref<16x64xf32, #tpu.memory_space<vmem_shared>>) target_semaphore(%run_scoped3A : memref<!tpu.dma_semaphore, #tpu.memory_space<semaphore_mem>>)
        %dma_wait3A = arith.constant 9984 : i32
        %dma_wait3A_29 = arith.constant 0 : i32
        %dma_wait3A_30 = tpu.memref_slice %arg9[%dma_wait3A, %dma_wait3A_29] : memref<10000x64xf32, #tpu.memory_space<vmem_shared>> -> memref<16x64xf32, #tpu.memory_space<vmem_shared>>
        %dma_wait3A_31 = arith.constant 9984 : i32
        %dma_wait3A_32 = arith.constant 0 : i32
        %dma_wait3A_33 = tpu.memref_slice %arg4[%dma_wait3A_31, %dma_wait3A_32] : memref<10000x64xf32, #tpu.memory_space<hbm>> -> memref<16x64xf32, #tpu.memory_space<hbm>>
        tpu.wait_dma2 semaphore(%run_scoped3A : memref<!tpu.dma_semaphore, #tpu.memory_space<semaphore_mem>>) src(%dma_wait3A_33 : memref<16x64xf32, #tpu.memory_space<hbm>>) dst(%dma_wait3A_30 : memref<16x64xf32, #tpu.memory_space<vmem_shared>>)
        tpu.yield
      }) : () -> ()
    } else {
    }
    %barrier3A = arith.constant 0 : index
    tpu.barrier barrier_id(%barrier3A)
    "tpu.region"() ({
      %run_scoped3A = tpu.sem_alloc : memref<!tpu.dma_semaphore, #tpu.memory_space<semaphore_mem>>
      %dma_start3A_23 = arith.constant 0 : i32
      %dma_start3A_24 = arith.constant 0 : i32
      %dma_start3A_25 = tpu.memref_slice %arg3[%add3A, %dma_start3A_23, %dma_start3A_24] : memref<32x20x500xi32, #tpu.memory_space<hbm>> -> memref<1x20x500xi32, #tpu.memory_space<hbm>>
      %dma_start3A_26 = tpu.memref_squeeze %dma_start3A_25 : memref<1x20x500xi32, #tpu.memory_space<hbm>> -> memref<20x500xi32, #tpu.memory_space<hbm>>
      %dma_start3A_27 = arith.constant 0 : i32
      %dma_start3A_28 = arith.constant 0 : i32
      %dma_start3A_29 = tpu.memref_slice %arg3[%add3A, %dma_start3A_27, %dma_start3A_28] : memref<32x20x500xi32, #tpu.memory_space<hbm>> -> memref<1x20x500xi32, #tpu.memory_space<hbm>>
      %dma_start3A_30 = tpu.memref_squeeze %dma_start3A_29 : memref<1x20x500xi32, #tpu.memory_space<hbm>> -> memref<20x500xi32, #tpu.memory_space<hbm>>
      tpu.enqueue_dma source(%dma_start3A_30 : memref<20x500xi32, #tpu.memory_space<hbm>>) target(%arg6 : memref<20x500xi32, #tpu.memory_space<vmem>>) target_semaphore(%run_scoped3A : memref<!tpu.dma_semaphore, #tpu.memory_space<semaphore_mem>>)
      %dma_wait3A = arith.constant 0 : i32
      %dma_wait3A_31 = arith.constant 0 : i32
      %dma_wait3A_32 = tpu.memref_slice %arg3[%add3A, %dma_wait3A, %dma_wait3A_31] : memref<32x20x500xi32, #tpu.memory_space<hbm>> -> memref<1x20x500xi32, #tpu.memory_space<hbm>>
      %dma_wait3A_33 = tpu.memref_squeeze %dma_wait3A_32 : memref<1x20x500xi32, #tpu.memory_space<hbm>> -> memref<20x500xi32, #tpu.memory_space<hbm>>
      %dma_wait3A_34 = arith.constant 0 : i32
      %dma_wait3A_35 = arith.constant 0 : i32
      %dma_wait3A_36 = tpu.memref_slice %arg3[%add3A, %dma_wait3A_34, %dma_wait3A_35] : memref<32x20x500xi32, #tpu.memory_space<hbm>> -> memref<1x20x500xi32, #tpu.memory_space<hbm>>
      %dma_wait3A_37 = tpu.memref_squeeze %dma_wait3A_36 : memref<1x20x500xi32, #tpu.memory_space<hbm>> -> memref<20x500xi32, #tpu.memory_space<hbm>>
      tpu.wait_dma2 semaphore(%run_scoped3A : memref<!tpu.dma_semaphore, #tpu.memory_space<semaphore_mem>>) src(%dma_wait3A_37 : memref<20x500xi32, #tpu.memory_space<hbm>>) dst(%arg6 : memref<20x500xi32, #tpu.memory_space<vmem>>)
      tpu.yield
    }) : () -> ()
    %mul3A_5 = arith.constant 10000 : i32
    %mul3A_6 = arith.muli %add3A, %mul3A_5 : i32
    %add3A_7 = arith.constant 0 : i32
    %add3A_8 = arith.addi %mul3A_6, %add3A_7 : i32
    %dma_start3A = arith.constant 0 : i32
    %dma_start3A_9 = tpu.memref_slice %arg2[%add3A_8, %dma_start3A] : memref<320000x64xf32, #tpu.memory_space<hbm>> -> memref<500x64xf32, #tpu.memory_space<hbm>>
    %dma_start3A_10 = arith.constant 0 : i32
    %dma_start3A_11 = tpu.memref_slice %arg2[%add3A_8, %dma_start3A_10] : memref<320000x64xf32, #tpu.memory_space<hbm>> -> memref<500x64xf32, #tpu.memory_space<hbm>>
    tpu.enqueue_dma source(%dma_start3A_11 : memref<500x64xf32, #tpu.memory_space<hbm>>) target(%arg7 : memref<500x64xf32, #tpu.memory_space<vmem>>) target_semaphore(%arg10 : memref<!tpu.dma_semaphore, #tpu.memory_space<semaphore_mem>>)
    %scan3A = arith.constant 0 : i32
    %scan3A_12 = arith.constant 0 : i32
    %scan3A_13 = arith.constant 10 : i32
    %scan3A_14 = arith.addi %scan3A_12, %scan3A_13 : i32
    %scan3A_15 = arith.constant 1 : i32
    scf.for %scan3A_23 = %scan3A_12 to %scan3A_14 step %scan3A_15  : i32 {
      %mul3A_24 = arith.constant 2 : i32
      %mul3A_25 = arith.muli %mul3A_24, %scan3A_23 : i32
      %dma_wait3A = arith.constant 0 : i32
      %dma_wait3A_26 = arith.constant 0 : i32
      %dma_wait3A_27 = tpu.memref_slice %arg2[%dma_wait3A, %dma_wait3A_26] : memref<320000x64xf32, #tpu.memory_space<hbm>> -> memref<500x64xf32, #tpu.memory_space<hbm>>
      %dma_wait3A_28 = arith.constant 0 : i32
      %dma_wait3A_29 = arith.constant 0 : i32
      %dma_wait3A_30 = tpu.memref_slice %arg2[%dma_wait3A_28, %dma_wait3A_29] : memref<320000x64xf32, #tpu.memory_space<hbm>> -> memref<500x64xf32, #tpu.memory_space<hbm>>
      tpu.wait_dma2 semaphore(%arg10 : memref<!tpu.dma_semaphore, #tpu.memory_space<semaphore_mem>>) src(%dma_wait3A_30 : memref<500x64xf32, #tpu.memory_space<hbm>>) dst(%arg7 : memref<500x64xf32, #tpu.memory_space<vmem>>)
      %add3A_31 = arith.constant 1 : i32
      %add3A_32 = arith.addi %mul3A_25, %add3A_31 : i32
      %mul3A_33 = arith.constant 10000 : i32
      %mul3A_34 = arith.muli %add3A, %mul3A_33 : i32
      %mul3A_35 = arith.constant 500 : i32
      %mul3A_36 = arith.muli %add3A_32, %mul3A_35 : i32
      %add3A_37 = arith.addi %mul3A_34, %mul3A_36 : i32
      %dma_start3A_38 = arith.constant 0 : i32
      %dma_start3A_39 = tpu.memref_slice %arg2[%add3A_37, %dma_start3A_38] : memref<320000x64xf32, #tpu.memory_space<hbm>> -> memref<500x64xf32, #tpu.memory_space<hbm>>
      %dma_start3A_40 = arith.constant 0 : i32
      %dma_start3A_41 = tpu.memref_slice %arg2[%add3A_37, %dma_start3A_40] : memref<320000x64xf32, #tpu.memory_space<hbm>> -> memref<500x64xf32, #tpu.memory_space<hbm>>
      tpu.enqueue_dma source(%dma_start3A_41 : memref<500x64xf32, #tpu.memory_space<hbm>>) target(%arg8 : memref<500x64xf32, #tpu.memory_space<vmem>>) target_semaphore(%arg10 : memref<!tpu.dma_semaphore, #tpu.memory_space<semaphore_mem>>)
      "tpu.region"() ({
        %run_scoped3A = tpu.sem_alloc : memref<!tpu.dma_semaphore, #tpu.memory_space<semaphore_mem>>
        %dma_start3A_54 = arith.constant 0 : i32
        %dma_start3A_55 = tpu.memref_slice %arg6[%mul3A_25, %dma_start3A_54] : memref<20x500xi32, #tpu.memory_space<vmem>> -> memref<1x500xi32, #tpu.memory_space<vmem>>
        %dma_start3A_56 = tpu.memref_squeeze %dma_start3A_55 : memref<1x500xi32, #tpu.memory_space<vmem>> -> memref<500xi32, #tpu.memory_space<vmem>>
        %dma_start3A_57 = arith.constant 0 : i32
        %dma_start3A_58 = arith.constant 0 : i32
        %dma_start3A_59 = tpu.memref_slice %arg9[%dma_start3A_57, %dma_start3A_58] : memref<10000x64xf32, #tpu.memory_space<vmem_shared>> -> memref<10000x64xf32, #tpu.memory_space<vmem_shared>>
        tpu.enqueue_indirect_dma source(%arg7 : memref<500x64xf32, #tpu.memory_space<vmem>>) target(%dma_start3A_59 : memref<10000x64xf32, #tpu.memory_space<vmem_shared>>) offsets(%dma_start3A_56 : memref<500xi32, #tpu.memory_space<vmem>>) semaphore(%run_scoped3A : memref<!tpu.dma_semaphore, #tpu.memory_space<semaphore_mem>>) {add = true}
        %dma_wait3A_60 = arith.constant 0 : i32
        %dma_wait3A_61 = tpu.memref_slice %arg6[%mul3A_25, %dma_wait3A_60] : memref<20x500xi32, #tpu.memory_space<vmem>> -> memref<1x500xi32, #tpu.memory_space<vmem>>
        %dma_wait3A_62 = tpu.memref_squeeze %dma_wait3A_61 : memref<1x500xi32, #tpu.memory_space<vmem>> -> memref<500xi32, #tpu.memory_space<vmem>>
        %dma_wait3A_63 = arith.constant 0 : i32
        %dma_wait3A_64 = arith.constant 0 : i32
        %dma_wait3A_65 = tpu.memref_slice %arg9[%dma_wait3A_63, %dma_wait3A_64] : memref<10000x64xf32, #tpu.memory_space<vmem_shared>> -> memref<10000x64xf32, #tpu.memory_space<vmem_shared>>
        tpu.wait_indirect_dma semaphore(%run_scoped3A : memref<!tpu.dma_semaphore, #tpu.memory_space<semaphore_mem>>) src(%arg7 : memref<500x64xf32, #tpu.memory_space<vmem>>) dst(%dma_wait3A_65 : memref<10000x64xf32, #tpu.memory_space<vmem_shared>>)
        tpu.yield
      }) : () -> ()
      %dma_wait3A_42 = arith.constant 0 : i32
      %dma_wait3A_43 = arith.constant 0 : i32
      %dma_wait3A_44 = tpu.memref_slice %arg2[%dma_wait3A_42, %dma_wait3A_43] : memref<320000x64xf32, #tpu.memory_space<hbm>> -> memref<500x64xf32, #tpu.memory_space<hbm>>
      %dma_wait3A_45 = arith.constant 0 : i32
      %dma_wait3A_46 = arith.constant 0 : i32
      %dma_wait3A_47 = tpu.memref_slice %arg2[%dma_wait3A_45, %dma_wait3A_46] : memref<320000x64xf32, #tpu.memory_space<hbm>> -> memref<500x64xf32, #tpu.memory_space<hbm>>
      tpu.wait_dma2 semaphore(%arg10 : memref<!tpu.dma_semaphore, #tpu.memory_space<semaphore_mem>>) src(%dma_wait3A_47 : memref<500x64xf32, #tpu.memory_space<hbm>>) dst(%arg8 : memref<500x64xf32, #tpu.memory_space<vmem>>)
      %lt3A = arith.constant 9 : i32
      %lt3A_48 = arith.cmpi slt, %scan3A_23, %lt3A : i32
      %convert_element_type3A_49 = arith.extui %lt3A_48 : i1 to i32
      %cond3A_50 = arith.constant 0 : i32
      %cond3A_51 = arith.cmpi ne, %convert_element_type3A_49, %cond3A_50 : i32
      scf.if %cond3A_51 {
        %add3A_54 = arith.constant 2 : i32
        %add3A_55 = arith.addi %mul3A_25, %add3A_54 : i32
        %mul3A_56 = arith.constant 10000 : i32
        %mul3A_57 = arith.muli %add3A, %mul3A_56 : i32
        %mul3A_58 = arith.constant 500 : i32
        %mul3A_59 = arith.muli %add3A_55, %mul3A_58 : i32
        %add3A_60 = arith.addi %mul3A_57, %mul3A_59 : i32
        %dma_start3A_61 = arith.constant 0 : i32
        %dma_start3A_62 = tpu.memref_slice %arg2[%add3A_60, %dma_start3A_61] : memref<320000x64xf32, #tpu.memory_space<hbm>> -> memref<500x64xf32, #tpu.memory_space<hbm>>
        %dma_start3A_63 = arith.constant 0 : i32
        %dma_start3A_64 = tpu.memref_slice %arg2[%add3A_60, %dma_start3A_63] : memref<320000x64xf32, #tpu.memory_space<hbm>> -> memref<500x64xf32, #tpu.memory_space<hbm>>
        tpu.enqueue_dma source(%dma_start3A_64 : memref<500x64xf32, #tpu.memory_space<hbm>>) target(%arg7 : memref<500x64xf32, #tpu.memory_space<vmem>>) target_semaphore(%arg10 : memref<!tpu.dma_semaphore, #tpu.memory_space<semaphore_mem>>)
      } else {
      }
      %add3A_52 = arith.constant 1 : i32
      %add3A_53 = arith.addi %mul3A_25, %add3A_52 : i32
      "tpu.region"() ({
        %run_scoped3A = tpu.sem_alloc : memref<!tpu.dma_semaphore, #tpu.memory_space<semaphore_mem>>
        %dma_start3A_54 = arith.constant 0 : i32
        %dma_start3A_55 = tpu.memref_slice %arg6[%add3A_53, %dma_start3A_54] : memref<20x500xi32, #tpu.memory_space<vmem>> -> memref<1x500xi32, #tpu.memory_space<vmem>>
        %dma_start3A_56 = tpu.memref_squeeze %dma_start3A_55 : memref<1x500xi32, #tpu.memory_space<vmem>> -> memref<500xi32, #tpu.memory_space<vmem>>
        %dma_start3A_57 = arith.constant 0 : i32
        %dma_start3A_58 = arith.constant 0 : i32
        %dma_start3A_59 = tpu.memref_slice %arg9[%dma_start3A_57, %dma_start3A_58] : memref<10000x64xf32, #tpu.memory_space<vmem_shared>> -> memref<10000x64xf32, #tpu.memory_space<vmem_shared>>
        tpu.enqueue_indirect_dma source(%arg8 : memref<500x64xf32, #tpu.memory_space<vmem>>) target(%dma_start3A_59 : memref<10000x64xf32, #tpu.memory_space<vmem_shared>>) offsets(%dma_start3A_56 : memref<500xi32, #tpu.memory_space<vmem>>) semaphore(%run_scoped3A : memref<!tpu.dma_semaphore, #tpu.memory_space<semaphore_mem>>) {add = true}
        %dma_wait3A_60 = arith.constant 0 : i32
        %dma_wait3A_61 = tpu.memref_slice %arg6[%add3A_53, %dma_wait3A_60] : memref<20x500xi32, #tpu.memory_space<vmem>> -> memref<1x500xi32, #tpu.memory_space<vmem>>
        %dma_wait3A_62 = tpu.memref_squeeze %dma_wait3A_61 : memref<1x500xi32, #tpu.memory_space<vmem>> -> memref<500xi32, #tpu.memory_space<vmem>>
        %dma_wait3A_63 = arith.constant 0 : i32
        %dma_wait3A_64 = arith.constant 0 : i32
        %dma_wait3A_65 = tpu.memref_slice %arg9[%dma_wait3A_63, %dma_wait3A_64] : memref<10000x64xf32, #tpu.memory_space<vmem_shared>> -> memref<10000x64xf32, #tpu.memory_space<vmem_shared>>
        tpu.wait_indirect_dma semaphore(%run_scoped3A : memref<!tpu.dma_semaphore, #tpu.memory_space<semaphore_mem>>) src(%arg8 : memref<500x64xf32, #tpu.memory_space<vmem>>) dst(%dma_wait3A_65 : memref<10000x64xf32, #tpu.memory_space<vmem_shared>>)
        tpu.yield
      }) : () -> ()
    }
    %scan3A_16 = arith.constant 10 : i32
    %barrier3A_17 = arith.constant 0 : index
    tpu.barrier barrier_id(%barrier3A_17)
    "tpu.region"() ({
      %run_scoped3A = tpu.sem_alloc : memref<!tpu.dma_semaphore, #tpu.memory_space<semaphore_mem>>
      %dma_start3A_23 = arith.constant 0 : i32
      %dma_start3A_24 = tpu.memref_slice %arg5[%arg0, %mul3A_2, %dma_start3A_23] : memref<2x10000x64xf32, #tpu.memory_space<hbm>> -> memref<1x624x64xf32, #tpu.memory_space<hbm>>
      %dma_start3A_25 = tpu.memref_squeeze %dma_start3A_24 : memref<1x624x64xf32, #tpu.memory_space<hbm>> -> memref<624x64xf32, #tpu.memory_space<hbm>>
      %dma_start3A_26 = arith.constant 0 : i32
      %dma_start3A_27 = tpu.memref_slice %arg9[%mul3A_2, %dma_start3A_26] : memref<10000x64xf32, #tpu.memory_space<vmem_shared>> -> memref<624x64xf32, #tpu.memory_space<vmem_shared>>
      tpu.enqueue_dma source(%dma_start3A_27 : memref<624x64xf32, #tpu.memory_space<vmem_shared>>) target(%dma_start3A_25 : memref<624x64xf32, #tpu.memory_space<hbm>>) target_semaphore(%run_scoped3A : memref<!tpu.dma_semaphore, #tpu.memory_space<semaphore_mem>>)
      %dma_wait3A = arith.constant 0 : i32
      %dma_wait3A_28 = tpu.memref_slice %arg5[%arg0, %mul3A_2, %dma_wait3A] : memref<2x10000x64xf32, #tpu.memory_space<hbm>> -> memref<1x624x64xf32, #tpu.memory_space<hbm>>
      %dma_wait3A_29 = tpu.memref_squeeze %dma_wait3A_28 : memref<1x624x64xf32, #tpu.memory_space<hbm>> -> memref<624x64xf32, #tpu.memory_space<hbm>>
      %dma_wait3A_30 = arith.constant 0 : i32
      %dma_wait3A_31 = tpu.memref_slice %arg9[%mul3A_2, %dma_wait3A_30] : memref<10000x64xf32, #tpu.memory_space<vmem_shared>> -> memref<624x64xf32, #tpu.memory_space<vmem_shared>>
      tpu.wait_dma2 semaphore(%run_scoped3A : memref<!tpu.dma_semaphore, #tpu.memory_space<semaphore_mem>>) src(%dma_wait3A_31 : memref<624x64xf32, #tpu.memory_space<vmem_shared>>) dst(%dma_wait3A_29 : memref<624x64xf32, #tpu.memory_space<hbm>>)
      tpu.yield
    }) : () -> ()
    %eq3A_18 = arith.constant 15 : i32
    %eq3A_19 = arith.cmpi eq, %arg1, %eq3A_18 : i32
    %convert_element_type3A_20 = arith.extui %eq3A_19 : i1 to i32
    %cond3A_21 = arith.constant 0 : i32
    %cond3A_22 = arith.cmpi ne, %convert_element_type3A_20, %cond3A_21 : i32
    scf.if %cond3A_22 {
      "tpu.region"() ({
        %run_scoped3A = tpu.sem_alloc : memref<!tpu.dma_semaphore, #tpu.memory_space<semaphore_mem>>
        %dma_start3A_23 = arith.constant 9984 : i32
        %dma_start3A_24 = arith.constant 0 : i32
        %dma_start3A_25 = tpu.memref_slice %arg5[%arg0, %dma_start3A_23, %dma_start3A_24] : memref<2x10000x64xf32, #tpu.memory_space<hbm>> -> memref<1x16x64xf32, #tpu.memory_space<hbm>>
        %dma_start3A_26 = tpu.memref_squeeze %dma_start3A_25 : memref<1x16x64xf32, #tpu.memory_space<hbm>> -> memref<16x64xf32, #tpu.memory_space<hbm>>
        %dma_start3A_27 = arith.constant 9984 : i32
        %dma_start3A_28 = arith.constant 0 : i32
        %dma_start3A_29 = tpu.memref_slice %arg9[%dma_start3A_27, %dma_start3A_28] : memref<10000x64xf32, #tpu.memory_space<vmem_shared>> -> memref<16x64xf32, #tpu.memory_space<vmem_shared>>
        tpu.enqueue_dma source(%dma_start3A_29 : memref<16x64xf32, #tpu.memory_space<vmem_shared>>) target(%dma_start3A_26 : memref<16x64xf32, #tpu.memory_space<hbm>>) target_semaphore(%run_scoped3A : memref<!tpu.dma_semaphore, #tpu.memory_space<semaphore_mem>>)
        %dma_wait3A = arith.constant 9984 : i32
        %dma_wait3A_30 = arith.constant 0 : i32
        %dma_wait3A_31 = tpu.memref_slice %arg5[%arg0, %dma_wait3A, %dma_wait3A_30] : memref<2x10000x64xf32, #tpu.memory_space<hbm>> -> memref<1x16x64xf32, #tpu.memory_space<hbm>>
        %dma_wait3A_32 = tpu.memref_squeeze %dma_wait3A_31 : memref<1x16x64xf32, #tpu.memory_space<hbm>> -> memref<16x64xf32, #tpu.memory_space<hbm>>
        %dma_wait3A_33 = arith.constant 9984 : i32
        %dma_wait3A_34 = arith.constant 0 : i32
        %dma_wait3A_35 = tpu.memref_slice %arg9[%dma_wait3A_33, %dma_wait3A_34] : memref<10000x64xf32, #tpu.memory_space<vmem_shared>> -> memref<16x64xf32, #tpu.memory_space<vmem_shared>>
        tpu.wait_dma2 semaphore(%run_scoped3A : memref<!tpu.dma_semaphore, #tpu.memory_space<semaphore_mem>>) src(%dma_wait3A_35 : memref<16x64xf32, #tpu.memory_space<vmem_shared>>) dst(%dma_wait3A_32 : memref<16x64xf32, #tpu.memory_space<hbm>>)
        tpu.yield
      }) : () -> ()
    } else {
    }
    return
  }
}

module attributes {stable_mosaic.version = 14 : i64} {
  func.func @_prep_body(%arg0: i32, %arg1: memref<2000x128xf32, #tpu.memory_space<vmem>>, %arg2: memref<128x64xf32, #tpu.memory_space<vmem>>, %arg3: memref<128x64xf32, #tpu.memory_space<vmem>>, %arg4: memref<2000x64xf32, #tpu.memory_space<vmem>>, %arg5: memref<2000x64xf32, #tpu.memory_space<vmem>>) attributes {dimension_semantics = [#tpu.dimension_semantics<arbitrary>], iteration_bounds = array<i64: 5>, scalar_prefetch = 0 : i64, scratch_operands = 0 : i64, tpu.core_type = #tpu.core_type<tc>, window_params = [{transform_indices = @transform_0, window_bounds = array<i64: 2000, 128>}, {pipeline_mode = #tpu.pipeline_mode<synchronous>, transform_indices = @transform_1, window_bounds = array<i64: 128, 64>}, {pipeline_mode = #tpu.pipeline_mode<synchronous>, transform_indices = @transform_2, window_bounds = array<i64: 128, 64>}, {transform_indices = @transform_3, window_bounds = array<i64: 2000, 64>}, {transform_indices = @transform_4, window_bounds = array<i64: 2000, 64>}]} {
    %get3A = arith.constant 0 : index
    %get3A_0 = arith.constant 0 : index
    %get3A_1 = vector.load %arg1[%get3A, %get3A_0] : memref<2000x128xf32, #tpu.memory_space<vmem>>, vector<2000x128xf32>
    %get3A_2 = arith.constant 0 : index
    %get3A_3 = arith.constant 0 : index
    %get3A_4 = vector.load %arg2[%get3A_2, %get3A_3] : memref<128x64xf32, #tpu.memory_space<vmem>>, vector<128x64xf32>
    %dot_general3A = arith.constant dense<0.000000e+00> : vector<2000x64xf32>
    %dot_general3A_5 = tpu.matmul %get3A_1, %get3A_4, %dot_general3A {dimension_numbers = #tpu.dot_dimension_numbers<[1], [0], [0], [1], [0, 0, 1, 1], [], []>, transpose_lhs_hint = false} : vector<2000x128xf32>, vector<128x64xf32>, vector<2000x64xf32> -> vector<2000x64xf32>
    %swap3A = arith.constant 0 : index
    %swap3A_6 = arith.constant 0 : index
    %swap3A_7 = vector.load %arg4[%swap3A, %swap3A_6] : memref<2000x64xf32, #tpu.memory_space<vmem>>, vector<2000x64xf32>
    tpu.vector_store %arg4[%swap3A, %swap3A_6], %dot_general3A_5 {strides = array<i32>} : memref<2000x64xf32, #tpu.memory_space<vmem>>, vector<2000x64xf32>,
    %get3A_8 = arith.constant 0 : index
    %get3A_9 = arith.constant 0 : index
    %get3A_10 = vector.load %arg3[%get3A_8, %get3A_9] : memref<128x64xf32, #tpu.memory_space<vmem>>, vector<128x64xf32>
    %dot_general3A_11 = arith.constant dense<0.000000e+00> : vector<2000x64xf32>
    %dot_general3A_12 = tpu.matmul %get3A_1, %get3A_10, %dot_general3A_11 {dimension_numbers = #tpu.dot_dimension_numbers<[1], [0], [0], [1], [0, 0, 1, 1], [], []>, transpose_lhs_hint = false} : vector<2000x128xf32>, vector<128x64xf32>, vector<2000x64xf32> -> vector<2000x64xf32>
    %swap3A_13 = arith.constant 0 : index
    %swap3A_14 = arith.constant 0 : index
    %swap3A_15 = vector.load %arg5[%swap3A_13, %swap3A_14] : memref<2000x64xf32, #tpu.memory_space<vmem>>, vector<2000x64xf32>
    tpu.vector_store %arg5[%swap3A_13, %swap3A_14], %dot_general3A_12 {strides = array<i32>} : memref<2000x64xf32, #tpu.memory_space<vmem>>, vector<2000x64xf32>,
    return
  }
  func.func @transform_0(%arg0: i32) -> (i32, i32) {
    %c0_i32 = arith.constant 0 : i32
    %c0_i32_0 = arith.constant 0 : i32
    return %arg0, %c0_i32 : i32, i32
  }
  func.func @transform_1(%arg0: i32) -> (i32, i32) {
    %c0_i32 = arith.constant 0 : i32
    %c0_i32_0 = arith.constant 0 : i32
    %c0_i32_1 = arith.constant 0 : i32
    return %c0_i32, %c0_i32_0 : i32, i32
  }
  func.func @transform_2(%arg0: i32) -> (i32, i32) {
    %c0_i32 = arith.constant 0 : i32
    %c0_i32_0 = arith.constant 0 : i32
    %c0_i32_1 = arith.constant 0 : i32
    return %c0_i32, %c0_i32_0 : i32, i32
  }
  func.func @transform_3(%arg0: i32) -> (i32, i32) {
    %c0_i32 = arith.constant 0 : i32
    %c0_i32_0 = arith.constant 0 : i32
    return %arg0, %c0_i32 : i32, i32
  }
  func.func @transform_4(%arg0: i32) -> (i32, i32) {
    %c0_i32 = arith.constant 0 : i32
    %c0_i32_0 = arith.constant 0 : i32
    return %arg0, %c0_i32 : i32, i32
  }
}

module attributes {stable_mosaic.version = 14 : i64} {
  func.func @_edge_body(%arg0: i32, %arg1: memref<1600x128xf32, #tpu.memory_space<vmem>>, %arg2: memref<400x128xf32, #tpu.memory_space<vmem>>, %arg3: memref<32x128xf32, #tpu.memory_space<vmem>>, %arg4: memref<1x128xf32, #tpu.memory_space<vmem>>, %arg5: memref<128x128xf32, #tpu.memory_space<vmem>>, %arg6: memref<1x128xf32, #tpu.memory_space<vmem>>, %arg7: memref<32x128xf32, #tpu.memory_space<vmem>>, %arg8: memref<1x128xf32, #tpu.memory_space<vmem>>, %arg9: memref<1600x128xf32, #tpu.memory_space<vmem>>) attributes {dimension_semantics = [#tpu.dimension_semantics<arbitrary>], iteration_bounds = array<i64: 100>, scalar_prefetch = 0 : i64, scratch_operands = 0 : i64, tpu.core_type = #tpu.core_type<tc>, window_params = [{transform_indices = @transform_0, window_bounds = array<i64: 1600, 128>}, {transform_indices = @transform_1, window_bounds = array<i64: 400, 128>}, {pipeline_mode = #tpu.pipeline_mode<synchronous>, transform_indices = @transform_2, window_bounds = array<i64: 32, 128>}, {pipeline_mode = #tpu.pipeline_mode<synchronous>, transform_indices = @transform_3, window_bounds = array<i64: 1, 128>}, {pipeline_mode = #tpu.pipeline_mode<synchronous>, transform_indices = @transform_4, window_bounds = array<i64: 128, 128>}, {pipeline_mode = #tpu.pipeline_mode<synchronous>, transform_indices = @transform_5, window_bounds = array<i64: 1, 128>}, {pipeline_mode = #tpu.pipeline_mode<synchronous>, transform_indices = @transform_6, window_bounds = array<i64: 32, 128>}, {pipeline_mode = #tpu.pipeline_mode<synchronous>, transform_indices = @transform_7, window_bounds = array<i64: 1, 128>}, {transform_indices = @transform_8, window_bounds = array<i64: 1600, 128>}]} {
    %get3A = arith.constant 0 : index
    %get3A_0 = arith.constant 0 : index
    %get3A_1 = vector.load %arg2[%get3A, %get3A_0] : memref<400x128xf32, #tpu.memory_space<vmem>>, vector<400x128xf32>
    %slice3A = vector.extract_strided_slice %get3A_1 {offsets = [0, 0], sizes = [400, 32], strides = [1, 1]} : vector<400x128xf32> to vector<400x32xf32>
    %slice3A_2 = vector.extract_strided_slice %get3A_1 {offsets = [0, 32], sizes = [400, 32], strides = [1, 1]} : vector<400x128xf32> to vector<400x32xf32>
    %slice3A_3 = vector.extract_strided_slice %get3A_1 {offsets = [0, 64], sizes = [400, 32], strides = [1, 1]} : vector<400x128xf32> to vector<400x32xf32>
    %slice3A_4 = vector.extract_strided_slice %get3A_1 {offsets = [0, 96], sizes = [400, 32], strides = [1, 1]} : vector<400x128xf32> to vector<400x32xf32>
    %concatenate3A = tpu.concatenate %slice3A, %slice3A_2, %slice3A_3, %slice3A_4 in 0 : vector<400x32xf32>, vector<400x32xf32>, vector<400x32xf32>, vector<400x32xf32> -> vector<1600x32xf32>
    %get3A_5 = arith.constant 0 : index
    %get3A_6 = arith.constant 0 : index
    %get3A_7 = vector.load %arg1[%get3A_5, %get3A_6] : memref<1600x128xf32, #tpu.memory_space<vmem>>, vector<1600x128xf32>
    %get3A_8 = arith.constant 0 : index
    %get3A_9 = arith.constant 0 : index
    %get3A_10 = vector.load %arg3[%get3A_8, %get3A_9] : memref<32x128xf32, #tpu.memory_space<vmem>>, vector<32x128xf32>
    %dot_general3A = arith.constant dense<0.000000e+00> : vector<1600x128xf32>
    %dot_general3A_11 = tpu.matmul %concatenate3A, %get3A_10, %dot_general3A {dimension_numbers = #tpu.dot_dimension_numbers<[1], [0], [0], [1], [0, 0, 1, 1], [], []>, transpose_lhs_hint = false} : vector<1600x32xf32>, vector<32x128xf32>, vector<1600x128xf32> -> vector<1600x128xf32>
    %add3A = arith.addf %get3A_7, %dot_general3A_11 : vector<1600x128xf32>
    %get3A_12 = arith.constant 0 : index
    %get3A_13 = arith.constant 0 : index
    %get3A_14 = vector.load %arg4[%get3A_12, %get3A_13] : memref<1x128xf32, #tpu.memory_space<vmem>>, vector<1x128xf32>
    %add3A_15 = vector.broadcast %get3A_14 : vector<1x128xf32> to vector<1600x128xf32>
    %add3A_16 = arith.addf %add3A, %add3A_15 : vector<1600x128xf32>
    %max3A = arith.constant 0.000000e+00 : f32
    %max3A_17 = vector.broadcast %max3A : f32 to vector<1600x128xf32>
    %max3A_18 = arith.maximumf %add3A_16, %max3A_17 : vector<1600x128xf32>
    %get3A_19 = arith.constant 0 : index
    %get3A_20 = arith.constant 0 : index
    %get3A_21 = vector.load %arg5[%get3A_19, %get3A_20] : memref<128x128xf32, #tpu.memory_space<vmem>>, vector<128x128xf32>
    %dot_general3A_22 = arith.constant dense<0.000000e+00> : vector<1600x128xf32>
    %dot_general3A_23 = tpu.matmul %max3A_18, %get3A_21, %dot_general3A_22 {dimension_numbers = #tpu.dot_dimension_numbers<[1], [0], [0], [1], [0, 0, 1, 1], [], []>, transpose_lhs_hint = false} : vector<1600x128xf32>, vector<128x128xf32>, vector<1600x128xf32> -> vector<1600x128xf32>
    %get3A_24 = arith.constant 0 : index
    %get3A_25 = arith.constant 0 : index
    %get3A_26 = vector.load %arg6[%get3A_24, %get3A_25] : memref<1x128xf32, #tpu.memory_space<vmem>>, vector<1x128xf32>
    %add3A_27 = vector.broadcast %get3A_26 : vector<1x128xf32> to vector<1600x128xf32>
    %add3A_28 = arith.addf %dot_general3A_23, %add3A_27 : vector<1600x128xf32>
    %get3A_29 = arith.constant 0 : index
    %get3A_30 = arith.constant 0 : index
    %get3A_31 = vector.load %arg7[%get3A_29, %get3A_30] : memref<32x128xf32, #tpu.memory_space<vmem>>, vector<32x128xf32>
    %dot_general3A_32 = arith.constant dense<0.000000e+00> : vector<1600x128xf32>
    %dot_general3A_33 = tpu.matmul %concatenate3A, %get3A_31, %dot_general3A_32 {dimension_numbers = #tpu.dot_dimension_numbers<[1], [0], [0], [1], [0, 0, 1, 1], [], []>, transpose_lhs_hint = false} : vector<1600x32xf32>, vector<32x128xf32>, vector<1600x128xf32> -> vector<1600x128xf32>
    %get3A_34 = arith.constant 0 : index
    %get3A_35 = arith.constant 0 : index
    %get3A_36 = vector.load %arg8[%get3A_34, %get3A_35] : memref<1x128xf32, #tpu.memory_space<vmem>>, vector<1x128xf32>
    %add3A_37 = vector.broadcast %get3A_36 : vector<1x128xf32> to vector<1600x128xf32>
    %add3A_38 = arith.addf %dot_general3A_33, %add3A_37 : vector<1600x128xf32>
    %logistic3A = arith.negf %add3A_38 : vector<1600x128xf32>
    %logistic3A_39 = math.exp %logistic3A : vector<1600x128xf32>
    %logistic3A_40 = arith.constant 1.000000e+00 : f32
    %logistic3A_41 = vector.broadcast %logistic3A_40 : f32 to vector<1600x128xf32>
    %logistic3A_42 = arith.addf %logistic3A_41, %logistic3A_39 : vector<1600x128xf32>
    %logistic3A_43 = arith.divf %logistic3A_41, %logistic3A_42 : vector<1600x128xf32>
    %mul3A = arith.mulf %add3A_28, %logistic3A_43 : vector<1600x128xf32>
    %swap3A = arith.constant 0 : index
    %swap3A_44 = arith.constant 0 : index
    %swap3A_45 = vector.load %arg9[%swap3A, %swap3A_44] : memref<1600x128xf32, #tpu.memory_space<vmem>>, vector<1600x128xf32>
    tpu.vector_store %arg9[%swap3A, %swap3A_44], %mul3A {strides = array<i32>} : memref<1600x128xf32, #tpu.memory_space<vmem>>, vector<1600x128xf32>,
    return
  }
  func.func @transform_0(%arg0: i32) -> (i32, i32) {
    %c0_i32 = arith.constant 0 : i32
    %c0_i32_0 = arith.constant 0 : i32
    return %arg0, %c0_i32 : i32, i32
  }
  func.func @transform_1(%arg0: i32) -> (i32, i32) {
    %c0_i32 = arith.constant 0 : i32
    %c0_i32_0 = arith.constant 0 : i32
    return %arg0, %c0_i32 : i32, i32
  }
  func.func @transform_2(%arg0: i32) -> (i32, i32) {
    %c0_i32 = arith.constant 0 : i32
    %c0_i32_0 = arith.constant 0 : i32
    %c0_i32_1 = arith.constant 0 : i32
    return %c0_i32, %c0_i32_0 : i32, i32
  }
  func.func @transform_3(%arg0: i32) -> (i32, i32) {
    %c0_i32 = arith.constant 0 : i32
    %c0_i32_0 = arith.constant 0 : i32
    %c0_i32_1 = arith.constant 0 : i32
    return %c0_i32, %c0_i32_0 : i32, i32
  }
  func.func @transform_4(%arg0: i32) -> (i32, i32) {
    %c0_i32 = arith.constant 0 : i32
    %c0_i32_0 = arith.constant 0 : i32
    %c0_i32_1 = arith.constant 0 : i32
    return %c0_i32, %c0_i32_0 : i32, i32
  }
  func.func @transform_5(%arg0: i32) -> (i32, i32) {
    %c0_i32 = arith.constant 0 : i32
    %c0_i32_0 = arith.constant 0 : i32
    %c0_i32_1 = arith.constant 0 : i32
    return %c0_i32, %c0_i32_0 : i32, i32
  }
  func.func @transform_6(%arg0: i32) -> (i32, i32) {
    %c0_i32 = arith.constant 0 : i32
    %c0_i32_0 = arith.constant 0 : i32
    %c0_i32_1 = arith.constant 0 : i32
    return %c0_i32, %c0_i32_0 : i32, i32
  }
  func.func @transform_7(%arg0: i32) -> (i32, i32) {
    %c0_i32 = arith.constant 0 : i32
    %c0_i32_0 = arith.constant 0 : i32
    %c0_i32_1 = arith.constant 0 : i32
    return %c0_i32, %c0_i32_0 : i32, i32
  }
  func.func @transform_8(%arg0: i32) -> (i32, i32) {
    %c0_i32 = arith.constant 0 : i32
    %c0_i32_0 = arith.constant 0 : i32
    return %arg0, %c0_i32 : i32, i32
  }
}

module attributes {stable_mosaic.version = 14 : i64} {
  func.func @body(%arg0: i32, %arg1: memref<2000x128xf32, #tpu.memory_space<vmem>>, %arg2: memref<2x2000x64xf32, #tpu.memory_space<vmem>>, %arg3: memref<2x2000x16xf32, #tpu.memory_space<vmem>>, %arg4: memref<128x64xf32, #tpu.memory_space<vmem>>, %arg5: memref<64x64xf32, #tpu.memory_space<vmem>>, %arg6: memref<1x64xf32, #tpu.memory_space<vmem>>, %arg7: memref<64x64xf32, #tpu.memory_space<vmem>>, %arg8: memref<1x64xf32, #tpu.memory_space<vmem>>, %arg9: memref<128x64xf32, #tpu.memory_space<vmem>>, %arg10: memref<1x64xf32, #tpu.memory_space<vmem>>, %arg11: memref<1x64xf32, #tpu.memory_space<vmem>>, %arg12: memref<1x64xf32, #tpu.memory_space<vmem>>, %arg13: memref<64x64xf32, #tpu.memory_space<vmem>>, %arg14: memref<64x64xf32, #tpu.memory_space<vmem>>, %arg15: memref<2000x64xf32, #tpu.memory_space<vmem>>, %arg16: memref<2000x64xf32, #tpu.memory_space<vmem>>, %arg17: memref<2000x64xf32, #tpu.memory_space<vmem>>) attributes {dimension_semantics = [#tpu.dimension_semantics<arbitrary>], iteration_bounds = array<i64: 5>, scalar_prefetch = 0 : i64, scratch_operands = 0 : i64, tpu.core_type = #tpu.core_type<tc>, window_params = [{transform_indices = @transform_0, window_bounds = array<i64: 2000, 128>}, {transform_indices = @transform_1, window_bounds = array<i64: 2, 2000, 64>}, {transform_indices = @transform_2, window_bounds = array<i64: 2, 2000, 16>}, {pipeline_mode = #tpu.pipeline_mode<synchronous>, transform_indices = @transform_3, window_bounds = array<i64: 128, 64>}, {pipeline_mode = #tpu.pipeline_mode<synchronous>, transform_indices = @transform_4, window_bounds = array<i64: 64, 64>}, {pipeline_mode = #tpu.pipeline_mode<synchronous>, transform_indices = @transform_5, window_bounds = array<i64: 1, 64>}, {pipeline_mode = #tpu.pipeline_mode<synchronous>, transform_indices = @transform_6, window_bounds = array<i64: 64, 64>}, {pipeline_mode = #tpu.pipeline_mode<synchronous>, transform_indices = @transform_7, window_bounds = array<i64: 1, 64>}, {pipeline_mode = #tpu.pipeline_mode<synchronous>, transform_indices = @transform_8, window_bounds = array<i64: 128, 64>}, {pipeline_mode = #tpu.pipeline_mode<synchronous>, transform_indices = @transform_9, window_bounds = array<i64: 1, 64>}, {pipeline_mode = #tpu.pipeline_mode<synchronous>, transform_indices = @transform_10, window_bounds = array<i64: 1, 64>}, {pipeline_mode = #tpu.pipeline_mode<synchronous>, transform_indices = @transform_11, window_bounds = array<i64: 1, 64>}, {pipeline_mode = #tpu.pipeline_mode<synchronous>, transform_indices = @transform_12, window_bounds = array<i64: 64, 64>}, {pipeline_mode = #tpu.pipeline_mode<synchronous>, transform_indices = @transform_13, window_bounds = array<i64: 64, 64>}, {transform_indices = @transform_14, window_bounds = array<i64: 2000, 64>}, {transform_indices = @transform_15, window_bounds = array<i64: 2000, 64>}, {transform_indices = @transform_16, window_bounds = array<i64: 2000, 64>}]} {
    %get3A = arith.constant 0 : index
    %get3A_0 = arith.constant 0 : index
    %get3A_1 = vector.load %arg1[%get3A, %get3A_0] : memref<2000x128xf32, #tpu.memory_space<vmem>>, vector<2000x128xf32>
    %get3A_2 = arith.constant 0 : index
    %get3A_3 = arith.constant 0 : index
    %get3A_4 = arith.constant 0 : index
    %get3A_5 = vector.load %arg2[%get3A_2, %get3A_3, %get3A_4] : memref<2x2000x64xf32, #tpu.memory_space<vmem>>, vector<1x2000x64xf32>
    %get3A_6 = vector.shape_cast %get3A_5 : vector<1x2000x64xf32> to vector<2000x64xf32>
    %get3A_7 = arith.constant 1 : index
    %get3A_8 = arith.constant 0 : index
    %get3A_9 = arith.constant 0 : index
    %get3A_10 = vector.load %arg2[%get3A_7, %get3A_8, %get3A_9] : memref<2x2000x64xf32, #tpu.memory_space<vmem>>, vector<1x2000x64xf32>
    %get3A_11 = vector.shape_cast %get3A_10 : vector<1x2000x64xf32> to vector<2000x64xf32>
    %add3A = arith.addf %get3A_6, %get3A_11 : vector<2000x64xf32>
    %get3A_12 = arith.constant 0 : index
    %get3A_13 = arith.constant 0 : index
    %get3A_14 = arith.constant 0 : index
    %get3A_15 = vector.load %arg3[%get3A_12, %get3A_13, %get3A_14] : memref<2x2000x16xf32, #tpu.memory_space<vmem>>, vector<1x2000x1xf32>
    %get3A_16 = vector.shape_cast %get3A_15 : vector<1x2000x1xf32> to vector<2000x1xf32>
    %get3A_17 = arith.constant 1 : index
    %get3A_18 = arith.constant 0 : index
    %get3A_19 = arith.constant 0 : index
    %get3A_20 = vector.load %arg3[%get3A_17, %get3A_18, %get3A_19] : memref<2x2000x16xf32, #tpu.memory_space<vmem>>, vector<1x2000x1xf32>
    %get3A_21 = vector.shape_cast %get3A_20 : vector<1x2000x1xf32> to vector<2000x1xf32>
    %add3A_22 = arith.addf %get3A_16, %get3A_21 : vector<2000x1xf32>
    %max3A = arith.constant 1.000000e+00 : f32
    %max3A_23 = vector.broadcast %max3A : f32 to vector<2000x1xf32>
    %max3A_24 = arith.maximumf %add3A_22, %max3A_23 : vector<2000x1xf32>
    %div3A = vector.broadcast %max3A_24 : vector<2000x1xf32> to vector<2000x64xf32>
    %div3A_25 = arith.divf %add3A, %div3A : vector<2000x64xf32>
    %get3A_26 = arith.constant 0 : index
    %get3A_27 = arith.constant 0 : index
    %get3A_28 = vector.load %arg4[%get3A_26, %get3A_27] : memref<128x64xf32, #tpu.memory_space<vmem>>, vector<128x64xf32>
    %dot_general3A = arith.constant dense<0.000000e+00> : vector<2000x64xf32>
    %dot_general3A_29 = tpu.matmul %get3A_1, %get3A_28, %dot_general3A {dimension_numbers = #tpu.dot_dimension_numbers<[1], [0], [0], [1], [0, 0, 1, 1], [], []>, transpose_lhs_hint = false} : vector<2000x128xf32>, vector<128x64xf32>, vector<2000x64xf32> -> vector<2000x64xf32>
    %get3A_30 = arith.constant 0 : index
    %get3A_31 = arith.constant 0 : index
    %get3A_32 = vector.load %arg5[%get3A_30, %get3A_31] : memref<64x64xf32, #tpu.memory_space<vmem>>, vector<64x64xf32>
    %dot_general3A_33 = arith.constant dense<0.000000e+00> : vector<2000x64xf32>
    %dot_general3A_34 = tpu.matmul %div3A_25, %get3A_32, %dot_general3A_33 {dimension_numbers = #tpu.dot_dimension_numbers<[1], [0], [0], [1], [0, 0, 1, 1], [], []>, transpose_lhs_hint = false} : vector<2000x64xf32>, vector<64x64xf32>, vector<2000x64xf32> -> vector<2000x64xf32>
    %add3A_35 = arith.addf %dot_general3A_29, %dot_general3A_34 : vector<2000x64xf32>
    %get3A_36 = arith.constant 0 : index
    %get3A_37 = arith.constant 0 : index
    %get3A_38 = vector.load %arg6[%get3A_36, %get3A_37] : memref<1x64xf32, #tpu.memory_space<vmem>>, vector<1x64xf32>
    %add3A_39 = vector.broadcast %get3A_38 : vector<1x64xf32> to vector<2000x64xf32>
    %add3A_40 = arith.addf %add3A_35, %add3A_39 : vector<2000x64xf32>
    %max3A_41 = arith.constant 0.000000e+00 : f32
    %max3A_42 = vector.broadcast %max3A_41 : f32 to vector<2000x64xf32>
    %max3A_43 = arith.maximumf %add3A_40, %max3A_42 : vector<2000x64xf32>
    %get3A_44 = arith.constant 0 : index
    %get3A_45 = arith.constant 0 : index
    %get3A_46 = vector.load %arg7[%get3A_44, %get3A_45] : memref<64x64xf32, #tpu.memory_space<vmem>>, vector<64x64xf32>
    %dot_general3A_47 = arith.constant dense<0.000000e+00> : vector<2000x64xf32>
    %dot_general3A_48 = tpu.matmul %max3A_43, %get3A_46, %dot_general3A_47 {dimension_numbers = #tpu.dot_dimension_numbers<[1], [0], [0], [1], [0, 0, 1, 1], [], []>, transpose_lhs_hint = false} : vector<2000x64xf32>, vector<64x64xf32>, vector<2000x64xf32> -> vector<2000x64xf32>
    %get3A_49 = arith.constant 0 : index
    %get3A_50 = arith.constant 0 : index
    %get3A_51 = vector.load %arg8[%get3A_49, %get3A_50] : memref<1x64xf32, #tpu.memory_space<vmem>>, vector<1x64xf32>
    %add3A_52 = vector.broadcast %get3A_51 : vector<1x64xf32> to vector<2000x64xf32>
    %add3A_53 = arith.addf %dot_general3A_48, %add3A_52 : vector<2000x64xf32>
    %get3A_54 = arith.constant 0 : index
    %get3A_55 = arith.constant 0 : index
    %get3A_56 = vector.load %arg9[%get3A_54, %get3A_55] : memref<128x64xf32, #tpu.memory_space<vmem>>, vector<128x64xf32>
    %dot_general3A_57 = arith.constant dense<0.000000e+00> : vector<2000x64xf32>
    %dot_general3A_58 = tpu.matmul %get3A_1, %get3A_56, %dot_general3A_57 {dimension_numbers = #tpu.dot_dimension_numbers<[1], [0], [0], [1], [0, 0, 1, 1], [], []>, transpose_lhs_hint = false} : vector<2000x128xf32>, vector<128x64xf32>, vector<2000x64xf32> -> vector<2000x64xf32>
    %get3A_59 = arith.constant 0 : index
    %get3A_60 = arith.constant 0 : index
    %get3A_61 = vector.load %arg10[%get3A_59, %get3A_60] : memref<1x64xf32, #tpu.memory_space<vmem>>, vector<1x64xf32>
    %add3A_62 = vector.broadcast %get3A_61 : vector<1x64xf32> to vector<2000x64xf32>
    %add3A_63 = arith.addf %dot_general3A_58, %add3A_62 : vector<2000x64xf32>
    %add3A_64 = arith.addf %add3A_53, %add3A_63 : vector<2000x64xf32>
    %reduce_sum3A = arith.constant dense<0.000000e+00> : vector<2000xf32>
    %reduce_sum3A_65 = vector.multi_reduction <add>, %add3A_64, %reduce_sum3A [1] : vector<2000x64xf32> to vector<2000xf32>
    %broadcast_in_dim3A = vector.shape_cast %reduce_sum3A_65 : vector<2000xf32> to vector<2000x1xf32>
    %div3A_66 = arith.constant 6.400000e+01 : f32
    %div3A_67 = vector.broadcast %div3A_66 : f32 to vector<2000x1xf32>
    %div3A_68 = arith.divf %broadcast_in_dim3A, %div3A_67 : vector<2000x1xf32>
    %sub3A = vector.broadcast %div3A_68 : vector<2000x1xf32> to vector<2000x64xf32>
    %sub3A_69 = arith.subf %add3A_64, %sub3A : vector<2000x64xf32>
    %sub3A_70 = vector.broadcast %div3A_68 : vector<2000x1xf32> to vector<2000x64xf32>
    %sub3A_71 = arith.subf %add3A_64, %sub3A_70 : vector<2000x64xf32>
    %mul3A = arith.mulf %sub3A_69, %sub3A_71 : vector<2000x64xf32>
    %reduce_sum3A_72 = arith.constant dense<0.000000e+00> : vector<2000xf32>
    %reduce_sum3A_73 = vector.multi_reduction <add>, %mul3A, %reduce_sum3A_72 [1] : vector<2000x64xf32> to vector<2000xf32>
    %broadcast_in_dim3A_74 = vector.shape_cast %reduce_sum3A_73 : vector<2000xf32> to vector<2000x1xf32>
    %div3A_75 = arith.constant 6.400000e+01 : f32
    %div3A_76 = vector.broadcast %div3A_75 : f32 to vector<2000x1xf32>
    %div3A_77 = arith.divf %broadcast_in_dim3A_74, %div3A_76 : vector<2000x1xf32>
    %sub3A_78 = vector.broadcast %div3A_68 : vector<2000x1xf32> to vector<2000x64xf32>
    %sub3A_79 = arith.subf %add3A_64, %sub3A_78 : vector<2000x64xf32>
    %add3A_80 = arith.constant 9.99999974E-6 : f32
    %add3A_81 = vector.broadcast %add3A_80 : f32 to vector<2000x1xf32>
    %add3A_82 = arith.addf %div3A_77, %add3A_81 : vector<2000x1xf32>
    %rsqrt3A = math.rsqrt %add3A_82 : vector<2000x1xf32>
    %mul3A_83 = vector.broadcast %rsqrt3A : vector<2000x1xf32> to vector<2000x64xf32>
    %mul3A_84 = arith.mulf %sub3A_79, %mul3A_83 : vector<2000x64xf32>
    %get3A_85 = arith.constant 0 : index
    %get3A_86 = arith.constant 0 : index
    %get3A_87 = vector.load %arg11[%get3A_85, %get3A_86] : memref<1x64xf32, #tpu.memory_space<vmem>>, vector<1x64xf32>
    %mul3A_88 = vector.broadcast %get3A_87 : vector<1x64xf32> to vector<2000x64xf32>
    %mul3A_89 = arith.mulf %mul3A_84, %mul3A_88 : vector<2000x64xf32>
    %get3A_90 = arith.constant 0 : index
    %get3A_91 = arith.constant 0 : index
    %get3A_92 = vector.load %arg12[%get3A_90, %get3A_91] : memref<1x64xf32, #tpu.memory_space<vmem>>, vector<1x64xf32>
    %add3A_93 = vector.broadcast %get3A_92 : vector<1x64xf32> to vector<2000x64xf32>
    %add3A_94 = arith.addf %mul3A_89, %add3A_93 : vector<2000x64xf32>
    %max3A_95 = arith.constant 0.000000e+00 : f32
    %max3A_96 = vector.broadcast %max3A_95 : f32 to vector<2000x64xf32>
    %max3A_97 = arith.maximumf %add3A_94, %max3A_96 : vector<2000x64xf32>
    %swap3A = arith.constant 0 : index
    %swap3A_98 = arith.constant 0 : index
    %swap3A_99 = vector.load %arg15[%swap3A, %swap3A_98] : memref<2000x64xf32, #tpu.memory_space<vmem>>, vector<2000x64xf32>
    tpu.vector_store %arg15[%swap3A, %swap3A_98], %max3A_97 {strides = array<i32>} : memref<2000x64xf32, #tpu.memory_space<vmem>>, vector<2000x64xf32>,
    %get3A_100 = arith.constant 0 : index
    %get3A_101 = arith.constant 0 : index
    %get3A_102 = vector.load %arg13[%get3A_100, %get3A_101] : memref<64x64xf32, #tpu.memory_space<vmem>>, vector<64x64xf32>
    %dot_general3A_103 = arith.constant dense<0.000000e+00> : vector<2000x64xf32>
    %dot_general3A_104 = tpu.matmul %max3A_97, %get3A_102, %dot_general3A_103 {dimension_numbers = #tpu.dot_dimension_numbers<[1], [0], [0], [1], [0, 0, 1, 1], [], []>, transpose_lhs_hint = false} : vector<2000x64xf32>, vector<64x64xf32>, vector<2000x64xf32> -> vector<2000x64xf32>
    %swap3A_105 = arith.constant 0 : index
    %swap3A_106 = arith.constant 0 : index
    %swap3A_107 = vector.load %arg16[%swap3A_105, %swap3A_106] : memref<2000x64xf32, #tpu.memory_space<vmem>>, vector<2000x64xf32>
    tpu.vector_store %arg16[%swap3A_105, %swap3A_106], %dot_general3A_104 {strides = array<i32>} : memref<2000x64xf32, #tpu.memory_space<vmem>>, vector<2000x64xf32>,
    %get3A_108 = arith.constant 0 : index
    %get3A_109 = arith.constant 0 : index
    %get3A_110 = vector.load %arg14[%get3A_108, %get3A_109] : memref<64x64xf32, #tpu.memory_space<vmem>>, vector<64x64xf32>
    %dot_general3A_111 = arith.constant dense<0.000000e+00> : vector<2000x64xf32>
    %dot_general3A_112 = tpu.matmul %max3A_97, %get3A_110, %dot_general3A_111 {dimension_numbers = #tpu.dot_dimension_numbers<[1], [0], [0], [1], [0, 0, 1, 1], [], []>, transpose_lhs_hint = false} : vector<2000x64xf32>, vector<64x64xf32>, vector<2000x64xf32> -> vector<2000x64xf32>
    %swap3A_113 = arith.constant 0 : index
    %swap3A_114 = arith.constant 0 : index
    %swap3A_115 = vector.load %arg17[%swap3A_113, %swap3A_114] : memref<2000x64xf32, #tpu.memory_space<vmem>>, vector<2000x64xf32>
    tpu.vector_store %arg17[%swap3A_113, %swap3A_114], %dot_general3A_112 {strides = array<i32>} : memref<2000x64xf32, #tpu.memory_space<vmem>>, vector<2000x64xf32>,
    return
  }
  func.func @transform_0(%arg0: i32) -> (i32, i32) {
    %c0_i32 = arith.constant 0 : i32
    %c0_i32_0 = arith.constant 0 : i32
    return %arg0, %c0_i32 : i32, i32
  }
  func.func @transform_1(%arg0: i32) -> (i32, i32, i32) {
    %c0_i32 = arith.constant 0 : i32
    %c0_i32_0 = arith.constant 0 : i32
    %c0_i32_1 = arith.constant 0 : i32
    return %c0_i32, %arg0, %c0_i32_0 : i32, i32, i32
  }
  func.func @transform_2(%arg0: i32) -> (i32, i32, i32) {
    %c0_i32 = arith.constant 0 : i32
    %c0_i32_0 = arith.constant 0 : i32
    %c0_i32_1 = arith.constant 0 : i32
    return %c0_i32, %arg0, %c0_i32_0 : i32, i32, i32
  }
  func.func @transform_3(%arg0: i32) -> (i32, i32) {
    %c0_i32 = arith.constant 0 : i32
    %c0_i32_0 = arith.constant 0 : i32
    %c0_i32_1 = arith.constant 0 : i32
    return %c0_i32, %c0_i32_0 : i32, i32
  }
  func.func @transform_4(%arg0: i32) -> (i32, i32) {
    %c0_i32 = arith.constant 0 : i32
    %c0_i32_0 = arith.constant 0 : i32
    %c0_i32_1 = arith.constant 0 : i32
    return %c0_i32, %c0_i32_0 : i32, i32
  }
  func.func @transform_5(%arg0: i32) -> (i32, i32) {
    %c0_i32 = arith.constant 0 : i32
    %c0_i32_0 = arith.constant 0 : i32
    %c0_i32_1 = arith.constant 0 : i32
    return %c0_i32, %c0_i32_0 : i32, i32
  }
  func.func @transform_6(%arg0: i32) -> (i32, i32) {
    %c0_i32 = arith.constant 0 : i32
    %c0_i32_0 = arith.constant 0 : i32
    %c0_i32_1 = arith.constant 0 : i32
    return %c0_i32, %c0_i32_0 : i32, i32
  }
  func.func @transform_7(%arg0: i32) -> (i32, i32) {
    %c0_i32 = arith.constant 0 : i32
    %c0_i32_0 = arith.constant 0 : i32
    %c0_i32_1 = arith.constant 0 : i32
    return %c0_i32, %c0_i32_0 : i32, i32
  }
  func.func @transform_8(%arg0: i32) -> (i32, i32) {
    %c0_i32 = arith.constant 0 : i32
    %c0_i32_0 = arith.constant 0 : i32
    %c0_i32_1 = arith.constant 0 : i32
    return %c0_i32, %c0_i32_0 : i32, i32
  }
  func.func @transform_9(%arg0: i32) -> (i32, i32) {
    %c0_i32 = arith.constant 0 : i32
    %c0_i32_0 = arith.constant 0 : i32
    %c0_i32_1 = arith.constant 0 : i32
    return %c0_i32, %c0_i32_0 : i32, i32
  }
  func.func @transform_10(%arg0: i32) -> (i32, i32) {
    %c0_i32 = arith.constant 0 : i32
    %c0_i32_0 = arith.constant 0 : i32
    %c0_i32_1 = arith.constant 0 : i32
    return %c0_i32, %c0_i32_0 : i32, i32
  }
  func.func @transform_11(%arg0: i32) -> (i32, i32) {
    %c0_i32 = arith.constant 0 : i32
    %c0_i32_0 = arith.constant 0 : i32
    %c0_i32_1 = arith.constant 0 : i32
    return %c0_i32, %c0_i32_0 : i32, i32
  }
  func.func @transform_12(%arg0: i32) -> (i32, i32) {
    %c0_i32 = arith.constant 0 : i32
    %c0_i32_0 = arith.constant 0 : i32
    %c0_i32_1 = arith.constant 0 : i32
    return %c0_i32, %c0_i32_0 : i32, i32
  }
  func.func @transform_13(%arg0: i32) -> (i32, i32) {
    %c0_i32 = arith.constant 0 : i32
    %c0_i32_0 = arith.constant 0 : i32
    %c0_i32_1 = arith.constant 0 : i32
    return %c0_i32, %c0_i32_0 : i32, i32
  }
  func.func @transform_14(%arg0: i32) -> (i32, i32) {
    %c0_i32 = arith.constant 0 : i32
    %c0_i32_0 = arith.constant 0 : i32
    return %arg0, %c0_i32 : i32, i32
  }
  func.func @transform_15(%arg0: i32) -> (i32, i32) {
    %c0_i32 = arith.constant 0 : i32
    %c0_i32_0 = arith.constant 0 : i32
    return %arg0, %c0_i32 : i32, i32
  }
  func.func @transform_16(%arg0: i32) -> (i32, i32) {
    %c0_i32 = arith.constant 0 : i32
    %c0_i32_0 = arith.constant 0 : i32
    return %arg0, %c0_i32 : i32, i32
  }
}

module attributes {stable_mosaic.version = 14 : i64} {
  func.func @body(%arg0: i32, %arg1: memref<2000x64xf32, #tpu.memory_space<vmem>>, %arg2: memref<2x2000x64xf32, #tpu.memory_space<vmem>>, %arg3: memref<2x2000x16xf32, #tpu.memory_space<vmem>>, %arg4: memref<64x64xf32, #tpu.memory_space<vmem>>, %arg5: memref<64x64xf32, #tpu.memory_space<vmem>>, %arg6: memref<1x64xf32, #tpu.memory_space<vmem>>, %arg7: memref<64x64xf32, #tpu.memory_space<vmem>>, %arg8: memref<1x64xf32, #tpu.memory_space<vmem>>, %arg9: memref<1x64xf32, #tpu.memory_space<vmem>>, %arg10: memref<1x64xf32, #tpu.memory_space<vmem>>, %arg11: memref<64x64xf32, #tpu.memory_space<vmem>>, %arg12: memref<64x64xf32, #tpu.memory_space<vmem>>, %arg13: memref<2000x64xf32, #tpu.memory_space<vmem>>, %arg14: memref<2000x64xf32, #tpu.memory_space<vmem>>, %arg15: memref<2000x64xf32, #tpu.memory_space<vmem>>) attributes {dimension_semantics = [#tpu.dimension_semantics<arbitrary>], iteration_bounds = array<i64: 5>, scalar_prefetch = 0 : i64, scratch_operands = 0 : i64, tpu.core_type = #tpu.core_type<tc>, window_params = [{transform_indices = @transform_0, window_bounds = array<i64: 2000, 64>}, {transform_indices = @transform_1, window_bounds = array<i64: 2, 2000, 64>}, {transform_indices = @transform_2, window_bounds = array<i64: 2, 2000, 16>}, {pipeline_mode = #tpu.pipeline_mode<synchronous>, transform_indices = @transform_3, window_bounds = array<i64: 64, 64>}, {pipeline_mode = #tpu.pipeline_mode<synchronous>, transform_indices = @transform_4, window_bounds = array<i64: 64, 64>}, {pipeline_mode = #tpu.pipeline_mode<synchronous>, transform_indices = @transform_5, window_bounds = array<i64: 1, 64>}, {pipeline_mode = #tpu.pipeline_mode<synchronous>, transform_indices = @transform_6, window_bounds = array<i64: 64, 64>}, {pipeline_mode = #tpu.pipeline_mode<synchronous>, transform_indices = @transform_7, window_bounds = array<i64: 1, 64>}, {pipeline_mode = #tpu.pipeline_mode<synchronous>, transform_indices = @transform_8, window_bounds = array<i64: 1, 64>}, {pipeline_mode = #tpu.pipeline_mode<synchronous>, transform_indices = @transform_9, window_bounds = array<i64: 1, 64>}, {pipeline_mode = #tpu.pipeline_mode<synchronous>, transform_indices = @transform_10, window_bounds = array<i64: 64, 64>}, {pipeline_mode = #tpu.pipeline_mode<synchronous>, transform_indices = @transform_11, window_bounds = array<i64: 64, 64>}, {transform_indices = @transform_12, window_bounds = array<i64: 2000, 64>}, {transform_indices = @transform_13, window_bounds = array<i64: 2000, 64>}, {transform_indices = @transform_14, window_bounds = array<i64: 2000, 64>}]} {
    %get3A = arith.constant 0 : index
    %get3A_0 = arith.constant 0 : index
    %get3A_1 = vector.load %arg1[%get3A, %get3A_0] : memref<2000x64xf32, #tpu.memory_space<vmem>>, vector<2000x64xf32>
    %get3A_2 = arith.constant 0 : index
    %get3A_3 = arith.constant 0 : index
    %get3A_4 = arith.constant 0 : index
    %get3A_5 = vector.load %arg2[%get3A_2, %get3A_3, %get3A_4] : memref<2x2000x64xf32, #tpu.memory_space<vmem>>, vector<1x2000x64xf32>
    %get3A_6 = vector.shape_cast %get3A_5 : vector<1x2000x64xf32> to vector<2000x64xf32>
    %get3A_7 = arith.constant 1 : index
    %get3A_8 = arith.constant 0 : index
    %get3A_9 = arith.constant 0 : index
    %get3A_10 = vector.load %arg2[%get3A_7, %get3A_8, %get3A_9] : memref<2x2000x64xf32, #tpu.memory_space<vmem>>, vector<1x2000x64xf32>
    %get3A_11 = vector.shape_cast %get3A_10 : vector<1x2000x64xf32> to vector<2000x64xf32>
    %add3A = arith.addf %get3A_6, %get3A_11 : vector<2000x64xf32>
    %get3A_12 = arith.constant 0 : index
    %get3A_13 = arith.constant 0 : index
    %get3A_14 = arith.constant 0 : index
    %get3A_15 = vector.load %arg3[%get3A_12, %get3A_13, %get3A_14] : memref<2x2000x16xf32, #tpu.memory_space<vmem>>, vector<1x2000x1xf32>
    %get3A_16 = vector.shape_cast %get3A_15 : vector<1x2000x1xf32> to vector<2000x1xf32>
    %get3A_17 = arith.constant 1 : index
    %get3A_18 = arith.constant 0 : index
    %get3A_19 = arith.constant 0 : index
    %get3A_20 = vector.load %arg3[%get3A_17, %get3A_18, %get3A_19] : memref<2x2000x16xf32, #tpu.memory_space<vmem>>, vector<1x2000x1xf32>
    %get3A_21 = vector.shape_cast %get3A_20 : vector<1x2000x1xf32> to vector<2000x1xf32>
    %add3A_22 = arith.addf %get3A_16, %get3A_21 : vector<2000x1xf32>
    %max3A = arith.constant 1.000000e+00 : f32
    %max3A_23 = vector.broadcast %max3A : f32 to vector<2000x1xf32>
    %max3A_24 = arith.maximumf %add3A_22, %max3A_23 : vector<2000x1xf32>
    %div3A = vector.broadcast %max3A_24 : vector<2000x1xf32> to vector<2000x64xf32>
    %div3A_25 = arith.divf %add3A, %div3A : vector<2000x64xf32>
    %get3A_26 = arith.constant 0 : index
    %get3A_27 = arith.constant 0 : index
    %get3A_28 = vector.load %arg4[%get3A_26, %get3A_27] : memref<64x64xf32, #tpu.memory_space<vmem>>, vector<64x64xf32>
    %dot_general3A = arith.constant dense<0.000000e+00> : vector<2000x64xf32>
    %dot_general3A_29 = tpu.matmul %get3A_1, %get3A_28, %dot_general3A {dimension_numbers = #tpu.dot_dimension_numbers<[1], [0], [0], [1], [0, 0, 1, 1], [], []>, transpose_lhs_hint = false} : vector<2000x64xf32>, vector<64x64xf32>, vector<2000x64xf32> -> vector<2000x64xf32>
    %get3A_30 = arith.constant 0 : index
    %get3A_31 = arith.constant 0 : index
    %get3A_32 = vector.load %arg5[%get3A_30, %get3A_31] : memref<64x64xf32, #tpu.memory_space<vmem>>, vector<64x64xf32>
    %dot_general3A_33 = arith.constant dense<0.000000e+00> : vector<2000x64xf32>
    %dot_general3A_34 = tpu.matmul %div3A_25, %get3A_32, %dot_general3A_33 {dimension_numbers = #tpu.dot_dimension_numbers<[1], [0], [0], [1], [0, 0, 1, 1], [], []>, transpose_lhs_hint = false} : vector<2000x64xf32>, vector<64x64xf32>, vector<2000x64xf32> -> vector<2000x64xf32>
    %add3A_35 = arith.addf %dot_general3A_29, %dot_general3A_34 : vector<2000x64xf32>
    %get3A_36 = arith.constant 0 : index
    %get3A_37 = arith.constant 0 : index
    %get3A_38 = vector.load %arg6[%get3A_36, %get3A_37] : memref<1x64xf32, #tpu.memory_space<vmem>>, vector<1x64xf32>
    %add3A_39 = vector.broadcast %get3A_38 : vector<1x64xf32> to vector<2000x64xf32>
    %add3A_40 = arith.addf %add3A_35, %add3A_39 : vector<2000x64xf32>
    %max3A_41 = arith.constant 0.000000e+00 : f32
    %max3A_42 = vector.broadcast %max3A_41 : f32 to vector<2000x64xf32>
    %max3A_43 = arith.maximumf %add3A_40, %max3A_42 : vector<2000x64xf32>
    %get3A_44 = arith.constant 0 : index
    %get3A_45 = arith.constant 0 : index
    %get3A_46 = vector.load %arg7[%get3A_44, %get3A_45] : memref<64x64xf32, #tpu.memory_space<vmem>>, vector<64x64xf32>
    %dot_general3A_47 = arith.constant dense<0.000000e+00> : vector<2000x64xf32>
    %dot_general3A_48 = tpu.matmul %max3A_43, %get3A_46, %dot_general3A_47 {dimension_numbers = #tpu.dot_dimension_numbers<[1], [0], [0], [1], [0, 0, 1, 1], [], []>, transpose_lhs_hint = false} : vector<2000x64xf32>, vector<64x64xf32>, vector<2000x64xf32> -> vector<2000x64xf32>
    %get3A_49 = arith.constant 0 : index
    %get3A_50 = arith.constant 0 : index
    %get3A_51 = vector.load %arg8[%get3A_49, %get3A_50] : memref<1x64xf32, #tpu.memory_space<vmem>>, vector<1x64xf32>
    %add3A_52 = vector.broadcast %get3A_51 : vector<1x64xf32> to vector<2000x64xf32>
    %add3A_53 = arith.addf %dot_general3A_48, %add3A_52 : vector<2000x64xf32>
    %add3A_54 = arith.addf %add3A_53, %get3A_1 : vector<2000x64xf32>
    %reduce_sum3A = arith.constant dense<0.000000e+00> : vector<2000xf32>
    %reduce_sum3A_55 = vector.multi_reduction <add>, %add3A_54, %reduce_sum3A [1] : vector<2000x64xf32> to vector<2000xf32>
    %broadcast_in_dim3A = vector.shape_cast %reduce_sum3A_55 : vector<2000xf32> to vector<2000x1xf32>
    %div3A_56 = arith.constant 6.400000e+01 : f32
    %div3A_57 = vector.broadcast %div3A_56 : f32 to vector<2000x1xf32>
    %div3A_58 = arith.divf %broadcast_in_dim3A, %div3A_57 : vector<2000x1xf32>
    %sub3A = vector.broadcast %div3A_58 : vector<2000x1xf32> to vector<2000x64xf32>
    %sub3A_59 = arith.subf %add3A_54, %sub3A : vector<2000x64xf32>
    %sub3A_60 = vector.broadcast %div3A_58 : vector<2000x1xf32> to vector<2000x64xf32>
    %sub3A_61 = arith.subf %add3A_54, %sub3A_60 : vector<2000x64xf32>
    %mul3A = arith.mulf %sub3A_59, %sub3A_61 : vector<2000x64xf32>
    %reduce_sum3A_62 = arith.constant dense<0.000000e+00> : vector<2000xf32>
    %reduce_sum3A_63 = vector.multi_reduction <add>, %mul3A, %reduce_sum3A_62 [1] : vector<2000x64xf32> to vector<2000xf32>
    %broadcast_in_dim3A_64 = vector.shape_cast %reduce_sum3A_63 : vector<2000xf32> to vector<2000x1xf32>
    %div3A_65 = arith.constant 6.400000e+01 : f32
    %div3A_66 = vector.broadcast %div3A_65 : f32 to vector<2000x1xf32>
    %div3A_67 = arith.divf %broadcast_in_dim3A_64, %div3A_66 : vector<2000x1xf32>
    %sub3A_68 = vector.broadcast %div3A_58 : vector<2000x1xf32> to vector<2000x64xf32>
    %sub3A_69 = arith.subf %add3A_54, %sub3A_68 : vector<2000x64xf32>
    %add3A_70 = arith.constant 9.99999974E-6 : f32
    %add3A_71 = vector.broadcast %add3A_70 : f32 to vector<2000x1xf32>
    %add3A_72 = arith.addf %div3A_67, %add3A_71 : vector<2000x1xf32>
    %rsqrt3A = math.rsqrt %add3A_72 : vector<2000x1xf32>
    %mul3A_73 = vector.broadcast %rsqrt3A : vector<2000x1xf32> to vector<2000x64xf32>
    %mul3A_74 = arith.mulf %sub3A_69, %mul3A_73 : vector<2000x64xf32>
    %get3A_75 = arith.constant 0 : index
    %get3A_76 = arith.constant 0 : index
    %get3A_77 = vector.load %arg9[%get3A_75, %get3A_76] : memref<1x64xf32, #tpu.memory_space<vmem>>, vector<1x64xf32>
    %mul3A_78 = vector.broadcast %get3A_77 : vector<1x64xf32> to vector<2000x64xf32>
    %mul3A_79 = arith.mulf %mul3A_74, %mul3A_78 : vector<2000x64xf32>
    %get3A_80 = arith.constant 0 : index
    %get3A_81 = arith.constant 0 : index
    %get3A_82 = vector.load %arg10[%get3A_80, %get3A_81] : memref<1x64xf32, #tpu.memory_space<vmem>>, vector<1x64xf32>
    %add3A_83 = vector.broadcast %get3A_82 : vector<1x64xf32> to vector<2000x64xf32>
    %add3A_84 = arith.addf %mul3A_79, %add3A_83 : vector<2000x64xf32>
    %max3A_85 = arith.constant 0.000000e+00 : f32
    %max3A_86 = vector.broadcast %max3A_85 : f32 to vector<2000x64xf32>
    %max3A_87 = arith.maximumf %add3A_84, %max3A_86 : vector<2000x64xf32>
    %swap3A = arith.constant 0 : index
    %swap3A_88 = arith.constant 0 : index
    %swap3A_89 = vector.load %arg13[%swap3A, %swap3A_88] : memref<2000x64xf32, #tpu.memory_space<vmem>>, vector<2000x64xf32>
    tpu.vector_store %arg13[%swap3A, %swap3A_88], %max3A_87 {strides = array<i32>} : memref<2000x64xf32, #tpu.memory_space<vmem>>, vector<2000x64xf32>,
    %get3A_90 = arith.constant 0 : index
    %get3A_91 = arith.constant 0 : index
    %get3A_92 = vector.load %arg11[%get3A_90, %get3A_91] : memref<64x64xf32, #tpu.memory_space<vmem>>, vector<64x64xf32>
    %dot_general3A_93 = arith.constant dense<0.000000e+00> : vector<2000x64xf32>
    %dot_general3A_94 = tpu.matmul %max3A_87, %get3A_92, %dot_general3A_93 {dimension_numbers = #tpu.dot_dimension_numbers<[1], [0], [0], [1], [0, 0, 1, 1], [], []>, transpose_lhs_hint = false} : vector<2000x64xf32>, vector<64x64xf32>, vector<2000x64xf32> -> vector<2000x64xf32>
    %swap3A_95 = arith.constant 0 : index
    %swap3A_96 = arith.constant 0 : index
    %swap3A_97 = vector.load %arg14[%swap3A_95, %swap3A_96] : memref<2000x64xf32, #tpu.memory_space<vmem>>, vector<2000x64xf32>
    tpu.vector_store %arg14[%swap3A_95, %swap3A_96], %dot_general3A_94 {strides = array<i32>} : memref<2000x64xf32, #tpu.memory_space<vmem>>, vector<2000x64xf32>,
    %get3A_98 = arith.constant 0 : index
    %get3A_99 = arith.constant 0 : index
    %get3A_100 = vector.load %arg12[%get3A_98, %get3A_99] : memref<64x64xf32, #tpu.memory_space<vmem>>, vector<64x64xf32>
    %dot_general3A_101 = arith.constant dense<0.000000e+00> : vector<2000x64xf32>
    %dot_general3A_102 = tpu.matmul %max3A_87, %get3A_100, %dot_general3A_101 {dimension_numbers = #tpu.dot_dimension_numbers<[1], [0], [0], [1], [0, 0, 1, 1], [], []>, transpose_lhs_hint = false} : vector<2000x64xf32>, vector<64x64xf32>, vector<2000x64xf32> -> vector<2000x64xf32>
    %swap3A_103 = arith.constant 0 : index
    %swap3A_104 = arith.constant 0 : index
    %swap3A_105 = vector.load %arg15[%swap3A_103, %swap3A_104] : memref<2000x64xf32, #tpu.memory_space<vmem>>, vector<2000x64xf32>
    tpu.vector_store %arg15[%swap3A_103, %swap3A_104], %dot_general3A_102 {strides = array<i32>} : memref<2000x64xf32, #tpu.memory_space<vmem>>, vector<2000x64xf32>,
    return
  }
  func.func @transform_0(%arg0: i32) -> (i32, i32) {
    %c0_i32 = arith.constant 0 : i32
    %c0_i32_0 = arith.constant 0 : i32
    return %arg0, %c0_i32 : i32, i32
  }
  func.func @transform_1(%arg0: i32) -> (i32, i32, i32) {
    %c0_i32 = arith.constant 0 : i32
    %c0_i32_0 = arith.constant 0 : i32
    %c0_i32_1 = arith.constant 0 : i32
    return %c0_i32, %arg0, %c0_i32_0 : i32, i32, i32
  }
  func.func @transform_2(%arg0: i32) -> (i32, i32, i32) {
    %c0_i32 = arith.constant 0 : i32
    %c0_i32_0 = arith.constant 0 : i32
    %c0_i32_1 = arith.constant 0 : i32
    return %c0_i32, %arg0, %c0_i32_0 : i32, i32, i32
  }
  func.func @transform_3(%arg0: i32) -> (i32, i32) {
    %c0_i32 = arith.constant 0 : i32
    %c0_i32_0 = arith.constant 0 : i32
    %c0_i32_1 = arith.constant 0 : i32
    return %c0_i32, %c0_i32_0 : i32, i32
  }
  func.func @transform_4(%arg0: i32) -> (i32, i32) {
    %c0_i32 = arith.constant 0 : i32
    %c0_i32_0 = arith.constant 0 : i32
    %c0_i32_1 = arith.constant 0 : i32
    return %c0_i32, %c0_i32_0 : i32, i32
  }
  func.func @transform_5(%arg0: i32) -> (i32, i32) {
    %c0_i32 = arith.constant 0 : i32
    %c0_i32_0 = arith.constant 0 : i32
    %c0_i32_1 = arith.constant 0 : i32
    return %c0_i32, %c0_i32_0 : i32, i32
  }
  func.func @transform_6(%arg0: i32) -> (i32, i32) {
    %c0_i32 = arith.constant 0 : i32
    %c0_i32_0 = arith.constant 0 : i32
    %c0_i32_1 = arith.constant 0 : i32
    return %c0_i32, %c0_i32_0 : i32, i32
  }
  func.func @transform_7(%arg0: i32) -> (i32, i32) {
    %c0_i32 = arith.constant 0 : i32
    %c0_i32_0 = arith.constant 0 : i32
    %c0_i32_1 = arith.constant 0 : i32
    return %c0_i32, %c0_i32_0 : i32, i32
  }
  func.func @transform_8(%arg0: i32) -> (i32, i32) {
    %c0_i32 = arith.constant 0 : i32
    %c0_i32_0 = arith.constant 0 : i32
    %c0_i32_1 = arith.constant 0 : i32
    return %c0_i32, %c0_i32_0 : i32, i32
  }
  func.func @transform_9(%arg0: i32) -> (i32, i32) {
    %c0_i32 = arith.constant 0 : i32
    %c0_i32_0 = arith.constant 0 : i32
    %c0_i32_1 = arith.constant 0 : i32
    return %c0_i32, %c0_i32_0 : i32, i32
  }
  func.func @transform_10(%arg0: i32) -> (i32, i32) {
    %c0_i32 = arith.constant 0 : i32
    %c0_i32_0 = arith.constant 0 : i32
    %c0_i32_1 = arith.constant 0 : i32
    return %c0_i32, %c0_i32_0 : i32, i32
  }
  func.func @transform_11(%arg0: i32) -> (i32, i32) {
    %c0_i32 = arith.constant 0 : i32
    %c0_i32_0 = arith.constant 0 : i32
    %c0_i32_1 = arith.constant 0 : i32
    return %c0_i32, %c0_i32_0 : i32, i32
  }
  func.func @transform_12(%arg0: i32) -> (i32, i32) {
    %c0_i32 = arith.constant 0 : i32
    %c0_i32_0 = arith.constant 0 : i32
    return %arg0, %c0_i32 : i32, i32
  }
  func.func @transform_13(%arg0: i32) -> (i32, i32) {
    %c0_i32 = arith.constant 0 : i32
    %c0_i32_0 = arith.constant 0 : i32
    return %arg0, %c0_i32 : i32, i32
  }
  func.func @transform_14(%arg0: i32) -> (i32, i32) {
    %c0_i32 = arith.constant 0 : i32
    %c0_i32_0 = arith.constant 0 : i32
    return %arg0, %c0_i32 : i32, i32
  }
}

module attributes {stable_mosaic.version = 14 : i64} {
  func.func @body(%arg0: i32, %arg1: memref<2000x64xf32, #tpu.memory_space<vmem>>, %arg2: memref<2x2000x64xf32, #tpu.memory_space<vmem>>, %arg3: memref<2x2000x16xf32, #tpu.memory_space<vmem>>, %arg4: memref<64x64xf32, #tpu.memory_space<vmem>>, %arg5: memref<64x64xf32, #tpu.memory_space<vmem>>, %arg6: memref<1x64xf32, #tpu.memory_space<vmem>>, %arg7: memref<64x64xf32, #tpu.memory_space<vmem>>, %arg8: memref<1x64xf32, #tpu.memory_space<vmem>>, %arg9: memref<1x64xf32, #tpu.memory_space<vmem>>, %arg10: memref<1x64xf32, #tpu.memory_space<vmem>>, %arg11: memref<2000x64xf32, #tpu.memory_space<vmem>>) attributes {dimension_semantics = [#tpu.dimension_semantics<arbitrary>], iteration_bounds = array<i64: 5>, scalar_prefetch = 0 : i64, scratch_operands = 0 : i64, tpu.core_type = #tpu.core_type<tc>, window_params = [{transform_indices = @transform_0, window_bounds = array<i64: 2000, 64>}, {transform_indices = @transform_1, window_bounds = array<i64: 2, 2000, 64>}, {transform_indices = @transform_2, window_bounds = array<i64: 2, 2000, 16>}, {pipeline_mode = #tpu.pipeline_mode<synchronous>, transform_indices = @transform_3, window_bounds = array<i64: 64, 64>}, {pipeline_mode = #tpu.pipeline_mode<synchronous>, transform_indices = @transform_4, window_bounds = array<i64: 64, 64>}, {pipeline_mode = #tpu.pipeline_mode<synchronous>, transform_indices = @transform_5, window_bounds = array<i64: 1, 64>}, {pipeline_mode = #tpu.pipeline_mode<synchronous>, transform_indices = @transform_6, window_bounds = array<i64: 64, 64>}, {pipeline_mode = #tpu.pipeline_mode<synchronous>, transform_indices = @transform_7, window_bounds = array<i64: 1, 64>}, {pipeline_mode = #tpu.pipeline_mode<synchronous>, transform_indices = @transform_8, window_bounds = array<i64: 1, 64>}, {pipeline_mode = #tpu.pipeline_mode<synchronous>, transform_indices = @transform_9, window_bounds = array<i64: 1, 64>}, {transform_indices = @transform_10, window_bounds = array<i64: 2000, 64>}]} {
    %get3A = arith.constant 0 : index
    %get3A_0 = arith.constant 0 : index
    %get3A_1 = vector.load %arg1[%get3A, %get3A_0] : memref<2000x64xf32, #tpu.memory_space<vmem>>, vector<2000x64xf32>
    %get3A_2 = arith.constant 0 : index
    %get3A_3 = arith.constant 0 : index
    %get3A_4 = arith.constant 0 : index
    %get3A_5 = vector.load %arg2[%get3A_2, %get3A_3, %get3A_4] : memref<2x2000x64xf32, #tpu.memory_space<vmem>>, vector<1x2000x64xf32>
    %get3A_6 = vector.shape_cast %get3A_5 : vector<1x2000x64xf32> to vector<2000x64xf32>
    %get3A_7 = arith.constant 1 : index
    %get3A_8 = arith.constant 0 : index
    %get3A_9 = arith.constant 0 : index
    %get3A_10 = vector.load %arg2[%get3A_7, %get3A_8, %get3A_9] : memref<2x2000x64xf32, #tpu.memory_space<vmem>>, vector<1x2000x64xf32>
    %get3A_11 = vector.shape_cast %get3A_10 : vector<1x2000x64xf32> to vector<2000x64xf32>
    %add3A = arith.addf %get3A_6, %get3A_11 : vector<2000x64xf32>
    %get3A_12 = arith.constant 0 : index
    %get3A_13 = arith.constant 0 : index
    %get3A_14 = arith.constant 0 : index
    %get3A_15 = vector.load %arg3[%get3A_12, %get3A_13, %get3A_14] : memref<2x2000x16xf32, #tpu.memory_space<vmem>>, vector<1x2000x1xf32>
    %get3A_16 = vector.shape_cast %get3A_15 : vector<1x2000x1xf32> to vector<2000x1xf32>
    %get3A_17 = arith.constant 1 : index
    %get3A_18 = arith.constant 0 : index
    %get3A_19 = arith.constant 0 : index
    %get3A_20 = vector.load %arg3[%get3A_17, %get3A_18, %get3A_19] : memref<2x2000x16xf32, #tpu.memory_space<vmem>>, vector<1x2000x1xf32>
    %get3A_21 = vector.shape_cast %get3A_20 : vector<1x2000x1xf32> to vector<2000x1xf32>
    %add3A_22 = arith.addf %get3A_16, %get3A_21 : vector<2000x1xf32>
    %max3A = arith.constant 1.000000e+00 : f32
    %max3A_23 = vector.broadcast %max3A : f32 to vector<2000x1xf32>
    %max3A_24 = arith.maximumf %add3A_22, %max3A_23 : vector<2000x1xf32>
    %div3A = vector.broadcast %max3A_24 : vector<2000x1xf32> to vector<2000x64xf32>
    %div3A_25 = arith.divf %add3A, %div3A : vector<2000x64xf32>
    %get3A_26 = arith.constant 0 : index
    %get3A_27 = arith.constant 0 : index
    %get3A_28 = vector.load %arg4[%get3A_26, %get3A_27] : memref<64x64xf32, #tpu.memory_space<vmem>>, vector<64x64xf32>
    %dot_general3A = arith.constant dense<0.000000e+00> : vector<2000x64xf32>
    %dot_general3A_29 = tpu.matmul %get3A_1, %get3A_28, %dot_general3A {dimension_numbers = #tpu.dot_dimension_numbers<[1], [0], [0], [1], [0, 0, 1, 1], [], []>, transpose_lhs_hint = false} : vector<2000x64xf32>, vector<64x64xf32>, vector<2000x64xf32> -> vector<2000x64xf32>
    %get3A_30 = arith.constant 0 : index
    %get3A_31 = arith.constant 0 : index
    %get3A_32 = vector.load %arg5[%get3A_30, %get3A_31] : memref<64x64xf32, #tpu.memory_space<vmem>>, vector<64x64xf32>
    %dot_general3A_33 = arith.constant dense<0.000000e+00> : vector<2000x64xf32>
    %dot_general3A_34 = tpu.matmul %div3A_25, %get3A_32, %dot_general3A_33 {dimension_numbers = #tpu.dot_dimension_numbers<[1], [0], [0], [1], [0, 0, 1, 1], [], []>, transpose_lhs_hint = false} : vector<2000x64xf32>, vector<64x64xf32>, vector<2000x64xf32> -> vector<2000x64xf32>
    %add3A_35 = arith.addf %dot_general3A_29, %dot_general3A_34 : vector<2000x64xf32>
    %get3A_36 = arith.constant 0 : index
    %get3A_37 = arith.constant 0 : index
    %get3A_38 = vector.load %arg6[%get3A_36, %get3A_37] : memref<1x64xf32, #tpu.memory_space<vmem>>, vector<1x64xf32>
    %add3A_39 = vector.broadcast %get3A_38 : vector<1x64xf32> to vector<2000x64xf32>
    %add3A_40 = arith.addf %add3A_35, %add3A_39 : vector<2000x64xf32>
    %max3A_41 = arith.constant 0.000000e+00 : f32
    %max3A_42 = vector.broadcast %max3A_41 : f32 to vector<2000x64xf32>
    %max3A_43 = arith.maximumf %add3A_40, %max3A_42 : vector<2000x64xf32>
    %get3A_44 = arith.constant 0 : index
    %get3A_45 = arith.constant 0 : index
    %get3A_46 = vector.load %arg7[%get3A_44, %get3A_45] : memref<64x64xf32, #tpu.memory_space<vmem>>, vector<64x64xf32>
    %dot_general3A_47 = arith.constant dense<0.000000e+00> : vector<2000x64xf32>
    %dot_general3A_48 = tpu.matmul %max3A_43, %get3A_46, %dot_general3A_47 {dimension_numbers = #tpu.dot_dimension_numbers<[1], [0], [0], [1], [0, 0, 1, 1], [], []>, transpose_lhs_hint = false} : vector<2000x64xf32>, vector<64x64xf32>, vector<2000x64xf32> -> vector<2000x64xf32>
    %get3A_49 = arith.constant 0 : index
    %get3A_50 = arith.constant 0 : index
    %get3A_51 = vector.load %arg8[%get3A_49, %get3A_50] : memref<1x64xf32, #tpu.memory_space<vmem>>, vector<1x64xf32>
    %add3A_52 = vector.broadcast %get3A_51 : vector<1x64xf32> to vector<2000x64xf32>
    %add3A_53 = arith.addf %dot_general3A_48, %add3A_52 : vector<2000x64xf32>
    %add3A_54 = arith.addf %add3A_53, %get3A_1 : vector<2000x64xf32>
    %reduce_sum3A = arith.constant dense<0.000000e+00> : vector<2000xf32>
    %reduce_sum3A_55 = vector.multi_reduction <add>, %add3A_54, %reduce_sum3A [1] : vector<2000x64xf32> to vector<2000xf32>
    %broadcast_in_dim3A = vector.shape_cast %reduce_sum3A_55 : vector<2000xf32> to vector<2000x1xf32>
    %div3A_56 = arith.constant 6.400000e+01 : f32
    %div3A_57 = vector.broadcast %div3A_56 : f32 to vector<2000x1xf32>
    %div3A_58 = arith.divf %broadcast_in_dim3A, %div3A_57 : vector<2000x1xf32>
    %sub3A = vector.broadcast %div3A_58 : vector<2000x1xf32> to vector<2000x64xf32>
    %sub3A_59 = arith.subf %add3A_54, %sub3A : vector<2000x64xf32>
    %sub3A_60 = vector.broadcast %div3A_58 : vector<2000x1xf32> to vector<2000x64xf32>
    %sub3A_61 = arith.subf %add3A_54, %sub3A_60 : vector<2000x64xf32>
    %mul3A = arith.mulf %sub3A_59, %sub3A_61 : vector<2000x64xf32>
    %reduce_sum3A_62 = arith.constant dense<0.000000e+00> : vector<2000xf32>
    %reduce_sum3A_63 = vector.multi_reduction <add>, %mul3A, %reduce_sum3A_62 [1] : vector<2000x64xf32> to vector<2000xf32>
    %broadcast_in_dim3A_64 = vector.shape_cast %reduce_sum3A_63 : vector<2000xf32> to vector<2000x1xf32>
    %div3A_65 = arith.constant 6.400000e+01 : f32
    %div3A_66 = vector.broadcast %div3A_65 : f32 to vector<2000x1xf32>
    %div3A_67 = arith.divf %broadcast_in_dim3A_64, %div3A_66 : vector<2000x1xf32>
    %sub3A_68 = vector.broadcast %div3A_58 : vector<2000x1xf32> to vector<2000x64xf32>
    %sub3A_69 = arith.subf %add3A_54, %sub3A_68 : vector<2000x64xf32>
    %add3A_70 = arith.constant 9.99999974E-6 : f32
    %add3A_71 = vector.broadcast %add3A_70 : f32 to vector<2000x1xf32>
    %add3A_72 = arith.addf %div3A_67, %add3A_71 : vector<2000x1xf32>
    %rsqrt3A = math.rsqrt %add3A_72 : vector<2000x1xf32>
    %mul3A_73 = vector.broadcast %rsqrt3A : vector<2000x1xf32> to vector<2000x64xf32>
    %mul3A_74 = arith.mulf %sub3A_69, %mul3A_73 : vector<2000x64xf32>
    %get3A_75 = arith.constant 0 : index
    %get3A_76 = arith.constant 0 : index
    %get3A_77 = vector.load %arg9[%get3A_75, %get3A_76] : memref<1x64xf32, #tpu.memory_space<vmem>>, vector<1x64xf32>
    %mul3A_78 = vector.broadcast %get3A_77 : vector<1x64xf32> to vector<2000x64xf32>
    %mul3A_79 = arith.mulf %mul3A_74, %mul3A_78 : vector<2000x64xf32>
    %get3A_80 = arith.constant 0 : index
    %get3A_81 = arith.constant 0 : index
    %get3A_82 = vector.load %arg10[%get3A_80, %get3A_81] : memref<1x64xf32, #tpu.memory_space<vmem>>, vector<1x64xf32>
    %add3A_83 = vector.broadcast %get3A_82 : vector<1x64xf32> to vector<2000x64xf32>
    %add3A_84 = arith.addf %mul3A_79, %add3A_83 : vector<2000x64xf32>
    %max3A_85 = arith.constant 0.000000e+00 : f32
    %max3A_86 = vector.broadcast %max3A_85 : f32 to vector<2000x64xf32>
    %max3A_87 = arith.maximumf %add3A_84, %max3A_86 : vector<2000x64xf32>
    %swap3A = arith.constant 0 : index
    %swap3A_88 = arith.constant 0 : index
    %swap3A_89 = vector.load %arg11[%swap3A, %swap3A_88] : memref<2000x64xf32, #tpu.memory_space<vmem>>, vector<2000x64xf32>
    tpu.vector_store %arg11[%swap3A, %swap3A_88], %max3A_87 {strides = array<i32>} : memref<2000x64xf32, #tpu.memory_space<vmem>>, vector<2000x64xf32>,
    return
  }
  func.func @transform_0(%arg0: i32) -> (i32, i32) {
    %c0_i32 = arith.constant 0 : i32
    %c0_i32_0 = arith.constant 0 : i32
    return %arg0, %c0_i32 : i32, i32
  }
  func.func @transform_1(%arg0: i32) -> (i32, i32, i32) {
    %c0_i32 = arith.constant 0 : i32
    %c0_i32_0 = arith.constant 0 : i32
    %c0_i32_1 = arith.constant 0 : i32
    return %c0_i32, %arg0, %c0_i32_0 : i32, i32, i32
  }
  func.func @transform_2(%arg0: i32) -> (i32, i32, i32) {
    %c0_i32 = arith.constant 0 : i32
    %c0_i32_0 = arith.constant 0 : i32
    %c0_i32_1 = arith.constant 0 : i32
    return %c0_i32, %arg0, %c0_i32_0 : i32, i32, i32
  }
  func.func @transform_3(%arg0: i32) -> (i32, i32) {
    %c0_i32 = arith.constant 0 : i32
    %c0_i32_0 = arith.constant 0 : i32
    %c0_i32_1 = arith.constant 0 : i32
    return %c0_i32, %c0_i32_0 : i32, i32
  }
  func.func @transform_4(%arg0: i32) -> (i32, i32) {
    %c0_i32 = arith.constant 0 : i32
    %c0_i32_0 = arith.constant 0 : i32
    %c0_i32_1 = arith.constant 0 : i32
    return %c0_i32, %c0_i32_0 : i32, i32
  }
  func.func @transform_5(%arg0: i32) -> (i32, i32) {
    %c0_i32 = arith.constant 0 : i32
    %c0_i32_0 = arith.constant 0 : i32
    %c0_i32_1 = arith.constant 0 : i32
    return %c0_i32, %c0_i32_0 : i32, i32
  }
  func.func @transform_6(%arg0: i32) -> (i32, i32) {
    %c0_i32 = arith.constant 0 : i32
    %c0_i32_0 = arith.constant 0 : i32
    %c0_i32_1 = arith.constant 0 : i32
    return %c0_i32, %c0_i32_0 : i32, i32
  }
  func.func @transform_7(%arg0: i32) -> (i32, i32) {
    %c0_i32 = arith.constant 0 : i32
    %c0_i32_0 = arith.constant 0 : i32
    %c0_i32_1 = arith.constant 0 : i32
    return %c0_i32, %c0_i32_0 : i32, i32
  }
  func.func @transform_8(%arg0: i32) -> (i32, i32) {
    %c0_i32 = arith.constant 0 : i32
    %c0_i32_0 = arith.constant 0 : i32
    %c0_i32_1 = arith.constant 0 : i32
    return %c0_i32, %c0_i32_0 : i32, i32
  }
  func.func @transform_9(%arg0: i32) -> (i32, i32) {
    %c0_i32 = arith.constant 0 : i32
    %c0_i32_0 = arith.constant 0 : i32
    %c0_i32_1 = arith.constant 0 : i32
    return %c0_i32, %c0_i32_0 : i32, i32
  }
  func.func @transform_10(%arg0: i32) -> (i32, i32) {
    %c0_i32 = arith.constant 0 : i32
    %c0_i32_0 = arith.constant 0 : i32
    return %arg0, %c0_i32 : i32, i32
  }
}

module attributes {stable_mosaic.version = 14 : i64} {
  func.func @_readout_body(%arg0: i32, %arg1: memref<10000x64xf32, #tpu.memory_space<vmem>>, %arg2: memref<10000x1xi32, #tpu.memory_space<vmem>>, %arg3: memref<64x64xf32, #tpu.memory_space<vmem>>, %arg4: memref<1x64xf32, #tpu.memory_space<vmem>>, %arg5: memref<64x1xf32, #tpu.memory_space<vmem>>, %arg6: memref<1x1xf32, #tpu.memory_space<vmem>>, %arg7: memref<256x1xf32, #tpu.memory_space<vmem>>) attributes {dimension_semantics = [#tpu.dimension_semantics<arbitrary>], iteration_bounds = array<i64: 1>, scalar_prefetch = 0 : i64, scratch_operands = 0 : i64, tpu.core_type = #tpu.core_type<tc>, window_params = [{pipeline_mode = #tpu.pipeline_mode<synchronous>, transform_indices = @transform_0, window_bounds = array<i64: 10000, 64>}, {pipeline_mode = #tpu.pipeline_mode<synchronous>, transform_indices = @transform_1, window_bounds = array<i64: 10000, 1>}, {pipeline_mode = #tpu.pipeline_mode<synchronous>, transform_indices = @transform_2, window_bounds = array<i64: 64, 64>}, {pipeline_mode = #tpu.pipeline_mode<synchronous>, transform_indices = @transform_3, window_bounds = array<i64: 1, 64>}, {pipeline_mode = #tpu.pipeline_mode<synchronous>, transform_indices = @transform_4, window_bounds = array<i64: 64, 1>}, {pipeline_mode = #tpu.pipeline_mode<synchronous>, transform_indices = @transform_5, window_bounds = array<i64: 1, 1>}, {pipeline_mode = #tpu.pipeline_mode<synchronous>, transform_indices = @transform_6, window_bounds = array<i64: 256, 1>}]} {
    %get3A = arith.constant 0 : index
    %get3A_0 = arith.constant 0 : index
    %get3A_1 = vector.load %arg1[%get3A, %get3A_0] : memref<10000x64xf32, #tpu.memory_space<vmem>>, vector<10000x64xf32>
    %get3A_2 = arith.constant 0 : index
    %get3A_3 = arith.constant 0 : index
    %get3A_4 = vector.load %arg2[%get3A_2, %get3A_3] : memref<10000x1xi32, #tpu.memory_space<vmem>>, vector<10000x1xi32>
    %iota3A = tpu.iota {dimensions = array<i32: 1>} : vector<1x256xi32>
    %eq3A = vector.broadcast %get3A_4 : vector<10000x1xi32> to vector<10000x256xi32>
    %eq3A_5 = vector.broadcast %iota3A : vector<1x256xi32> to vector<10000x256xi32>
    %eq3A_6 = arith.cmpi eq, %eq3A, %eq3A_5 : vector<10000x256xi32>
    %convert_element_type3A = arith.extui %eq3A_6 : vector<10000x256xi1> to vector<10000x256xi32>
    %convert_element_type3A_7 = arith.sitofp %convert_element_type3A : vector<10000x256xi32> to vector<10000x256xf32>
    %dot_general3A = arith.constant dense<0.000000e+00> : vector<256x64xf32>
    %dot_general3A_8 = tpu.matmul %convert_element_type3A_7, %get3A_1, %dot_general3A {dimension_numbers = #tpu.dot_dimension_numbers<[0], [0], [1], [1], [0, 1, 1, 1], [], []>, precision = #tpu.contract_precision<fp32>, transpose_lhs_hint = false} : vector<10000x256xf32>, vector<10000x64xf32>, vector<256x64xf32> -> vector<256x64xf32>
    %reduce_sum3A = arith.constant dense<0.000000e+00> : vector<256xf32>
    %reduce_sum3A_9 = vector.multi_reduction <add>, %convert_element_type3A_7, %reduce_sum3A [0] : vector<10000x256xf32> to vector<256xf32>
    %broadcast_in_dim3A = vector.shape_cast %reduce_sum3A_9 : vector<256xf32> to vector<1x256xf32>
    %transpose3A = tpu.transpose %broadcast_in_dim3A, [1, 0] : vector<1x256xf32> -> vector<256x1xf32>
    %max3A = arith.constant 1.000000e+00 : f32
    %max3A_10 = vector.broadcast %max3A : f32 to vector<256x1xf32>
    %max3A_11 = arith.maximumf %transpose3A, %max3A_10 : vector<256x1xf32>
    %div3A = vector.broadcast %max3A_11 : vector<256x1xf32> to vector<256x64xf32>
    %div3A_12 = arith.divf %dot_general3A_8, %div3A : vector<256x64xf32>
    %get3A_13 = arith.constant 0 : index
    %get3A_14 = arith.constant 0 : index
    %get3A_15 = vector.load %arg3[%get3A_13, %get3A_14] : memref<64x64xf32, #tpu.memory_space<vmem>>, vector<64x64xf32>
    %dot_general3A_16 = arith.constant dense<0.000000e+00> : vector<256x64xf32>
    %dot_general3A_17 = tpu.matmul %div3A_12, %get3A_15, %dot_general3A_16 {dimension_numbers = #tpu.dot_dimension_numbers<[1], [0], [0], [1], [0, 0, 1, 1], [], []>, transpose_lhs_hint = false} : vector<256x64xf32>, vector<64x64xf32>, vector<256x64xf32> -> vector<256x64xf32>
    %get3A_18 = arith.constant 0 : index
    %get3A_19 = arith.constant 0 : index
    %get3A_20 = vector.load %arg4[%get3A_18, %get3A_19] : memref<1x64xf32, #tpu.memory_space<vmem>>, vector<1x64xf32>
    %add3A = vector.broadcast %get3A_20 : vector<1x64xf32> to vector<256x64xf32>
    %add3A_21 = arith.addf %dot_general3A_17, %add3A : vector<256x64xf32>
    %max3A_22 = arith.constant 0.000000e+00 : f32
    %max3A_23 = vector.broadcast %max3A_22 : f32 to vector<256x64xf32>
    %max3A_24 = arith.maximumf %add3A_21, %max3A_23 : vector<256x64xf32>
    %get3A_25 = arith.constant 0 : index
    %get3A_26 = arith.constant 0 : index
    %get3A_27 = vector.load %arg5[%get3A_25, %get3A_26] : memref<64x1xf32, #tpu.memory_space<vmem>>, vector<64x1xf32>
    %dot_general3A_28 = arith.constant dense<0.000000e+00> : vector<256x1xf32>
    %dot_general3A_29 = tpu.matmul %max3A_24, %get3A_27, %dot_general3A_28 {dimension_numbers = #tpu.dot_dimension_numbers<[1], [0], [0], [1], [0, 0, 1, 1], [], []>, transpose_lhs_hint = false} : vector<256x64xf32>, vector<64x1xf32>, vector<256x1xf32> -> vector<256x1xf32>
    %get3A_30 = arith.constant 0 : index
    %get3A_31 = arith.constant 0 : index
    %get3A_32 = vector.load %arg6[%get3A_30, %get3A_31] : memref<1x1xf32, #tpu.memory_space<vmem>>, vector<1x1xf32>
    %add3A_33 = vector.broadcast %get3A_32 : vector<1x1xf32> to vector<256x1xf32>
    %add3A_34 = arith.addf %dot_general3A_29, %add3A_33 : vector<256x1xf32>
    %swap3A = arith.constant 0 : index
    %swap3A_35 = arith.constant 0 : index
    %swap3A_36 = vector.load %arg7[%swap3A, %swap3A_35] : memref<256x1xf32, #tpu.memory_space<vmem>>, vector<256x1xf32>
    tpu.vector_store %arg7[%swap3A, %swap3A_35], %add3A_34 {strides = array<i32>} : memref<256x1xf32, #tpu.memory_space<vmem>>, vector<256x1xf32>,
    return
  }
  func.func @transform_0(%arg0: i32) -> (i32, i32) {
    %c0_i32 = arith.constant 0 : i32
    %c0_i32_0 = arith.constant 0 : i32
    %c0_i32_1 = arith.constant 0 : i32
    return %c0_i32, %c0_i32_0 : i32, i32
  }
  func.func @transform_1(%arg0: i32) -> (i32, i32) {
    %c0_i32 = arith.constant 0 : i32
    %c0_i32_0 = arith.constant 0 : i32
    %c0_i32_1 = arith.constant 0 : i32
    return %c0_i32, %c0_i32_0 : i32, i32
  }
  func.func @transform_2(%arg0: i32) -> (i32, i32) {
    %c0_i32 = arith.constant 0 : i32
    %c0_i32_0 = arith.constant 0 : i32
    %c0_i32_1 = arith.constant 0 : i32
    return %c0_i32, %c0_i32_0 : i32, i32
  }
  func.func @transform_3(%arg0: i32) -> (i32, i32) {
    %c0_i32 = arith.constant 0 : i32
    %c0_i32_0 = arith.constant 0 : i32
    %c0_i32_1 = arith.constant 0 : i32
    return %c0_i32, %c0_i32_0 : i32, i32
  }
  func.func @transform_4(%arg0: i32) -> (i32, i32) {
    %c0_i32 = arith.constant 0 : i32
    %c0_i32_0 = arith.constant 0 : i32
    %c0_i32_1 = arith.constant 0 : i32
    return %c0_i32, %c0_i32_0 : i32, i32
  }
  func.func @transform_5(%arg0: i32) -> (i32, i32) {
    %c0_i32 = arith.constant 0 : i32
    %c0_i32_0 = arith.constant 0 : i32
    %c0_i32_1 = arith.constant 0 : i32
    return %c0_i32, %c0_i32_0 : i32, i32
  }
  func.func @transform_6(%arg0: i32) -> (i32, i32) {
    %c0_i32 = arith.constant 0 : i32
    %c0_i32_0 = arith.constant 0 : i32
    %c0_i32_1 = arith.constant 0 : i32
    return %c0_i32, %c0_i32_0 : i32, i32
  }
}

</mosaic_0001>

<sc_bundles>
// kernel: kernel.17.cloned.1.call-start
scs
__scs_entry_jumppad:
0x0: {  	(pc) =	sbr.rel $0x88, $3  }
0x1: {  	(tag) =	ssettag $0x0;
	lr =	simm.s32 $0x1  }
0x2: {  	[smem:$0x3F73] =	sst lr;
	_ =	strace $0xD0000000  }
0x3: {  	_ = 	snop  }
0x4: {  	_ = 	snop  }
0x5: {  	_ = 	snop  }
0x6: {  	_ = 	snop  }
0x7: {  	_ = 	snop  }
__scs_overlays_trampoline_lowered:
0x8: {  	[smem:$0x3F82] =	sst s0  }
0x9: {  	[smem:$0x3F83] =	sst s1  }
0xa: {  	[smem:$0x3F84] =	sst s2  }
0xb: {  	[smem:$0x3F85] =	sst s3  }
0xc: {  	[smem:$0x3F86] =	sst s4  }
0xd: {  	[smem:$0x3F87] =	sst s5  }
0xe: {  	[smem:$0x3F88] =	sst s6  }
0xf: {  	[smem:$0x3F89] =	sst s7  }
0x10: {  	[smem:$0x3F8A] =	sst s8  }
0x11: {  	[smem:$0x3F8B] =	sst s9;
	s0 =	simm.s32 @!p0 $0x0  }
0x12: {  	s1 =	sld [smem:$0x3F71];
	s0 =	simm.s32 @p0 $0x1  }
0x13: {  	[smem:$0x3F8C] =	sst s0;
	s0 =	simm.s32 @!p1 $0x0  }
0x14: {  	s2 =	sld [smem:$0x3F70];
	s0 =	simm.s32 @p1 $0x1  }
0x15: {  	[smem:$0x3F8D] =	sst s0;
	s0 =	simm.s32 @!p2 $0x0  }
0x16: {  	s3 =	sld [smem:$0x3FDB];
	s0 =	simm.s32 @p2 $0x1  }
0x17: {  	s4 =	simm.s32 $0x1BF5;
	[smem:$0x3F8F] =	sst s0  }
0x18: {  	s0 =	sld [smem:$0x3F72];
	_ =	swait.ge [sflag:s4], $0x0  }
0x19: {  	s7 =	sld [smem:$0x3F73]  }
0x1a: {  	s8 =	sadd.s32 $0xFFFFE003, lr  }
0x1b: {  	s9 =	sadd.s32 $0xFFFFFEF7, lr;
	s5 =	simm.s32 $0xFFFFFFFF;
	p2 =	slt.u32 s8, $0xFFFFF086  }
0x1c: {  	p1 =	slt.u32 s9, $0xF7A;
	s5 =	simm.s32 @!p2 $0x0  }
0x1d: {  	s5 =	simm.s32 @p1 $0x1;
	p0 =	seq.s32 s7, s2  }
0x1e: {  	s7 =	smul.u32 @!p0 $0xF7A, s2;
	p2 =	seq.s32 @!p0 s5, $0x0  }
0x1f: {  	s9 =	smul.u32 $0xF7A, s1;
	s8 =	simm.s32 @!p0 $0x1BF5;
	p2 =	por !p2, p0  }
0x20: {  	[sflag:s8] =	ssyncset.s32 @!p0 $0xFFFFF086;
	s6 =	sadd.s32 @!p0 s3, s7;
	s7 =	simm.s32 @!p0 $0x108  }
0x21: {  	s3 =	sadd.s32 s3, s9;
	s6 =	sadd.s32 @!p0 $0x88, s6;
	s7 =	simm.s32 @p2 $0x1082  }
0x22: {  	[simem:s7], [sflag:s8] =	dma.local @!p0 [hbm:s6], $0xF7A  }
0x23: {  	s9 =	sor.u32 $0xD0000000, s2;
	s6 =	simm.s32 $0x108;
	_ =	swait.ge @!p0 [sflag:s8], $0x0  }
0x24: {  	s3 =	sadd.s32 $0x88, s3;
	s6 =	simm.s32 @!p1 $0x1082;
	[sflag:s4] =	ssyncset.s32 $0xFFFFF086  }
0x25: {  	[simem:s6], [sflag:s4] =	dma.local [hbm:s3], $0xF7A  }
0x26: {  	[smem:$0x3F73] =	sst s1;
	(tag) =	ssettag s2;
	_ =	strace s9  }
0x27: {  	s1 =	sld [smem:$0x3F83]  }
0x28: {  	s2 =	sld [smem:$0x3F84]  }
0x29: {  	s4 =	sld [smem:$0x3F86]  }
0x2a: {  	p0 =	seq.s32 s5, $0x0;
	s5 =	sld [smem:$0x3F87]  }
0x2b: {  	s6 =	sld [smem:$0x3F88]  }
0x2c: {  	s7 =	sld [smem:$0x3F89]  }
0x2d: {  	s3 =	simm.s32 $0x108;
	s8 =	sld [smem:$0x3F8A]  }
0x2e: {  	s3 =	simm.s32 @!p0 $0x1082;
	s9 =	sld [smem:$0x3F8B]  }
0x2f: {  	lr =	sadd.s32 s0, s3;
	s0 =	sld [smem:$0x3F82]  }
0x30: {  	s3 =	sld [smem:$0x3F85]  }
0x31: {  	[smem:$0x3F8E] =	sst s10  }
0x32: {  	s10 =	sld [smem:$0x3F8C];
	_ =	sdelay $0x3  }
0x33: {  	p0 =	seq.s32 s10, $0x1;
	s10 =	sld [smem:$0x3F8E];
	_ =	sdelay $0x3  }
0x34: {  	[smem:$0x3F8E] =	sst s10  }
0x35: {  	s10 =	sld [smem:$0x3F8D];
	_ =	sdelay $0x3  }
0x36: {  	p1 =	seq.s32 s10, $0x1;
	s10 =	sld [smem:$0x3F8E];
	_ =	sdelay $0x3  }
0x37: {  	[smem:$0x3F8E] =	sst s10  }
0x38: {  	s10 =	sld [smem:$0x3F8F]  }
0x39: {  	_ = 	snop;
	(pc) =	sbr.ind lr, $3  }
0x3a: {  	_ = 	snop  }
0x3b: {  	_ = 	snop  }
0x3c: {  	p2 =	seq.s32 s10, $0x1;
	s10 =	sld [smem:$0x3F8E]  }
0x3d: {  	_ =	shalt  }
0x3e: {  	_ =	shalt  }
0x3f: {  	_ =	shalt  }
0x40: {  	_ =	shalt  }
0x41: {  	_ =	shalt  }
0x42: {  	_ =	shalt  }
0x43: {  	_ =	shalt  }
0x44: {  	_ =	shalt  }
0x45: {  	_ =	shalt  }
0x46: {  	_ =	shalt  }
0x47: {  	_ =	shalt  }
0x48: {  	_ =	shalt  }
0x49: {  	_ =	shalt  }
0x4a: {  	_ =	shalt  }
0x4b: {  	_ =	shalt  }
0x4c: {  	_ =	shalt  }
0x4d: {  	_ =	shalt  }
0x4e: {  	_ =	shalt  }
0x4f: {  	_ =	shalt  }
0x50: {  	_ =	shalt  }
0x51: {  	_ =	shalt  }
0x52: {  	_ =	shalt  }
0x53: {  	_ =	shalt  }
0x54: {  	_ =	shalt  }
0x55: {  	_ =	shalt  }
0x56: {  	_ =	shalt  }
0x57: {  	_ =	shalt  }
0x58: {  	_ =	shalt  }
0x59: {  	_ =	shalt  }
0x5a: {  	_ =	shalt  }
0x5b: {  	_ =	shalt  }
0x5c: {  	_ =	shalt  }
0x5d: {  	_ =	shalt  }
0x5e: {  	_ =	shalt  }
0x5f: {  	_ =	shalt  }
0x60: {  	_ =	shalt  }
0x61: {  	_ =	shalt  }
0x62: {  	_ =	shalt  }
0x63: {  	_ =	shalt  }
0x64: {  	_ =	shalt  }
0x65: {  	_ =	shalt  }
0x66: {  	_ =	shalt  }
0x67: {  	_ =	shalt  }
0x68: {  	_ =	shalt  }
0x69: {  	_ =	shalt  }
0x6a: {  	_ =	shalt  }
0x6b: {  	_ =	shalt  }
0x6c: {  	_ =	shalt  }
0x6d: {  	_ =	shalt  }
0x6e: {  	_ =	shalt  }
0x6f: {  	_ =	shalt  }
0x70: {  	_ =	shalt  }
0x71: {  	_ =	shalt  }
0x72: {  	_ =	shalt  }
0x73: {  	_ =	shalt  }
0x74: {  	_ =	shalt  }
0x75: {  	_ =	shalt  }
0x76: {  	_ =	shalt  }
0x77: {  	_ =	shalt  }
0x78: {  	_ =	shalt  }
0x79: {  	_ =	shalt  }
0x7a: {  	_ =	shalt  }
0x7b: {  	_ =	shalt  }
0x7c: {  	_ =	shalt  }
0x7d: {  	_ =	shalt  }
0x7e: {  	_ =	shalt  }
0x7f: {  	_ =	shalt  }
0x80: {  	_ =	shalt  }
0x81: {  	_ =	shalt  }
0x82: {  	_ =	shalt  }
0x83: {  	_ =	shalt  }
0x84: {  	_ =	shalt  }
0x85: {  	_ =	shalt  }
0x86: {  	_ =	shalt  }
0x87: {  	_ =	shalt  }
.Lfunc_end0:
.L_simem_size_0:
called_computation_lowered:
.L_overlay_start_0:
0x88: {  	s2 =	sld [smem:$0x3FD9]  }
0x89: {  	s3 =	sld [smem:$0x3FFE];
	_ =	sdelay $0x1  }
0x8a: {  	s1 =	srdreg.scid  }
0x8b: {  	s0 =	sand.u32 $0x1, s1  }
0x8c: {  	s17 =	sshll.u32 s0, $0xA;
	s2 =	sadd.s32 s3, s2  }
0x8d: {  	s2 =	sadd.s32 s2, s17  }
0x8e: {  	[smem:$0x3F9A] =	sst s2  }
0x8f: {  	_ = 	snop  }
0x90: {  	(tm) =	ssettm $0x1  }
0x91: {  	s18 =	sld [smem:$0x3FFB];
	_ =	sdelay $0x3  }
0x92: {  	_ =	strace s18  }
0x93: {  	s2 =	sld [smem:$0x3FFC];
	_ =	sdelay $0x3  }
0x94: {  	_ =	strace s2  }
0x95: {  	s2 =	sld [smem:$0x3FFD];
	_ =	sdelay $0x3  }
0x96: {  	_ =	strace s2  }
0x97: {  	_ =	strace $0x8FFFFFFF  }
0x98: {  	s19 =	sld [smem:$0x3FDB];
	_ =	sdelay $0x1  }
0x99: {  	s20 =	simm.s32 $_scs_section_size  }
0x9a: {  	s4 =	simm.s32 $_size__tile_overlayer_lowered;
	s5 =	simm.s32 $_tile_overlayer_lowered  }
0x9b: {  	s6 =	simm.s32 $0x1BFF;
	s21 =	sshll.u32 s5, $0x1;
	s3 =	sadd.s32 s20, s19  }
0x9c: {  	s22 =	simm.s32 $0x0;
	s4 =	sshll.u32 s4, $0x1;
	s5 =	sadd.s32 s21, s3  }
0x9d: {  	[timem:s22], [sflag:s6] =	dma.local [hbm:s5], s4  }
0x9e: {  	_ =	swait.ge [sflag:s6], s4  }
0x9f: {  	s4 =	ssub.s32 $0x0, s4;
	[sflag:s6] =	ssyncset.done $0x0  }
0xa0: {  	[sflag:s6] =	ssyncadd.s32 s4;
	_ =	sdelay $0x1  }
0xa1: {  	s23 =	simm.s32 $0x1B8B  }
0xa2: {  	_ =	swait.ge [sflag:s23], $0x1  }
0xa3: {  	[sflag:s23] =	ssyncset.done $0x0  }
0xa4: {  	[sflag:s23] =	ssyncadd.s32 $0xFFFFFFFF  }
0xa5: {  	s4 =	sld [smem:$0x0]  }
0xa6: {  	s5 =	sand.u32 $0xFFFFFFFE, s1  }
0xa7: {  	p0 =	sne.s32 s1, s5  }
0xa8: {  	s5 =	sshll.u32 @p0 s5, $0xE  }
0xa9: {  	s5 =	sadd.s32 @p0 $0x11B8D, s5;
	s6 =	sshll.u32 @p0 s4, $0x11  }
0xaa: {  	s5 =	sor.u32 @p0 s6, s5  }
0xab: {  	[sflag:s5] =	ssyncadd.remote.s32 @p0 $0x1;
	_ =	sdelay $0x1  }
0xac: {  	s5 =	simm.s32 @p0 $0x1B8D  }
0xad: {  	_ =	swait.eq @p0 [sflag:s5], $0x1  }
0xae: {  	[sflag:s5] =	ssyncadd.s32 @p0 $0xFFFFFFFF  }
0xaf: {  	s6 =	sshll.u32 @!p0 s1, $0xE  }
0xb0: {  	s6 =	sor.u32 @!p0 $0x4000, s6;
	s5 =	simm.s32 @!p0 $0x1B8D  }
0xb1: {  	s4 =	sshll.u32 @!p0 s4, $0x11;
	s6 =	sadd.s32 @!p0 $0x11B8D, s6;
	_ =	swait.eq @!p0 [sflag:s5], $0x1  }
0xb2: {  	s4 =	sor.u32 @!p0 s4, s6;
	[sflag:s5] =	ssyncadd.s32 @!p0 $0xFFFFFFFF  }
0xb3: {  	s25 =	simm.s32 $0x1B8E;
	s24 =	sld [smem:$0x3FFE];
	[sflag:s4] =	ssyncadd.remote.s32 @!p0 $0x1  }
0xb4: {  	s26 =	simm.s32 $execute0_lowered;
	[smem:$0x3FD2] =	sst s25  }
0xb5: {  	s5 =	sshll.u32 s26, $0x1;
	_ =	strace $0x80000049;
	[dreg:$0x1] =	wrdreg $0xFFFFFFFF  }
0xb6: {  	s28 =	simm.s32 $_size_execute0_lowered;
	s3 =	sadd.s32 s3, s5;
	[dreg:$0x0] =	wrdreg $0x0  }
0xb7: {  	s5 =	sshll.u32 s28, $0x1;
	[dreg:$0x2] =	wrdreg s3  }
0xb8: {  	[dreg:$0x3] =	wrdreg s5  }
0xb9: {  	[dreg:$0x4] =	wrdreg $0xC0  }
0xba: {  	_ =	task [dreg:s22], $0x5FFFF  }
0xbb: {  	[dreg:$0x1] =	wrdreg $0xFFFFFFFF  }
0xbc: {  	[dreg:$0x0] =	wrdreg $0x60  }
0xbd: {  	[dreg:$0x2] =	wrdreg s24  }
0xbe: {  	[dreg:$0x3] =	wrdreg $0x46A00  }
0xbf: {  	[dreg:$0x4] =	wrdreg $0x9  }
0xc0: {  	_ =	task.clear_ibuf [dreg:s22], $0x5FFFF;
	_ =	strace $0x90000049  }
0xc1: {  	s29 =	simm.s32 $0x9;
	_ =	strace $0x8000004B  }
0xc2: {  	_ =	swait.ge [sflag:s29], $0x1  }
0xc3: {  	[sflag:s29] =	ssyncadd.s32 $0xFFFFFFFF  }
0xc4: {  	_ =	strace $0x9000004B  }
0xc5: {  	_ =	sfence  }
0xc6: {  	s30 =	sld [smem:$0x0];
	_ =	sdelay $0x2  }
0xc7: {  	s31 =	sshll.u32 s1, $0xD;
	s1 =	sshrl.u32 s1, $0x2  }
0xc8: {  	s4 =	sand.u32 $0x4000, s31;
	s1 =	sadd.s32 s1, s30  }
0xc9: {  	s0 =	sor.u32 s4, s0;
	s1 =	sshll.u32 s1, $0x11  }
0xca: {  	s0 =	sor.u32 s1, s0  }
0xcb: {  	s0 =	sadd.s32 $0x8F2B, s0  }
0xcc: {  	[sflag:s0] =	ssyncadd.remote.s32 $0x1  }
0xcd: {  	_ =	sfence.sel $0xFFFF  }
0xce: {  	[dreg:$0x0] =	wrdreg $0xFFFFFFFF;
	(pc) =	sbr.abs _section_cstart, $3  }
0xcf: {  	[dreg:$0x1] =	wrdreg $0xFFFFFFFF  }
0xd0: {  	_ =	task.clear_ibuf [dreg:s22], $0x2FFFF;
	_ =	strace $0x9FFFFFFF  }
0xd1: {  	(tm) =	ssettm $0x7FFFFFFF  }
tec
execute0_lowered:
.L_overlay_start_1:
0x0: {  	(tag) =	ssettag $0x1  }
0x1: {  	s0 =	srdreg.scid;
	s4 =	rddreg [dreg:$0x0]  }
0x2: {  	s10 =	stileid.u32;
	s2 =	rddreg [dreg:$0x1]  }
0x3: {  	s3 =	simm.s32 $0x0;
	s1 =	sand.u32 $0x1, s0;
	s17 =	sshll.u32 s10, $0x1  }
0x4: {  	s5 =	smul.u32 $0x2700, s10;
	s7 =	sadd.s32 $0x2CAA00, s4;
	s0 =	sor.u32 s1, s17  }
0x5: {  	[smem:$0x7FF] =	sst s3;
	s11 =	sadd.s32 $0x2CAE00, s4;
	s0 =	smul.u32 $0x4EC, s0  }
0x6: {  	_ =	strace $0x8000004A;
	[dreg:$0x8] =	wrdreg s11;
	s18 =	sshrl.u32 s5, $0x3  }
0x7: {  	s6 =	sadd.s32 s0, s4;
	s0 =	sadd.s32 s18, s4;
	s4 =	sadd.s32 $0x2CA800, s4  }
0x8: {  	[dreg:$0x3] =	wrdreg s7;
	s19 =	sadd.s32 $0x2C5A00, s0;
	s0 =	smul.u32 $0x27100, s1  }
0x9: {  	s20 =	sshll.u32 s10, $0x6;
	[dreg:$0x5] =	wrdreg s4  }
0xa: {  	s22 =	sadd.s32 $0x2BBC00, s6;
	[dreg:$0x4] =	wrdreg s19;
	s21 =	sadd.s32 s5, s0  }
0xb: {  	s8 =	sadd.s32 s5, s2;
	[dreg:$0x6] =	wrdreg s22;
	s23 =	sshrl.u32 s21, $0x3  }
0xc: {  	s4 =	sor.u32 $0x1C01, s20;
	s9 =	rddreg [dreg:$0x4];
	s24 =	sadd.s32 s11, s23  }
0xd: {  	s6 =	simm.s32 $0x1;
	s5 =	sshrl.u32 s8, $0x3;
	[dreg:$0x7] =	wrdreg s24  }
0xe: {  	[spmem:s5], [sflag:s4] =	dma.local [hbm:s9], $0x4E0  }
0xf: {  	p0 =	sne.s32 s10, $0xF;
	s7 =	sadd.s32 $0x27000, s2;
	_ =	swait.ge [sflag:s6], $0x4E0  }
0x10: {  	s8 =	sshrl.u32 @!p0 s7, $0x3;
	[sflag:s6] =	ssyncset.done $0x0  }
0x11: {  	s7 =	simm.s32 @!p0 $0x1;
	s9 =	rddreg [dreg:$0x5];
	[sflag:s6] =	ssyncadd.s32 $0xFFFFFB20  }
0x12: {  	[spmem:s8], [sflag:s4] =	dma.local @!p0 [hbm:s9], $0x20  }
0x13: {  	_ =	swait.ge @!p0 [sflag:s7], $0x20  }
0x14: {  	[sflag:s7] =	ssyncset.done @!p0 $0x0  }
0x15: {  	[sflag:s7] =	ssyncadd.s32 @!p0 $0xFFFFFFE0  }
0x16: {  	[bflag:$0x0] =	sbarrier.arrive $0xFFFF  }
0x17: {  	s25 =	rddreg [dreg:$0x6]  }
0x18: {  	[tilespmem:s3], [sflag:$0x1] =	stream.linear.gather [hbm4b:s25+s3], $0x2760, $0x38;
	[tilespmem:$0x6DB0] =	vst v63  }
0x19: {  	_ =	swait.ge [sflag:s6], $0x2760  }
0x1a: {  	[sflag:s6] =	ssyncset.done $0x0  }
0x1b: {  	s9 =	simm.s32 $0x2760;
	s26 =	rddreg [dreg:$0x3];
	[sflag:s6] =	ssyncadd.s32 $0xFFFFD8A0  }
0x1c: {  	[tilespmem:s9], [sflag:$0x1] =	stream.linear.gather [hbm4b:s26+s3], $0x1F40, $0x38;
	[tilespmem:$0x6DB0] =	vst v63  }
0x1d: {  	_ =	swait.ge [sflag:s6], $0x1F40  }
0x1e: {  	[sflag:s6] =	ssyncset.done $0x0  }
0x1f: {  	s10 =	simm.s32 $0x1F4;
	[sflag:s6] =	ssyncadd.s32 $0xFFFFE0C0  }
0x20: {  	[spmem:s2] =	stream.indirect.scatter.add.f32 [tilespmem:s9], [sflag:$0x1], $0x10, s3, s10, $0xb8;
	[tilespmem:$0x6DB0] =	vst v63  }
0x21: {  	_ =	swait.ge [sflag:s6], $0x1F40  }
0x22: {  	[sflag:s6] =	ssyncset.done $0x0  }
0x23: {  	s11 =	simm.s32 $0x1F8;
	[sflag:s6] =	ssyncadd.s32 $0xFFFFE0C0  }
0x24: {  	[spmem:s2] =	stream.indirect.scatter.add.f32 [tilespmem:s9], [sflag:$0x1], $0x10, s11, s10, $0xb8;
	[tilespmem:$0x6DB0] =	vst v63  }
0x25: {  	_ =	swait.ge [sflag:s6], $0x1F40  }
0x26: {  	[sflag:s6] =	ssyncset.done $0x0  }
0x27: {  	s12 =	simm.s32 $0x3F0;
	[sflag:s6] =	ssyncadd.s32 $0xFFFFE0C0  }
0x28: {  	[spmem:s2] =	stream.indirect.scatter.add.f32 [tilespmem:s9], [sflag:$0x1], $0x10, s12, s10, $0xb8;
	[tilespmem:$0x6DB0] =	vst v63  }
0x29: {  	_ =	swait.ge [sflag:s6], $0x1F40  }
0x2a: {  	[sflag:s6] =	ssyncset.done $0x0  }
0x2b: {  	s13 =	simm.s32 $0x5E8;
	[sflag:s6] =	ssyncadd.s32 $0xFFFFE0C0  }
0x2c: {  	[spmem:s2] =	stream.indirect.scatter.add.f32 [tilespmem:s9], [sflag:$0x1], $0x10, s13, s10, $0xb8;
	[tilespmem:$0x6DB0] =	vst v63  }
0x2d: {  	_ =	swait.ge [sflag:s6], $0x1F40  }
0x2e: {  	[sflag:s6] =	ssyncset.done $0x0  }
0x2f: {  	s14 =	simm.s32 $0x7E0;
	[sflag:s6] =	ssyncadd.s32 $0xFFFFE0C0  }
0x30: {  	[spmem:s2] =	stream.indirect.scatter.add.f32 [tilespmem:s9], [sflag:$0x1], $0x10, s14, s10, $0xb8;
	[tilespmem:$0x6DB0] =	vst v63  }
0x31: {  	_ =	swait.ge [sflag:s6], $0x1F40  }
0x32: {  	[sflag:s6] =	ssyncset.done $0x0  }
0x33: {  	s15 =	simm.s32 $0x9D8;
	[sflag:s6] =	ssyncadd.s32 $0xFFFFE0C0  }
0x34: {  	[spmem:s2] =	stream.indirect.scatter.add.f32 [tilespmem:s9], [sflag:$0x1], $0x10, s15, s10, $0xb8;
	[tilespmem:$0x6DB0] =	vst v63  }
0x35: {  	_ =	swait.ge [sflag:s6], $0x1F40  }
0x36: {  	[sflag:s6] =	ssyncset.done $0x0  }
0x37: {  	s16 =	simm.s32 $0xBD0;
	[sflag:s6] =	ssyncadd.s32 $0xFFFFE0C0  }
0x38: {  	[spmem:s2] =	stream.indirect.scatter.add.f32 [tilespmem:s9], [sflag:$0x1], $0x10, s16, s10, $0xb8;
	[tilespmem:$0x6DB0] =	vst v63  }
0x39: {  	_ =	swait.ge [sflag:s6], $0x1F40  }
0x3a: {  	[sflag:s6] =	ssyncset.done $0x0  }
0x3b: {  	s17 =	simm.s32 $0xDC8;
	[sflag:s6] =	ssyncadd.s32 $0xFFFFE0C0  }
0x3c: {  	[spmem:s2] =	stream.indirect.scatter.add.f32 [tilespmem:s9], [sflag:$0x1], $0x10, s17, s10, $0xb8;
	[tilespmem:$0x6DB0] =	vst v63  }
0x3d: {  	_ =	swait.ge [sflag:s6], $0x1F40  }
0x3e: {  	[sflag:s6] =	ssyncset.done $0x0  }
0x3f: {  	s18 =	simm.s32 $0xFC0;
	[sflag:s6] =	ssyncadd.s32 $0xFFFFE0C0  }
0x40: {  	[spmem:s2] =	stream.indirect.scatter.add.f32 [tilespmem:s9], [sflag:$0x1], $0x10, s18, s10, $0xb8;
	[tilespmem:$0x6DB0] =	vst v63  }
0x41: {  	_ =	swait.ge [sflag:s6], $0x1F40  }
0x42: {  	[sflag:s6] =	ssyncset.done $0x0  }
0x43: {  	s19 =	simm.s32 $0x11B8;
	[sflag:s6] =	ssyncadd.s32 $0xFFFFE0C0  }
0x44: {  	[spmem:s2] =	stream.indirect.scatter.add.f32 [tilespmem:s9], [sflag:$0x1], $0x10, s19, s10, $0xb8;
	[tilespmem:$0x6DB0] =	vst v63  }
0x45: {  	_ =	swait.ge [sflag:s6], $0x1F40  }
0x46: {  	[sflag:s6] =	ssyncset.done $0x0  }
0x47: {  	s20 =	simm.s32 $0x13B0;
	[sflag:s6] =	ssyncadd.s32 $0xFFFFE0C0  }
0x48: {  	[spmem:s2] =	stream.indirect.scatter.add.f32 [tilespmem:s9], [sflag:$0x1], $0x10, s20, s10, $0xb8;
	[tilespmem:$0x6DB0] =	vst v63  }
0x49: {  	_ =	swait.ge [sflag:s6], $0x1F40  }
0x4a: {  	[sflag:s6] =	ssyncset.done $0x0  }
0x4b: {  	s21 =	simm.s32 $0x15A8;
	[sflag:s6] =	ssyncadd.s32 $0xFFFFE0C0  }
0x4c: {  	[spmem:s2] =	stream.indirect.scatter.add.f32 [tilespmem:s9], [sflag:$0x1], $0x10, s21, s10, $0xb8;
	[tilespmem:$0x6DB0] =	vst v63  }
0x4d: {  	_ =	swait.ge [sflag:s6], $0x1F40  }
0x4e: {  	[sflag:s6] =	ssyncset.done $0x0  }
0x4f: {  	s22 =	simm.s32 $0x17A0;
	[sflag:s6] =	ssyncadd.s32 $0xFFFFE0C0  }
0x50: {  	[spmem:s2] =	stream.indirect.scatter.add.f32 [tilespmem:s9], [sflag:$0x1], $0x10, s22, s10, $0xb8;
	[tilespmem:$0x6DB0] =	vst v63  }
0x51: {  	_ =	swait.ge [sflag:s6], $0x1F40  }
0x52: {  	[sflag:s6] =	ssyncset.done $0x0  }
0x53: {  	s23 =	simm.s32 $0x1998;
	[sflag:s6] =	ssyncadd.s32 $0xFFFFE0C0  }
0x54: {  	[spmem:s2] =	stream.indirect.scatter.add.f32 [tilespmem:s9], [sflag:$0x1], $0x10, s23, s10, $0xb8;
	[tilespmem:$0x6DB0] =	vst v63  }
0x55: {  	_ =	swait.ge [sflag:s6], $0x1F40  }
0x56: {  	[sflag:s6] =	ssyncset.done $0x0  }
0x57: {  	s24 =	simm.s32 $0x1B90;
	[sflag:s6] =	ssyncadd.s32 $0xFFFFE0C0  }
0x58: {  	[spmem:s2] =	stream.indirect.scatter.add.f32 [tilespmem:s9], [sflag:$0x1], $0x10, s24, s10, $0xb8;
	[tilespmem:$0x6DB0] =	vst v63  }
0x59: {  	_ =	swait.ge [sflag:s6], $0x1F40  }
0x5a: {  	[sflag:s6] =	ssyncset.done $0x0  }
0x5b: {  	s25 =	simm.s32 $0x1D88;
	[sflag:s6] =	ssyncadd.s32 $0xFFFFE0C0  }
0x5c: {  	[spmem:s2] =	stream.indirect.scatter.add.f32 [tilespmem:s9], [sflag:$0x1], $0x10, s25, s10, $0xb8;
	[tilespmem:$0x6DB0] =	vst v63  }
0x5d: {  	_ =	swait.ge [sflag:s6], $0x1F40  }
0x5e: {  	[sflag:s6] =	ssyncset.done $0x0  }
0x5f: {  	s26 =	simm.s32 $0x1F80;
	[sflag:s6] =	ssyncadd.s32 $0xFFFFE0C0  }
0x60: {  	[spmem:s2] =	stream.indirect.scatter.add.f32 [tilespmem:s9], [sflag:$0x1], $0x10, s26, s10, $0xb8;
	[tilespmem:$0x6DB0] =	vst v63  }
0x61: {  	_ =	swait.ge [sflag:s6], $0x1F40  }
0x62: {  	[sflag:s6] =	ssyncset.done $0x0  }
0x63: {  	s28 =	simm.s32 $0x2178;
	[sflag:s6] =	ssyncadd.s32 $0xFFFFE0C0  }
0x64: {  	[spmem:s2] =	stream.indirect.scatter.add.f32 [tilespmem:s9], [sflag:$0x1], $0x10, s28, s10, $0xb8;
	[tilespmem:$0x6DB0] =	vst v63  }
0x65: {  	_ =	swait.ge [sflag:s6], $0x1F40  }
0x66: {  	[sflag:s6] =	ssyncset.done $0x0  }
0x67: {  	s29 =	simm.s32 $0x2370;
	[sflag:s6] =	ssyncadd.s32 $0xFFFFE0C0  }
0x68: {  	[spmem:s2] =	stream.indirect.scatter.add.f32 [tilespmem:s9], [sflag:$0x1], $0x10, s29, s10, $0xb8;
	[tilespmem:$0x6DB0] =	vst v63  }
0x69: {  	_ =	swait.ge [sflag:s6], $0x1F40  }
0x6a: {  	[sflag:s6] =	ssyncset.done $0x0  }
0x6b: {  	s30 =	simm.s32 $0x2568;
	[sflag:s6] =	ssyncadd.s32 $0xFFFFE0C0  }
0x6c: {  	[spmem:s2] =	stream.indirect.scatter.add.f32 [tilespmem:s9], [sflag:$0x1], $0x10, s30, s10, $0xb8;
	[tilespmem:$0x6DB0] =	vst v63  }
0x6d: {  	_ =	swait.ge [sflag:s6], $0x1F40  }
0x6e: {  	[sflag:s6] =	ssyncset.done $0x0  }
0x6f: {  	[sflag:s6] =	ssyncadd.s32 $0xFFFFE0C0  }
0x70: {  	[bflag:$0x0] =	sbarrier.arrive $0xFFFF  }
0x71: {  	s1 =	ssub.s32 $0x2, s1;
	s31 =	rddreg [dreg:$0x7]  }
0x72: {  	[hbm:s31], [sflag:s4] =	dma.local [spmem:s5], $0x4E0  }
0x73: {  	s31 =	sshrl.u32 s1, $0x1  }
0x74: {  	s1 =	ssub.s32 s1, s31  }
0x75: {  	s1 =	smax.u32 s1, $0x1  }
0x76: {  	s1 =	sadd.s32 $0xFFFFFFFF, s1  }
0x77: {  	_ =	swait.ge [sflag:s6], $0x4E0;
	p1 =	sne.s32 s1, $0x0  }
.Ltmp0:
0x78: {  	s0 =	sshrl.u32 s0, $0x3;
	s31 =	rddreg [dreg:$0x8];
	(pc) =	sbr.rel @!p1 .LBB2_2-.Ltmp0, $4  }
0x79: {  	[sflag:s6] =	ssyncset.done $0x0;
	s0 =	sadd.s32 s31, s0  }
0x7a: {  	[sflag:s6] =	ssyncadd.s32 $0xFFFFFB20;
	s31 =	sadd.s32 $0x4E00, s0  }
0x7b: {  	[hbm:s31], [sflag:s4] =	dma.local @!p0 [spmem:s8], $0x20  }
0x7c: {  	_ =	swait.ge @!p0 [sflag:s7], $0x20  }
.LBB2_1:
0x7d: {  	[sflag:s7] =	ssyncset.done @!p0 $0x0  }
0x7e: {  	s0 =	rddreg [dreg:$0x4];
	[sflag:s7] =	ssyncadd.s32 @!p0 $0xFFFFFFE0  }
0x7f: {  	[spmem:s5], [sflag:s4] =	dma.local [hbm:s0], $0x4E0  }
0x80: {  	_ =	swait.ge [sflag:s6], $0x4E0  }
0x81: {  	[sflag:s6] =	ssyncset.done $0x0  }
0x82: {  	s0 =	rddreg [dreg:$0x5];
	[sflag:s6] =	ssyncadd.s32 $0xFFFFFB20  }
0x83: {  	[spmem:s8], [sflag:s4] =	dma.local @!p0 [hbm:s0], $0x20  }
0x84: {  	_ =	swait.ge @!p0 [sflag:s7], $0x20  }
0x85: {  	[sflag:s7] =	ssyncset.done @!p0 $0x0  }
0x86: {  	[sflag:s7] =	ssyncadd.s32 @!p0 $0xFFFFFFE0  }
0x87: {  	[bflag:$0x0] =	sbarrier.arrive $0xFFFF  }
0x88: {  	s0 =	rddreg [dreg:$0x6]  }
0x89: {  	[tilespmem:s3], [sflag:$0x1] =	stream.linear.gather [hbm4b:s0+s3], $0x2760, $0x38;
	[tilespmem:$0x6DB0] =	vst v63  }
0x8a: {  	_ =	swait.ge [sflag:s6], $0x2760  }
0x8b: {  	[sflag:s6] =	ssyncset.done $0x0  }
0x8c: {  	s0 =	rddreg [dreg:$0x3];
	[sflag:s6] =	ssyncadd.s32 $0xFFFFD8A0  }
0x8d: {  	[tilespmem:s9], [sflag:$0x1] =	stream.linear.gather [hbm4b:s0+s3], $0x1F40, $0x38;
	[tilespmem:$0x6DB0] =	vst v63  }
0x8e: {  	_ =	swait.ge [sflag:s6], $0x1F40  }
0x8f: {  	[sflag:s6] =	ssyncset.done $0x0  }
0x90: {  	[sflag:s6] =	ssyncadd.s32 $0xFFFFE0C0  }
0x91: {  	[spmem:s2] =	stream.indirect.scatter.add.f32 [tilespmem:s9], [sflag:$0x1], $0x10, s3, s10, $0xb8;
	[tilespmem:$0x6DB0] =	vst v63  }
0x92: {  	_ =	swait.ge [sflag:s6], $0x1F40  }
0x93: {  	[sflag:s6] =	ssyncset.done $0x0  }
0x94: {  	[sflag:s6] =	ssyncadd.s32 $0xFFFFE0C0  }
0x95: {  	[spmem:s2] =	stream.indirect.scatter.add.f32 [tilespmem:s9], [sflag:$0x1], $0x10, s11, s10, $0xb8;
	[tilespmem:$0x6DB0] =	vst v63  }
0x96: {  	_ =	swait.ge [sflag:s6], $0x1F40  }
0x97: {  	[sflag:s6] =	ssyncset.done $0x0  }
0x98: {  	[sflag:s6] =	ssyncadd.s32 $0xFFFFE0C0  }
0x99: {  	[spmem:s2] =	stream.indirect.scatter.add.f32 [tilespmem:s9], [sflag:$0x1], $0x10, s12, s10, $0xb8;
	[tilespmem:$0x6DB0] =	vst v63  }
0x9a: {  	_ =	swait.ge [sflag:s6], $0x1F40  }
0x9b: {  	[sflag:s6] =	ssyncset.done $0x0  }
0x9c: {  	[sflag:s6] =	ssyncadd.s32 $0xFFFFE0C0  }
0x9d: {  	[spmem:s2] =	stream.indirect.scatter.add.f32 [tilespmem:s9], [sflag:$0x1], $0x10, s13, s10, $0xb8;
	[tilespmem:$0x6DB0] =	vst v63  }
0x9e: {  	_ =	swait.ge [sflag:s6], $0x1F40  }
0x9f: {  	[sflag:s6] =	ssyncset.done $0x0  }
0xa0: {  	[sflag:s6] =	ssyncadd.s32 $0xFFFFE0C0  }
0xa1: {  	[spmem:s2] =	stream.indirect.scatter.add.f32 [tilespmem:s9], [sflag:$0x1], $0x10, s14, s10, $0xb8;
	[tilespmem:$0x6DB0] =	vst v63  }
0xa2: {  	_ =	swait.ge [sflag:s6], $0x1F40  }
0xa3: {  	[sflag:s6] =	ssyncset.done $0x0  }
0xa4: {  	[sflag:s6] =	ssyncadd.s32 $0xFFFFE0C0  }
0xa5: {  	[spmem:s2] =	stream.indirect.scatter.add.f32 [tilespmem:s9], [sflag:$0x1], $0x10, s15, s10, $0xb8;
	[tilespmem:$0x6DB0] =	vst v63  }
0xa6: {  	_ =	swait.ge [sflag:s6], $0x1F40  }
0xa7: {  	[sflag:s6] =	ssyncset.done $0x0  }
0xa8: {  	[sflag:s6] =	ssyncadd.s32 $0xFFFFE0C0  }
0xa9: {  	[spmem:s2] =	stream.indirect.scatter.add.f32 [tilespmem:s9], [sflag:$0x1], $0x10, s16, s10, $0xb8;
	[tilespmem:$0x6DB0] =	vst v63  }
0xaa: {  	_ =	swait.ge [sflag:s6], $0x1F40  }
0xab: {  	[sflag:s6] =	ssyncset.done $0x0  }
0xac: {  	[sflag:s6] =	ssyncadd.s32 $0xFFFFE0C0  }
0xad: {  	[spmem:s2] =	stream.indirect.scatter.add.f32 [tilespmem:s9], [sflag:$0x1], $0x10, s17, s10, $0xb8;
	[tilespmem:$0x6DB0] =	vst v63  }
0xae: {  	_ =	swait.ge [sflag:s6], $0x1F40  }
0xaf: {  	[sflag:s6] =	ssyncset.done $0x0  }
0xb0: {  	[sflag:s6] =	ssyncadd.s32 $0xFFFFE0C0  }
0xb1: {  	[spmem:s2] =	stream.indirect.scatter.add.f32 [tilespmem:s9], [sflag:$0x1], $0x10, s18, s10, $0xb8;
	[tilespmem:$0x6DB0] =	vst v63  }
0xb2: {  	_ =	swait.ge [sflag:s6], $0x1F40  }
0xb3: {  	[sflag:s6] =	ssyncset.done $0x0  }
0xb4: {  	[sflag:s6] =	ssyncadd.s32 $0xFFFFE0C0  }
0xb5: {  	[spmem:s2] =	stream.indirect.scatter.add.f32 [tilespmem:s9], [sflag:$0x1], $0x10, s19, s10, $0xb8;
	[tilespmem:$0x6DB0] =	vst v63  }
0xb6: {  	_ =	swait.ge [sflag:s6], $0x1F40  }
0xb7: {  	[sflag:s6] =	ssyncset.done $0x0  }
0xb8: {  	[sflag:s6] =	ssyncadd.s32 $0xFFFFE0C0  }
0xb9: {  	[spmem:s2] =	stream.indirect.scatter.add.f32 [tilespmem:s9], [sflag:$0x1], $0x10, s20, s10, $0xb8;
	[tilespmem:$0x6DB0] =	vst v63  }
0xba: {  	_ =	swait.ge [sflag:s6], $0x1F40  }
0xbb: {  	[sflag:s6] =	ssyncset.done $0x0  }
0xbc: {  	[sflag:s6] =	ssyncadd.s32 $0xFFFFE0C0  }
0xbd: {  	[spmem:s2] =	stream.indirect.scatter.add.f32 [tilespmem:s9], [sflag:$0x1], $0x10, s21, s10, $0xb8;
	[tilespmem:$0x6DB0] =	vst v63  }
0xbe: {  	_ =	swait.ge [sflag:s6], $0x1F40  }
0xbf: {  	[sflag:s6] =	ssyncset.done $0x0  }
0xc0: {  	[sflag:s6] =	ssyncadd.s32 $0xFFFFE0C0  }
0xc1: {  	[spmem:s2] =	stream.indirect.scatter.add.f32 [tilespmem:s9], [sflag:$0x1], $0x10, s22, s10, $0xb8;
	[tilespmem:$0x6DB0] =	vst v63  }
0xc2: {  	_ =	swait.ge [sflag:s6], $0x1F40  }
0xc3: {  	[sflag:s6] =	ssyncset.done $0x0  }
0xc4: {  	[sflag:s6] =	ssyncadd.s32 $0xFFFFE0C0  }
0xc5: {  	[spmem:s2] =	stream.indirect.scatter.add.f32 [tilespmem:s9], [sflag:$0x1], $0x10, s23, s10, $0xb8;
	[tilespmem:$0x6DB0] =	vst v63  }
0xc6: {  	_ =	swait.ge [sflag:s6], $0x1F40  }
0xc7: {  	[sflag:s6] =	ssyncset.done $0x0  }
0xc8: {  	[sflag:s6] =	ssyncadd.s32 $0xFFFFE0C0  }
0xc9: {  	[spmem:s2] =	stream.indirect.scatter.add.f32 [tilespmem:s9], [sflag:$0x1], $0x10, s24, s10, $0xb8;
	[tilespmem:$0x6DB0] =	vst v63  }
0xca: {  	_ =	swait.ge [sflag:s6], $0x1F40  }
0xcb: {  	[sflag:s6] =	ssyncset.done $0x0  }
0xcc: {  	[sflag:s6] =	ssyncadd.s32 $0xFFFFE0C0  }
0xcd: {  	[spmem:s2] =	stream.indirect.scatter.add.f32 [tilespmem:s9], [sflag:$0x1], $0x10, s25, s10, $0xb8;
	[tilespmem:$0x6DB0] =	vst v63  }
0xce: {  	_ =	swait.ge [sflag:s6], $0x1F40  }
0xcf: {  	[sflag:s6] =	ssyncset.done $0x0  }
0xd0: {  	[sflag:s6] =	ssyncadd.s32 $0xFFFFE0C0  }
0xd1: {  	[spmem:s2] =	stream.indirect.scatter.add.f32 [tilespmem:s9], [sflag:$0x1], $0x10, s26, s10, $0xb8;
	[tilespmem:$0x6DB0] =	vst v63  }
0xd2: {  	_ =	swait.ge [sflag:s6], $0x1F40  }
0xd3: {  	[sflag:s6] =	ssyncset.done $0x0  }
0xd4: {  	[sflag:s6] =	ssyncadd.s32 $0xFFFFE0C0  }
0xd5: {  	[spmem:s2] =	stream.indirect.scatter.add.f32 [tilespmem:s9], [sflag:$0x1], $0x10, s28, s10, $0xb8;
	[tilespmem:$0x6DB0] =	vst v63  }
0xd6: {  	_ =	swait.ge [sflag:s6], $0x1F40  }
0xd7: {  	[sflag:s6] =	ssyncset.done $0x0  }
0xd8: {  	[sflag:s6] =	ssyncadd.s32 $0xFFFFE0C0  }
0xd9: {  	[spmem:s2] =	stream.indirect.scatter.add.f32 [tilespmem:s9], [sflag:$0x1], $0x10, s29, s10, $0xb8;
	[tilespmem:$0x6DB0] =	vst v63  }
0xda: {  	_ =	swait.ge [sflag:s6], $0x1F40  }
0xdb: {  	[sflag:s6] =	ssyncset.done $0x0  }
0xdc: {  	[sflag:s6] =	ssyncadd.s32 $0xFFFFE0C0  }
0xdd: {  	[spmem:s2] =	stream.indirect.scatter.add.f32 [tilespmem:s9], [sflag:$0x1], $0x10, s30, s10, $0xb8;
	[tilespmem:$0x6DB0] =	vst v63  }
0xde: {  	_ =	swait.ge [sflag:s6], $0x1F40  }
0xdf: {  	[sflag:s6] =	ssyncset.done $0x0  }
0xe0: {  	[sflag:s6] =	ssyncadd.s32 $0xFFFFE0C0  }
0xe1: {  	s1 =	sadd.s32 $0xFFFFFFFF, s1;
	[bflag:$0x0] =	sbarrier.arrive $0xFFFF  }
0xe2: {  	p1 =	sne.s32 s1, $0x0;
	s0 =	rddreg [dreg:$0x7]  }
0xe3: {  	[hbm:s0], [sflag:s4] =	dma.local [spmem:s5], $0x4E0  }
.Ltmp1:
0xe4: {  	_ =	swait.ge [sflag:s6], $0x4E0;
	(pc) =	sbr.rel @p1 .LBB2_1-.Ltmp1, $4  }
0xe5: {  	[sflag:s6] =	ssyncset.done $0x0  }
0xe6: {  	[sflag:s6] =	ssyncadd.s32 $0xFFFFFB20  }
0xe7: {  	[hbm:s31], [sflag:s4] =	dma.local @!p0 [spmem:s8], $0x20  }
0xe8: {  	_ =	swait.ge @!p0 [sflag:s7], $0x20  }
.LBB2_2:
0xe9: {  	[sflag:s7] =	ssyncset.done @!p0 $0x0  }
0xea: {  	[sflag:s7] =	ssyncadd.s32 @!p0 $0xFFFFFFE0  }
0xeb: {  	_ =	sfence.sel $0x180000  }
0xec: {  	[bflag:$0x0] =	sbarrier.arrive $0xFFFF  }
0xed: {  	_ =	strace $0x9000004A  }
0xee: {  	s0 =	stileid.u32;
	[bflag:$0x2] =	sbarrier.arrive $0xFFFF  }
0xef: {  	p0 =	sne.s32 s0, $0x0;
	s0 =	rddreg [dreg:$0x2]  }
0xf0: {  	s0 =	sadd.s32 @!p0 $0x100000, s0  }
0xf1: {  	[sflag:s0] =	ssyncadd.tile.s32 @!p0 $0x1;
	_ =	shalt  }
.Lfunc_end2:
_tile_overlayer_lowered:
.L_overlay_start_2:
0xf2: {  	(tag) =	ssettag $0x2  }
0xf3: {  	s0 =	rddreg [dreg:$0x0];
	s2 =	stileid.u32  }
0xf4: {  	s1 =	rddreg [dreg:$0x1];
	p0 =	sne.s32 s2, $0x0  }
0xf5: {  	s3 =	rddreg [dreg:$0x2];
	[bflag:$0x3] =	sbarrier.arrive $0xFFFF;
	s2 =	simm.s32 @!p0 $0x1C01  }
0xf6: {  	[timem:s3], [sflag:s2] =	dma.local @!p0 [hbm:s0], s1  }
0xf7: {  	s0 =	simm.s32 @!p0 $0x1  }
0xf8: {  	_ =	swait.ge @!p0 [sflag:s0], s1  }
0xf9: {  	s1 =	ssub.s32 @!p0 $0x0, s1;
	[sflag:s0] =	ssyncset.done @!p0 $0x0  }
0xfa: {  	[sflag:s0] =	ssyncadd.s32 @!p0 s1  }
0xfb: {  	[bflag:$0x3] =	sbarrier.arrive $0xFFFF  }
0xfc: {  	_ =	shalt  }

// kernel: kernel.20.cloned.1.call-start
scs
__scs_entry_jumppad:
0x0: {  	(pc) =	sbr.rel $0x88, $3  }
0x1: {  	(tag) =	ssettag $0x0;
	lr =	simm.s32 $0x1  }
0x2: {  	[smem:$0x3F73] =	sst lr;
	_ =	strace $0xD0000000  }
0x3: {  	_ = 	snop  }
0x4: {  	_ = 	snop  }
0x5: {  	_ = 	snop  }
0x6: {  	_ = 	snop  }
0x7: {  	_ = 	snop  }
__scs_overlays_trampoline_lowered:
0x8: {  	[smem:$0x3F82] =	sst s0  }
0x9: {  	[smem:$0x3F83] =	sst s1  }
0xa: {  	[smem:$0x3F84] =	sst s2  }
0xb: {  	[smem:$0x3F85] =	sst s3  }
0xc: {  	[smem:$0x3F86] =	sst s4  }
0xd: {  	[smem:$0x3F87] =	sst s5  }
0xe: {  	[smem:$0x3F88] =	sst s6  }
0xf: {  	[smem:$0x3F89] =	sst s7  }
0x10: {  	[smem:$0x3F8A] =	sst s8  }
0x11: {  	[smem:$0x3F8B] =	sst s9;
	s0 =	simm.s32 @!p0 $0x0  }
0x12: {  	s1 =	sld [smem:$0x3F71];
	s0 =	simm.s32 @p0 $0x1  }
0x13: {  	[smem:$0x3F8C] =	sst s0;
	s0 =	simm.s32 @!p1 $0x0  }
0x14: {  	s2 =	sld [smem:$0x3F70];
	s0 =	simm.s32 @p1 $0x1  }
0x15: {  	[smem:$0x3F8D] =	sst s0;
	s0 =	simm.s32 @!p2 $0x0  }
0x16: {  	s3 =	sld [smem:$0x3FDB];
	s0 =	simm.s32 @p2 $0x1  }
0x17: {  	s4 =	simm.s32 $0x1BF5;
	[smem:$0x3F8F] =	sst s0  }
0x18: {  	s0 =	sld [smem:$0x3F72];
	_ =	swait.ge [sflag:s4], $0x0  }
0x19: {  	s7 =	sld [smem:$0x3F73]  }
0x1a: {  	s8 =	sadd.s32 $0xFFFFE003, lr  }
0x1b: {  	s9 =	sadd.s32 $0xFFFFFEF7, lr;
	s5 =	simm.s32 $0xFFFFFFFF;
	p2 =	slt.u32 s8, $0xFFFFF086  }
0x1c: {  	p1 =	slt.u32 s9, $0xF7A;
	s5 =	simm.s32 @!p2 $0x0  }
0x1d: {  	s5 =	simm.s32 @p1 $0x1;
	p0 =	seq.s32 s7, s2  }
0x1e: {  	s7 =	smul.u32 @!p0 $0xF7A, s2;
	p2 =	seq.s32 @!p0 s5, $0x0  }
0x1f: {  	s9 =	smul.u32 $0xF7A, s1;
	s8 =	simm.s32 @!p0 $0x1BF5;
	p2 =	por !p2, p0  }
0x20: {  	[sflag:s8] =	ssyncset.s32 @!p0 $0xFFFFF086;
	s6 =	sadd.s32 @!p0 s3, s7;
	s7 =	simm.s32 @!p0 $0x108  }
0x21: {  	s3 =	sadd.s32 s3, s9;
	s6 =	sadd.s32 @!p0 $0x88, s6;
	s7 =	simm.s32 @p2 $0x1082  }
0x22: {  	[simem:s7], [sflag:s8] =	dma.local @!p0 [hbm:s6], $0xF7A  }
0x23: {  	s9 =	sor.u32 $0xD0000000, s2;
	s6 =	simm.s32 $0x108;
	_ =	swait.ge @!p0 [sflag:s8], $0x0  }
0x24: {  	s3 =	sadd.s32 $0x88, s3;
	s6 =	simm.s32 @!p1 $0x1082;
	[sflag:s4] =	ssyncset.s32 $0xFFFFF086  }
0x25: {  	[simem:s6], [sflag:s4] =	dma.local [hbm:s3], $0xF7A  }
0x26: {  	[smem:$0x3F73] =	sst s1;
	(tag) =	ssettag s2;
	_ =	strace s9  }
0x27: {  	s1 =	sld [smem:$0x3F83]  }
0x28: {  	s2 =	sld [smem:$0x3F84]  }
0x29: {  	s4 =	sld [smem:$0x3F86]  }
0x2a: {  	p0 =	seq.s32 s5, $0x0;
	s5 =	sld [smem:$0x3F87]  }
0x2b: {  	s6 =	sld [smem:$0x3F88]  }
0x2c: {  	s7 =	sld [smem:$0x3F89]  }
0x2d: {  	s3 =	simm.s32 $0x108;
	s8 =	sld [smem:$0x3F8A]  }
0x2e: {  	s3 =	simm.s32 @!p0 $0x1082;
	s9 =	sld [smem:$0x3F8B]  }
0x2f: {  	lr =	sadd.s32 s0, s3;
	s0 =	sld [smem:$0x3F82]  }
0x30: {  	s3 =	sld [smem:$0x3F85]  }
0x31: {  	[smem:$0x3F8E] =	sst s10  }
0x32: {  	s10 =	sld [smem:$0x3F8C];
	_ =	sdelay $0x3  }
0x33: {  	p0 =	seq.s32 s10, $0x1;
	s10 =	sld [smem:$0x3F8E];
	_ =	sdelay $0x3  }
0x34: {  	[smem:$0x3F8E] =	sst s10  }
0x35: {  	s10 =	sld [smem:$0x3F8D];
	_ =	sdelay $0x3  }
0x36: {  	p1 =	seq.s32 s10, $0x1;
	s10 =	sld [smem:$0x3F8E];
	_ =	sdelay $0x3  }
0x37: {  	[smem:$0x3F8E] =	sst s10  }
0x38: {  	s10 =	sld [smem:$0x3F8F]  }
0x39: {  	_ = 	snop;
	(pc) =	sbr.ind lr, $3  }
0x3a: {  	_ = 	snop  }
0x3b: {  	_ = 	snop  }
0x3c: {  	p2 =	seq.s32 s10, $0x1;
	s10 =	sld [smem:$0x3F8E]  }
0x3d: {  	_ =	shalt  }
0x3e: {  	_ =	shalt  }
0x3f: {  	_ =	shalt  }
0x40: {  	_ =	shalt  }
0x41: {  	_ =	shalt  }
0x42: {  	_ =	shalt  }
0x43: {  	_ =	shalt  }
0x44: {  	_ =	shalt  }
0x45: {  	_ =	shalt  }
0x46: {  	_ =	shalt  }
0x47: {  	_ =	shalt  }
0x48: {  	_ =	shalt  }
0x49: {  	_ =	shalt  }
0x4a: {  	_ =	shalt  }
0x4b: {  	_ =	shalt  }
0x4c: {  	_ =	shalt  }
0x4d: {  	_ =	shalt  }
0x4e: {  	_ =	shalt  }
0x4f: {  	_ =	shalt  }
0x50: {  	_ =	shalt  }
0x51: {  	_ =	shalt  }
0x52: {  	_ =	shalt  }
0x53: {  	_ =	shalt  }
0x54: {  	_ =	shalt  }
0x55: {  	_ =	shalt  }
0x56: {  	_ =	shalt  }
0x57: {  	_ =	shalt  }
0x58: {  	_ =	shalt  }
0x59: {  	_ =	shalt  }
0x5a: {  	_ =	shalt  }
0x5b: {  	_ =	shalt  }
0x5c: {  	_ =	shalt  }
0x5d: {  	_ =	shalt  }
0x5e: {  	_ =	shalt  }
0x5f: {  	_ =	shalt  }
0x60: {  	_ =	shalt  }
0x61: {  	_ =	shalt  }
0x62: {  	_ =	shalt  }
0x63: {  	_ =	shalt  }
0x64: {  	_ =	shalt  }
0x65: {  	_ =	shalt  }
0x66: {  	_ =	shalt  }
0x67: {  	_ =	shalt  }
0x68: {  	_ =	shalt  }
0x69: {  	_ =	shalt  }
0x6a: {  	_ =	shalt  }
0x6b: {  	_ =	shalt  }
0x6c: {  	_ =	shalt  }
0x6d: {  	_ =	shalt  }
0x6e: {  	_ =	shalt  }
0x6f: {  	_ =	shalt  }
0x70: {  	_ =	shalt  }
0x71: {  	_ =	shalt  }
0x72: {  	_ =	shalt  }
0x73: {  	_ =	shalt  }
0x74: {  	_ =	shalt  }
0x75: {  	_ =	shalt  }
0x76: {  	_ =	shalt  }
0x77: {  	_ =	shalt  }
0x78: {  	_ =	shalt  }
0x79: {  	_ =	shalt  }
0x7a: {  	_ =	shalt  }
0x7b: {  	_ =	shalt  }
0x7c: {  	_ =	shalt  }
0x7d: {  	_ =	shalt  }
0x7e: {  	_ =	shalt  }
0x7f: {  	_ =	shalt  }
0x80: {  	_ =	shalt  }
0x81: {  	_ =	shalt  }
0x82: {  	_ =	shalt  }
0x83: {  	_ =	shalt  }
0x84: {  	_ =	shalt  }
0x85: {  	_ =	shalt  }
0x86: {  	_ =	shalt  }
0x87: {  	_ =	shalt  }
.Lfunc_end0:
.L_simem_size_0:
called_computation.1_lowered:
.L_overlay_start_0:
0x88: {  	s2 =	sld [smem:$0x3FD9]  }
0x89: {  	s3 =	sld [smem:$0x3FFE];
	_ =	sdelay $0x1  }
0x8a: {  	s1 =	srdreg.scid  }
0x8b: {  	s0 =	sand.u32 $0x1, s1  }
0x8c: {  	s16 =	sshll.u32 s0, $0xA;
	s2 =	sadd.s32 s3, s2  }
0x8d: {  	s2 =	sadd.s32 s2, s16  }
0x8e: {  	[smem:$0x3F9A] =	sst s2  }
0x8f: {  	_ = 	snop  }
0x90: {  	(tm) =	ssettm $0x1  }
0x91: {  	s17 =	sld [smem:$0x3FFB];
	_ =	sdelay $0x3  }
0x92: {  	_ =	strace s17  }
0x93: {  	s2 =	sld [smem:$0x3FFC];
	_ =	sdelay $0x3  }
0x94: {  	_ =	strace s2  }
0x95: {  	s2 =	sld [smem:$0x3FFD];
	_ =	sdelay $0x3  }
0x96: {  	_ =	strace s2  }
0x97: {  	_ =	strace $0x8FFFFFFF  }
0x98: {  	s18 =	sld [smem:$0x3FDB];
	_ =	sdelay $0x1  }
0x99: {  	s19 =	simm.s32 $_scs_section_size  }
0x9a: {  	s4 =	simm.s32 $_size__tile_overlayer_lowered;
	s5 =	simm.s32 $_tile_overlayer_lowered  }
0x9b: {  	s22 =	simm.s32 $0x1BFF;
	s21 =	sshll.u32 s5, $0x1;
	s2 =	sadd.s32 s19, s18  }
0x9c: {  	s6 =	simm.s32 $0x0;
	s20 =	sshll.u32 s4, $0x1;
	s4 =	sadd.s32 s21, s2  }
0x9d: {  	[timem:s6], [sflag:s22] =	dma.local [hbm:s4], s20  }
0x9e: {  	_ =	swait.ge [sflag:s22], s20  }
0x9f: {  	s3 =	ssub.s32 $0x0, s20;
	[sflag:s22] =	ssyncset.done $0x0  }
0xa0: {  	[sflag:s22] =	ssyncadd.s32 s3;
	_ =	sdelay $0x1  }
0xa1: {  	s23 =	simm.s32 $0x1B8B  }
0xa2: {  	_ =	swait.ge [sflag:s23], $0x1  }
0xa3: {  	[sflag:s23] =	ssyncset.done $0x0  }
0xa4: {  	s25 =	simm.s32 $0x1B8E;
	s24 =	sld [smem:$0x3FFE];
	[sflag:s23] =	ssyncadd.s32 $0xFFFFFFFF  }
0xa5: {  	s26 =	simm.s32 $execute0_lowered;
	[smem:$0x3FD2] =	sst s25  }
0xa6: {  	s4 =	sshll.u32 s26, $0x1;
	_ =	strace $0x80000046;
	[dreg:$0x1] =	wrdreg $0xFFFFFFFF  }
0xa7: {  	s28 =	simm.s32 $_size_execute0_lowered;
	s2 =	sadd.s32 s2, s4;
	[dreg:$0x0] =	wrdreg $0x0  }
0xa8: {  	s4 =	sshll.u32 s28, $0x1;
	[dreg:$0x2] =	wrdreg s2  }
0xa9: {  	[dreg:$0x3] =	wrdreg s4  }
0xaa: {  	[dreg:$0x4] =	wrdreg $0xC0  }
0xab: {  	_ =	task [dreg:s6], $0x5FFFF  }
0xac: {  	[dreg:$0x1] =	wrdreg $0xFFFFFFFF  }
0xad: {  	[dreg:$0x0] =	wrdreg $0x60  }
0xae: {  	[dreg:$0x2] =	wrdreg s24  }
0xaf: {  	[dreg:$0x3] =	wrdreg $0xA  }
0xb0: {  	_ =	task.clear_ibuf [dreg:s6], $0x4FFFF;
	_ =	strace $0x90000046  }
0xb1: {  	s29 =	simm.s32 $0xA;
	_ =	strace $0x80000048  }
0xb2: {  	_ =	swait.ge [sflag:s29], $0x1  }
0xb3: {  	[sflag:s29] =	ssyncadd.s32 $0xFFFFFFFF  }
0xb4: {  	_ =	strace $0x90000048  }
0xb5: {  	_ =	sfence  }
0xb6: {  	s30 =	sld [smem:$0x0];
	_ =	sdelay $0x2  }
0xb7: {  	s31 =	sshll.u32 s1, $0xD;
	s1 =	sshrl.u32 s1, $0x2  }
0xb8: {  	s3 =	sand.u32 $0x4000, s31;
	s1 =	sadd.s32 s1, s30  }
0xb9: {  	s0 =	sor.u32 s3, s0;
	s1 =	sshll.u32 s1, $0x11  }
0xba: {  	s0 =	sor.u32 s1, s0  }
0xbb: {  	s0 =	sadd.s32 $0x8F2B, s0  }
0xbc: {  	[sflag:s0] =	ssyncadd.remote.s32 $0x1  }
0xbd: {  	_ =	sfence.sel $0xFFFF  }
0xbe: {  	[dreg:$0x0] =	wrdreg $0xFFFFFFFF;
	(pc) =	sbr.abs _section_cstart, $3  }
0xbf: {  	[dreg:$0x1] =	wrdreg $0xFFFFFFFF  }
0xc0: {  	_ =	task.clear_ibuf [dreg:s6], $0x2FFFF;
	_ =	strace $0x9FFFFFFF  }
0xc1: {  	(tm) =	ssettm $0x7FFFFFFF  }
tec
execute0_lowered:
.L_overlay_start_1:
0x0: {  	(tag) =	ssettag $0x1  }
0x1: {  	s1 =	srdreg.scid  }
0x2: {  	s0 =	stileid.u32;
	s5 =	rddreg [dreg:$0x0];
	s2 =	simm.s32 $0x0  }
0x3: {  	s11 =	simm.s32 $0x2800;
	s12 =	simm.s32 $0xFA;
	s13 =	simm.s32 $0x5000  }
0x4: {  	s14 =	simm.s32 $0x8E80;
	s15 =	simm.s32 $0x1;
	s16 =	simm.s32 $0xCD00  }
0x5: {  	s17 =	simm.s32 $0x10B80;
	s4 =	sand.u32 $0x1, s1;
	s3 =	sshll.u32 s0, $0x1  }
0x6: {  	s18 =	simm.s32 $0x0;
	[smem:$0x7FF] =	sst s2;
	s8 =	sor.u32 s4, s3  }
0x7: {  	s1 =	rddreg [dreg:$0x1];
	_ =	strace $0x80000047;
	s6 =	smul.u32 $0x500, s8  }
0x8: {  	s3 =	sadd.s32 $0x2D200, s5;
	s7 =	ssub.s32 $0x2, s4;
	s4 =	sadd.s32 $0x19800, s5  }
0x9: {  	s31 =	sshrl.u32 s7, $0x1;
	s8 =	smul.u32 $0x2710, s8;
	s9 =	sadd.s32 s6, s5  }
0xa: {  	s10 =	ssub.s32 s7, s31;
	s5 =	sadd.s32 $0x4AC00, s5;
	s6 =	sadd.s32 $0xF800, s9  }
0xb: {  	s7 =	sadd.s32 $0x40C00, s9;
	s9 =	smax.u32 s10, $0x1;
	s10 =	simm.s32 $0x2  }
.LBB2_1:
0xc: {  	[tilespmem:s2], [sflag:$0x2] =	stream.linear.gather [hbm4b:s6+s2], $0x2800, $0x38;
	[tilespmem:$0x14A00] =	vst v63  }
0xd: {  	_ =	swait.ge [sflag:s10], $0x2800  }
0xe: {  	[sflag:s10] =	ssyncset.done $0x0  }
0xf: {  	[sflag:s10] =	ssyncadd.s32 $0xFFFFD800  }
0x10: {  	[tilespmem:s11], [sflag:$0x2] =	stream.linear.gather [hbm4b:s7+s2], $0x2800, $0x38;
	[tilespmem:$0x14A00] =	vst v63  }
0x11: {  	_ =	swait.ge [sflag:s10], $0x2800  }
0x12: {  	[sflag:s10] =	ssyncset.done $0x0  }
0x13: {  	[sflag:s10] =	ssyncadd.s32 $0xFFFFD800  }
0x14: {  	[tilespmem:s13], [sflag:$0x1] =	stream.indirect.gather [hbm4b:s3+s12], $0x40, s2, s12, $0xb8;
	[tilespmem:$0x14A00] =	vst v63  }
0x15: {  	s19 =	simm.s32 $0x0  }
0x16: {  	[tilespmem:s14], [sflag:$0x1] =	stream.indirect.gather [hbm4b:s4+s12], $0x40, s11, s12, $0xb8;
	[tilespmem:$0x14A00] =	vst v63  }
.LBB2_2:
0x17: {  	_ =	swait.ge [sflag:s15], $0x3E80  }
0x18: {  	[sflag:s15] =	ssyncset.done $0x0  }
0x19: {  	[sflag:s15] =	ssyncadd.s32 $0xFFFFC180  }
0x1a: {  	_ =	swait.ge [sflag:s15], $0x3E80  }
0x1b: {  	s20 =	sshllo.u32 s19, $0x1;
	[sflag:s15] =	ssyncset.done $0x0  }
0x1c: {  	s21 =	sshll.u32 s20, $0x8;
	[sflag:s15] =	ssyncadd.s32 $0xFFFFC180  }
0x1d: {  	[tilespmem:s16], [sflag:$0x1] =	stream.indirect.gather [hbm4b:s3+s12], $0x40, s21, s12, $0xb8;
	[tilespmem:$0x14A00] =	vst v63  }
0x1e: {  	s21 =	sadd.s32 $0x2800, s21  }
0x1f: {  	[tilespmem:s17], [sflag:$0x1] =	stream.indirect.gather [hbm4b:s4+s12], $0x40, s21, s12, $0xb8;
	[tilespmem:$0x14A00] =	vst v63  }
0x20: {  	s21 =	simm.s32 $0x0  }
0x21: {  	v1 =	vld [tilespmem:s21+$0x8EB0]  }
0x22: {  	v2 =	vld [tilespmem:s21+$0x8E80]  }
0x23: {  	v3 =	vld [tilespmem:s21+$0x8E90]  }
0x24: {  	v0 =	vld [tilespmem:s21+$0x8EA0];
	_ =	sdelay $0x1  }
0x25: {  	[tilespmem:s21+$0x5030] =	vst.add.f32.msk $0xffff, v1  }
0x26: {  	[tilespmem:s21+$0x5000] =	vst.add.f32.msk $0xffff, v2  }
0x27: {  	s22 =	simm.s32 $0x40;
	s23 =	simm.s32 $0x200;
	[tilespmem:s21+$0x5010] =	vst.add.f32.msk $0xffff, v3  }
.LBB2_3:
0x28: {  	p0 =	sne.s32 s23, $0xF900;
	v1 =	vld [tilespmem:s22+$0x8EB0];
	v2 =	vmov v0  }
0x29: {  	v3 =	vld [tilespmem:s22+$0x8E80]  }
0x2a: {  	v4 =	vld [tilespmem:s22+$0x8E90]  }
.Ltmp0:
0x2b: {  	v0 =	vld [tilespmem:s22+$0x8EA0];
	(pc) =	sbr.rel @p0 .LBB2_3-.Ltmp0, $4  }
0x2c: {  	[tilespmem:s21+$0x5020] =	vst.add.f32.msk $0xffff, v2;
	s21 =	smov.u32 s22  }
0x2d: {  	[tilespmem:s21+$0x5030] =	vst.add.f32.msk $0xffff, v1  }
0x2e: {  	[tilespmem:s21+$0x5000] =	vst.add.f32.msk $0xffff, v3  }
0x2f: {  	s22 =	sshra.s32 s23, $0x2;
	s23 =	sadd.s32 $0x100, s23;
	[tilespmem:s21+$0x5010] =	vst.add.f32.msk $0xffff, v4  }
0x30: {  	v1 =	vld [tilespmem:s22+$0x8EB0]  }
0x31: {  	v2 =	vld [tilespmem:s22+$0x8E80]  }
0x32: {  	v3 =	vld [tilespmem:s22+$0x8E90]  }
0x33: {  	v4 =	vld [tilespmem:s22+$0x8EA0]  }
0x34: {  	[tilespmem:s21+$0x5020] =	vst.add.f32.msk $0xffff, v0;
	s31 =	smul.u32 $0x1F4, s19  }
0x35: {  	[tilespmem:s22+$0x5030] =	vst.add.f32.msk $0xffff, v1  }
0x36: {  	s21 =	sadd.s32 s8, s31;
	[tilespmem:s22+$0x5000] =	vst.add.f32.msk $0xffff, v2  }
0x37: {  	s21 =	sshll.u32 s21, $0x3;
	[tilespmem:s22+$0x5010] =	vst.add.f32.msk $0xffff, v3  }
0x38: {  	s21 =	sadd.s32 s5, s21;
	[tilespmem:s22+$0x5020] =	vst.add.f32.msk $0xffff, v4  }
0x39: {  	[hbm4b:s21+s2] =	stream.linear.scatter [tilespmem:s13], [sflag:$0x2], $0x3E80, $0x38;
	[tilespmem:$0x14A00] =	vst v63  }
0x3a: {  	_ =	swait.ge [sflag:s10], $0x3E80  }
0x3b: {  	[sflag:s10] =	ssyncset.done $0x0  }
0x3c: {  	[sflag:s10] =	ssyncadd.s32 $0xFFFFC180  }
0x3d: {  	_ =	swait.ge [sflag:s15], $0x3E80  }
0x3e: {  	[sflag:s15] =	ssyncset.done $0x0  }
0x3f: {  	[sflag:s15] =	ssyncadd.s32 $0xFFFFC180  }
0x40: {  	p0 =	seq.s32 s19, $0x13;
	_ =	swait.ge [sflag:s15], $0x3E80  }
0x41: {  	s23 =	simm.s32 @!p0 $0xFA;
	s21 =	sshll.u32 @!p0 s19, $0x9;
	[sflag:s15] =	ssyncset.done $0x0  }
0x42: {  	s24 =	simm.s32 @!p0 $0x5000;
	s22 =	sadd.s32 @!p0 $0x200, s21;
	[sflag:s15] =	ssyncadd.s32 $0xFFFFC180  }
0x43: {  	[tilespmem:s24], [sflag:$0x1] =	stream.indirect.gather @!p0 [hbm4b:s3+s23], $0x40, s22, s23, $0xb8;
	[tilespmem:$0x14A00] =	vst v63  }
0x44: {  	s21 =	sadd.s32 @!p0 $0x2A00, s21;
	s22 =	simm.s32 @!p0 $0x8E80  }
0x45: {  	[tilespmem:s22], [sflag:$0x1] =	stream.indirect.gather @!p0 [hbm4b:s4+s23], $0x40, s21, s23, $0xb8;
	[tilespmem:$0x14A00] =	vst v63  }
0x46: {  	s21 =	simm.s32 $0x0  }
0x47: {  	v1 =	vld [tilespmem:s21+$0x10BB0]  }
0x48: {  	v2 =	vld [tilespmem:s21+$0x10B80]  }
0x49: {  	v3 =	vld [tilespmem:s21+$0x10B90]  }
0x4a: {  	v0 =	vld [tilespmem:s21+$0x10BA0];
	_ =	sdelay $0x1  }
0x4b: {  	[tilespmem:s21+$0xCD30] =	vst.add.f32.msk $0xffff, v1  }
0x4c: {  	[tilespmem:s21+$0xCD00] =	vst.add.f32.msk $0xffff, v2  }
0x4d: {  	s22 =	simm.s32 $0x40;
	s23 =	simm.s32 $0x200;
	[tilespmem:s21+$0xCD10] =	vst.add.f32.msk $0xffff, v3  }
.LBB2_5:
0x4e: {  	p0 =	sne.s32 s23, $0xF900;
	v1 =	vld [tilespmem:s22+$0x10BB0];
	v2 =	vmov v0  }
0x4f: {  	v3 =	vld [tilespmem:s22+$0x10B80]  }
0x50: {  	v4 =	vld [tilespmem:s22+$0x10B90]  }
.Ltmp1:
0x51: {  	v0 =	vld [tilespmem:s22+$0x10BA0];
	(pc) =	sbr.rel @p0 .LBB2_5-.Ltmp1, $4  }
0x52: {  	[tilespmem:s21+$0xCD20] =	vst.add.f32.msk $0xffff, v2;
	s21 =	smov.u32 s22  }
0x53: {  	[tilespmem:s21+$0xCD30] =	vst.add.f32.msk $0xffff, v1  }
0x54: {  	[tilespmem:s21+$0xCD00] =	vst.add.f32.msk $0xffff, v3  }
0x55: {  	s22 =	sshra.s32 s23, $0x2;
	s23 =	sadd.s32 $0x100, s23;
	[tilespmem:s21+$0xCD10] =	vst.add.f32.msk $0xffff, v4  }
0x56: {  	v1 =	vld [tilespmem:s22+$0x10BB0]  }
0x57: {  	v2 =	vld [tilespmem:s22+$0x10B80]  }
0x58: {  	v3 =	vld [tilespmem:s22+$0x10B90]  }
0x59: {  	v4 =	vld [tilespmem:s22+$0x10BA0];
	s20 =	smul.u32 $0xFA, s20  }
0x5a: {  	[tilespmem:s21+$0xCD20] =	vst.add.f32.msk $0xffff, v0  }
0x5b: {  	s20 =	sadd.s32 s8, s20;
	[tilespmem:s22+$0xCD30] =	vst.add.f32.msk $0xffff, v1  }
0x5c: {  	s19 =	sadd.s32 $0x1, s19;
	s20 =	sshll.u32 s20, $0x3;
	[tilespmem:s22+$0xCD00] =	vst.add.f32.msk $0xffff, v2  }
0x5d: {  	p0 =	sne.s32 s19, $0x14;
	s20 =	sand.u32 $0x1FFFFFF0, s20;
	[tilespmem:s22+$0xCD10] =	vst.add.f32.msk $0xffff, v3  }
.Ltmp2:
0x5e: {  	[tilespmem:s22+$0xCD20] =	vst.add.f32.msk $0xffff, v4;
	s20 =	sadd.s32 s5, s20;
	(pc) =	sbr.rel @p0 .LBB2_2-.Ltmp2, $4  }
0x5f: {  	[hbm4b:s20+s2] =	stream.linear.scatter [tilespmem:s16], [sflag:$0x2], $0x3E80, $0x38;
	[tilespmem:$0x14A00] =	vst v63  }
0x60: {  	_ =	swait.ge [sflag:s10], $0x3E80  }
0x61: {  	[sflag:s10] =	ssyncset.done $0x0  }
0x62: {  	[sflag:s10] =	ssyncadd.s32 $0xFFFFC180  }
0x63: {  	s18 =	sadd.s32 $0x1, s18  }
0x64: {  	p0 =	sne.s32 s18, s9  }
.Ltmp3:
0x65: {  	_ = 	snop;
	(pc) =	sbr.rel @p0 .LBB2_1-.Ltmp3, $1  }
0x66: {  	_ =	sdelay $0x3  }
0x67: {  	_ =	sfence.sel $0x180000  }
0x68: {  	[bflag:$0x0] =	sbarrier.arrive $0xFFFF  }
0x69: {  	p0 =	sne.s32 s0, $0x0;
	_ =	strace $0x90000047  }
0x6a: {  	s0 =	sadd.s32 @!p0 $0x100000, s1;
	[bflag:$0x2] =	sbarrier.arrive $0xFFFF  }
0x6b: {  	[sflag:s0] =	ssyncadd.tile.s32 @!p0 $0x1;
	_ =	shalt  }
.Lfunc_end2:
_tile_overlayer_lowered:
.L_overlay_start_2:
0x6c: {  	(tag) =	ssettag $0x2  }
0x6d: {  	s0 =	rddreg [dreg:$0x0];
	s2 =	stileid.u32  }
0x6e: {  	s1 =	rddreg [dreg:$0x1];
	p0 =	sne.s32 s2, $0x0  }
0x6f: {  	s3 =	rddreg [dreg:$0x2];
	[bflag:$0x3] =	sbarrier.arrive $0xFFFF;
	s2 =	simm.s32 @!p0 $0x1C02  }
0x70: {  	[timem:s3], [sflag:s2] =	dma.local @!p0 [hbm:s0], s1  }
0x71: {  	s0 =	simm.s32 @!p0 $0x2  }
0x72: {  	_ =	swait.ge @!p0 [sflag:s0], s1  }
0x73: {  	s1 =	ssub.s32 @!p0 $0x0, s1;
	[sflag:s0] =	ssyncset.done @!p0 $0x0  }
0x74: {  	[sflag:s0] =	ssyncadd.s32 @!p0 s1  }
0x75: {  	[bflag:$0x3] =	sbarrier.arrive $0xFFFF  }
0x76: {  	_ =	shalt  }

// kernel: kernel.23.cloned.1.call-start
scs
__scs_entry_jumppad:
0x0: {  	(pc) =	sbr.rel $0x88, $3  }
0x1: {  	(tag) =	ssettag $0x0;
	lr =	simm.s32 $0x1  }
0x2: {  	[smem:$0x3F73] =	sst lr;
	_ =	strace $0xD0000000  }
0x3: {  	_ = 	snop  }
0x4: {  	_ = 	snop  }
0x5: {  	_ = 	snop  }
0x6: {  	_ = 	snop  }
0x7: {  	_ = 	snop  }
__scs_overlays_trampoline_lowered:
0x8: {  	[smem:$0x3F82] =	sst s0  }
0x9: {  	[smem:$0x3F83] =	sst s1  }
0xa: {  	[smem:$0x3F84] =	sst s2  }
0xb: {  	[smem:$0x3F85] =	sst s3  }
0xc: {  	[smem:$0x3F86] =	sst s4  }
0xd: {  	[smem:$0x3F87] =	sst s5  }
0xe: {  	[smem:$0x3F88] =	sst s6  }
0xf: {  	[smem:$0x3F89] =	sst s7  }
0x10: {  	[smem:$0x3F8A] =	sst s8  }
0x11: {  	[smem:$0x3F8B] =	sst s9;
	s0 =	simm.s32 @!p0 $0x0  }
0x12: {  	s1 =	sld [smem:$0x3F71];
	s0 =	simm.s32 @p0 $0x1  }
0x13: {  	[smem:$0x3F8C] =	sst s0;
	s0 =	simm.s32 @!p1 $0x0  }
0x14: {  	s2 =	sld [smem:$0x3F70];
	s0 =	simm.s32 @p1 $0x1  }
0x15: {  	[smem:$0x3F8D] =	sst s0;
	s0 =	simm.s32 @!p2 $0x0  }
0x16: {  	s3 =	sld [smem:$0x3FDB];
	s0 =	simm.s32 @p2 $0x1  }
0x17: {  	s4 =	simm.s32 $0x1BF5;
	[smem:$0x3F8F] =	sst s0  }
0x18: {  	s0 =	sld [smem:$0x3F72];
	_ =	swait.ge [sflag:s4], $0x0  }
0x19: {  	s7 =	sld [smem:$0x3F73]  }
0x1a: {  	s8 =	sadd.s32 $0xFFFFE003, lr  }
0x1b: {  	s9 =	sadd.s32 $0xFFFFFEF7, lr;
	s5 =	simm.s32 $0xFFFFFFFF;
	p2 =	slt.u32 s8, $0xFFFFF086  }
0x1c: {  	p1 =	slt.u32 s9, $0xF7A;
	s5 =	simm.s32 @!p2 $0x0  }
0x1d: {  	s5 =	simm.s32 @p1 $0x1;
	p0 =	seq.s32 s7, s2  }
0x1e: {  	s7 =	smul.u32 @!p0 $0xF7A, s2;
	p2 =	seq.s32 @!p0 s5, $0x0  }
0x1f: {  	s9 =	smul.u32 $0xF7A, s1;
	s8 =	simm.s32 @!p0 $0x1BF5;
	p2 =	por !p2, p0  }
0x20: {  	[sflag:s8] =	ssyncset.s32 @!p0 $0xFFFFF086;
	s6 =	sadd.s32 @!p0 s3, s7;
	s7 =	simm.s32 @!p0 $0x108  }
0x21: {  	s3 =	sadd.s32 s3, s9;
	s6 =	sadd.s32 @!p0 $0x88, s6;
	s7 =	simm.s32 @p2 $0x1082  }
0x22: {  	[simem:s7], [sflag:s8] =	dma.local @!p0 [hbm:s6], $0xF7A  }
0x23: {  	s9 =	sor.u32 $0xD0000000, s2;
	s6 =	simm.s32 $0x108;
	_ =	swait.ge @!p0 [sflag:s8], $0x0  }
0x24: {  	s3 =	sadd.s32 $0x88, s3;
	s6 =	simm.s32 @!p1 $0x1082;
	[sflag:s4] =	ssyncset.s32 $0xFFFFF086  }
0x25: {  	[simem:s6], [sflag:s4] =	dma.local [hbm:s3], $0xF7A  }
0x26: {  	[smem:$0x3F73] =	sst s1;
	(tag) =	ssettag s2;
	_ =	strace s9  }
0x27: {  	s1 =	sld [smem:$0x3F83]  }
0x28: {  	s2 =	sld [smem:$0x3F84]  }
0x29: {  	s4 =	sld [smem:$0x3F86]  }
0x2a: {  	p0 =	seq.s32 s5, $0x0;
	s5 =	sld [smem:$0x3F87]  }
0x2b: {  	s6 =	sld [smem:$0x3F88]  }
0x2c: {  	s7 =	sld [smem:$0x3F89]  }
0x2d: {  	s3 =	simm.s32 $0x108;
	s8 =	sld [smem:$0x3F8A]  }
0x2e: {  	s3 =	simm.s32 @!p0 $0x1082;
	s9 =	sld [smem:$0x3F8B]  }
0x2f: {  	lr =	sadd.s32 s0, s3;
	s0 =	sld [smem:$0x3F82]  }
0x30: {  	s3 =	sld [smem:$0x3F85]  }
0x31: {  	[smem:$0x3F8E] =	sst s10  }
0x32: {  	s10 =	sld [smem:$0x3F8C];
	_ =	sdelay $0x3  }
0x33: {  	p0 =	seq.s32 s10, $0x1;
	s10 =	sld [smem:$0x3F8E];
	_ =	sdelay $0x3  }
0x34: {  	[smem:$0x3F8E] =	sst s10  }
0x35: {  	s10 =	sld [smem:$0x3F8D];
	_ =	sdelay $0x3  }
0x36: {  	p1 =	seq.s32 s10, $0x1;
	s10 =	sld [smem:$0x3F8E];
	_ =	sdelay $0x3  }
0x37: {  	[smem:$0x3F8E] =	sst s10  }
0x38: {  	s10 =	sld [smem:$0x3F8F]  }
0x39: {  	_ = 	snop;
	(pc) =	sbr.ind lr, $3  }
0x3a: {  	_ = 	snop  }
0x3b: {  	_ = 	snop  }
0x3c: {  	p2 =	seq.s32 s10, $0x1;
	s10 =	sld [smem:$0x3F8E]  }
0x3d: {  	_ =	shalt  }
0x3e: {  	_ =	shalt  }
0x3f: {  	_ =	shalt  }
0x40: {  	_ =	shalt  }
0x41: {  	_ =	shalt  }
0x42: {  	_ =	shalt  }
0x43: {  	_ =	shalt  }
0x44: {  	_ =	shalt  }
0x45: {  	_ =	shalt  }
0x46: {  	_ =	shalt  }
0x47: {  	_ =	shalt  }
0x48: {  	_ =	shalt  }
0x49: {  	_ =	shalt  }
0x4a: {  	_ =	shalt  }
0x4b: {  	_ =	shalt  }
0x4c: {  	_ =	shalt  }
0x4d: {  	_ =	shalt  }
0x4e: {  	_ =	shalt  }
0x4f: {  	_ =	shalt  }
0x50: {  	_ =	shalt  }
0x51: {  	_ =	shalt  }
0x52: {  	_ =	shalt  }
0x53: {  	_ =	shalt  }
0x54: {  	_ =	shalt  }
0x55: {  	_ =	shalt  }
0x56: {  	_ =	shalt  }
0x57: {  	_ =	shalt  }
0x58: {  	_ =	shalt  }
0x59: {  	_ =	shalt  }
0x5a: {  	_ =	shalt  }
0x5b: {  	_ =	shalt  }
0x5c: {  	_ =	shalt  }
0x5d: {  	_ =	shalt  }
0x5e: {  	_ =	shalt  }
0x5f: {  	_ =	shalt  }
0x60: {  	_ =	shalt  }
0x61: {  	_ =	shalt  }
0x62: {  	_ =	shalt  }
0x63: {  	_ =	shalt  }
0x64: {  	_ =	shalt  }
0x65: {  	_ =	shalt  }
0x66: {  	_ =	shalt  }
0x67: {  	_ =	shalt  }
0x68: {  	_ =	shalt  }
0x69: {  	_ =	shalt  }
0x6a: {  	_ =	shalt  }
0x6b: {  	_ =	shalt  }
0x6c: {  	_ =	shalt  }
0x6d: {  	_ =	shalt  }
0x6e: {  	_ =	shalt  }
0x6f: {  	_ =	shalt  }
0x70: {  	_ =	shalt  }
0x71: {  	_ =	shalt  }
0x72: {  	_ =	shalt  }
0x73: {  	_ =	shalt  }
0x74: {  	_ =	shalt  }
0x75: {  	_ =	shalt  }
0x76: {  	_ =	shalt  }
0x77: {  	_ =	shalt  }
0x78: {  	_ =	shalt  }
0x79: {  	_ =	shalt  }
0x7a: {  	_ =	shalt  }
0x7b: {  	_ =	shalt  }
0x7c: {  	_ =	shalt  }
0x7d: {  	_ =	shalt  }
0x7e: {  	_ =	shalt  }
0x7f: {  	_ =	shalt  }
0x80: {  	_ =	shalt  }
0x81: {  	_ =	shalt  }
0x82: {  	_ =	shalt  }
0x83: {  	_ =	shalt  }
0x84: {  	_ =	shalt  }
0x85: {  	_ =	shalt  }
0x86: {  	_ =	shalt  }
0x87: {  	_ =	shalt  }
.Lfunc_end0:
.L_simem_size_0:
called_computation.2_lowered:
.L_overlay_start_0:
0x88: {  	s2 =	sld [smem:$0x3FD9]  }
0x89: {  	s3 =	sld [smem:$0x3FFE];
	_ =	sdelay $0x1  }
0x8a: {  	s1 =	srdreg.scid  }
0x8b: {  	s0 =	sand.u32 $0x1, s1  }
0x8c: {  	s17 =	sshll.u32 s0, $0xA;
	s2 =	sadd.s32 s3, s2  }
0x8d: {  	s2 =	sadd.s32 s2, s17  }
0x8e: {  	[smem:$0x3F9A] =	sst s2  }
0x8f: {  	_ = 	snop  }
0x90: {  	(tm) =	ssettm $0x1  }
0x91: {  	s18 =	sld [smem:$0x3FFB];
	_ =	sdelay $0x3  }
0x92: {  	_ =	strace s18  }
0x93: {  	s2 =	sld [smem:$0x3FFC];
	_ =	sdelay $0x3  }
0x94: {  	_ =	strace s2  }
0x95: {  	s2 =	sld [smem:$0x3FFD];
	_ =	sdelay $0x3  }
0x96: {  	_ =	strace s2  }
0x97: {  	_ =	strace $0x8FFFFFFF  }
0x98: {  	s19 =	sld [smem:$0x3FDB];
	_ =	sdelay $0x1  }
0x99: {  	s20 =	simm.s32 $_scs_section_size  }
0x9a: {  	s4 =	simm.s32 $_size__tile_overlayer_lowered;
	s5 =	simm.s32 $_tile_overlayer_lowered  }
0x9b: {  	s6 =	simm.s32 $0x1BFF;
	s21 =	sshll.u32 s5, $0x1;
	s3 =	sadd.s32 s20, s19  }
0x9c: {  	s22 =	simm.s32 $0x0;
	s4 =	sshll.u32 s4, $0x1;
	s5 =	sadd.s32 s21, s3  }
0x9d: {  	[timem:s22], [sflag:s6] =	dma.local [hbm:s5], s4  }
0x9e: {  	_ =	swait.ge [sflag:s6], s4  }
0x9f: {  	s4 =	ssub.s32 $0x0, s4;
	[sflag:s6] =	ssyncset.done $0x0  }
0xa0: {  	[sflag:s6] =	ssyncadd.s32 s4;
	_ =	sdelay $0x1  }
0xa1: {  	s23 =	simm.s32 $0x1B8B  }
0xa2: {  	_ =	swait.ge [sflag:s23], $0x1  }
0xa3: {  	[sflag:s23] =	ssyncset.done $0x0  }
0xa4: {  	[sflag:s23] =	ssyncadd.s32 $0xFFFFFFFF  }
0xa5: {  	s4 =	sld [smem:$0x0]  }
0xa6: {  	s5 =	sand.u32 $0xFFFFFFFE, s1  }
0xa7: {  	p0 =	sne.s32 s1, s5  }
0xa8: {  	s5 =	sshll.u32 @p0 s5, $0xE  }
0xa9: {  	s5 =	sadd.s32 @p0 $0x11B8D, s5;
	s6 =	sshll.u32 @p0 s4, $0x11  }
0xaa: {  	s5 =	sor.u32 @p0 s6, s5  }
0xab: {  	[sflag:s5] =	ssyncadd.remote.s32 @p0 $0x1;
	_ =	sdelay $0x1  }
0xac: {  	s5 =	simm.s32 @p0 $0x1B8D  }
0xad: {  	_ =	swait.eq @p0 [sflag:s5], $0x1  }
0xae: {  	[sflag:s5] =	ssyncadd.s32 @p0 $0xFFFFFFFF  }
0xaf: {  	s6 =	sshll.u32 @!p0 s1, $0xE  }
0xb0: {  	s6 =	sor.u32 @!p0 $0x4000, s6;
	s5 =	simm.s32 @!p0 $0x1B8D  }
0xb1: {  	s4 =	sshll.u32 @!p0 s4, $0x11;
	s6 =	sadd.s32 @!p0 $0x11B8D, s6;
	_ =	swait.eq @!p0 [sflag:s5], $0x1  }
0xb2: {  	s4 =	sor.u32 @!p0 s4, s6;
	[sflag:s5] =	ssyncadd.s32 @!p0 $0xFFFFFFFF  }
0xb3: {  	s25 =	simm.s32 $0x1B8E;
	s24 =	sld [smem:$0x3FFE];
	[sflag:s4] =	ssyncadd.remote.s32 @!p0 $0x1  }
0xb4: {  	s26 =	simm.s32 $execute0_lowered;
	[smem:$0x3FD2] =	sst s25  }
0xb5: {  	s5 =	sshll.u32 s26, $0x1;
	_ =	strace $0x8000004C;
	[dreg:$0x1] =	wrdreg $0xFFFFFFFF  }
0xb6: {  	s28 =	simm.s32 $_size_execute0_lowered;
	s3 =	sadd.s32 s3, s5;
	[dreg:$0x0] =	wrdreg $0x0  }
0xb7: {  	s5 =	sshll.u32 s28, $0x1;
	[dreg:$0x2] =	wrdreg s3  }
0xb8: {  	[dreg:$0x3] =	wrdreg s5  }
0xb9: {  	[dreg:$0x4] =	wrdreg $0xC0  }
0xba: {  	_ =	task [dreg:s22], $0x5FFFF  }
0xbb: {  	[dreg:$0x1] =	wrdreg $0xFFFFFFFF  }
0xbc: {  	[dreg:$0x0] =	wrdreg $0x60  }
0xbd: {  	[dreg:$0x2] =	wrdreg s24  }
0xbe: {  	[dreg:$0x3] =	wrdreg $0x121600  }
0xbf: {  	[dreg:$0x4] =	wrdreg $0xA  }
0xc0: {  	_ =	task.clear_ibuf [dreg:s22], $0x5FFFF;
	_ =	strace $0x9000004C  }
0xc1: {  	s29 =	simm.s32 $0xA;
	_ =	strace $0x8000004E  }
0xc2: {  	_ =	swait.ge [sflag:s29], $0x1  }
0xc3: {  	[sflag:s29] =	ssyncadd.s32 $0xFFFFFFFF  }
0xc4: {  	_ =	strace $0x9000004E  }
0xc5: {  	_ =	sfence  }
0xc6: {  	s30 =	sld [smem:$0x0];
	_ =	sdelay $0x2  }
0xc7: {  	s31 =	sshll.u32 s1, $0xD;
	s1 =	sshrl.u32 s1, $0x2  }
0xc8: {  	s4 =	sand.u32 $0x4000, s31;
	s1 =	sadd.s32 s1, s30  }
0xc9: {  	s0 =	sor.u32 s4, s0;
	s1 =	sshll.u32 s1, $0x11  }
0xca: {  	s0 =	sor.u32 s1, s0  }
0xcb: {  	s0 =	sadd.s32 $0x8F2B, s0  }
0xcc: {  	[sflag:s0] =	ssyncadd.remote.s32 $0x1  }
0xcd: {  	_ =	sfence.sel $0xFFFF  }
0xce: {  	[dreg:$0x0] =	wrdreg $0xFFFFFFFF;
	(pc) =	sbr.abs _section_cstart, $3  }
0xcf: {  	[dreg:$0x1] =	wrdreg $0xFFFFFFFF  }
0xd0: {  	_ =	task.clear_ibuf [dreg:s22], $0x2FFFF;
	_ =	strace $0x9FFFFFFF  }
0xd1: {  	(tm) =	ssettm $0x7FFFFFFF  }
tec
execute0_lowered:
.L_overlay_start_1:
0x0: {  	(tag) =	ssettag $0x1  }
0x1: {  	s6 =	rddreg [dreg:$0x0]  }
0x2: {  	s2 =	rddreg [dreg:$0x1];
	s3 =	srdreg.scid  }
0x3: {  	s1 =	stileid.u32;
	s0 =	rddreg [dreg:$0x2];
	s20 =	simm.s32 $0xA460  }
0x4: {  	s21 =	simm.s32 $0x1F4;
	s22 =	simm.s32 $0x2370;
	s23 =	simm.s32 $0x2568  }
0x5: {  	s24 =	simm.s32 $0x0;
	s7 =	sand.u32 $0x1, s3;
	s4 =	sshll.u32 s1, $0x1  }
0x6: {  	s3 =	simm.s32 $0x0;
	s9 =	smul.u32 $0x9C00, s1;
	s11 =	sadd.s32 $0x371000, s6  }
0x7: {  	s12 =	sadd.s32 $0x4AC00, s6;
	s29 =	sshll.u32 s1, $0x6;
	s17 =	smul.u32 $0x4E20, s1  }
0x8: {  	s18 =	sadd.s32 $0x9C000, s2;
	p0 =	sne.s32 s1, $0xF;
	s16 =	smul.u32 $0x9C400, s7  }
0x9: {  	s4 =	sor.u32 s7, s4;
	[smem:$0x7FF] =	sst s3;
	s19 =	smul.u32 $0x2710, s7  }
0xa: {  	s28 =	ssub.s32 $0x2, s7;
	s5 =	smul.u32 $0x4EC, s4;
	_ =	strace $0x8000004D  }
0xb: {  	s8 =	sshrl.u32 s9, $0x3;
	s13 =	sshrl.u32 s28, $0x1;
	s14 =	smul.u32 $0x13880, s4  }
0xc: {  	s15 =	sadd.s32 s9, s2;
	s26 =	sadd.s32 s8, s6;
	s13 =	ssub.s32 s28, s13  }
0xd: {  	s9 =	sadd.s32 s9, s16;
	s30 =	sshrl.u32 s16, $0x3;
	s31 =	sadd.s32 s19, s17  }
0xe: {  	s15 =	sshrl.u32 s15, $0x3;
	s16 =	simm.s32 $0x2;
	s17 =	sshrl.u32 @!p0 s18, $0x3  }
0xf: {  	s18 =	simm.s32 $0x2760;
	s19 =	simm.s32 $0x1;
	s10 =	sadd.s32 s5, s6  }
0x10: {  	s4 =	sadd.s32 $0x19800, s26;
	s5 =	sor.u32 $0x1C02, s29;
	s6 =	sadd.s32 $0x2D000, s6  }
0x11: {  	s8 =	sadd.s32 s11, s14;
	s9 =	sshrl.u32 s9, $0x3;
	s14 =	sshll.u32 s31, $0x3  }
0x12: {  	s7 =	sadd.s32 $0x2BBC00, s10;
	s10 =	sadd.s32 s12, s30;
	s9 =	sadd.s32 s12, s9  }
0x13: {  	s14 =	sadd.s32 s11, s14;
	s11 =	smax.u32 s13, $0x1;
	s12 =	sadd.s32 $0x128E0, s8  }
0x14: {  	s10 =	sadd.s32 $0x13800, s10;
	s13 =	sadd.s32 $0xFA0, s14;
	s14 =	sadd.s32 $0x1F40, s14  }
.LBB2_1:
0x15: {  	[spmem:s15], [sflag:s5] =	dma.local [hbm:s4], $0x1380  }
0x16: {  	_ =	swait.ge [sflag:s16], $0x1380  }
0x17: {  	[sflag:s16] =	ssyncset.done $0x0  }
0x18: {  	s25 =	simm.s32 @!p0 $0x2;
	[sflag:s16] =	ssyncadd.s32 $0xFFFFEC80  }
0x19: {  	[spmem:s17], [sflag:s5] =	dma.local @!p0 [hbm:s6], $0x80  }
0x1a: {  	_ =	swait.ge @!p0 [sflag:s25], $0x80  }
0x1b: {  	[sflag:s25] =	ssyncset.done @!p0 $0x0  }
0x1c: {  	[sflag:s25] =	ssyncadd.s32 @!p0 $0xFFFFFF80  }
0x1d: {  	[bflag:$0x0] =	sbarrier.arrive $0xFFFF  }
0x1e: {  	[tilespmem:s3], [sflag:$0x2] =	stream.linear.gather [hbm4b:s7+s3], $0x2760, $0x38;
	[tilespmem:$0x1BDA0] =	vst v63  }
0x1f: {  	_ =	swait.ge [sflag:s16], $0x2760  }
0x20: {  	[sflag:s16] =	ssyncset.done $0x0  }
0x21: {  	[sflag:s16] =	ssyncadd.s32 $0xFFFFD8A0  }
0x22: {  	[tilespmem:s18], [sflag:$0x1] =	stream.linear.gather [hbm4b:s8+s3], $0x7D00, $0x38;
	[tilespmem:$0x1BDA0] =	vst v63  }
0x23: {  	_ =	swait.ge [sflag:s19], $0x7D00  }
0x24: {  	[sflag:s19] =	ssyncset.done $0x0  }
0x25: {  	s29 =	sadd.s32 $0x0, s13;
	[sflag:s19] =	ssyncadd.s32 $0xFFFF8300  }
0x26: {  	[tilespmem:s20], [sflag:$0x1] =	stream.linear.gather [hbm4b:s29+s3], $0x7D00, $0x38;
	[tilespmem:$0x1BDA0] =	vst v63  }
0x27: {  	_ = 	snop  }
0x28: {  	[spmem:s2] =	stream.indirect.scatter.add.f32 [tilespmem:s18], [sflag:$0x2], $0x40, s3, s21, $0xb8;
	[tilespmem:$0x1BDA0] =	vst v63  }
0x29: {  	_ =	swait.ge [sflag:s16], $0x7D00  }
0x2a: {  	[sflag:s16] =	ssyncset.done $0x0  }
0x2b: {  	[sflag:s16] =	ssyncadd.s32 $0xFFFF8300  }
0x2c: {  	_ =	swait.ge [sflag:s19], $0x7D00  }
0x2d: {  	[sflag:s19] =	ssyncset.done $0x0  }
0x2e: {  	s30 =	sadd.s32 $0x0, s14;
	[sflag:s19] =	ssyncadd.s32 $0xFFFF8300  }
0x2f: {  	[tilespmem:s18], [sflag:$0x1] =	stream.linear.gather [hbm4b:s30+s3], $0x7D00, $0x38;
	[tilespmem:$0x1BDA0] =	vst v63  }
0x30: {  	s31 =	simm.s32 $0x1F8  }
0x31: {  	[spmem:s2] =	stream.indirect.scatter.add.f32 [tilespmem:s20], [sflag:$0x2], $0x40, s31, s21, $0xb8;
	[tilespmem:$0x1BDA0] =	vst v63  }
0x32: {  	_ =	swait.ge [sflag:s16], $0x7D00  }
0x33: {  	s26 =	simm.s32 $0x0;
	s25 =	simm.s32 $0x1F40;
	[sflag:s16] =	ssyncset.done $0x0  }
.LBB2_2:
0x34: {  	p1 =	sne.s32 s25, $0xFA00;
	[sflag:s16] =	ssyncadd.s32 $0xFFFF8300;
	s26 =	sadd.s32 $0x3F0, s26  }
0x35: {  	s28 =	smov.u32 s25;
	s25 =	sadd.s32 $0x1F40, s25  }
0x36: {  	_ =	swait.ge [sflag:s19], $0x7D00  }
0x37: {  	[sflag:s19] =	ssyncset.done $0x0  }
0x38: {  	s29 =	sadd.s32 s28, s13;
	[sflag:s19] =	ssyncadd.s32 $0xFFFF8300  }
0x39: {  	[tilespmem:s20], [sflag:$0x1] =	stream.linear.gather [hbm4b:s29+s3], $0x7D00, $0x38;
	[tilespmem:$0x1BDA0] =	vst v63  }
0x3a: {  	_ = 	snop  }
0x3b: {  	[spmem:s2] =	stream.indirect.scatter.add.f32 [tilespmem:s18], [sflag:$0x2], $0x40, s26, s21, $0xb8;
	[tilespmem:$0x1BDA0] =	vst v63  }
0x3c: {  	_ =	swait.ge [sflag:s16], $0x7D00  }
0x3d: {  	[sflag:s16] =	ssyncset.done $0x0  }
0x3e: {  	[sflag:s16] =	ssyncadd.s32 $0xFFFF8300  }
0x3f: {  	_ =	swait.ge [sflag:s19], $0x7D00  }
0x40: {  	[sflag:s19] =	ssyncset.done $0x0  }
0x41: {  	s28 =	sadd.s32 s28, s14;
	[sflag:s19] =	ssyncadd.s32 $0xFFFF8300  }
0x42: {  	[tilespmem:s18], [sflag:$0x1] =	stream.linear.gather [hbm4b:s28+s3], $0x7D00, $0x38;
	[tilespmem:$0x1BDA0] =	vst v63  }
.Ltmp0:
0x43: {  	_ = 	snop;
	(pc) =	sbr.rel @p1 .LBB2_2-.Ltmp0, $4  }
0x44: {  	s28 =	sadd.s32 $0x1F8, s26  }
0x45: {  	[spmem:s2] =	stream.indirect.scatter.add.f32 [tilespmem:s20], [sflag:$0x2], $0x40, s28, s21, $0xb8;
	[tilespmem:$0x1BDA0] =	vst v63  }
0x46: {  	_ =	swait.ge [sflag:s16], $0x7D00  }
0x47: {  	[sflag:s16] =	ssyncset.done $0x0  }
0x48: {  	[sflag:s16] =	ssyncadd.s32 $0xFFFF8300  }
0x49: {  	_ =	swait.ge [sflag:s19], $0x7D00  }
0x4a: {  	[sflag:s19] =	ssyncset.done $0x0  }
0x4b: {  	[sflag:s19] =	ssyncadd.s32 $0xFFFF8300  }
0x4c: {  	[tilespmem:s20], [sflag:$0x1] =	stream.linear.gather [hbm4b:s12+s3], $0x7D00, $0x38;
	[tilespmem:$0x1BDA0] =	vst v63  }
0x4d: {  	_ = 	snop  }
0x4e: {  	[spmem:s2] =	stream.indirect.scatter.add.f32 [tilespmem:s18], [sflag:$0x2], $0x40, s22, s21, $0xb8;
	[tilespmem:$0x1BDA0] =	vst v63  }
0x4f: {  	_ =	swait.ge [sflag:s16], $0x7D00  }
0x50: {  	[sflag:s16] =	ssyncset.done $0x0  }
0x51: {  	[sflag:s16] =	ssyncadd.s32 $0xFFFF8300  }
0x52: {  	_ =	swait.ge [sflag:s19], $0x7D00  }
0x53: {  	[sflag:s19] =	ssyncset.done $0x0  }
0x54: {  	[sflag:s19] =	ssyncadd.s32 $0xFFFF8300  }
0x55: {  	[spmem:s2] =	stream.indirect.scatter.add.f32 [tilespmem:s20], [sflag:$0x2], $0x40, s23, s21, $0xb8;
	[tilespmem:$0x1BDA0] =	vst v63  }
0x56: {  	_ =	swait.ge [sflag:s16], $0x7D00  }
0x57: {  	[sflag:s16] =	ssyncset.done $0x0  }
0x58: {  	[sflag:s16] =	ssyncadd.s32 $0xFFFF8300  }
0x59: {  	[bflag:$0x0] =	sbarrier.arrive $0xFFFF  }
0x5a: {  	[hbm:s9], [sflag:s5] =	dma.local [spmem:s15], $0x1380  }
0x5b: {  	s24 =	sadd.s32 $0x1, s24;
	_ =	swait.ge [sflag:s16], $0x1380  }
0x5c: {  	p1 =	sne.s32 s24, s11;
	[sflag:s16] =	ssyncset.done $0x0  }
.Ltmp1:
0x5d: {  	s25 =	simm.s32 @!p0 $0x2;
	[sflag:s16] =	ssyncadd.s32 $0xFFFFEC80;
	(pc) =	sbr.rel @p1 .LBB2_1-.Ltmp1, $4  }
0x5e: {  	[hbm:s10], [sflag:s5] =	dma.local @!p0 [spmem:s17], $0x80  }
0x5f: {  	_ =	swait.ge @!p0 [sflag:s25], $0x80  }
0x60: {  	[sflag:s25] =	ssyncset.done @!p0 $0x0  }
0x61: {  	[sflag:s25] =	ssyncadd.s32 @!p0 $0xFFFFFF80  }
0x62: {  	_ =	sfence.sel $0x180000  }
0x63: {  	[bflag:$0x0] =	sbarrier.arrive $0xFFFF  }
0x64: {  	p0 =	sne.s32 s1, $0x0;
	_ =	strace $0x9000004D  }
0x65: {  	s0 =	sadd.s32 @!p0 $0x100000, s0;
	[bflag:$0x2] =	sbarrier.arrive $0xFFFF  }
0x66: {  	[sflag:s0] =	ssyncadd.tile.s32 @!p0 $0x1;
	_ =	shalt  }
.Lfunc_end2:
_tile_overlayer_lowered:
.L_overlay_start_2:
0x67: {  	(tag) =	ssettag $0x2  }
0x68: {  	s0 =	rddreg [dreg:$0x0];
	s2 =	stileid.u32  }
0x69: {  	s1 =	rddreg [dreg:$0x1];
	p0 =	sne.s32 s2, $0x0  }
0x6a: {  	s3 =	rddreg [dreg:$0x2];
	[bflag:$0x3] =	sbarrier.arrive $0xFFFF;
	s2 =	simm.s32 @!p0 $0x1C02  }
0x6b: {  	[timem:s3], [sflag:s2] =	dma.local @!p0 [hbm:s0], s1  }
0x6c: {  	s0 =	simm.s32 @!p0 $0x2  }
0x6d: {  	_ =	swait.ge @!p0 [sflag:s0], s1  }
0x6e: {  	s1 =	ssub.s32 @!p0 $0x0, s1;
	[sflag:s0] =	ssyncset.done @!p0 $0x0  }
0x6f: {  	[sflag:s0] =	ssyncadd.s32 @!p0 s1  }
0x70: {  	[bflag:$0x3] =	sbarrier.arrive $0xFFFF  }
0x71: {  	_ =	shalt  }

// kernel: kernel.26.cloned.1.call-start
scs
__scs_entry_jumppad:
0x0: {  	(pc) =	sbr.rel $0x88, $3  }
0x1: {  	(tag) =	ssettag $0x0;
	lr =	simm.s32 $0x1  }
0x2: {  	[smem:$0x3F73] =	sst lr;
	_ =	strace $0xD0000000  }
0x3: {  	_ = 	snop  }
0x4: {  	_ = 	snop  }
0x5: {  	_ = 	snop  }
0x6: {  	_ = 	snop  }
0x7: {  	_ = 	snop  }
__scs_overlays_trampoline_lowered:
0x8: {  	[smem:$0x3F82] =	sst s0  }
0x9: {  	[smem:$0x3F83] =	sst s1  }
0xa: {  	[smem:$0x3F84] =	sst s2  }
0xb: {  	[smem:$0x3F85] =	sst s3  }
0xc: {  	[smem:$0x3F86] =	sst s4  }
0xd: {  	[smem:$0x3F87] =	sst s5  }
0xe: {  	[smem:$0x3F88] =	sst s6  }
0xf: {  	[smem:$0x3F89] =	sst s7  }
0x10: {  	[smem:$0x3F8A] =	sst s8  }
0x11: {  	[smem:$0x3F8B] =	sst s9;
	s0 =	simm.s32 @!p0 $0x0  }
0x12: {  	s1 =	sld [smem:$0x3F71];
	s0 =	simm.s32 @p0 $0x1  }
0x13: {  	[smem:$0x3F8C] =	sst s0;
	s0 =	simm.s32 @!p1 $0x0  }
0x14: {  	s2 =	sld [smem:$0x3F70];
	s0 =	simm.s32 @p1 $0x1  }
0x15: {  	[smem:$0x3F8D] =	sst s0;
	s0 =	simm.s32 @!p2 $0x0  }
0x16: {  	s3 =	sld [smem:$0x3FDB];
	s0 =	simm.s32 @p2 $0x1  }
0x17: {  	s4 =	simm.s32 $0x1BF5;
	[smem:$0x3F8F] =	sst s0  }
0x18: {  	s0 =	sld [smem:$0x3F72];
	_ =	swait.ge [sflag:s4], $0x0  }
0x19: {  	s7 =	sld [smem:$0x3F73]  }
0x1a: {  	s8 =	sadd.s32 $0xFFFFE003, lr  }
0x1b: {  	s9 =	sadd.s32 $0xFFFFFEF7, lr;
	s5 =	simm.s32 $0xFFFFFFFF;
	p2 =	slt.u32 s8, $0xFFFFF086  }
0x1c: {  	p1 =	slt.u32 s9, $0xF7A;
	s5 =	simm.s32 @!p2 $0x0  }
0x1d: {  	s5 =	simm.s32 @p1 $0x1;
	p0 =	seq.s32 s7, s2  }
0x1e: {  	s7 =	smul.u32 @!p0 $0xF7A, s2;
	p2 =	seq.s32 @!p0 s5, $0x0  }
0x1f: {  	s9 =	smul.u32 $0xF7A, s1;
	s8 =	simm.s32 @!p0 $0x1BF5;
	p2 =	por !p2, p0  }
0x20: {  	[sflag:s8] =	ssyncset.s32 @!p0 $0xFFFFF086;
	s6 =	sadd.s32 @!p0 s3, s7;
	s7 =	simm.s32 @!p0 $0x108  }
0x21: {  	s3 =	sadd.s32 s3, s9;
	s6 =	sadd.s32 @!p0 $0x88, s6;
	s7 =	simm.s32 @p2 $0x1082  }
0x22: {  	[simem:s7], [sflag:s8] =	dma.local @!p0 [hbm:s6], $0xF7A  }
0x23: {  	s9 =	sor.u32 $0xD0000000, s2;
	s6 =	simm.s32 $0x108;
	_ =	swait.ge @!p0 [sflag:s8], $0x0  }
0x24: {  	s3 =	sadd.s32 $0x88, s3;
	s6 =	simm.s32 @!p1 $0x1082;
	[sflag:s4] =	ssyncset.s32 $0xFFFFF086  }
0x25: {  	[simem:s6], [sflag:s4] =	dma.local [hbm:s3], $0xF7A  }
0x26: {  	[smem:$0x3F73] =	sst s1;
	(tag) =	ssettag s2;
	_ =	strace s9  }
0x27: {  	s1 =	sld [smem:$0x3F83]  }
0x28: {  	s2 =	sld [smem:$0x3F84]  }
0x29: {  	s4 =	sld [smem:$0x3F86]  }
0x2a: {  	p0 =	seq.s32 s5, $0x0;
	s5 =	sld [smem:$0x3F87]  }
0x2b: {  	s6 =	sld [smem:$0x3F88]  }
0x2c: {  	s7 =	sld [smem:$0x3F89]  }
0x2d: {  	s3 =	simm.s32 $0x108;
	s8 =	sld [smem:$0x3F8A]  }
0x2e: {  	s3 =	simm.s32 @!p0 $0x1082;
	s9 =	sld [smem:$0x3F8B]  }
0x2f: {  	lr =	sadd.s32 s0, s3;
	s0 =	sld [smem:$0x3F82]  }
0x30: {  	s3 =	sld [smem:$0x3F85]  }
0x31: {  	[smem:$0x3F8E] =	sst s10  }
0x32: {  	s10 =	sld [smem:$0x3F8C];
	_ =	sdelay $0x3  }
0x33: {  	p0 =	seq.s32 s10, $0x1;
	s10 =	sld [smem:$0x3F8E];
	_ =	sdelay $0x3  }
0x34: {  	[smem:$0x3F8E] =	sst s10  }
0x35: {  	s10 =	sld [smem:$0x3F8D];
	_ =	sdelay $0x3  }
0x36: {  	p1 =	seq.s32 s10, $0x1;
	s10 =	sld [smem:$0x3F8E];
	_ =	sdelay $0x3  }
0x37: {  	[smem:$0x3F8E] =	sst s10  }
0x38: {  	s10 =	sld [smem:$0x3F8F]  }
0x39: {  	_ = 	snop;
	(pc) =	sbr.ind lr, $3  }
0x3a: {  	_ = 	snop  }
0x3b: {  	_ = 	snop  }
0x3c: {  	p2 =	seq.s32 s10, $0x1;
	s10 =	sld [smem:$0x3F8E]  }
0x3d: {  	_ =	shalt  }
0x3e: {  	_ =	shalt  }
0x3f: {  	_ =	shalt  }
0x40: {  	_ =	shalt  }
0x41: {  	_ =	shalt  }
0x42: {  	_ =	shalt  }
0x43: {  	_ =	shalt  }
0x44: {  	_ =	shalt  }
0x45: {  	_ =	shalt  }
0x46: {  	_ =	shalt  }
0x47: {  	_ =	shalt  }
0x48: {  	_ =	shalt  }
0x49: {  	_ =	shalt  }
0x4a: {  	_ =	shalt  }
0x4b: {  	_ =	shalt  }
0x4c: {  	_ =	shalt  }
0x4d: {  	_ =	shalt  }
0x4e: {  	_ =	shalt  }
0x4f: {  	_ =	shalt  }
0x50: {  	_ =	shalt  }
0x51: {  	_ =	shalt  }
0x52: {  	_ =	shalt  }
0x53: {  	_ =	shalt  }
0x54: {  	_ =	shalt  }
0x55: {  	_ =	shalt  }
0x56: {  	_ =	shalt  }
0x57: {  	_ =	shalt  }
0x58: {  	_ =	shalt  }
0x59: {  	_ =	shalt  }
0x5a: {  	_ =	shalt  }
0x5b: {  	_ =	shalt  }
0x5c: {  	_ =	shalt  }
0x5d: {  	_ =	shalt  }
0x5e: {  	_ =	shalt  }
0x5f: {  	_ =	shalt  }
0x60: {  	_ =	shalt  }
0x61: {  	_ =	shalt  }
0x62: {  	_ =	shalt  }
0x63: {  	_ =	shalt  }
0x64: {  	_ =	shalt  }
0x65: {  	_ =	shalt  }
0x66: {  	_ =	shalt  }
0x67: {  	_ =	shalt  }
0x68: {  	_ =	shalt  }
0x69: {  	_ =	shalt  }
0x6a: {  	_ =	shalt  }
0x6b: {  	_ =	shalt  }
0x6c: {  	_ =	shalt  }
0x6d: {  	_ =	shalt  }
0x6e: {  	_ =	shalt  }
0x6f: {  	_ =	shalt  }
0x70: {  	_ =	shalt  }
0x71: {  	_ =	shalt  }
0x72: {  	_ =	shalt  }
0x73: {  	_ =	shalt  }
0x74: {  	_ =	shalt  }
0x75: {  	_ =	shalt  }
0x76: {  	_ =	shalt  }
0x77: {  	_ =	shalt  }
0x78: {  	_ =	shalt  }
0x79: {  	_ =	shalt  }
0x7a: {  	_ =	shalt  }
0x7b: {  	_ =	shalt  }
0x7c: {  	_ =	shalt  }
0x7d: {  	_ =	shalt  }
0x7e: {  	_ =	shalt  }
0x7f: {  	_ =	shalt  }
0x80: {  	_ =	shalt  }
0x81: {  	_ =	shalt  }
0x82: {  	_ =	shalt  }
0x83: {  	_ =	shalt  }
0x84: {  	_ =	shalt  }
0x85: {  	_ =	shalt  }
0x86: {  	_ =	shalt  }
0x87: {  	_ =	shalt  }
.Lfunc_end0:
.L_simem_size_0:
called_computation.3_lowered:
.L_overlay_start_0:
0x88: {  	s2 =	sld [smem:$0x3FD9]  }
0x89: {  	s3 =	sld [smem:$0x3FFE];
	_ =	sdelay $0x1  }
0x8a: {  	s1 =	srdreg.scid  }
0x8b: {  	s0 =	sand.u32 $0x1, s1  }
0x8c: {  	s16 =	sshll.u32 s0, $0xA;
	s2 =	sadd.s32 s3, s2  }
0x8d: {  	s2 =	sadd.s32 s2, s16  }
0x8e: {  	[smem:$0x3F9A] =	sst s2  }
0x8f: {  	_ = 	snop  }
0x90: {  	(tm) =	ssettm $0x1  }
0x91: {  	s17 =	sld [smem:$0x3FFB];
	_ =	sdelay $0x3  }
0x92: {  	_ =	strace s17  }
0x93: {  	s2 =	sld [smem:$0x3FFC];
	_ =	sdelay $0x3  }
0x94: {  	_ =	strace s2  }
0x95: {  	s2 =	sld [smem:$0x3FFD];
	_ =	sdelay $0x3  }
0x96: {  	_ =	strace s2  }
0x97: {  	_ =	strace $0x8FFFFFFF  }
0x98: {  	s18 =	sld [smem:$0x3FDB];
	_ =	sdelay $0x1  }
0x99: {  	s19 =	simm.s32 $_scs_section_size  }
0x9a: {  	s4 =	simm.s32 $_size__tile_overlayer_lowered;
	s5 =	simm.s32 $_tile_overlayer_lowered  }
0x9b: {  	s22 =	simm.s32 $0x1BFF;
	s21 =	sshll.u32 s5, $0x1;
	s2 =	sadd.s32 s19, s18  }
0x9c: {  	s6 =	simm.s32 $0x0;
	s20 =	sshll.u32 s4, $0x1;
	s4 =	sadd.s32 s21, s2  }
0x9d: {  	[timem:s6], [sflag:s22] =	dma.local [hbm:s4], s20  }
0x9e: {  	_ =	swait.ge [sflag:s22], s20  }
0x9f: {  	s3 =	ssub.s32 $0x0, s20;
	[sflag:s22] =	ssyncset.done $0x0  }
0xa0: {  	[sflag:s22] =	ssyncadd.s32 s3;
	_ =	sdelay $0x1  }
0xa1: {  	s23 =	simm.s32 $0x1B8B  }
0xa2: {  	_ =	swait.ge [sflag:s23], $0x1  }
0xa3: {  	[sflag:s23] =	ssyncset.done $0x0  }
0xa4: {  	s25 =	simm.s32 $0x1B8E;
	s24 =	sld [smem:$0x3FFE];
	[sflag:s23] =	ssyncadd.s32 $0xFFFFFFFF  }
0xa5: {  	s26 =	simm.s32 $execute0_lowered;
	[smem:$0x3FD2] =	sst s25  }
0xa6: {  	s4 =	sshll.u32 s26, $0x1;
	_ =	strace $0x8000004F;
	[dreg:$0x1] =	wrdreg $0xFFFFFFFF  }
0xa7: {  	s28 =	simm.s32 $_size_execute0_lowered;
	s2 =	sadd.s32 s2, s4;
	[dreg:$0x0] =	wrdreg $0x0  }
0xa8: {  	s4 =	sshll.u32 s28, $0x1;
	[dreg:$0x2] =	wrdreg s2  }
0xa9: {  	[dreg:$0x3] =	wrdreg s4  }
0xaa: {  	[dreg:$0x4] =	wrdreg $0xC0  }
0xab: {  	_ =	task [dreg:s6], $0x5FFFF  }
0xac: {  	[dreg:$0x1] =	wrdreg $0xFFFFFFFF  }
0xad: {  	[dreg:$0x0] =	wrdreg $0x60  }
0xae: {  	[dreg:$0x2] =	wrdreg s24  }
0xaf: {  	[dreg:$0x3] =	wrdreg $0x9  }
0xb0: {  	_ =	task.clear_ibuf [dreg:s6], $0x4FFFF;
	_ =	strace $0x9000004F  }
0xb1: {  	s29 =	simm.s32 $0x9;
	_ =	strace $0x80000051  }
0xb2: {  	_ =	swait.ge [sflag:s29], $0x1  }
0xb3: {  	[sflag:s29] =	ssyncadd.s32 $0xFFFFFFFF  }
0xb4: {  	_ =	strace $0x90000051  }
0xb5: {  	_ =	sfence  }
0xb6: {  	s30 =	sld [smem:$0x0];
	_ =	sdelay $0x2  }
0xb7: {  	s31 =	sshll.u32 s1, $0xD;
	s1 =	sshrl.u32 s1, $0x2  }
0xb8: {  	s3 =	sand.u32 $0x4000, s31;
	s1 =	sadd.s32 s1, s30  }
0xb9: {  	s0 =	sor.u32 s3, s0;
	s1 =	sshll.u32 s1, $0x11  }
0xba: {  	s0 =	sor.u32 s1, s0  }
0xbb: {  	s0 =	sadd.s32 $0x8F2B, s0  }
0xbc: {  	[sflag:s0] =	ssyncadd.remote.s32 $0x1  }
0xbd: {  	_ =	sfence.sel $0xFFFF  }
0xbe: {  	[dreg:$0x0] =	wrdreg $0xFFFFFFFF;
	(pc) =	sbr.abs _section_cstart, $3  }
0xbf: {  	[dreg:$0x1] =	wrdreg $0xFFFFFFFF  }
0xc0: {  	_ =	task.clear_ibuf [dreg:s6], $0x2FFFF;
	_ =	strace $0x9FFFFFFF  }
0xc1: {  	(tm) =	ssettm $0x7FFFFFFF  }
tec
execute0_lowered:
.L_overlay_start_1:
0x0: {  	(tag) =	ssettag $0x1  }
0x1: {  	s1 =	srdreg.scid  }
0x2: {  	s0 =	stileid.u32;
	s5 =	rddreg [dreg:$0x0];
	s2 =	simm.s32 $0x0  }
0x3: {  	s11 =	simm.s32 $0x2800;
	s12 =	simm.s32 $0xFA;
	s13 =	simm.s32 $0x5000  }
0x4: {  	s14 =	simm.s32 $0x8E80;
	s15 =	simm.s32 $0x1;
	s16 =	simm.s32 $0xCD00  }
0x5: {  	s17 =	simm.s32 $0x10B80;
	s4 =	sand.u32 $0x1, s1;
	s3 =	sshll.u32 s0, $0x1  }
0x6: {  	s18 =	simm.s32 $0x0;
	[smem:$0x7FF] =	sst s2;
	s8 =	sor.u32 s4, s3  }
0x7: {  	s1 =	rddreg [dreg:$0x1];
	_ =	strace $0x80000050;
	s6 =	smul.u32 $0x500, s8  }
0x8: {  	s3 =	sadd.s32 $0xC0000, s5;
	s7 =	ssub.s32 $0x2, s4;
	s4 =	sadd.s32 $0x2D200, s5  }
0x9: {  	s31 =	sshrl.u32 s7, $0x1;
	s8 =	smul.u32 $0x2710, s8;
	s9 =	sadd.s32 s6, s5  }
0xa: {  	s10 =	ssub.s32 s7, s31;
	s5 =	sadd.s32 $0x371000, s5;
	s6 =	sadd.s32 $0xF800, s9  }
0xb: {  	s7 =	sadd.s32 $0x40C00, s9;
	s9 =	smax.u32 s10, $0x1;
	s10 =	simm.s32 $0x2  }
.LBB2_1:
0xc: {  	[tilespmem:s2], [sflag:$0x2] =	stream.linear.gather [hbm4b:s6+s2], $0x2800, $0x38;
	[tilespmem:$0x14A00] =	vst v63  }
0xd: {  	_ =	swait.ge [sflag:s10], $0x2800  }
0xe: {  	[sflag:s10] =	ssyncset.done $0x0  }
0xf: {  	[sflag:s10] =	ssyncadd.s32 $0xFFFFD800  }
0x10: {  	[tilespmem:s11], [sflag:$0x2] =	stream.linear.gather [hbm4b:s7+s2], $0x2800, $0x38;
	[tilespmem:$0x14A00] =	vst v63  }
0x11: {  	_ =	swait.ge [sflag:s10], $0x2800  }
0x12: {  	[sflag:s10] =	ssyncset.done $0x0  }
0x13: {  	[sflag:s10] =	ssyncadd.s32 $0xFFFFD800  }
0x14: {  	[tilespmem:s13], [sflag:$0x1] =	stream.indirect.gather [hbm4b:s3+s12], $0x40, s2, s12, $0xb8;
	[tilespmem:$0x14A00] =	vst v63  }
0x15: {  	s19 =	simm.s32 $0x0  }
0x16: {  	[tilespmem:s14], [sflag:$0x1] =	stream.indirect.gather [hbm4b:s4+s12], $0x40, s11, s12, $0xb8;
	[tilespmem:$0x14A00] =	vst v63  }
.LBB2_2:
0x17: {  	_ =	swait.ge [sflag:s15], $0x3E80  }
0x18: {  	[sflag:s15] =	ssyncset.done $0x0  }
0x19: {  	[sflag:s15] =	ssyncadd.s32 $0xFFFFC180  }
0x1a: {  	_ =	swait.ge [sflag:s15], $0x3E80  }
0x1b: {  	s20 =	sshllo.u32 s19, $0x1;
	[sflag:s15] =	ssyncset.done $0x0  }
0x1c: {  	s21 =	sshll.u32 s20, $0x8;
	[sflag:s15] =	ssyncadd.s32 $0xFFFFC180  }
0x1d: {  	[tilespmem:s16], [sflag:$0x1] =	stream.indirect.gather [hbm4b:s3+s12], $0x40, s21, s12, $0xb8;
	[tilespmem:$0x14A00] =	vst v63  }
0x1e: {  	s21 =	sadd.s32 $0x2800, s21  }
0x1f: {  	[tilespmem:s17], [sflag:$0x1] =	stream.indirect.gather [hbm4b:s4+s12], $0x40, s21, s12, $0xb8;
	[tilespmem:$0x14A00] =	vst v63  }
0x20: {  	s21 =	simm.s32 $0x0  }
0x21: {  	v1 =	vld [tilespmem:s21+$0x8EB0]  }
0x22: {  	v2 =	vld [tilespmem:s21+$0x8E80]  }
0x23: {  	v3 =	vld [tilespmem:s21+$0x8E90]  }
0x24: {  	v0 =	vld [tilespmem:s21+$0x8EA0];
	_ =	sdelay $0x1  }
0x25: {  	[tilespmem:s21+$0x5030] =	vst.add.f32.msk $0xffff, v1  }
0x26: {  	[tilespmem:s21+$0x5000] =	vst.add.f32.msk $0xffff, v2  }
0x27: {  	s22 =	simm.s32 $0x40;
	s23 =	simm.s32 $0x200;
	[tilespmem:s21+$0x5010] =	vst.add.f32.msk $0xffff, v3  }
.LBB2_3:
0x28: {  	p0 =	sne.s32 s23, $0xF900;
	v1 =	vld [tilespmem:s22+$0x8EB0];
	v2 =	vmov v0  }
0x29: {  	v3 =	vld [tilespmem:s22+$0x8E80]  }
0x2a: {  	v4 =	vld [tilespmem:s22+$0x8E90]  }
.Ltmp0:
0x2b: {  	v0 =	vld [tilespmem:s22+$0x8EA0];
	(pc) =	sbr.rel @p0 .LBB2_3-.Ltmp0, $4  }
0x2c: {  	[tilespmem:s21+$0x5020] =	vst.add.f32.msk $0xffff, v2;
	s21 =	smov.u32 s22  }
0x2d: {  	[tilespmem:s21+$0x5030] =	vst.add.f32.msk $0xffff, v1  }
0x2e: {  	[tilespmem:s21+$0x5000] =	vst.add.f32.msk $0xffff, v3  }
0x2f: {  	s22 =	sshra.s32 s23, $0x2;
	s23 =	sadd.s32 $0x100, s23;
	[tilespmem:s21+$0x5010] =	vst.add.f32.msk $0xffff, v4  }
0x30: {  	v1 =	vld [tilespmem:s22+$0x8EB0]  }
0x31: {  	v2 =	vld [tilespmem:s22+$0x8E80]  }
0x32: {  	v3 =	vld [tilespmem:s22+$0x8E90]  }
0x33: {  	v4 =	vld [tilespmem:s22+$0x8EA0]  }
0x34: {  	[tilespmem:s21+$0x5020] =	vst.add.f32.msk $0xffff, v0;
	s31 =	smul.u32 $0x1F4, s19  }
0x35: {  	[tilespmem:s22+$0x5030] =	vst.add.f32.msk $0xffff, v1  }
0x36: {  	s21 =	sadd.s32 s8, s31;
	[tilespmem:s22+$0x5000] =	vst.add.f32.msk $0xffff, v2  }
0x37: {  	s21 =	sshll.u32 s21, $0x3;
	[tilespmem:s22+$0x5010] =	vst.add.f32.msk $0xffff, v3  }
0x38: {  	s21 =	sadd.s32 s5, s21;
	[tilespmem:s22+$0x5020] =	vst.add.f32.msk $0xffff, v4  }
0x39: {  	[hbm4b:s21+s2] =	stream.linear.scatter [tilespmem:s13], [sflag:$0x2], $0x3E80, $0x38;
	[tilespmem:$0x14A00] =	vst v63  }
0x3a: {  	_ =	swait.ge [sflag:s10], $0x3E80  }
0x3b: {  	[sflag:s10] =	ssyncset.done $0x0  }
0x3c: {  	[sflag:s10] =	ssyncadd.s32 $0xFFFFC180  }
0x3d: {  	_ =	swait.ge [sflag:s15], $0x3E80  }
0x3e: {  	[sflag:s15] =	ssyncset.done $0x0  }
0x3f: {  	[sflag:s15] =	ssyncadd.s32 $0xFFFFC180  }
0x40: {  	p0 =	seq.s32 s19, $0x13;
	_ =	swait.ge [sflag:s15], $0x3E80  }
0x41: {  	s23 =	simm.s32 @!p0 $0xFA;
	s21 =	sshll.u32 @!p0 s19, $0x9;
	[sflag:s15] =	ssyncset.done $0x0  }
0x42: {  	s24 =	simm.s32 @!p0 $0x5000;
	s22 =	sadd.s32 @!p0 $0x200, s21;
	[sflag:s15] =	ssyncadd.s32 $0xFFFFC180  }
0x43: {  	[tilespmem:s24], [sflag:$0x1] =	stream.indirect.gather @!p0 [hbm4b:s3+s23], $0x40, s22, s23, $0xb8;
	[tilespmem:$0x14A00] =	vst v63  }
0x44: {  	s21 =	sadd.s32 @!p0 $0x2A00, s21;
	s22 =	simm.s32 @!p0 $0x8E80  }
0x45: {  	[tilespmem:s22], [sflag:$0x1] =	stream.indirect.gather @!p0 [hbm4b:s4+s23], $0x40, s21, s23, $0xb8;
	[tilespmem:$0x14A00] =	vst v63  }
0x46: {  	s21 =	simm.s32 $0x0  }
0x47: {  	v1 =	vld [tilespmem:s21+$0x10BB0]  }
0x48: {  	v2 =	vld [tilespmem:s21+$0x10B80]  }
0x49: {  	v3 =	vld [tilespmem:s21+$0x10B90]  }
0x4a: {  	v0 =	vld [tilespmem:s21+$0x10BA0];
	_ =	sdelay $0x1  }
0x4b: {  	[tilespmem:s21+$0xCD30] =	vst.add.f32.msk $0xffff, v1  }
0x4c: {  	[tilespmem:s21+$0xCD00] =	vst.add.f32.msk $0xffff, v2  }
0x4d: {  	s22 =	simm.s32 $0x40;
	s23 =	simm.s32 $0x200;
	[tilespmem:s21+$0xCD10] =	vst.add.f32.msk $0xffff, v3  }
.LBB2_5:
0x4e: {  	p0 =	sne.s32 s23, $0xF900;
	v1 =	vld [tilespmem:s22+$0x10BB0];
	v2 =	vmov v0  }
0x4f: {  	v3 =	vld [tilespmem:s22+$0x10B80]  }
0x50: {  	v4 =	vld [tilespmem:s22+$0x10B90]  }
.Ltmp1:
0x51: {  	v0 =	vld [tilespmem:s22+$0x10BA0];
	(pc) =	sbr.rel @p0 .LBB2_5-.Ltmp1, $4  }
0x52: {  	[tilespmem:s21+$0xCD20] =	vst.add.f32.msk $0xffff, v2;
	s21 =	smov.u32 s22  }
0x53: {  	[tilespmem:s21+$0xCD30] =	vst.add.f32.msk $0xffff, v1  }
0x54: {  	[tilespmem:s21+$0xCD00] =	vst.add.f32.msk $0xffff, v3  }
0x55: {  	s22 =	sshra.s32 s23, $0x2;
	s23 =	sadd.s32 $0x100, s23;
	[tilespmem:s21+$0xCD10] =	vst.add.f32.msk $0xffff, v4  }
0x56: {  	v1 =	vld [tilespmem:s22+$0x10BB0]  }
0x57: {  	v2 =	vld [tilespmem:s22+$0x10B80]  }
0x58: {  	v3 =	vld [tilespmem:s22+$0x10B90]  }
0x59: {  	v4 =	vld [tilespmem:s22+$0x10BA0];
	s20 =	smul.u32 $0xFA, s20  }
0x5a: {  	[tilespmem:s21+$0xCD20] =	vst.add.f32.msk $0xffff, v0  }
0x5b: {  	s20 =	sadd.s32 s8, s20;
	[tilespmem:s22+$0xCD30] =	vst.add.f32.msk $0xffff, v1  }
0x5c: {  	s19 =	sadd.s32 $0x1, s19;
	s20 =	sshll.u32 s20, $0x3;
	[tilespmem:s22+$0xCD00] =	vst.add.f32.msk $0xffff, v2  }
0x5d: {  	p0 =	sne.s32 s19, $0x14;
	s20 =	sand.u32 $0x1FFFFFF0, s20;
	[tilespmem:s22+$0xCD10] =	vst.add.f32.msk $0xffff, v3  }
.Ltmp2:
0x5e: {  	[tilespmem:s22+$0xCD20] =	vst.add.f32.msk $0xffff, v4;
	s20 =	sadd.s32 s5, s20;
	(pc) =	sbr.rel @p0 .LBB2_2-.Ltmp2, $4  }
0x5f: {  	[hbm4b:s20+s2] =	stream.linear.scatter [tilespmem:s16], [sflag:$0x2], $0x3E80, $0x38;
	[tilespmem:$0x14A00] =	vst v63  }
0x60: {  	_ =	swait.ge [sflag:s10], $0x3E80  }
0x61: {  	[sflag:s10] =	ssyncset.done $0x0  }
0x62: {  	[sflag:s10] =	ssyncadd.s32 $0xFFFFC180  }
0x63: {  	s18 =	sadd.s32 $0x1, s18  }
0x64: {  	p0 =	sne.s32 s18, s9  }
.Ltmp3:
0x65: {  	_ = 	snop;
	(pc) =	sbr.rel @p0 .LBB2_1-.Ltmp3, $1  }
0x66: {  	_ =	sdelay $0x3  }
0x67: {  	_ =	sfence.sel $0x180000  }
0x68: {  	[bflag:$0x0] =	sbarrier.arrive $0xFFFF  }
0x69: {  	p0 =	sne.s32 s0, $0x0;
	_ =	strace $0x90000050  }
0x6a: {  	s0 =	sadd.s32 @!p0 $0x100000, s1;
	[bflag:$0x2] =	sbarrier.arrive $0xFFFF  }
0x6b: {  	[sflag:s0] =	ssyncadd.tile.s32 @!p0 $0x1;
	_ =	shalt  }
.Lfunc_end2:
_tile_overlayer_lowered:
.L_overlay_start_2:
0x6c: {  	(tag) =	ssettag $0x2  }
0x6d: {  	s0 =	rddreg [dreg:$0x0];
	s2 =	stileid.u32  }
0x6e: {  	s1 =	rddreg [dreg:$0x1];
	p0 =	sne.s32 s2, $0x0  }
0x6f: {  	s3 =	rddreg [dreg:$0x2];
	[bflag:$0x3] =	sbarrier.arrive $0xFFFF;
	s2 =	simm.s32 @!p0 $0x1C02  }
0x70: {  	[timem:s3], [sflag:s2] =	dma.local @!p0 [hbm:s0], s1  }
0x71: {  	s0 =	simm.s32 @!p0 $0x2  }
0x72: {  	_ =	swait.ge @!p0 [sflag:s0], s1  }
0x73: {  	s1 =	ssub.s32 @!p0 $0x0, s1;
	[sflag:s0] =	ssyncset.done @!p0 $0x0  }
0x74: {  	[sflag:s0] =	ssyncadd.s32 @!p0 s1  }
0x75: {  	[bflag:$0x3] =	sbarrier.arrive $0xFFFF  }
0x76: {  	_ =	shalt  }

// kernel: kernel.29.cloned.1.call-start
scs
__scs_entry_jumppad:
0x0: {  	(pc) =	sbr.rel $0x88, $3  }
0x1: {  	(tag) =	ssettag $0x0;
	lr =	simm.s32 $0x1  }
0x2: {  	[smem:$0x3F73] =	sst lr;
	_ =	strace $0xD0000000  }
0x3: {  	_ = 	snop  }
0x4: {  	_ = 	snop  }
0x5: {  	_ = 	snop  }
0x6: {  	_ = 	snop  }
0x7: {  	_ = 	snop  }
__scs_overlays_trampoline_lowered:
0x8: {  	[smem:$0x3F82] =	sst s0  }
0x9: {  	[smem:$0x3F83] =	sst s1  }
0xa: {  	[smem:$0x3F84] =	sst s2  }
0xb: {  	[smem:$0x3F85] =	sst s3  }
0xc: {  	[smem:$0x3F86] =	sst s4  }
0xd: {  	[smem:$0x3F87] =	sst s5  }
0xe: {  	[smem:$0x3F88] =	sst s6  }
0xf: {  	[smem:$0x3F89] =	sst s7  }
0x10: {  	[smem:$0x3F8A] =	sst s8  }
0x11: {  	[smem:$0x3F8B] =	sst s9;
	s0 =	simm.s32 @!p0 $0x0  }
0x12: {  	s1 =	sld [smem:$0x3F71];
	s0 =	simm.s32 @p0 $0x1  }
0x13: {  	[smem:$0x3F8C] =	sst s0;
	s0 =	simm.s32 @!p1 $0x0  }
0x14: {  	s2 =	sld [smem:$0x3F70];
	s0 =	simm.s32 @p1 $0x1  }
0x15: {  	[smem:$0x3F8D] =	sst s0;
	s0 =	simm.s32 @!p2 $0x0  }
0x16: {  	s3 =	sld [smem:$0x3FDB];
	s0 =	simm.s32 @p2 $0x1  }
0x17: {  	s4 =	simm.s32 $0x1BF5;
	[smem:$0x3F8F] =	sst s0  }
0x18: {  	s0 =	sld [smem:$0x3F72];
	_ =	swait.ge [sflag:s4], $0x0  }
0x19: {  	s7 =	sld [smem:$0x3F73]  }
0x1a: {  	s8 =	sadd.s32 $0xFFFFE003, lr  }
0x1b: {  	s9 =	sadd.s32 $0xFFFFFEF7, lr;
	s5 =	simm.s32 $0xFFFFFFFF;
	p2 =	slt.u32 s8, $0xFFFFF086  }
0x1c: {  	p1 =	slt.u32 s9, $0xF7A;
	s5 =	simm.s32 @!p2 $0x0  }
0x1d: {  	s5 =	simm.s32 @p1 $0x1;
	p0 =	seq.s32 s7, s2  }
0x1e: {  	s7 =	smul.u32 @!p0 $0xF7A, s2;
	p2 =	seq.s32 @!p0 s5, $0x0  }
0x1f: {  	s9 =	smul.u32 $0xF7A, s1;
	s8 =	simm.s32 @!p0 $0x1BF5;
	p2 =	por !p2, p0  }
0x20: {  	[sflag:s8] =	ssyncset.s32 @!p0 $0xFFFFF086;
	s6 =	sadd.s32 @!p0 s3, s7;
	s7 =	simm.s32 @!p0 $0x108  }
0x21: {  	s3 =	sadd.s32 s3, s9;
	s6 =	sadd.s32 @!p0 $0x88, s6;
	s7 =	simm.s32 @p2 $0x1082  }
0x22: {  	[simem:s7], [sflag:s8] =	dma.local @!p0 [hbm:s6], $0xF7A  }
0x23: {  	s9 =	sor.u32 $0xD0000000, s2;
	s6 =	simm.s32 $0x108;
	_ =	swait.ge @!p0 [sflag:s8], $0x0  }
0x24: {  	s3 =	sadd.s32 $0x88, s3;
	s6 =	simm.s32 @!p1 $0x1082;
	[sflag:s4] =	ssyncset.s32 $0xFFFFF086  }
0x25: {  	[simem:s6], [sflag:s4] =	dma.local [hbm:s3], $0xF7A  }
0x26: {  	[smem:$0x3F73] =	sst s1;
	(tag) =	ssettag s2;
	_ =	strace s9  }
0x27: {  	s1 =	sld [smem:$0x3F83]  }
0x28: {  	s2 =	sld [smem:$0x3F84]  }
0x29: {  	s4 =	sld [smem:$0x3F86]  }
0x2a: {  	p0 =	seq.s32 s5, $0x0;
	s5 =	sld [smem:$0x3F87]  }
0x2b: {  	s6 =	sld [smem:$0x3F88]  }
0x2c: {  	s7 =	sld [smem:$0x3F89]  }
0x2d: {  	s3 =	simm.s32 $0x108;
	s8 =	sld [smem:$0x3F8A]  }
0x2e: {  	s3 =	simm.s32 @!p0 $0x1082;
	s9 =	sld [smem:$0x3F8B]  }
0x2f: {  	lr =	sadd.s32 s0, s3;
	s0 =	sld [smem:$0x3F82]  }
0x30: {  	s3 =	sld [smem:$0x3F85]  }
0x31: {  	[smem:$0x3F8E] =	sst s10  }
0x32: {  	s10 =	sld [smem:$0x3F8C];
	_ =	sdelay $0x3  }
0x33: {  	p0 =	seq.s32 s10, $0x1;
	s10 =	sld [smem:$0x3F8E];
	_ =	sdelay $0x3  }
0x34: {  	[smem:$0x3F8E] =	sst s10  }
0x35: {  	s10 =	sld [smem:$0x3F8D];
	_ =	sdelay $0x3  }
0x36: {  	p1 =	seq.s32 s10, $0x1;
	s10 =	sld [smem:$0x3F8E];
	_ =	sdelay $0x3  }
0x37: {  	[smem:$0x3F8E] =	sst s10  }
0x38: {  	s10 =	sld [smem:$0x3F8F]  }
0x39: {  	_ = 	snop;
	(pc) =	sbr.ind lr, $3  }
0x3a: {  	_ = 	snop  }
0x3b: {  	_ = 	snop  }
0x3c: {  	p2 =	seq.s32 s10, $0x1;
	s10 =	sld [smem:$0x3F8E]  }
0x3d: {  	_ =	shalt  }
0x3e: {  	_ =	shalt  }
0x3f: {  	_ =	shalt  }
0x40: {  	_ =	shalt  }
0x41: {  	_ =	shalt  }
0x42: {  	_ =	shalt  }
0x43: {  	_ =	shalt  }
0x44: {  	_ =	shalt  }
0x45: {  	_ =	shalt  }
0x46: {  	_ =	shalt  }
0x47: {  	_ =	shalt  }
0x48: {  	_ =	shalt  }
0x49: {  	_ =	shalt  }
0x4a: {  	_ =	shalt  }
0x4b: {  	_ =	shalt  }
0x4c: {  	_ =	shalt  }
0x4d: {  	_ =	shalt  }
0x4e: {  	_ =	shalt  }
0x4f: {  	_ =	shalt  }
0x50: {  	_ =	shalt  }
0x51: {  	_ =	shalt  }
0x52: {  	_ =	shalt  }
0x53: {  	_ =	shalt  }
0x54: {  	_ =	shalt  }
0x55: {  	_ =	shalt  }
0x56: {  	_ =	shalt  }
0x57: {  	_ =	shalt  }
0x58: {  	_ =	shalt  }
0x59: {  	_ =	shalt  }
0x5a: {  	_ =	shalt  }
0x5b: {  	_ =	shalt  }
0x5c: {  	_ =	shalt  }
0x5d: {  	_ =	shalt  }
0x5e: {  	_ =	shalt  }
0x5f: {  	_ =	shalt  }
0x60: {  	_ =	shalt  }
0x61: {  	_ =	shalt  }
0x62: {  	_ =	shalt  }
0x63: {  	_ =	shalt  }
0x64: {  	_ =	shalt  }
0x65: {  	_ =	shalt  }
0x66: {  	_ =	shalt  }
0x67: {  	_ =	shalt  }
0x68: {  	_ =	shalt  }
0x69: {  	_ =	shalt  }
0x6a: {  	_ =	shalt  }
0x6b: {  	_ =	shalt  }
0x6c: {  	_ =	shalt  }
0x6d: {  	_ =	shalt  }
0x6e: {  	_ =	shalt  }
0x6f: {  	_ =	shalt  }
0x70: {  	_ =	shalt  }
0x71: {  	_ =	shalt  }
0x72: {  	_ =	shalt  }
0x73: {  	_ =	shalt  }
0x74: {  	_ =	shalt  }
0x75: {  	_ =	shalt  }
0x76: {  	_ =	shalt  }
0x77: {  	_ =	shalt  }
0x78: {  	_ =	shalt  }
0x79: {  	_ =	shalt  }
0x7a: {  	_ =	shalt  }
0x7b: {  	_ =	shalt  }
0x7c: {  	_ =	shalt  }
0x7d: {  	_ =	shalt  }
0x7e: {  	_ =	shalt  }
0x7f: {  	_ =	shalt  }
0x80: {  	_ =	shalt  }
0x81: {  	_ =	shalt  }
0x82: {  	_ =	shalt  }
0x83: {  	_ =	shalt  }
0x84: {  	_ =	shalt  }
0x85: {  	_ =	shalt  }
0x86: {  	_ =	shalt  }
0x87: {  	_ =	shalt  }
.Lfunc_end0:
.L_simem_size_0:
called_computation.4_lowered:
.L_overlay_start_0:
0x88: {  	s2 =	sld [smem:$0x3FD9]  }
0x89: {  	s3 =	sld [smem:$0x3FFE];
	_ =	sdelay $0x1  }
0x8a: {  	s1 =	srdreg.scid  }
0x8b: {  	s0 =	sand.u32 $0x1, s1  }
0x8c: {  	s16 =	sshll.u32 s0, $0xA;
	s2 =	sadd.s32 s3, s2  }
0x8d: {  	s2 =	sadd.s32 s2, s16  }
0x8e: {  	[smem:$0x3F9A] =	sst s2  }
0x8f: {  	_ = 	snop  }
0x90: {  	(tm) =	ssettm $0x1  }
0x91: {  	s17 =	sld [smem:$0x3FFB];
	_ =	sdelay $0x3  }
0x92: {  	_ =	strace s17  }
0x93: {  	s2 =	sld [smem:$0x3FFC];
	_ =	sdelay $0x3  }
0x94: {  	_ =	strace s2  }
0x95: {  	s2 =	sld [smem:$0x3FFD];
	_ =	sdelay $0x3  }
0x96: {  	_ =	strace s2  }
0x97: {  	_ =	strace $0x8FFFFFFF  }
0x98: {  	s18 =	sld [smem:$0x3FDB];
	_ =	sdelay $0x1  }
0x99: {  	s19 =	simm.s32 $_scs_section_size  }
0x9a: {  	s4 =	simm.s32 $_size__tile_overlayer_lowered;
	s5 =	simm.s32 $_tile_overlayer_lowered  }
0x9b: {  	s22 =	simm.s32 $0x1BFF;
	s21 =	sshll.u32 s5, $0x1;
	s2 =	sadd.s32 s19, s18  }
0x9c: {  	s6 =	simm.s32 $0x0;
	s20 =	sshll.u32 s4, $0x1;
	s4 =	sadd.s32 s21, s2  }
0x9d: {  	[timem:s6], [sflag:s22] =	dma.local [hbm:s4], s20  }
0x9e: {  	_ =	swait.ge [sflag:s22], s20  }
0x9f: {  	s3 =	ssub.s32 $0x0, s20;
	[sflag:s22] =	ssyncset.done $0x0  }
0xa0: {  	[sflag:s22] =	ssyncadd.s32 s3;
	_ =	sdelay $0x1  }
0xa1: {  	s23 =	simm.s32 $0x1B8B  }
0xa2: {  	_ =	swait.ge [sflag:s23], $0x1  }
0xa3: {  	[sflag:s23] =	ssyncset.done $0x0  }
0xa4: {  	s25 =	simm.s32 $0x1B8E;
	s24 =	sld [smem:$0x3FFE];
	[sflag:s23] =	ssyncadd.s32 $0xFFFFFFFF  }
0xa5: {  	s26 =	simm.s32 $execute0_lowered;
	[smem:$0x3FD2] =	sst s25  }
0xa6: {  	s4 =	sshll.u32 s26, $0x1;
	_ =	strace $0x80000052;
	[dreg:$0x1] =	wrdreg $0xFFFFFFFF  }
0xa7: {  	s28 =	simm.s32 $_size_execute0_lowered;
	s2 =	sadd.s32 s2, s4;
	[dreg:$0x0] =	wrdreg $0x0  }
0xa8: {  	s4 =	sshll.u32 s28, $0x1;
	[dreg:$0x2] =	wrdreg s2  }
0xa9: {  	[dreg:$0x3] =	wrdreg s4  }
0xaa: {  	[dreg:$0x4] =	wrdreg $0xC0  }
0xab: {  	_ =	task [dreg:s6], $0x5FFFF  }
0xac: {  	[dreg:$0x1] =	wrdreg $0xFFFFFFFF  }
0xad: {  	[dreg:$0x0] =	wrdreg $0x60  }
0xae: {  	[dreg:$0x2] =	wrdreg s24  }
0xaf: {  	[dreg:$0x3] =	wrdreg $0x121600  }
0xb0: {  	[dreg:$0x4] =	wrdreg $0x9  }
0xb1: {  	_ =	task.clear_ibuf [dreg:s6], $0x5FFFF;
	_ =	strace $0x90000052  }
0xb2: {  	s29 =	simm.s32 $0x9;
	_ =	strace $0x80000054  }
0xb3: {  	_ =	swait.ge [sflag:s29], $0x1  }
0xb4: {  	[sflag:s29] =	ssyncadd.s32 $0xFFFFFFFF  }
0xb5: {  	_ =	strace $0x90000054  }
0xb6: {  	_ =	sfence  }
0xb7: {  	s30 =	sld [smem:$0x0];
	_ =	sdelay $0x2  }
0xb8: {  	s31 =	sshll.u32 s1, $0xD;
	s1 =	sshrl.u32 s1, $0x2  }
0xb9: {  	s3 =	sand.u32 $0x4000, s31;
	s1 =	sadd.s32 s1, s30  }
0xba: {  	s0 =	sor.u32 s3, s0;
	s1 =	sshll.u32 s1, $0x11  }
0xbb: {  	s0 =	sor.u32 s1, s0  }
0xbc: {  	s0 =	sadd.s32 $0x8F2B, s0  }
0xbd: {  	[sflag:s0] =	ssyncadd.remote.s32 $0x1  }
0xbe: {  	_ =	sfence.sel $0xFFFF  }
0xbf: {  	[dreg:$0x0] =	wrdreg $0xFFFFFFFF;
	(pc) =	sbr.abs _section_cstart, $3  }
0xc0: {  	[dreg:$0x1] =	wrdreg $0xFFFFFFFF  }
0xc1: {  	_ =	task.clear_ibuf [dreg:s6], $0x2FFFF;
	_ =	strace $0x9FFFFFFF  }
0xc2: {  	(tm) =	ssettm $0x7FFFFFFF  }
0xc3: {  	_ =	shalt  }
tec
execute0_lowered:
.L_overlay_start_1:
0x0: {  	(tag) =	ssettag $0x1  }
0x1: {  	s6 =	rddreg [dreg:$0x0]  }
0x2: {  	s2 =	rddreg [dreg:$0x1];
	s3 =	srdreg.scid  }
0x3: {  	s1 =	stileid.u32;
	s0 =	rddreg [dreg:$0x2];
	s20 =	simm.s32 $0xA460  }
0x4: {  	s21 =	simm.s32 $0x1F4;
	s22 =	simm.s32 $0x2370;
	s23 =	simm.s32 $0x2568  }
0x5: {  	s24 =	simm.s32 $0x0;
	s7 =	sand.u32 $0x1, s3;
	s4 =	sshll.u32 s1, $0x1  }
0x6: {  	s3 =	simm.s32 $0x0;
	s9 =	smul.u32 $0x9C00, s1;
	s11 =	sadd.s32 $0x5E2000, s6  }
0x7: {  	s12 =	sadd.s32 $0xC0000, s6;
	s29 =	sshll.u32 s1, $0x6;
	s17 =	smul.u32 $0x4E20, s1  }
0x8: {  	s18 =	sadd.s32 $0x9C000, s2;
	p0 =	sne.s32 s1, $0xF;
	s16 =	smul.u32 $0x9C400, s7  }
0x9: {  	s4 =	sor.u32 s7, s4;
	[smem:$0x7FF] =	sst s3;
	s19 =	smul.u32 $0x2710, s7  }
0xa: {  	s28 =	ssub.s32 $0x2, s7;
	s5 =	smul.u32 $0x4EC, s4;
	_ =	strace $0x80000053  }
0xb: {  	s8 =	sshrl.u32 s9, $0x3;
	s13 =	sshrl.u32 s28, $0x1;
	s14 =	smul.u32 $0x13880, s4  }
0xc: {  	s15 =	sadd.s32 s9, s2;
	s26 =	sadd.s32 s8, s6;
	s13 =	ssub.s32 s28, s13  }
0xd: {  	s9 =	sadd.s32 s9, s16;
	s30 =	sshrl.u32 s16, $0x3;
	s31 =	sadd.s32 s19, s17  }
0xe: {  	s15 =	sshrl.u32 s15, $0x3;
	s16 =	simm.s32 $0x2;
	s17 =	sshrl.u32 @!p0 s18, $0x3  }
0xf: {  	s18 =	simm.s32 $0x2760;
	s19 =	simm.s32 $0x1;
	s10 =	sadd.s32 s5, s6  }
0x10: {  	s4 =	sadd.s32 $0x19800, s26;
	s5 =	sor.u32 $0x1C02, s29;
	s6 =	sadd.s32 $0x2D000, s6  }
0x11: {  	s8 =	sadd.s32 s11, s14;
	s9 =	sshrl.u32 s9, $0x3;
	s14 =	sshll.u32 s31, $0x3  }
0x12: {  	s7 =	sadd.s32 $0x2BBC00, s10;
	s10 =	sadd.s32 s12, s30;
	s9 =	sadd.s32 s12, s9  }
0x13: {  	s14 =	sadd.s32 s11, s14;
	s11 =	smax.u32 s13, $0x1;
	s12 =	sadd.s32 $0x128E0, s8  }
0x14: {  	s10 =	sadd.s32 $0x13800, s10;
	s13 =	sadd.s32 $0xFA0, s14;
	s14 =	sadd.s32 $0x1F40, s14  }
.LBB2_1:
0x15: {  	[spmem:s15], [sflag:s5] =	dma.local [hbm:s4], $0x1380  }
0x16: {  	_ =	swait.ge [sflag:s16], $0x1380  }
0x17: {  	[sflag:s16] =	ssyncset.done $0x0  }
0x18: {  	s25 =	simm.s32 @!p0 $0x2;
	[sflag:s16] =	ssyncadd.s32 $0xFFFFEC80  }
0x19: {  	[spmem:s17], [sflag:s5] =	dma.local @!p0 [hbm:s6], $0x80  }
0x1a: {  	_ =	swait.ge @!p0 [sflag:s25], $0x80  }
0x1b: {  	[sflag:s25] =	ssyncset.done @!p0 $0x0  }
0x1c: {  	[sflag:s25] =	ssyncadd.s32 @!p0 $0xFFFFFF80  }
0x1d: {  	[bflag:$0x0] =	sbarrier.arrive $0xFFFF  }
0x1e: {  	[tilespmem:s3], [sflag:$0x2] =	stream.linear.gather [hbm4b:s7+s3], $0x2760, $0x38;
	[tilespmem:$0x1BDA0] =	vst v63  }
0x1f: {  	_ =	swait.ge [sflag:s16], $0x2760  }
0x20: {  	[sflag:s16] =	ssyncset.done $0x0  }
0x21: {  	[sflag:s16] =	ssyncadd.s32 $0xFFFFD8A0  }
0x22: {  	[tilespmem:s18], [sflag:$0x1] =	stream.linear.gather [hbm4b:s8+s3], $0x7D00, $0x38;
	[tilespmem:$0x1BDA0] =	vst v63  }
0x23: {  	_ =	swait.ge [sflag:s19], $0x7D00  }
0x24: {  	[sflag:s19] =	ssyncset.done $0x0  }
0x25: {  	s29 =	sadd.s32 $0x0, s13;
	[sflag:s19] =	ssyncadd.s32 $0xFFFF8300  }
0x26: {  	[tilespmem:s20], [sflag:$0x1] =	stream.linear.gather [hbm4b:s29+s3], $0x7D00, $0x38;
	[tilespmem:$0x1BDA0] =	vst v63  }
0x27: {  	_ = 	snop  }
0x28: {  	[spmem:s2] =	stream.indirect.scatter.add.f32 [tilespmem:s18], [sflag:$0x2], $0x40, s3, s21, $0xb8;
	[tilespmem:$0x1BDA0] =	vst v63  }
0x29: {  	_ =	swait.ge [sflag:s16], $0x7D00  }
0x2a: {  	[sflag:s16] =	ssyncset.done $0x0  }
0x2b: {  	[sflag:s16] =	ssyncadd.s32 $0xFFFF8300  }
0x2c: {  	_ =	swait.ge [sflag:s19], $0x7D00  }
0x2d: {  	[sflag:s19] =	ssyncset.done $0x0  }
0x2e: {  	s30 =	sadd.s32 $0x0, s14;
	[sflag:s19] =	ssyncadd.s32 $0xFFFF8300  }
0x2f: {  	[tilespmem:s18], [sflag:$0x1] =	stream.linear.gather [hbm4b:s30+s3], $0x7D00, $0x38;
	[tilespmem:$0x1BDA0] =	vst v63  }
0x30: {  	s31 =	simm.s32 $0x1F8  }
0x31: {  	[spmem:s2] =	stream.indirect.scatter.add.f32 [tilespmem:s20], [sflag:$0x2], $0x40, s31, s21, $0xb8;
	[tilespmem:$0x1BDA0] =	vst v63  }
0x32: {  	_ =	swait.ge [sflag:s16], $0x7D00  }
0x33: {  	s26 =	simm.s32 $0x0;
	s25 =	simm.s32 $0x1F40;
	[sflag:s16] =	ssyncset.done $0x0  }
.LBB2_2:
0x34: {  	p1 =	sne.s32 s25, $0xFA00;
	[sflag:s16] =	ssyncadd.s32 $0xFFFF8300;
	s26 =	sadd.s32 $0x3F0, s26  }
0x35: {  	s28 =	smov.u32 s25;
	s25 =	sadd.s32 $0x1F40, s25  }
0x36: {  	_ =	swait.ge [sflag:s19], $0x7D00  }
0x37: {  	[sflag:s19] =	ssyncset.done $0x0  }
0x38: {  	s29 =	sadd.s32 s28, s13;
	[sflag:s19] =	ssyncadd.s32 $0xFFFF8300  }
0x39: {  	[tilespmem:s20], [sflag:$0x1] =	stream.linear.gather [hbm4b:s29+s3], $0x7D00, $0x38;
	[tilespmem:$0x1BDA0] =	vst v63  }
0x3a: {  	_ = 	snop  }
0x3b: {  	[spmem:s2] =	stream.indirect.scatter.add.f32 [tilespmem:s18], [sflag:$0x2], $0x40, s26, s21, $0xb8;
	[tilespmem:$0x1BDA0] =	vst v63  }
0x3c: {  	_ =	swait.ge [sflag:s16], $0x7D00  }
0x3d: {  	[sflag:s16] =	ssyncset.done $0x0  }
0x3e: {  	[sflag:s16] =	ssyncadd.s32 $0xFFFF8300  }
0x3f: {  	_ =	swait.ge [sflag:s19], $0x7D00  }
0x40: {  	[sflag:s19] =	ssyncset.done $0x0  }
0x41: {  	s28 =	sadd.s32 s28, s14;
	[sflag:s19] =	ssyncadd.s32 $0xFFFF8300  }
0x42: {  	[tilespmem:s18], [sflag:$0x1] =	stream.linear.gather [hbm4b:s28+s3], $0x7D00, $0x38;
	[tilespmem:$0x1BDA0] =	vst v63  }
.Ltmp0:
0x43: {  	_ = 	snop;
	(pc) =	sbr.rel @p1 .LBB2_2-.Ltmp0, $4  }
0x44: {  	s28 =	sadd.s32 $0x1F8, s26  }
0x45: {  	[spmem:s2] =	stream.indirect.scatter.add.f32 [tilespmem:s20], [sflag:$0x2], $0x40, s28, s21, $0xb8;
	[tilespmem:$0x1BDA0] =	vst v63  }
0x46: {  	_ =	swait.ge [sflag:s16], $0x7D00  }
0x47: {  	[sflag:s16] =	ssyncset.done $0x0  }
0x48: {  	[sflag:s16] =	ssyncadd.s32 $0xFFFF8300  }
0x49: {  	_ =	swait.ge [sflag:s19], $0x7D00  }
0x4a: {  	[sflag:s19] =	ssyncset.done $0x0  }
0x4b: {  	[sflag:s19] =	ssyncadd.s32 $0xFFFF8300  }
0x4c: {  	[tilespmem:s20], [sflag:$0x1] =	stream.linear.gather [hbm4b:s12+s3], $0x7D00, $0x38;
	[tilespmem:$0x1BDA0] =	vst v63  }
0x4d: {  	_ = 	snop  }
0x4e: {  	[spmem:s2] =	stream.indirect.scatter.add.f32 [tilespmem:s18], [sflag:$0x2], $0x40, s22, s21, $0xb8;
	[tilespmem:$0x1BDA0] =	vst v63  }
0x4f: {  	_ =	swait.ge [sflag:s16], $0x7D00  }
0x50: {  	[sflag:s16] =	ssyncset.done $0x0  }
0x51: {  	[sflag:s16] =	ssyncadd.s32 $0xFFFF8300  }
0x52: {  	_ =	swait.ge [sflag:s19], $0x7D00  }
0x53: {  	[sflag:s19] =	ssyncset.done $0x0  }
0x54: {  	[sflag:s19] =	ssyncadd.s32 $0xFFFF8300  }
0x55: {  	[spmem:s2] =	stream.indirect.scatter.add.f32 [tilespmem:s20], [sflag:$0x2], $0x40, s23, s21, $0xb8;
	[tilespmem:$0x1BDA0] =	vst v63  }
0x56: {  	_ =	swait.ge [sflag:s16], $0x7D00  }
0x57: {  	[sflag:s16] =	ssyncset.done $0x0  }
0x58: {  	[sflag:s16] =	ssyncadd.s32 $0xFFFF8300  }
0x59: {  	[bflag:$0x0] =	sbarrier.arrive $0xFFFF  }
0x5a: {  	[hbm:s9], [sflag:s5] =	dma.local [spmem:s15], $0x1380  }
0x5b: {  	s24 =	sadd.s32 $0x1, s24;
	_ =	swait.ge [sflag:s16], $0x1380  }
0x5c: {  	p1 =	sne.s32 s24, s11;
	[sflag:s16] =	ssyncset.done $0x0  }
.Ltmp1:
0x5d: {  	s25 =	simm.s32 @!p0 $0x2;
	[sflag:s16] =	ssyncadd.s32 $0xFFFFEC80;
	(pc) =	sbr.rel @p1 .LBB2_1-.Ltmp1, $4  }
0x5e: {  	[hbm:s10], [sflag:s5] =	dma.local @!p0 [spmem:s17], $0x80  }
0x5f: {  	_ =	swait.ge @!p0 [sflag:s25], $0x80  }
0x60: {  	[sflag:s25] =	ssyncset.done @!p0 $0x0  }
0x61: {  	[sflag:s25] =	ssyncadd.s32 @!p0 $0xFFFFFF80  }
0x62: {  	_ =	sfence.sel $0x180000  }
0x63: {  	[bflag:$0x0] =	sbarrier.arrive $0xFFFF  }
0x64: {  	p0 =	sne.s32 s1, $0x0;
	_ =	strace $0x90000053  }
0x65: {  	s0 =	sadd.s32 @!p0 $0x100000, s0;
	[bflag:$0x2] =	sbarrier.arrive $0xFFFF  }
0x66: {  	[sflag:s0] =	ssyncadd.tile.s32 @!p0 $0x1;
	_ =	shalt  }
.Lfunc_end2:
_tile_overlayer_lowered:
.L_overlay_start_2:
0x67: {  	(tag) =	ssettag $0x2  }
0x68: {  	s0 =	rddreg [dreg:$0x0];
	s2 =	stileid.u32  }
0x69: {  	s1 =	rddreg [dreg:$0x1];
	p0 =	sne.s32 s2, $0x0  }
0x6a: {  	s3 =	rddreg [dreg:$0x2];
	[bflag:$0x3] =	sbarrier.arrive $0xFFFF;
	s2 =	simm.s32 @!p0 $0x1C02  }
0x6b: {  	[timem:s3], [sflag:s2] =	dma.local @!p0 [hbm:s0], s1  }
0x6c: {  	s0 =	simm.s32 @!p0 $0x2  }
0x6d: {  	_ =	swait.ge @!p0 [sflag:s0], s1  }
0x6e: {  	s1 =	ssub.s32 @!p0 $0x0, s1;
	[sflag:s0] =	ssyncset.done @!p0 $0x0  }
0x6f: {  	[sflag:s0] =	ssyncadd.s32 @!p0 s1  }
0x70: {  	[bflag:$0x3] =	sbarrier.arrive $0xFFFF  }
0x71: {  	_ =	shalt  }

// kernel: kernel.32.cloned.1.call-start
scs
__scs_entry_jumppad:
0x0: {  	(pc) =	sbr.rel $0x88, $3  }
0x1: {  	(tag) =	ssettag $0x0;
	lr =	simm.s32 $0x1  }
0x2: {  	[smem:$0x3F73] =	sst lr;
	_ =	strace $0xD0000000  }
0x3: {  	_ = 	snop  }
0x4: {  	_ = 	snop  }
0x5: {  	_ = 	snop  }
0x6: {  	_ = 	snop  }
0x7: {  	_ = 	snop  }
__scs_overlays_trampoline_lowered:
0x8: {  	[smem:$0x3F82] =	sst s0  }
0x9: {  	[smem:$0x3F83] =	sst s1  }
0xa: {  	[smem:$0x3F84] =	sst s2  }
0xb: {  	[smem:$0x3F85] =	sst s3  }
0xc: {  	[smem:$0x3F86] =	sst s4  }
0xd: {  	[smem:$0x3F87] =	sst s5  }
0xe: {  	[smem:$0x3F88] =	sst s6  }
0xf: {  	[smem:$0x3F89] =	sst s7  }
0x10: {  	[smem:$0x3F8A] =	sst s8  }
0x11: {  	[smem:$0x3F8B] =	sst s9;
	s0 =	simm.s32 @!p0 $0x0  }
0x12: {  	s1 =	sld [smem:$0x3F71];
	s0 =	simm.s32 @p0 $0x1  }
0x13: {  	[smem:$0x3F8C] =	sst s0;
	s0 =	simm.s32 @!p1 $0x0  }
0x14: {  	s2 =	sld [smem:$0x3F70];
	s0 =	simm.s32 @p1 $0x1  }
0x15: {  	[smem:$0x3F8D] =	sst s0;
	s0 =	simm.s32 @!p2 $0x0  }
0x16: {  	s3 =	sld [smem:$0x3FDB];
	s0 =	simm.s32 @p2 $0x1  }
0x17: {  	s4 =	simm.s32 $0x1BF5;
	[smem:$0x3F8F] =	sst s0  }
0x18: {  	s0 =	sld [smem:$0x3F72];
	_ =	swait.ge [sflag:s4], $0x0  }
0x19: {  	s7 =	sld [smem:$0x3F73]  }
0x1a: {  	s8 =	sadd.s32 $0xFFFFE003, lr  }
0x1b: {  	s9 =	sadd.s32 $0xFFFFFEF7, lr;
	s5 =	simm.s32 $0xFFFFFFFF;
	p2 =	slt.u32 s8, $0xFFFFF086  }
0x1c: {  	p1 =	slt.u32 s9, $0xF7A;
	s5 =	simm.s32 @!p2 $0x0  }
0x1d: {  	s5 =	simm.s32 @p1 $0x1;
	p0 =	seq.s32 s7, s2  }
0x1e: {  	s7 =	smul.u32 @!p0 $0xF7A, s2;
	p2 =	seq.s32 @!p0 s5, $0x0  }
0x1f: {  	s9 =	smul.u32 $0xF7A, s1;
	s8 =	simm.s32 @!p0 $0x1BF5;
	p2 =	por !p2, p0  }
0x20: {  	[sflag:s8] =	ssyncset.s32 @!p0 $0xFFFFF086;
	s6 =	sadd.s32 @!p0 s3, s7;
	s7 =	simm.s32 @!p0 $0x108  }
0x21: {  	s3 =	sadd.s32 s3, s9;
	s6 =	sadd.s32 @!p0 $0x88, s6;
	s7 =	simm.s32 @p2 $0x1082  }
0x22: {  	[simem:s7], [sflag:s8] =	dma.local @!p0 [hbm:s6], $0xF7A  }
0x23: {  	s9 =	sor.u32 $0xD0000000, s2;
	s6 =	simm.s32 $0x108;
	_ =	swait.ge @!p0 [sflag:s8], $0x0  }
0x24: {  	s3 =	sadd.s32 $0x88, s3;
	s6 =	simm.s32 @!p1 $0x1082;
	[sflag:s4] =	ssyncset.s32 $0xFFFFF086  }
0x25: {  	[simem:s6], [sflag:s4] =	dma.local [hbm:s3], $0xF7A  }
0x26: {  	[smem:$0x3F73] =	sst s1;
	(tag) =	ssettag s2;
	_ =	strace s9  }
0x27: {  	s1 =	sld [smem:$0x3F83]  }
0x28: {  	s2 =	sld [smem:$0x3F84]  }
0x29: {  	s4 =	sld [smem:$0x3F86]  }
0x2a: {  	p0 =	seq.s32 s5, $0x0;
	s5 =	sld [smem:$0x3F87]  }
0x2b: {  	s6 =	sld [smem:$0x3F88]  }
0x2c: {  	s7 =	sld [smem:$0x3F89]  }
0x2d: {  	s3 =	simm.s32 $0x108;
	s8 =	sld [smem:$0x3F8A]  }
0x2e: {  	s3 =	simm.s32 @!p0 $0x1082;
	s9 =	sld [smem:$0x3F8B]  }
0x2f: {  	lr =	sadd.s32 s0, s3;
	s0 =	sld [smem:$0x3F82]  }
0x30: {  	s3 =	sld [smem:$0x3F85]  }
0x31: {  	[smem:$0x3F8E] =	sst s10  }
0x32: {  	s10 =	sld [smem:$0x3F8C];
	_ =	sdelay $0x3  }
0x33: {  	p0 =	seq.s32 s10, $0x1;
	s10 =	sld [smem:$0x3F8E];
	_ =	sdelay $0x3  }
0x34: {  	[smem:$0x3F8E] =	sst s10  }
0x35: {  	s10 =	sld [smem:$0x3F8D];
	_ =	sdelay $0x3  }
0x36: {  	p1 =	seq.s32 s10, $0x1;
	s10 =	sld [smem:$0x3F8E];
	_ =	sdelay $0x3  }
0x37: {  	[smem:$0x3F8E] =	sst s10  }
0x38: {  	s10 =	sld [smem:$0x3F8F]  }
0x39: {  	_ = 	snop;
	(pc) =	sbr.ind lr, $3  }
0x3a: {  	_ = 	snop  }
0x3b: {  	_ = 	snop  }
0x3c: {  	p2 =	seq.s32 s10, $0x1;
	s10 =	sld [smem:$0x3F8E]  }
0x3d: {  	_ =	shalt  }
0x3e: {  	_ =	shalt  }
0x3f: {  	_ =	shalt  }
0x40: {  	_ =	shalt  }
0x41: {  	_ =	shalt  }
0x42: {  	_ =	shalt  }
0x43: {  	_ =	shalt  }
0x44: {  	_ =	shalt  }
0x45: {  	_ =	shalt  }
0x46: {  	_ =	shalt  }
0x47: {  	_ =	shalt  }
0x48: {  	_ =	shalt  }
0x49: {  	_ =	shalt  }
0x4a: {  	_ =	shalt  }
0x4b: {  	_ =	shalt  }
0x4c: {  	_ =	shalt  }
0x4d: {  	_ =	shalt  }
0x4e: {  	_ =	shalt  }
0x4f: {  	_ =	shalt  }
0x50: {  	_ =	shalt  }
0x51: {  	_ =	shalt  }
0x52: {  	_ =	shalt  }
0x53: {  	_ =	shalt  }
0x54: {  	_ =	shalt  }
0x55: {  	_ =	shalt  }
0x56: {  	_ =	shalt  }
0x57: {  	_ =	shalt  }
0x58: {  	_ =	shalt  }
0x59: {  	_ =	shalt  }
0x5a: {  	_ =	shalt  }
0x5b: {  	_ =	shalt  }
0x5c: {  	_ =	shalt  }
0x5d: {  	_ =	shalt  }
0x5e: {  	_ =	shalt  }
0x5f: {  	_ =	shalt  }
0x60: {  	_ =	shalt  }
0x61: {  	_ =	shalt  }
0x62: {  	_ =	shalt  }
0x63: {  	_ =	shalt  }
0x64: {  	_ =	shalt  }
0x65: {  	_ =	shalt  }
0x66: {  	_ =	shalt  }
0x67: {  	_ =	shalt  }
0x68: {  	_ =	shalt  }
0x69: {  	_ =	shalt  }
0x6a: {  	_ =	shalt  }
0x6b: {  	_ =	shalt  }
0x6c: {  	_ =	shalt  }
0x6d: {  	_ =	shalt  }
0x6e: {  	_ =	shalt  }
0x6f: {  	_ =	shalt  }
0x70: {  	_ =	shalt  }
0x71: {  	_ =	shalt  }
0x72: {  	_ =	shalt  }
0x73: {  	_ =	shalt  }
0x74: {  	_ =	shalt  }
0x75: {  	_ =	shalt  }
0x76: {  	_ =	shalt  }
0x77: {  	_ =	shalt  }
0x78: {  	_ =	shalt  }
0x79: {  	_ =	shalt  }
0x7a: {  	_ =	shalt  }
0x7b: {  	_ =	shalt  }
0x7c: {  	_ =	shalt  }
0x7d: {  	_ =	shalt  }
0x7e: {  	_ =	shalt  }
0x7f: {  	_ =	shalt  }
0x80: {  	_ =	shalt  }
0x81: {  	_ =	shalt  }
0x82: {  	_ =	shalt  }
0x83: {  	_ =	shalt  }
0x84: {  	_ =	shalt  }
0x85: {  	_ =	shalt  }
0x86: {  	_ =	shalt  }
0x87: {  	_ =	shalt  }
.Lfunc_end0:
.L_simem_size_0:
called_computation.5_lowered:
.L_overlay_start_0:
0x88: {  	s2 =	sld [smem:$0x3FD9]  }
0x89: {  	s3 =	sld [smem:$0x3FFE];
	_ =	sdelay $0x1  }
0x8a: {  	s1 =	srdreg.scid  }
0x8b: {  	s0 =	sand.u32 $0x1, s1  }
0x8c: {  	s16 =	sshll.u32 s0, $0xA;
	s2 =	sadd.s32 s3, s2  }
0x8d: {  	s2 =	sadd.s32 s2, s16  }
0x8e: {  	[smem:$0x3F9A] =	sst s2  }
0x8f: {  	_ = 	snop  }
0x90: {  	(tm) =	ssettm $0x1  }
0x91: {  	s17 =	sld [smem:$0x3FFB];
	_ =	sdelay $0x3  }
0x92: {  	_ =	strace s17  }
0x93: {  	s2 =	sld [smem:$0x3FFC];
	_ =	sdelay $0x3  }
0x94: {  	_ =	strace s2  }
0x95: {  	s2 =	sld [smem:$0x3FFD];
	_ =	sdelay $0x3  }
0x96: {  	_ =	strace s2  }
0x97: {  	_ =	strace $0x8FFFFFFF  }
0x98: {  	s18 =	sld [smem:$0x3FDB];
	_ =	sdelay $0x1  }
0x99: {  	s19 =	simm.s32 $_scs_section_size  }
0x9a: {  	s4 =	simm.s32 $_size__tile_overlayer_lowered;
	s5 =	simm.s32 $_tile_overlayer_lowered  }
0x9b: {  	s22 =	simm.s32 $0x1BFF;
	s21 =	sshll.u32 s5, $0x1;
	s2 =	sadd.s32 s19, s18  }
0x9c: {  	s6 =	simm.s32 $0x0;
	s20 =	sshll.u32 s4, $0x1;
	s4 =	sadd.s32 s21, s2  }
0x9d: {  	[timem:s6], [sflag:s22] =	dma.local [hbm:s4], s20  }
0x9e: {  	_ =	swait.ge [sflag:s22], s20  }
0x9f: {  	s3 =	ssub.s32 $0x0, s20;
	[sflag:s22] =	ssyncset.done $0x0  }
0xa0: {  	[sflag:s22] =	ssyncadd.s32 s3;
	_ =	sdelay $0x1  }
0xa1: {  	s23 =	simm.s32 $0x1B8B  }
0xa2: {  	_ =	swait.ge [sflag:s23], $0x1  }
0xa3: {  	[sflag:s23] =	ssyncset.done $0x0  }
0xa4: {  	s25 =	simm.s32 $0x1B8E;
	s24 =	sld [smem:$0x3FFE];
	[sflag:s23] =	ssyncadd.s32 $0xFFFFFFFF  }
0xa5: {  	s26 =	simm.s32 $execute0_lowered;
	[smem:$0x3FD2] =	sst s25  }
0xa6: {  	s4 =	sshll.u32 s26, $0x1;
	_ =	strace $0x80000055;
	[dreg:$0x1] =	wrdreg $0xFFFFFFFF  }
0xa7: {  	s28 =	simm.s32 $_size_execute0_lowered;
	s2 =	sadd.s32 s2, s4;
	[dreg:$0x0] =	wrdreg $0x0  }
0xa8: {  	s4 =	sshll.u32 s28, $0x1;
	[dreg:$0x2] =	wrdreg s2  }
0xa9: {  	[dreg:$0x3] =	wrdreg s4  }
0xaa: {  	[dreg:$0x4] =	wrdreg $0xC0  }
0xab: {  	_ =	task [dreg:s6], $0x5FFFF  }
0xac: {  	[dreg:$0x1] =	wrdreg $0xFFFFFFFF  }
0xad: {  	[dreg:$0x0] =	wrdreg $0x60  }
0xae: {  	[dreg:$0x2] =	wrdreg s24  }
0xaf: {  	[dreg:$0x3] =	wrdreg $0x9  }
0xb0: {  	_ =	task.clear_ibuf [dreg:s6], $0x4FFFF;
	_ =	strace $0x90000055  }
0xb1: {  	s29 =	simm.s32 $0x9;
	_ =	strace $0x80000057  }
0xb2: {  	_ =	swait.ge [sflag:s29], $0x1  }
0xb3: {  	[sflag:s29] =	ssyncadd.s32 $0xFFFFFFFF  }
0xb4: {  	_ =	strace $0x90000057  }
0xb5: {  	_ =	sfence  }
0xb6: {  	s30 =	sld [smem:$0x0];
	_ =	sdelay $0x2  }
0xb7: {  	s31 =	sshll.u32 s1, $0xD;
	s1 =	sshrl.u32 s1, $0x2  }
0xb8: {  	s3 =	sand.u32 $0x4000, s31;
	s1 =	sadd.s32 s1, s30  }
0xb9: {  	s0 =	sor.u32 s3, s0;
	s1 =	sshll.u32 s1, $0x11  }
0xba: {  	s0 =	sor.u32 s1, s0  }
0xbb: {  	s0 =	sadd.s32 $0x8F2B, s0  }
0xbc: {  	[sflag:s0] =	ssyncadd.remote.s32 $0x1  }
0xbd: {  	_ =	sfence.sel $0xFFFF  }
0xbe: {  	[dreg:$0x0] =	wrdreg $0xFFFFFFFF;
	(pc) =	sbr.abs _section_cstart, $3  }
0xbf: {  	[dreg:$0x1] =	wrdreg $0xFFFFFFFF  }
0xc0: {  	_ =	task.clear_ibuf [dreg:s6], $0x2FFFF;
	_ =	strace $0x9FFFFFFF  }
0xc1: {  	(tm) =	ssettm $0x7FFFFFFF  }
tec
execute0_lowered:
.L_overlay_start_1:
0x0: {  	(tag) =	ssettag $0x1  }
0x1: {  	s1 =	srdreg.scid  }
0x2: {  	s0 =	stileid.u32;
	s5 =	rddreg [dreg:$0x0];
	s2 =	simm.s32 $0x0  }
0x3: {  	s11 =	simm.s32 $0x2800;
	s12 =	simm.s32 $0xFA;
	s13 =	simm.s32 $0x5000  }
0x4: {  	s14 =	simm.s32 $0x8E80;
	s15 =	simm.s32 $0x1;
	s16 =	simm.s32 $0xCD00  }
0x5: {  	s17 =	simm.s32 $0x10B80;
	s4 =	sand.u32 $0x1, s1;
	s3 =	sshll.u32 s0, $0x1  }
0x6: {  	s18 =	simm.s32 $0x0;
	[smem:$0x7FF] =	sst s2;
	s8 =	sor.u32 s4, s3  }
0x7: {  	s1 =	rddreg [dreg:$0x1];
	_ =	strace $0x80000056;
	s6 =	smul.u32 $0x500, s8  }
0x8: {  	s3 =	sadd.s32 $0xC0000, s5;
	s7 =	ssub.s32 $0x2, s4;
	s4 =	sadd.s32 $0x2D200, s5  }
0x9: {  	s31 =	sshrl.u32 s7, $0x1;
	s8 =	smul.u32 $0x2710, s8;
	s9 =	sadd.s32 s6, s5  }
0xa: {  	s10 =	ssub.s32 s7, s31;
	s5 =	sadd.s32 $0x371000, s5;
	s6 =	sadd.s32 $0xF800, s9  }
0xb: {  	s7 =	sadd.s32 $0x40C00, s9;
	s9 =	smax.u32 s10, $0x1;
	s10 =	simm.s32 $0x2  }
.LBB2_1:
0xc: {  	[tilespmem:s2], [sflag:$0x2] =	stream.linear.gather [hbm4b:s6+s2], $0x2800, $0x38;
	[tilespmem:$0x14A00] =	vst v63  }
0xd: {  	_ =	swait.ge [sflag:s10], $0x2800  }
0xe: {  	[sflag:s10] =	ssyncset.done $0x0  }
0xf: {  	[sflag:s10] =	ssyncadd.s32 $0xFFFFD800  }
0x10: {  	[tilespmem:s11], [sflag:$0x2] =	stream.linear.gather [hbm4b:s7+s2], $0x2800, $0x38;
	[tilespmem:$0x14A00] =	vst v63  }
0x11: {  	_ =	swait.ge [sflag:s10], $0x2800  }
0x12: {  	[sflag:s10] =	ssyncset.done $0x0  }
0x13: {  	[sflag:s10] =	ssyncadd.s32 $0xFFFFD800  }
0x14: {  	[tilespmem:s13], [sflag:$0x1] =	stream.indirect.gather [hbm4b:s3+s12], $0x40, s2, s12, $0xb8;
	[tilespmem:$0x14A00] =	vst v63  }
0x15: {  	s19 =	simm.s32 $0x0  }
0x16: {  	[tilespmem:s14], [sflag:$0x1] =	stream.indirect.gather [hbm4b:s4+s12], $0x40, s11, s12, $0xb8;
	[tilespmem:$0x14A00] =	vst v63  }
.LBB2_2:
0x17: {  	_ =	swait.ge [sflag:s15], $0x3E80  }
0x18: {  	[sflag:s15] =	ssyncset.done $0x0  }
0x19: {  	[sflag:s15] =	ssyncadd.s32 $0xFFFFC180  }
0x1a: {  	_ =	swait.ge [sflag:s15], $0x3E80  }
0x1b: {  	s20 =	sshllo.u32 s19, $0x1;
	[sflag:s15] =	ssyncset.done $0x0  }
0x1c: {  	s21 =	sshll.u32 s20, $0x8;
	[sflag:s15] =	ssyncadd.s32 $0xFFFFC180  }
0x1d: {  	[tilespmem:s16], [sflag:$0x1] =	stream.indirect.gather [hbm4b:s3+s12], $0x40, s21, s12, $0xb8;
	[tilespmem:$0x14A00] =	vst v63  }
0x1e: {  	s21 =	sadd.s32 $0x2800, s21  }
0x1f: {  	[tilespmem:s17], [sflag:$0x1] =	stream.indirect.gather [hbm4b:s4+s12], $0x40, s21, s12, $0xb8;
	[tilespmem:$0x14A00] =	vst v63  }
0x20: {  	s21 =	simm.s32 $0x0  }
0x21: {  	v1 =	vld [tilespmem:s21+$0x8EB0]  }
0x22: {  	v2 =	vld [tilespmem:s21+$0x8E80]  }
0x23: {  	v3 =	vld [tilespmem:s21+$0x8E90]  }
0x24: {  	v0 =	vld [tilespmem:s21+$0x8EA0];
	_ =	sdelay $0x1  }
0x25: {  	[tilespmem:s21+$0x5030] =	vst.add.f32.msk $0xffff, v1  }
0x26: {  	[tilespmem:s21+$0x5000] =	vst.add.f32.msk $0xffff, v2  }
0x27: {  	s22 =	simm.s32 $0x40;
	s23 =	simm.s32 $0x200;
	[tilespmem:s21+$0x5010] =	vst.add.f32.msk $0xffff, v3  }
.LBB2_3:
0x28: {  	p0 =	sne.s32 s23, $0xF900;
	v1 =	vld [tilespmem:s22+$0x8EB0];
	v2 =	vmov v0  }
0x29: {  	v3 =	vld [tilespmem:s22+$0x8E80]  }
0x2a: {  	v4 =	vld [tilespmem:s22+$0x8E90]  }
.Ltmp0:
0x2b: {  	v0 =	vld [tilespmem:s22+$0x8EA0];
	(pc) =	sbr.rel @p0 .LBB2_3-.Ltmp0, $4  }
0x2c: {  	[tilespmem:s21+$0x5020] =	vst.add.f32.msk $0xffff, v2;
	s21 =	smov.u32 s22  }
0x2d: {  	[tilespmem:s21+$0x5030] =	vst.add.f32.msk $0xffff, v1  }
0x2e: {  	[tilespmem:s21+$0x5000] =	vst.add.f32.msk $0xffff, v3  }
0x2f: {  	s22 =	sshra.s32 s23, $0x2;
	s23 =	sadd.s32 $0x100, s23;
	[tilespmem:s21+$0x5010] =	vst.add.f32.msk $0xffff, v4  }
0x30: {  	v1 =	vld [tilespmem:s22+$0x8EB0]  }
0x31: {  	v2 =	vld [tilespmem:s22+$0x8E80]  }
0x32: {  	v3 =	vld [tilespmem:s22+$0x8E90]  }
0x33: {  	v4 =	vld [tilespmem:s22+$0x8EA0]  }
0x34: {  	[tilespmem:s21+$0x5020] =	vst.add.f32.msk $0xffff, v0;
	s31 =	smul.u32 $0x1F4, s19  }
0x35: {  	[tilespmem:s22+$0x5030] =	vst.add.f32.msk $0xffff, v1  }
0x36: {  	s21 =	sadd.s32 s8, s31;
	[tilespmem:s22+$0x5000] =	vst.add.f32.msk $0xffff, v2  }
0x37: {  	s21 =	sshll.u32 s21, $0x3;
	[tilespmem:s22+$0x5010] =	vst.add.f32.msk $0xffff, v3  }
0x38: {  	s21 =	sadd.s32 s5, s21;
	[tilespmem:s22+$0x5020] =	vst.add.f32.msk $0xffff, v4  }
0x39: {  	[hbm4b:s21+s2] =	stream.linear.scatter [tilespmem:s13], [sflag:$0x2], $0x3E80, $0x38;
	[tilespmem:$0x14A00] =	vst v63  }
0x3a: {  	_ =	swait.ge [sflag:s10], $0x3E80  }
0x3b: {  	[sflag:s10] =	ssyncset.done $0x0  }
0x3c: {  	[sflag:s10] =	ssyncadd.s32 $0xFFFFC180  }
0x3d: {  	_ =	swait.ge [sflag:s15], $0x3E80  }
0x3e: {  	[sflag:s15] =	ssyncset.done $0x0  }
0x3f: {  	[sflag:s15] =	ssyncadd.s32 $0xFFFFC180  }
0x40: {  	p0 =	seq.s32 s19, $0x13;
	_ =	swait.ge [sflag:s15], $0x3E80  }
0x41: {  	s23 =	simm.s32 @!p0 $0xFA;
	s21 =	sshll.u32 @!p0 s19, $0x9;
	[sflag:s15] =	ssyncset.done $0x0  }
0x42: {  	s24 =	simm.s32 @!p0 $0x5000;
	s22 =	sadd.s32 @!p0 $0x200, s21;
	[sflag:s15] =	ssyncadd.s32 $0xFFFFC180  }
0x43: {  	[tilespmem:s24], [sflag:$0x1] =	stream.indirect.gather @!p0 [hbm4b:s3+s23], $0x40, s22, s23, $0xb8;
	[tilespmem:$0x14A00] =	vst v63  }
0x44: {  	s21 =	sadd.s32 @!p0 $0x2A00, s21;
	s22 =	simm.s32 @!p0 $0x8E80  }
0x45: {  	[tilespmem:s22], [sflag:$0x1] =	stream.indirect.gather @!p0 [hbm4b:s4+s23], $0x40, s21, s23, $0xb8;
	[tilespmem:$0x14A00] =	vst v63  }
0x46: {  	s21 =	simm.s32 $0x0  }
0x47: {  	v1 =	vld [tilespmem:s21+$0x10BB0]  }
0x48: {  	v2 =	vld [tilespmem:s21+$0x10B80]  }
0x49: {  	v3 =	vld [tilespmem:s21+$0x10B90]  }
0x4a: {  	v0 =	vld [tilespmem:s21+$0x10BA0];
	_ =	sdelay $0x1  }
0x4b: {  	[tilespmem:s21+$0xCD30] =	vst.add.f32.msk $0xffff, v1  }
0x4c: {  	[tilespmem:s21+$0xCD00] =	vst.add.f32.msk $0xffff, v2  }
0x4d: {  	s22 =	simm.s32 $0x40;
	s23 =	simm.s32 $0x200;
	[tilespmem:s21+$0xCD10] =	vst.add.f32.msk $0xffff, v3  }
.LBB2_5:
0x4e: {  	p0 =	sne.s32 s23, $0xF900;
	v1 =	vld [tilespmem:s22+$0x10BB0];
	v2 =	vmov v0  }
0x4f: {  	v3 =	vld [tilespmem:s22+$0x10B80]  }
0x50: {  	v4 =	vld [tilespmem:s22+$0x10B90]  }
.Ltmp1:
0x51: {  	v0 =	vld [tilespmem:s22+$0x10BA0];
	(pc) =	sbr.rel @p0 .LBB2_5-.Ltmp1, $4  }
0x52: {  	[tilespmem:s21+$0xCD20] =	vst.add.f32.msk $0xffff, v2;
	s21 =	smov.u32 s22  }
0x53: {  	[tilespmem:s21+$0xCD30] =	vst.add.f32.msk $0xffff, v1  }
0x54: {  	[tilespmem:s21+$0xCD00] =	vst.add.f32.msk $0xffff, v3  }
0x55: {  	s22 =	sshra.s32 s23, $0x2;
	s23 =	sadd.s32 $0x100, s23;
	[tilespmem:s21+$0xCD10] =	vst.add.f32.msk $0xffff, v4  }
0x56: {  	v1 =	vld [tilespmem:s22+$0x10BB0]  }
0x57: {  	v2 =	vld [tilespmem:s22+$0x10B80]  }
0x58: {  	v3 =	vld [tilespmem:s22+$0x10B90]  }
0x59: {  	v4 =	vld [tilespmem:s22+$0x10BA0];
	s20 =	smul.u32 $0xFA, s20  }
0x5a: {  	[tilespmem:s21+$0xCD20] =	vst.add.f32.msk $0xffff, v0  }
0x5b: {  	s20 =	sadd.s32 s8, s20;
	[tilespmem:s22+$0xCD30] =	vst.add.f32.msk $0xffff, v1  }
0x5c: {  	s19 =	sadd.s32 $0x1, s19;
	s20 =	sshll.u32 s20, $0x3;
	[tilespmem:s22+$0xCD00] =	vst.add.f32.msk $0xffff, v2  }
0x5d: {  	p0 =	sne.s32 s19, $0x14;
	s20 =	sand.u32 $0x1FFFFFF0, s20;
	[tilespmem:s22+$0xCD10] =	vst.add.f32.msk $0xffff, v3  }
.Ltmp2:
0x5e: {  	[tilespmem:s22+$0xCD20] =	vst.add.f32.msk $0xffff, v4;
	s20 =	sadd.s32 s5, s20;
	(pc) =	sbr.rel @p0 .LBB2_2-.Ltmp2, $4  }
0x5f: {  	[hbm4b:s20+s2] =	stream.linear.scatter [tilespmem:s16], [sflag:$0x2], $0x3E80, $0x38;
	[tilespmem:$0x14A00] =	vst v63  }
0x60: {  	_ =	swait.ge [sflag:s10], $0x3E80  }
0x61: {  	[sflag:s10] =	ssyncset.done $0x0  }
0x62: {  	[sflag:s10] =	ssyncadd.s32 $0xFFFFC180  }
0x63: {  	s18 =	sadd.s32 $0x1, s18  }
0x64: {  	p0 =	sne.s32 s18, s9  }
.Ltmp3:
0x65: {  	_ = 	snop;
	(pc) =	sbr.rel @p0 .LBB2_1-.Ltmp3, $1  }
0x66: {  	_ =	sdelay $0x3  }
0x67: {  	_ =	sfence.sel $0x180000  }
0x68: {  	[bflag:$0x0] =	sbarrier.arrive $0xFFFF  }
0x69: {  	p0 =	sne.s32 s0, $0x0;
	_ =	strace $0x90000056  }
0x6a: {  	s0 =	sadd.s32 @!p0 $0x100000, s1;
	[bflag:$0x2] =	sbarrier.arrive $0xFFFF  }
0x6b: {  	[sflag:s0] =	ssyncadd.tile.s32 @!p0 $0x1;
	_ =	shalt  }
.Lfunc_end2:
_tile_overlayer_lowered:
.L_overlay_start_2:
0x6c: {  	(tag) =	ssettag $0x2  }
0x6d: {  	s0 =	rddreg [dreg:$0x0];
	s2 =	stileid.u32  }
0x6e: {  	s1 =	rddreg [dreg:$0x1];
	p0 =	sne.s32 s2, $0x0  }
0x6f: {  	s3 =	rddreg [dreg:$0x2];
	[bflag:$0x3] =	sbarrier.arrive $0xFFFF;
	s2 =	simm.s32 @!p0 $0x1C02  }
0x70: {  	[timem:s3], [sflag:s2] =	dma.local @!p0 [hbm:s0], s1  }
0x71: {  	s0 =	simm.s32 @!p0 $0x2  }
0x72: {  	_ =	swait.ge @!p0 [sflag:s0], s1  }
0x73: {  	s1 =	ssub.s32 @!p0 $0x0, s1;
	[sflag:s0] =	ssyncset.done @!p0 $0x0  }
0x74: {  	[sflag:s0] =	ssyncadd.s32 @!p0 s1  }
0x75: {  	[bflag:$0x3] =	sbarrier.arrive $0xFFFF  }
0x76: {  	_ =	shalt  }

// kernel: kernel.35.cloned.1.call-start
scs
__scs_entry_jumppad:
0x0: {  	(pc) =	sbr.rel $0x88, $3  }
0x1: {  	(tag) =	ssettag $0x0;
	lr =	simm.s32 $0x1  }
0x2: {  	[smem:$0x3F73] =	sst lr;
	_ =	strace $0xD0000000  }
0x3: {  	_ = 	snop  }
0x4: {  	_ = 	snop  }
0x5: {  	_ = 	snop  }
0x6: {  	_ = 	snop  }
0x7: {  	_ = 	snop  }
__scs_overlays_trampoline_lowered:
0x8: {  	[smem:$0x3F82] =	sst s0  }
0x9: {  	[smem:$0x3F83] =	sst s1  }
0xa: {  	[smem:$0x3F84] =	sst s2  }
0xb: {  	[smem:$0x3F85] =	sst s3  }
0xc: {  	[smem:$0x3F86] =	sst s4  }
0xd: {  	[smem:$0x3F87] =	sst s5  }
0xe: {  	[smem:$0x3F88] =	sst s6  }
0xf: {  	[smem:$0x3F89] =	sst s7  }
0x10: {  	[smem:$0x3F8A] =	sst s8  }
0x11: {  	[smem:$0x3F8B] =	sst s9;
	s0 =	simm.s32 @!p0 $0x0  }
0x12: {  	s1 =	sld [smem:$0x3F71];
	s0 =	simm.s32 @p0 $0x1  }
0x13: {  	[smem:$0x3F8C] =	sst s0;
	s0 =	simm.s32 @!p1 $0x0  }
0x14: {  	s2 =	sld [smem:$0x3F70];
	s0 =	simm.s32 @p1 $0x1  }
0x15: {  	[smem:$0x3F8D] =	sst s0;
	s0 =	simm.s32 @!p2 $0x0  }
0x16: {  	s3 =	sld [smem:$0x3FDB];
	s0 =	simm.s32 @p2 $0x1  }
0x17: {  	s4 =	simm.s32 $0x1BF5;
	[smem:$0x3F8F] =	sst s0  }
0x18: {  	s0 =	sld [smem:$0x3F72];
	_ =	swait.ge [sflag:s4], $0x0  }
0x19: {  	s7 =	sld [smem:$0x3F73]  }
0x1a: {  	s8 =	sadd.s32 $0xFFFFE003, lr  }
0x1b: {  	s9 =	sadd.s32 $0xFFFFFEF7, lr;
	s5 =	simm.s32 $0xFFFFFFFF;
	p2 =	slt.u32 s8, $0xFFFFF086  }
0x1c: {  	p1 =	slt.u32 s9, $0xF7A;
	s5 =	simm.s32 @!p2 $0x0  }
0x1d: {  	s5 =	simm.s32 @p1 $0x1;
	p0 =	seq.s32 s7, s2  }
0x1e: {  	s7 =	smul.u32 @!p0 $0xF7A, s2;
	p2 =	seq.s32 @!p0 s5, $0x0  }
0x1f: {  	s9 =	smul.u32 $0xF7A, s1;
	s8 =	simm.s32 @!p0 $0x1BF5;
	p2 =	por !p2, p0  }
0x20: {  	[sflag:s8] =	ssyncset.s32 @!p0 $0xFFFFF086;
	s6 =	sadd.s32 @!p0 s3, s7;
	s7 =	simm.s32 @!p0 $0x108  }
0x21: {  	s3 =	sadd.s32 s3, s9;
	s6 =	sadd.s32 @!p0 $0x88, s6;
	s7 =	simm.s32 @p2 $0x1082  }
0x22: {  	[simem:s7], [sflag:s8] =	dma.local @!p0 [hbm:s6], $0xF7A  }
0x23: {  	s9 =	sor.u32 $0xD0000000, s2;
	s6 =	simm.s32 $0x108;
	_ =	swait.ge @!p0 [sflag:s8], $0x0  }
0x24: {  	s3 =	sadd.s32 $0x88, s3;
	s6 =	simm.s32 @!p1 $0x1082;
	[sflag:s4] =	ssyncset.s32 $0xFFFFF086  }
0x25: {  	[simem:s6], [sflag:s4] =	dma.local [hbm:s3], $0xF7A  }
0x26: {  	[smem:$0x3F73] =	sst s1;
	(tag) =	ssettag s2;
	_ =	strace s9  }
0x27: {  	s1 =	sld [smem:$0x3F83]  }
0x28: {  	s2 =	sld [smem:$0x3F84]  }
0x29: {  	s4 =	sld [smem:$0x3F86]  }
0x2a: {  	p0 =	seq.s32 s5, $0x0;
	s5 =	sld [smem:$0x3F87]  }
0x2b: {  	s6 =	sld [smem:$0x3F88]  }
0x2c: {  	s7 =	sld [smem:$0x3F89]  }
0x2d: {  	s3 =	simm.s32 $0x108;
	s8 =	sld [smem:$0x3F8A]  }
0x2e: {  	s3 =	simm.s32 @!p0 $0x1082;
	s9 =	sld [smem:$0x3F8B]  }
0x2f: {  	lr =	sadd.s32 s0, s3;
	s0 =	sld [smem:$0x3F82]  }
0x30: {  	s3 =	sld [smem:$0x3F85]  }
0x31: {  	[smem:$0x3F8E] =	sst s10  }
0x32: {  	s10 =	sld [smem:$0x3F8C];
	_ =	sdelay $0x3  }
0x33: {  	p0 =	seq.s32 s10, $0x1;
	s10 =	sld [smem:$0x3F8E];
	_ =	sdelay $0x3  }
0x34: {  	[smem:$0x3F8E] =	sst s10  }
0x35: {  	s10 =	sld [smem:$0x3F8D];
	_ =	sdelay $0x3  }
0x36: {  	p1 =	seq.s32 s10, $0x1;
	s10 =	sld [smem:$0x3F8E];
	_ =	sdelay $0x3  }
0x37: {  	[smem:$0x3F8E] =	sst s10  }
0x38: {  	s10 =	sld [smem:$0x3F8F]  }
0x39: {  	_ = 	snop;
	(pc) =	sbr.ind lr, $3  }
0x3a: {  	_ = 	snop  }
0x3b: {  	_ = 	snop  }
0x3c: {  	p2 =	seq.s32 s10, $0x1;
	s10 =	sld [smem:$0x3F8E]  }
0x3d: {  	_ =	shalt  }
0x3e: {  	_ =	shalt  }
0x3f: {  	_ =	shalt  }
0x40: {  	_ =	shalt  }
0x41: {  	_ =	shalt  }
0x42: {  	_ =	shalt  }
0x43: {  	_ =	shalt  }
0x44: {  	_ =	shalt  }
0x45: {  	_ =	shalt  }
0x46: {  	_ =	shalt  }
0x47: {  	_ =	shalt  }
0x48: {  	_ =	shalt  }
0x49: {  	_ =	shalt  }
0x4a: {  	_ =	shalt  }
0x4b: {  	_ =	shalt  }
0x4c: {  	_ =	shalt  }
0x4d: {  	_ =	shalt  }
0x4e: {  	_ =	shalt  }
0x4f: {  	_ =	shalt  }
0x50: {  	_ =	shalt  }
0x51: {  	_ =	shalt  }
0x52: {  	_ =	shalt  }
0x53: {  	_ =	shalt  }
0x54: {  	_ =	shalt  }
0x55: {  	_ =	shalt  }
0x56: {  	_ =	shalt  }
0x57: {  	_ =	shalt  }
0x58: {  	_ =	shalt  }
0x59: {  	_ =	shalt  }
0x5a: {  	_ =	shalt  }
0x5b: {  	_ =	shalt  }
0x5c: {  	_ =	shalt  }
0x5d: {  	_ =	shalt  }
0x5e: {  	_ =	shalt  }
0x5f: {  	_ =	shalt  }
0x60: {  	_ =	shalt  }
0x61: {  	_ =	shalt  }
0x62: {  	_ =	shalt  }
0x63: {  	_ =	shalt  }
0x64: {  	_ =	shalt  }
0x65: {  	_ =	shalt  }
0x66: {  	_ =	shalt  }
0x67: {  	_ =	shalt  }
0x68: {  	_ =	shalt  }
0x69: {  	_ =	shalt  }
0x6a: {  	_ =	shalt  }
0x6b: {  	_ =	shalt  }
0x6c: {  	_ =	shalt  }
0x6d: {  	_ =	shalt  }
0x6e: {  	_ =	shalt  }
0x6f: {  	_ =	shalt  }
0x70: {  	_ =	shalt  }
0x71: {  	_ =	shalt  }
0x72: {  	_ =	shalt  }
0x73: {  	_ =	shalt  }
0x74: {  	_ =	shalt  }
0x75: {  	_ =	shalt  }
0x76: {  	_ =	shalt  }
0x77: {  	_ =	shalt  }
0x78: {  	_ =	shalt  }
0x79: {  	_ =	shalt  }
0x7a: {  	_ =	shalt  }
0x7b: {  	_ =	shalt  }
0x7c: {  	_ =	shalt  }
0x7d: {  	_ =	shalt  }
0x7e: {  	_ =	shalt  }
0x7f: {  	_ =	shalt  }
0x80: {  	_ =	shalt  }
0x81: {  	_ =	shalt  }
0x82: {  	_ =	shalt  }
0x83: {  	_ =	shalt  }
0x84: {  	_ =	shalt  }
0x85: {  	_ =	shalt  }
0x86: {  	_ =	shalt  }
0x87: {  	_ =	shalt  }
.Lfunc_end0:
.L_simem_size_0:
called_computation.6_lowered:
.L_overlay_start_0:
0x88: {  	s2 =	sld [smem:$0x3FD9]  }
0x89: {  	s3 =	sld [smem:$0x3FFE];
	_ =	sdelay $0x1  }
0x8a: {  	s1 =	srdreg.scid  }
0x8b: {  	s0 =	sand.u32 $0x1, s1  }
0x8c: {  	s16 =	sshll.u32 s0, $0xA;
	s2 =	sadd.s32 s3, s2  }
0x8d: {  	s2 =	sadd.s32 s2, s16  }
0x8e: {  	[smem:$0x3F9A] =	sst s2  }
0x8f: {  	_ = 	snop  }
0x90: {  	(tm) =	ssettm $0x1  }
0x91: {  	s17 =	sld [smem:$0x3FFB];
	_ =	sdelay $0x3  }
0x92: {  	_ =	strace s17  }
0x93: {  	s2 =	sld [smem:$0x3FFC];
	_ =	sdelay $0x3  }
0x94: {  	_ =	strace s2  }
0x95: {  	s2 =	sld [smem:$0x3FFD];
	_ =	sdelay $0x3  }
0x96: {  	_ =	strace s2  }
0x97: {  	_ =	strace $0x8FFFFFFF  }
0x98: {  	s18 =	sld [smem:$0x3FDB];
	_ =	sdelay $0x1  }
0x99: {  	s19 =	simm.s32 $_scs_section_size  }
0x9a: {  	s4 =	simm.s32 $_size__tile_overlayer_lowered;
	s5 =	simm.s32 $_tile_overlayer_lowered  }
0x9b: {  	s22 =	simm.s32 $0x1BFF;
	s21 =	sshll.u32 s5, $0x1;
	s2 =	sadd.s32 s19, s18  }
0x9c: {  	s6 =	simm.s32 $0x0;
	s20 =	sshll.u32 s4, $0x1;
	s4 =	sadd.s32 s21, s2  }
0x9d: {  	[timem:s6], [sflag:s22] =	dma.local [hbm:s4], s20  }
0x9e: {  	_ =	swait.ge [sflag:s22], s20  }
0x9f: {  	s3 =	ssub.s32 $0x0, s20;
	[sflag:s22] =	ssyncset.done $0x0  }
0xa0: {  	[sflag:s22] =	ssyncadd.s32 s3;
	_ =	sdelay $0x1  }
0xa1: {  	s23 =	simm.s32 $0x1B8B  }
0xa2: {  	_ =	swait.ge [sflag:s23], $0x1  }
0xa3: {  	[sflag:s23] =	ssyncset.done $0x0  }
0xa4: {  	s25 =	simm.s32 $0x1B8E;
	s24 =	sld [smem:$0x3FFE];
	[sflag:s23] =	ssyncadd.s32 $0xFFFFFFFF  }
0xa5: {  	s26 =	simm.s32 $execute0_lowered;
	[smem:$0x3FD2] =	sst s25  }
0xa6: {  	s4 =	sshll.u32 s26, $0x1;
	_ =	strace $0x80000058;
	[dreg:$0x1] =	wrdreg $0xFFFFFFFF  }
0xa7: {  	s28 =	simm.s32 $_size_execute0_lowered;
	s2 =	sadd.s32 s2, s4;
	[dreg:$0x0] =	wrdreg $0x0  }
0xa8: {  	s4 =	sshll.u32 s28, $0x1;
	[dreg:$0x2] =	wrdreg s2  }
0xa9: {  	[dreg:$0x3] =	wrdreg s4  }
0xaa: {  	[dreg:$0x4] =	wrdreg $0xC0  }
0xab: {  	_ =	task [dreg:s6], $0x5FFFF  }
0xac: {  	[dreg:$0x1] =	wrdreg $0xFFFFFFFF  }
0xad: {  	[dreg:$0x0] =	wrdreg $0x60  }
0xae: {  	[dreg:$0x2] =	wrdreg s24  }
0xaf: {  	[dreg:$0x3] =	wrdreg $0x121600  }
0xb0: {  	[dreg:$0x4] =	wrdreg $0x9  }
0xb1: {  	_ =	task.clear_ibuf [dreg:s6], $0x5FFFF;
	_ =	strace $0x90000058  }
0xb2: {  	s29 =	simm.s32 $0x9;
	_ =	strace $0x8000005A  }
0xb3: {  	_ =	swait.ge [sflag:s29], $0x1  }
0xb4: {  	[sflag:s29] =	ssyncadd.s32 $0xFFFFFFFF  }
0xb5: {  	_ =	strace $0x9000005A  }
0xb6: {  	_ =	sfence  }
0xb7: {  	s30 =	sld [smem:$0x0];
	_ =	sdelay $0x2  }
0xb8: {  	s31 =	sshll.u32 s1, $0xD;
	s1 =	sshrl.u32 s1, $0x2  }
0xb9: {  	s3 =	sand.u32 $0x4000, s31;
	s1 =	sadd.s32 s1, s30  }
0xba: {  	s0 =	sor.u32 s3, s0;
	s1 =	sshll.u32 s1, $0x11  }
0xbb: {  	s0 =	sor.u32 s1, s0  }
0xbc: {  	s0 =	sadd.s32 $0x8F2B, s0  }
0xbd: {  	[sflag:s0] =	ssyncadd.remote.s32 $0x1  }
0xbe: {  	_ =	sfence.sel $0xFFFF  }
0xbf: {  	[dreg:$0x0] =	wrdreg $0xFFFFFFFF;
	(pc) =	sbr.abs _section_cstart, $3  }
0xc0: {  	[dreg:$0x1] =	wrdreg $0xFFFFFFFF  }
0xc1: {  	_ =	task.clear_ibuf [dreg:s6], $0x2FFFF;
	_ =	strace $0x9FFFFFFF  }
0xc2: {  	(tm) =	ssettm $0x7FFFFFFF  }
0xc3: {  	_ =	shalt  }
tec
execute0_lowered:
.L_overlay_start_1:
0x0: {  	(tag) =	ssettag $0x1  }
0x1: {  	s6 =	rddreg [dreg:$0x0]  }
0x2: {  	s2 =	rddreg [dreg:$0x1];
	s3 =	srdreg.scid  }
0x3: {  	s1 =	stileid.u32;
	s0 =	rddreg [dreg:$0x2];
	s20 =	simm.s32 $0xA460  }
0x4: {  	s21 =	simm.s32 $0x1F4;
	s22 =	simm.s32 $0x2370;
	s23 =	simm.s32 $0x2568  }
0x5: {  	s24 =	simm.s32 $0x0;
	s7 =	sand.u32 $0x1, s3;
	s4 =	sshll.u32 s1, $0x1  }
0x6: {  	s3 =	simm.s32 $0x0;
	s9 =	smul.u32 $0x9C00, s1;
	s11 =	sadd.s32 $0x5E2000, s6  }
0x7: {  	s12 =	sadd.s32 $0xC0000, s6;
	s29 =	sshll.u32 s1, $0x6;
	s17 =	smul.u32 $0x4E20, s1  }
0x8: {  	s18 =	sadd.s32 $0x9C000, s2;
	p0 =	sne.s32 s1, $0xF;
	s16 =	smul.u32 $0x9C400, s7  }
0x9: {  	s4 =	sor.u32 s7, s4;
	[smem:$0x7FF] =	sst s3;
	s19 =	smul.u32 $0x2710, s7  }
0xa: {  	s28 =	ssub.s32 $0x2, s7;
	s5 =	smul.u32 $0x4EC, s4;
	_ =	strace $0x80000059  }
0xb: {  	s8 =	sshrl.u32 s9, $0x3;
	s13 =	sshrl.u32 s28, $0x1;
	s14 =	smul.u32 $0x13880, s4  }
0xc: {  	s15 =	sadd.s32 s9, s2;
	s26 =	sadd.s32 s8, s6;
	s13 =	ssub.s32 s28, s13  }
0xd: {  	s9 =	sadd.s32 s9, s16;
	s30 =	sshrl.u32 s16, $0x3;
	s31 =	sadd.s32 s19, s17  }
0xe: {  	s15 =	sshrl.u32 s15, $0x3;
	s16 =	simm.s32 $0x2;
	s17 =	sshrl.u32 @!p0 s18, $0x3  }
0xf: {  	s18 =	simm.s32 $0x2760;
	s19 =	simm.s32 $0x1;
	s10 =	sadd.s32 s5, s6  }
0x10: {  	s4 =	sadd.s32 $0x19800, s26;
	s5 =	sor.u32 $0x1C02, s29;
	s6 =	sadd.s32 $0x2D000, s6  }
0x11: {  	s8 =	sadd.s32 s11, s14;
	s9 =	sshrl.u32 s9, $0x3;
	s14 =	sshll.u32 s31, $0x3  }
0x12: {  	s7 =	sadd.s32 $0x2BBC00, s10;
	s10 =	sadd.s32 s12, s30;
	s9 =	sadd.s32 s12, s9  }
0x13: {  	s14 =	sadd.s32 s11, s14;
	s11 =	smax.u32 s13, $0x1;
	s12 =	sadd.s32 $0x128E0, s8  }
0x14: {  	s10 =	sadd.s32 $0x13800, s10;
	s13 =	sadd.s32 $0xFA0, s14;
	s14 =	sadd.s32 $0x1F40, s14  }
.LBB2_1:
0x15: {  	[spmem:s15], [sflag:s5] =	dma.local [hbm:s4], $0x1380  }
0x16: {  	_ =	swait.ge [sflag:s16], $0x1380  }
0x17: {  	[sflag:s16] =	ssyncset.done $0x0  }
0x18: {  	s25 =	simm.s32 @!p0 $0x2;
	[sflag:s16] =	ssyncadd.s32 $0xFFFFEC80  }
0x19: {  	[spmem:s17], [sflag:s5] =	dma.local @!p0 [hbm:s6], $0x80  }
0x1a: {  	_ =	swait.ge @!p0 [sflag:s25], $0x80  }
0x1b: {  	[sflag:s25] =	ssyncset.done @!p0 $0x0  }
0x1c: {  	[sflag:s25] =	ssyncadd.s32 @!p0 $0xFFFFFF80  }
0x1d: {  	[bflag:$0x0] =	sbarrier.arrive $0xFFFF  }
0x1e: {  	[tilespmem:s3], [sflag:$0x2] =	stream.linear.gather [hbm4b:s7+s3], $0x2760, $0x38;
	[tilespmem:$0x1BDA0] =	vst v63  }
0x1f: {  	_ =	swait.ge [sflag:s16], $0x2760  }
0x20: {  	[sflag:s16] =	ssyncset.done $0x0  }
0x21: {  	[sflag:s16] =	ssyncadd.s32 $0xFFFFD8A0  }
0x22: {  	[tilespmem:s18], [sflag:$0x1] =	stream.linear.gather [hbm4b:s8+s3], $0x7D00, $0x38;
	[tilespmem:$0x1BDA0] =	vst v63  }
0x23: {  	_ =	swait.ge [sflag:s19], $0x7D00  }
0x24: {  	[sflag:s19] =	ssyncset.done $0x0  }
0x25: {  	s29 =	sadd.s32 $0x0, s13;
	[sflag:s19] =	ssyncadd.s32 $0xFFFF8300  }
0x26: {  	[tilespmem:s20], [sflag:$0x1] =	stream.linear.gather [hbm4b:s29+s3], $0x7D00, $0x38;
	[tilespmem:$0x1BDA0] =	vst v63  }
0x27: {  	_ = 	snop  }
0x28: {  	[spmem:s2] =	stream.indirect.scatter.add.f32 [tilespmem:s18], [sflag:$0x2], $0x40, s3, s21, $0xb8;
	[tilespmem:$0x1BDA0] =	vst v63  }
0x29: {  	_ =	swait.ge [sflag:s16], $0x7D00  }
0x2a: {  	[sflag:s16] =	ssyncset.done $0x0  }
0x2b: {  	[sflag:s16] =	ssyncadd.s32 $0xFFFF8300  }
0x2c: {  	_ =	swait.ge [sflag:s19], $0x7D00  }
0x2d: {  	[sflag:s19] =	ssyncset.done $0x0  }
0x2e: {  	s30 =	sadd.s32 $0x0, s14;
	[sflag:s19] =	ssyncadd.s32 $0xFFFF8300  }
0x2f: {  	[tilespmem:s18], [sflag:$0x1] =	stream.linear.gather [hbm4b:s30+s3], $0x7D00, $0x38;
	[tilespmem:$0x1BDA0] =	vst v63  }
0x30: {  	s31 =	simm.s32 $0x1F8  }
0x31: {  	[spmem:s2] =	stream.indirect.scatter.add.f32 [tilespmem:s20], [sflag:$0x2], $0x40, s31, s21, $0xb8;
	[tilespmem:$0x1BDA0] =	vst v63  }
0x32: {  	_ =	swait.ge [sflag:s16], $0x7D00  }
0x33: {  	s26 =	simm.s32 $0x0;
	s25 =	simm.s32 $0x1F40;
	[sflag:s16] =	ssyncset.done $0x0  }
.LBB2_2:
0x34: {  	p1 =	sne.s32 s25, $0xFA00;
	[sflag:s16] =	ssyncadd.s32 $0xFFFF8300;
	s26 =	sadd.s32 $0x3F0, s26  }
0x35: {  	s28 =	smov.u32 s25;
	s25 =	sadd.s32 $0x1F40, s25  }
0x36: {  	_ =	swait.ge [sflag:s19], $0x7D00  }
0x37: {  	[sflag:s19] =	ssyncset.done $0x0  }
0x38: {  	s29 =	sadd.s32 s28, s13;
	[sflag:s19] =	ssyncadd.s32 $0xFFFF8300  }
0x39: {  	[tilespmem:s20], [sflag:$0x1] =	stream.linear.gather [hbm4b:s29+s3], $0x7D00, $0x38;
	[tilespmem:$0x1BDA0] =	vst v63  }
0x3a: {  	_ = 	snop  }
0x3b: {  	[spmem:s2] =	stream.indirect.scatter.add.f32 [tilespmem:s18], [sflag:$0x2], $0x40, s26, s21, $0xb8;
	[tilespmem:$0x1BDA0] =	vst v63  }
0x3c: {  	_ =	swait.ge [sflag:s16], $0x7D00  }
0x3d: {  	[sflag:s16] =	ssyncset.done $0x0  }
0x3e: {  	[sflag:s16] =	ssyncadd.s32 $0xFFFF8300  }
0x3f: {  	_ =	swait.ge [sflag:s19], $0x7D00  }
0x40: {  	[sflag:s19] =	ssyncset.done $0x0  }
0x41: {  	s28 =	sadd.s32 s28, s14;
	[sflag:s19] =	ssyncadd.s32 $0xFFFF8300  }
0x42: {  	[tilespmem:s18], [sflag:$0x1] =	stream.linear.gather [hbm4b:s28+s3], $0x7D00, $0x38;
	[tilespmem:$0x1BDA0] =	vst v63  }
.Ltmp0:
0x43: {  	_ = 	snop;
	(pc) =	sbr.rel @p1 .LBB2_2-.Ltmp0, $4  }
0x44: {  	s28 =	sadd.s32 $0x1F8, s26  }
0x45: {  	[spmem:s2] =	stream.indirect.scatter.add.f32 [tilespmem:s20], [sflag:$0x2], $0x40, s28, s21, $0xb8;
	[tilespmem:$0x1BDA0] =	vst v63  }
0x46: {  	_ =	swait.ge [sflag:s16], $0x7D00  }
0x47: {  	[sflag:s16] =	ssyncset.done $0x0  }
0x48: {  	[sflag:s16] =	ssyncadd.s32 $0xFFFF8300  }
0x49: {  	_ =	swait.ge [sflag:s19], $0x7D00  }
0x4a: {  	[sflag:s19] =	ssyncset.done $0x0  }
0x4b: {  	[sflag:s19] =	ssyncadd.s32 $0xFFFF8300  }
0x4c: {  	[tilespmem:s20], [sflag:$0x1] =	stream.linear.gather [hbm4b:s12+s3], $0x7D00, $0x38;
	[tilespmem:$0x1BDA0] =	vst v63  }
0x4d: {  	_ = 	snop  }
0x4e: {  	[spmem:s2] =	stream.indirect.scatter.add.f32 [tilespmem:s18], [sflag:$0x2], $0x40, s22, s21, $0xb8;
	[tilespmem:$0x1BDA0] =	vst v63  }
0x4f: {  	_ =	swait.ge [sflag:s16], $0x7D00  }
0x50: {  	[sflag:s16] =	ssyncset.done $0x0  }
0x51: {  	[sflag:s16] =	ssyncadd.s32 $0xFFFF8300  }
0x52: {  	_ =	swait.ge [sflag:s19], $0x7D00  }
0x53: {  	[sflag:s19] =	ssyncset.done $0x0  }
0x54: {  	[sflag:s19] =	ssyncadd.s32 $0xFFFF8300  }
0x55: {  	[spmem:s2] =	stream.indirect.scatter.add.f32 [tilespmem:s20], [sflag:$0x2], $0x40, s23, s21, $0xb8;
	[tilespmem:$0x1BDA0] =	vst v63  }
0x56: {  	_ =	swait.ge [sflag:s16], $0x7D00  }
0x57: {  	[sflag:s16] =	ssyncset.done $0x0  }
0x58: {  	[sflag:s16] =	ssyncadd.s32 $0xFFFF8300  }
0x59: {  	[bflag:$0x0] =	sbarrier.arrive $0xFFFF  }
0x5a: {  	[hbm:s9], [sflag:s5] =	dma.local [spmem:s15], $0x1380  }
0x5b: {  	s24 =	sadd.s32 $0x1, s24;
	_ =	swait.ge [sflag:s16], $0x1380  }
0x5c: {  	p1 =	sne.s32 s24, s11;
	[sflag:s16] =	ssyncset.done $0x0  }
.Ltmp1:
0x5d: {  	s25 =	simm.s32 @!p0 $0x2;
	[sflag:s16] =	ssyncadd.s32 $0xFFFFEC80;
	(pc) =	sbr.rel @p1 .LBB2_1-.Ltmp1, $4  }
0x5e: {  	[hbm:s10], [sflag:s5] =	dma.local @!p0 [spmem:s17], $0x80  }
0x5f: {  	_ =	swait.ge @!p0 [sflag:s25], $0x80  }
0x60: {  	[sflag:s25] =	ssyncset.done @!p0 $0x0  }
0x61: {  	[sflag:s25] =	ssyncadd.s32 @!p0 $0xFFFFFF80  }
0x62: {  	_ =	sfence.sel $0x180000  }
0x63: {  	[bflag:$0x0] =	sbarrier.arrive $0xFFFF  }
0x64: {  	p0 =	sne.s32 s1, $0x0;
	_ =	strace $0x90000059  }
0x65: {  	s0 =	sadd.s32 @!p0 $0x100000, s0;
	[bflag:$0x2] =	sbarrier.arrive $0xFFFF  }
0x66: {  	[sflag:s0] =	ssyncadd.tile.s32 @!p0 $0x1;
	_ =	shalt  }
.Lfunc_end2:
_tile_overlayer_lowered:
.L_overlay_start_2:
0x67: {  	(tag) =	ssettag $0x2  }
0x68: {  	s0 =	rddreg [dreg:$0x0];
	s2 =	stileid.u32  }
0x69: {  	s1 =	rddreg [dreg:$0x1];
	p0 =	sne.s32 s2, $0x0  }
0x6a: {  	s3 =	rddreg [dreg:$0x2];
	[bflag:$0x3] =	sbarrier.arrive $0xFFFF;
	s2 =	simm.s32 @!p0 $0x1C02  }
0x6b: {  	[timem:s3], [sflag:s2] =	dma.local @!p0 [hbm:s0], s1  }
0x6c: {  	s0 =	simm.s32 @!p0 $0x2  }
0x6d: {  	_ =	swait.ge @!p0 [sflag:s0], s1  }
0x6e: {  	s1 =	ssub.s32 @!p0 $0x0, s1;
	[sflag:s0] =	ssyncset.done @!p0 $0x0  }
0x6f: {  	[sflag:s0] =	ssyncadd.s32 @!p0 s1  }
0x70: {  	[bflag:$0x3] =	sbarrier.arrive $0xFFFF  }
0x71: {  	_ =	shalt  }

</sc_bundles>
